<compile_context>
chip_gen: v7x
topology: tpu7x:2x2x1
jax: 0.10.2.dev20260603
libtpu: 0.0.44.dev20260713+nightly
codegen_flags: <defaults>
</compile_context>

<pallas_src>
import functools

import jax

jax.config.update("jax_enable_x64", True)
import jax.numpy as jnp
from jax import lax
from jax.experimental import pallas as pl
from jax.experimental.pallas import tpu as pltpu
from jax.experimental.pallas import tpu_sc as plsc

def _Z():
    return jnp.int32(0)


N = 10240
E = 20480
FEAT = 32
NUM_RUNS = 2
NGRAPH = 512
N2 = NUM_RUNS * N
E2 = NUM_RUNS * E
NC, NS = 2, 16
NW = NC * NS
EPW = E2 // NW
CH = 128
NCH = EPW // CH
RPT = N2 // NS


def _mesh():
    return plsc.VectorSubcoreMesh(core_axis_name="c", subcore_axis_name="s")


@functools.lru_cache(maxsize=None)
def _gather_fn(cin):
    @functools.partial(
        pl.kernel,
        mesh=_mesh(),
        compiler_params=pltpu.CompilerParams(use_tc_tiling_on_sc=False),
        out_type=jax.ShapeDtypeStruct((E2, cin), jnp.float32),
        scratch_types=[
            pltpu.VMEM((NCH, CH), jnp.int32),
            pltpu.VMEM((EPW, cin), jnp.float32),
            pltpu.SemaphoreType.DMA,
        ],
    )
    def gk(src_hbm, table_hbm, xj_hbm, idx_v, rows_v, sem):
        w = lax.axis_index("c") * NS + lax.axis_index("s")
        pltpu.sync_copy(src_hbm.at[w], idx_v)
        handles = [
            pltpu.async_copy(
                table_hbm.at[idx_v.at[jnp.int32(j)]],
                rows_v.at[pl.ds(j * CH, CH)],
                sem,
            )
            for j in range(NCH)
        ]
        for h in handles:
            h.wait()
        pltpu.sync_copy(rows_v, xj_hbm.at[pl.ds(w * EPW, EPW)])

    return gk


@functools.lru_cache(maxsize=None)
def _scatter_fn(cout):
    NH = cout // 32

    @functools.partial(
        pl.kernel,
        mesh=_mesh(),
        compiler_params=pltpu.CompilerParams(use_tc_tiling_on_sc=False),
        out_type=jax.ShapeDtypeStruct((NC, NH, N2, 32), jnp.float32),
        scratch_types=[
            pltpu.VMEM((NCH, CH), jnp.int32),
            pltpu.VMEM((EPW, 32), jnp.float32),
            pltpu.VMEM_SHARED((N2, 32), jnp.float32),
        ],
    )
    def sk(dst_hbm, msg_hbm, zero_hbm, out_hbm, idx_v, msg_v, acc_sh):
        c = lax.axis_index("c")
        s = lax.axis_index("s")
        w = c * NS + s
        rs = s * RPT
        pltpu.sync_copy(dst_hbm.at[w], idx_v)
        for h in range(NH):
            pltpu.sync_copy(
                zero_hbm.at[pl.ds(rs, RPT)], acc_sh.at[pl.ds(rs, RPT)]
            )
            pltpu.sync_copy(
                msg_hbm.at[pl.ds(w * EPW, EPW), pl.ds(h * 32, 32)], msg_v
            )
            plsc.subcore_barrier()

            def body(j, carry):
                pltpu.sync_copy(
                    msg_v.at[pl.ds(j * CH, CH)], acc_sh.at[idx_v.at[j]],
                    add=True,
                )
                return carry

            lax.fori_loop(jnp.int32(0), jnp.int32(NCH), body, jnp.int32(0))
            plsc.subcore_barrier()
            pltpu.sync_copy(
                acc_sh.at[pl.ds(rs, RPT)],
                out_hbm.at[c, jnp.int32(h), pl.ds(rs, RPT)],
            )
            if h + 1 < NH:
                plsc.subcore_barrier()

    return sk


def _prep(x, keep):
    R = 2048
    G = N // R

    def body(x_ref, m_ref, out_ref):
        for r in range(NUM_RUNS):
            out_ref[r] = x_ref[...] * m_ref[r]

    return pl.pallas_call(
        body,
        grid=(G,),
        in_specs=[
            pl.BlockSpec((R, FEAT), lambda i: (i, _Z())),
            pl.BlockSpec((NUM_RUNS, R, 1), lambda i: (_Z(), i, _Z())),
        ],
        out_specs=pl.BlockSpec((NUM_RUNS, R, FEAT), lambda i: (_Z(), i, _Z())),
        out_shape=jax.ShapeDtypeStruct((NUM_RUNS, N, FEAT), jnp.float32),
    )(x, keep)


def _msgs(ea, xj2, W1, b1, W2, b2, T, cin, cout):
    B = 256
    G = E // B

    def body(ea_ref, xj_ref, W1_ref, b1_ref, W2_ref, b2_ref, T_ref, out_ref):
        eh = jnp.maximum(
            jnp.dot(ea_ref[...], W1_ref[...], preferred_element_type=jnp.float32)
            + b1_ref[...][None, :],
            0.0,
        )
        wef = (
            jnp.dot(eh, W2_ref[...], preferred_element_type=jnp.float32)
            + b2_ref[...][None, :]
        )
        for r in range(NUM_RUNS):
            xh = xj_ref[r].astype(jnp.bfloat16).astype(jnp.float32)
            xl = xj_ref[r] - xh
            xb = jnp.dot(
                jnp.concatenate([xh, xl], axis=1),
                T_ref[...],
                preferred_element_type=jnp.float32,
            )
            p = xb * wef
            w = cin * cout
            while w > cout:
                p = p[:, : w // 2] + p[:, w // 2:]
                w //= 2
            out_ref[r] = p

    return pl.pallas_call(
        body,
        grid=(G,),
        in_specs=[
            pl.BlockSpec((B, 5), lambda i: (i, _Z())),
            pl.BlockSpec((NUM_RUNS, B, cin), lambda i: (_Z(), i, _Z())),
            pl.BlockSpec((5, 128), lambda i: (_Z(), _Z())),
            pl.BlockSpec((128,), lambda i: (_Z(),)),
            pl.BlockSpec((128, cin * cout), lambda i: (_Z(), _Z())),
            pl.BlockSpec((cin * cout,), lambda i: (_Z(),)),
            pl.BlockSpec((2 * cin, cin * cout), lambda i: (_Z(), _Z())),
        ],
        out_specs=pl.BlockSpec((NUM_RUNS, B, cout), lambda i: (_Z(), i, _Z())),
        out_shape=jax.ShapeDtypeStruct((NUM_RUNS, E, cout), jnp.float32),
        compiler_params=pltpu.CompilerParams(
            dimension_semantics=("arbitrary",)
        ),
    )(ea, xj2, W1, b1, W2, b2, T)


def _combine(t, parts, root, bias, cin, cout):
    R = 2048
    G = N2 // R
    NH = cout // 32

    def body(t_ref, p_ref, root_ref, bias_ref, out_ref):
        agg = [p_ref[0, h] + p_ref[1, h] for h in range(NH)]
        agg = agg[0] if NH == 1 else jnp.concatenate(agg, axis=-1)
        v = (
            agg
            + jnp.dot(t_ref[...], root_ref[...], preferred_element_type=jnp.float32)
            + bias_ref[...][None, :]
        )
        out_ref[...] = jnp.where(v > 0, v, jnp.exp(v) - 1.0)

    return pl.pallas_call(
        body,
        grid=(G,),
        in_specs=[
            pl.BlockSpec((R, cin), lambda i: (i, _Z())),
            pl.BlockSpec((NC, NH, R, 32), lambda i: (_Z(), _Z(), i, _Z())),
            pl.BlockSpec((cin, cout), lambda i: (_Z(), _Z())),
            pl.BlockSpec((cout,), lambda i: (_Z(),)),
        ],
        out_specs=pl.BlockSpec((R, cout), lambda i: (i, _Z())),
        out_shape=jax.ShapeDtypeStruct((N2, cout), jnp.float32),
    )(t, parts, root, bias)


def _final(h2, batch3, fc1_W, fc1_b, fc2_W, fc2_b, fc3_W, fc3_b):
    R = 2048
    G = N // R

    def body(h_ref, b_ref, w1, v1, w2, v2, w3, v3, out_ref, acc, cnt):
        i = pl.program_id(0)

        @pl.when(i == 0)
        def _():
            acc[...] = jnp.zeros_like(acc)
            cnt[...] = jnp.zeros_like(cnt)

        m = 0.5 * (h_ref[0] + h_ref[1])
        bids = b_ref[0, 0, :]
        rows = lax.broadcasted_iota(jnp.int32, (NGRAPH, R), 0)
        oh = (rows == bids[None, :]).astype(jnp.float32)
        acc[...] += jnp.dot(oh, m, preferred_element_type=jnp.float32)
        cnt[...] += jnp.sum(oh, axis=1, keepdims=True)

        @pl.when(i == G - 1)
        def _():
            g = acc[...] / jnp.maximum(cnt[...], 1.0)
            g = jnp.dot(g, w1[...], preferred_element_type=jnp.float32) + v1[...][None, :]
            g = jnp.where(g > 0, g, jnp.exp(g) - 1.0)
            g = jnp.dot(g, w2[...], preferred_element_type=jnp.float32) + v2[...][None, :]
            g = jnp.where(g > 0, g, jnp.exp(g) - 1.0)
            out_ref[...] = (
                jnp.dot(g, w3[...], preferred_element_type=jnp.float32)
                + v3[...][None, :]
            )

    full = lambda *sh: pl.BlockSpec(sh, lambda i: tuple(_Z() for _ in sh))
    return pl.pallas_call(
        body,
        grid=(G,),
        in_specs=[
            pl.BlockSpec((NUM_RUNS, R, 64), lambda i: (_Z(), i, _Z())),
            pl.BlockSpec((1, 1, R), lambda i: (i, _Z(), _Z())),
            full(64, 32),
            full(32),
            full(32, 16),
            full(16),
            full(16, 1),
            full(1),
        ],
        out_specs=pl.BlockSpec((NGRAPH, 1), lambda i: (_Z(), _Z())),
        out_shape=jax.ShapeDtypeStruct((NGRAPH, 1), jnp.float32),
        scratch_shapes=[
            pltpu.VMEM((NGRAPH, 64), jnp.float32),
            pltpu.VMEM((NGRAPH, 1), jnp.float32),
        ],
        compiler_params=pltpu.CompilerParams(
            dimension_semantics=("arbitrary",)
        ),
    )(h2, batch3, fc1_W, fc1_b, fc2_W, fc2_b, fc3_W, fc3_b)


def kernel(x, edge_index, edge_attr, batch,
           nn1_W1, nn1_b1, nn1_W2, nn1_b2, root1, bias1,
           nn2_W1, nn2_b1, nn2_W2, nn2_b2, root2, bias2,
           nn3_W1, nn3_b1, nn3_W2, nn3_b2, root3, bias3,
           fc1_W, fc1_b, fc2_W, fc2_b, fc3_W, fc3_b):
    f32 = jnp.float32
    (nn1_W1, nn1_b1, nn1_W2, nn1_b2, root1, bias1,
     nn2_W1, nn2_b1, nn2_W2, nn2_b2, root2, bias2,
     nn3_W1, nn3_b1, nn3_W2, nn3_b2, root3, bias3,
     fc1_W, fc1_b, fc2_W, fc2_b, fc3_W, fc3_b) = jax.tree.map(
        lambda a: a.astype(f32),
        (nn1_W1, nn1_b1, nn1_W2, nn1_b2, root1, bias1,
         nn2_W1, nn2_b1, nn2_W2, nn2_b2, root2, bias2,
         nn3_W1, nn3_b1, nn3_W2, nn3_b2, root3, bias3,
         fc1_W, fc1_b, fc2_W, fc2_b, fc3_W, fc3_b))
    x = x.astype(jnp.float32)
    ea = edge_attr.astype(jnp.float32)
    ei = edge_index.astype(jnp.int32)
    off = jnp.max(ei) + 1
    src2 = jnp.concatenate([ei[0], ei[0] + off]).reshape(NW, NCH, CH)
    dst2 = jnp.concatenate([ei[1], ei[1] + off]).reshape(NW, NCH, CH)

    drop = jax.random.bernoulli(
        jax.random.key(42), 2.0 / (1.0 + NUM_RUNS), (NUM_RUNS, N)
    )
    keep = jnp.where(drop, 0.0, 1.0).astype(jnp.float32)[..., None]

    t = _prep(x, keep).reshape(N2, FEAT)

    layers = [
        (nn1_W1, nn1_b1, nn1_W2, nn1_b2, root1, bias1, FEAT, 32),
        (nn2_W1, nn2_b1, nn2_W2, nn2_b2, root2, bias2, 32, 64),
        (nn3_W1, nn3_b1, nn3_W2, nn3_b2, root3, bias3, 64, 64),
    ]
    batch3 = batch.astype(jnp.int32).reshape(N // 2048, 1, 2048)
    for W1, b1, W2, b2, root, bias, cin, cout in layers:
        xj = _gather_fn(cin)(src2, t)
        T1 = jnp.repeat(jnp.eye(cin, dtype=jnp.float32), cout, axis=1)
        T = jnp.concatenate([T1, T1], axis=0)
        msg = _msgs(ea, xj.reshape(NUM_RUNS, E, cin), W1, b1, W2, b2, T,
                    cin, cout)
        zeros = jnp.zeros((N2, 32), jnp.float32)
        parts = _scatter_fn(cout)(dst2, msg.reshape(E2, cout), zeros)
        t = _combine(t, parts, root, bias, cin, cout)

    g = _final(t.reshape(NUM_RUNS, N, 64), batch3,
               fc1_W, fc1_b, fc2_W, fc2_b, fc3_W, fc3_b)
    return g.reshape(-1).astype(jnp.float64)

# --- scband reference (transcript-rebuilt; emitter-appended) ---
"""Pipeline reference for scband-drop-net-1477468750489 (READ-ONLY COPY).

The authoritative reference and input builder live on the scoring server;
editing this copy changes nothing except your own understanding.
"""

import jax, jax.numpy as jnp
import numpy as np
jax.config.update("jax_enable_x64", True)

N = 10240
E = 20480
FEAT = 32
NUM_RUNS = 2
P = 2.0 / (1.0 + NUM_RUNS)
NGRAPH = 512


def _lin(key, fin, fout):
    kw, kb = jax.random.split(key)
    W = jax.random.normal(kw, (fin, fout), jnp.float32) / np.sqrt(fin)
    b = jax.random.normal(kb, (fout,), jnp.float32) * 0.01
    return W, b


def setup_inputs(seed: int = 0):
    key = jax.random.key(seed)
    ks = jax.random.split(key, 16)
    inp = {}
    inp["x"] = jax.random.normal(ks[0], (N, FEAT), jnp.float32)
    inp["edge_index"] = jax.random.randint(ks[1], (2, E), 0, N, dtype=jnp.int64)
    inp["edge_attr"] = jax.random.uniform(ks[2], (E, 5), jnp.float32)
    inp["batch"] = jnp.sort(jax.random.randint(ks[3], (N,), 0, NGRAPH, dtype=jnp.int64))
    inp["nn1_W1"], inp["nn1_b1"] = _lin(ks[4], 5, 128)
    inp["nn1_W2"], inp["nn1_b2"] = _lin(ks[5], 128, FEAT * 32)
    inp["root1"], inp["bias1"] = _lin(ks[6], FEAT, 32)
    inp["nn2_W1"], inp["nn2_b1"] = _lin(ks[7], 5, 128)
    inp["nn2_W2"], inp["nn2_b2"] = _lin(ks[8], 128, 32 * 64)
    inp["root2"], inp["bias2"] = _lin(ks[9], 32, 64)
    inp["nn3_W1"], inp["nn3_b1"] = _lin(ks[10], 5, 128)
    inp["nn3_W2"], inp["nn3_b2"] = _lin(ks[11], 128, 64 * 64)
    inp["root3"], inp["bias3"] = _lin(ks[12], 64, 64)
    inp["fc1_W"], inp["fc1_b"] = _lin(ks[13], 64, 32)
    inp["fc2_W"], inp["fc2_b"] = _lin(ks[14], 32, 16)
    inp["fc3_W"], inp["fc3_b"] = _lin(ks[15], 16, 1)
    return inp


def _nnconv(x, ei, ea, W1, b1, W2, b2, root, bias, cin, cout, nseg):
    # NNConv: per-edge weight matrix from edge MLP, message = x_src @ W_e, aggr='add'
    h = jnp.maximum(ea @ W1 + b1, 0.0) @ W2 + b2
    We = h.reshape(-1, cin, cout)
    xj = x[ei[0]]
    msg = jnp.einsum('ei,eio->eo', xj, We)
    agg = jax.ops.segment_sum(msg, ei[1], num_segments=nseg)
    return agg + x @ root + bias


def reference(x, edge_index, edge_attr, batch, nn1_W1, nn1_b1, nn1_W2, nn1_b2, root1, bias1, nn2_W1, nn2_b1, nn2_W2, nn2_b2, root2, bias2, nn3_W1, nn3_b1, nn3_W2, nn3_b2, root3, bias3, fc1_W, fc1_b, fc2_W, fc2_b, fc3_W, fc3_b):
    n = x.shape[0]
    xr = jnp.broadcast_to(x[None], (NUM_RUNS, n, x.shape[1]))
    drop = jax.random.bernoulli(jax.random.key(42), P, (NUM_RUNS, n))
    xr = jnp.where(drop[..., None], 0.0, xr).reshape(-1, x.shape[1])
    off = jnp.max(edge_index) + 1
    rei = jnp.tile(edge_index, (1, NUM_RUNS)) + (jnp.repeat(jnp.arange(NUM_RUNS, dtype=edge_index.dtype), edge_index.shape[1]) * off)[None, :]
    rea = jnp.tile(edge_attr, (NUM_RUNS, 1))
    nseg = NUM_RUNS * n
    h = jax.nn.elu(_nnconv(xr, rei, rea, nn1_W1, nn1_b1, nn1_W2, nn1_b2, root1, bias1, FEAT, 32, nseg))
    h = jax.nn.elu(_nnconv(h, rei, rea, nn2_W1, nn2_b1, nn2_W2, nn2_b2, root2, bias2, 32, 64, nseg))
    h = jax.nn.elu(_nnconv(h, rei, rea, nn3_W1, nn3_b1, nn3_W2, nn3_b2, root3, bias3, 64, 64, nseg))
    h = h.reshape(NUM_RUNS, n, 64).mean(axis=0)
    sums = jax.ops.segment_sum(h, batch, num_segments=NGRAPH)
    cnt = jax.ops.segment_sum(jnp.ones((n,), jnp.float32), batch, num_segments=NGRAPH)
    g = sums / jnp.maximum(cnt, 1.0)[:, None]
    g = jax.nn.elu(g @ fc1_W + fc1_b)
    g = jax.nn.elu(g @ fc2_W + fc2_b)
    g = g @ fc3_W + fc3_b
    return g.reshape(-1)

if __name__ == "__main__":
    import jax
    _d = setup_inputs()
    print(jax.jit(kernel)(*tuple(_d.values())))

</pallas_src>

<mosaic_0001>
#map = affine_map<(d0, d1) -> (0, 0, 0)>
#map1 = affine_map<(d0, d1) -> (0, 0)>
module attributes {stable_mosaic.version = 14 : i64} {
  func.func @gk(%arg0: i32, %arg1: i32, %arg2: memref<32x10x128xi32, #tpu.memory_space<hbm>>, %arg3: memref<20480x32xf32, #tpu.memory_space<hbm>>, %arg4: memref<40960x32xf32, #tpu.memory_space<hbm>>, %arg5: memref<10x128xi32, #tpu.memory_space<vmem>>, %arg6: memref<1280x32xf32, #tpu.memory_space<vmem>>, %arg7: memref<!tpu.dma_semaphore, #tpu.memory_space<semaphore_mem>>) attributes {dimension_semantics = [#tpu.dimension_semantics<core_parallel>, #tpu.dimension_semantics<subcore_parallel>], iteration_bounds = array<i64: 2, 16>, scalar_prefetch = 0 : i64, scratch_operands = 3 : i64, tpu.core_type = #tpu.core_type<sc_vector_subcore>, window_params = [{transform_indices = #map}, {transform_indices = #map1}, {transform_indices = #map1}]} {
    %mul3A = arith.constant 16 : i32
    %mul3A_0 = arith.muli %arg0, %mul3A : i32
    %add3A = arith.addi %mul3A_0, %arg1 : i32
    "tpu.region"() ({
      %run_scoped3A = tpu.sem_alloc : memref<!tpu.dma_semaphore, #tpu.memory_space<semaphore_mem>>
      %dma_start3A_201 = arith.constant 0 : i32
      %dma_start3A_202 = arith.constant 0 : i32
      %dma_start3A_203 = tpu.memref_slice %arg2[%add3A, %dma_start3A_201, %dma_start3A_202] : memref<32x10x128xi32, #tpu.memory_space<hbm>> -> memref<1x10x128xi32, #tpu.memory_space<hbm>>
      %dma_start3A_204 = tpu.memref_squeeze %dma_start3A_203 : memref<1x10x128xi32, #tpu.memory_space<hbm>> -> memref<10x128xi32, #tpu.memory_space<hbm>>
      %dma_start3A_205 = arith.constant 0 : i32
      %dma_start3A_206 = arith.constant 0 : i32
      %dma_start3A_207 = tpu.memref_slice %arg2[%add3A, %dma_start3A_205, %dma_start3A_206] : memref<32x10x128xi32, #tpu.memory_space<hbm>> -> memref<1x10x128xi32, #tpu.memory_space<hbm>>
      %dma_start3A_208 = tpu.memref_squeeze %dma_start3A_207 : memref<1x10x128xi32, #tpu.memory_space<hbm>> -> memref<10x128xi32, #tpu.memory_space<hbm>>
      tpu.enqueue_dma source(%dma_start3A_208 : memref<10x128xi32, #tpu.memory_space<hbm>>) target(%arg5 : memref<10x128xi32, #tpu.memory_space<vmem>>) target_semaphore(%run_scoped3A : memref<!tpu.dma_semaphore, #tpu.memory_space<semaphore_mem>>)
      %dma_wait3A_209 = arith.constant 0 : i32
      %dma_wait3A_210 = arith.constant 0 : i32
      %dma_wait3A_211 = tpu.memref_slice %arg2[%add3A, %dma_wait3A_209, %dma_wait3A_210] : memref<32x10x128xi32, #tpu.memory_space<hbm>> -> memref<1x10x128xi32, #tpu.memory_space<hbm>>
      %dma_wait3A_212 = tpu.memref_squeeze %dma_wait3A_211 : memref<1x10x128xi32, #tpu.memory_space<hbm>> -> memref<10x128xi32, #tpu.memory_space<hbm>>
      %dma_wait3A_213 = arith.constant 0 : i32
      %dma_wait3A_214 = arith.constant 0 : i32
      %dma_wait3A_215 = tpu.memref_slice %arg2[%add3A, %dma_wait3A_213, %dma_wait3A_214] : memref<32x10x128xi32, #tpu.memory_space<hbm>> -> memref<1x10x128xi32, #tpu.memory_space<hbm>>
      %dma_wait3A_216 = tpu.memref_squeeze %dma_wait3A_215 : memref<1x10x128xi32, #tpu.memory_space<hbm>> -> memref<10x128xi32, #tpu.memory_space<hbm>>
      tpu.wait_dma2 semaphore(%run_scoped3A : memref<!tpu.dma_semaphore, #tpu.memory_space<semaphore_mem>>) src(%dma_wait3A_216 : memref<10x128xi32, #tpu.memory_space<hbm>>) dst(%arg5 : memref<10x128xi32, #tpu.memory_space<vmem>>)
      tpu.yield
    }) : () -> ()
    %dma_start3A = arith.constant 0 : i32
    %dma_start3A_1 = arith.constant 0 : i32
    %dma_start3A_2 = arith.constant 0 : i32
    %dma_start3A_3 = tpu.memref_slice %arg6[%dma_start3A_1, %dma_start3A_2] : memref<1280x32xf32, #tpu.memory_space<vmem>> -> memref<128x32xf32, #tpu.memory_space<vmem>>
    %dma_start3A_4 = arith.constant 0 : i32
    %dma_start3A_5 = tpu.memref_slice %arg5[%dma_start3A, %dma_start3A_4] : memref<10x128xi32, #tpu.memory_space<vmem>> -> memref<1x128xi32, #tpu.memory_space<vmem>>
    %dma_start3A_6 = tpu.memref_squeeze %dma_start3A_5 : memref<1x128xi32, #tpu.memory_space<vmem>> -> memref<128xi32, #tpu.memory_space<vmem>>
    %dma_start3A_7 = arith.constant 0 : i32
    %dma_start3A_8 = arith.constant 0 : i32
    %dma_start3A_9 = tpu.memref_slice %arg3[%dma_start3A_7, %dma_start3A_8] : memref<20480x32xf32, #tpu.memory_space<hbm>> -> memref<20480x32xf32, #tpu.memory_space<hbm>>
    tpu.enqueue_indirect_dma source(%dma_start3A_9 : memref<20480x32xf32, #tpu.memory_space<hbm>>) target(%dma_start3A_3 : memref<128x32xf32, #tpu.memory_space<vmem>>) offsets(%dma_start3A_6 : memref<128xi32, #tpu.memory_space<vmem>>) semaphore(%arg7 : memref<!tpu.dma_semaphore, #tpu.memory_space<semaphore_mem>>)
    %dma_start3A_10 = arith.constant 1 : i32
    %dma_start3A_11 = arith.constant 128 : i32
    %dma_start3A_12 = arith.constant 0 : i32
    %dma_start3A_13 = tpu.memref_slice %arg6[%dma_start3A_11, %dma_start3A_12] : memref<1280x32xf32, #tpu.memory_space<vmem>> -> memref<128x32xf32, #tpu.memory_space<vmem>>
    %dma_start3A_14 = arith.constant 0 : i32
    %dma_start3A_15 = tpu.memref_slice %arg5[%dma_start3A_10, %dma_start3A_14] : memref<10x128xi32, #tpu.memory_space<vmem>> -> memref<1x128xi32, #tpu.memory_space<vmem>>
    %dma_start3A_16 = tpu.memref_squeeze %dma_start3A_15 : memref<1x128xi32, #tpu.memory_space<vmem>> -> memref<128xi32, #tpu.memory_space<vmem>>
    %dma_start3A_17 = arith.constant 0 : i32
    %dma_start3A_18 = arith.constant 0 : i32
    %dma_start3A_19 = tpu.memref_slice %arg3[%dma_start3A_17, %dma_start3A_18] : memref<20480x32xf32, #tpu.memory_space<hbm>> -> memref<20480x32xf32, #tpu.memory_space<hbm>>
    tpu.enqueue_indirect_dma source(%dma_start3A_19 : memref<20480x32xf32, #tpu.memory_space<hbm>>) target(%dma_start3A_13 : memref<128x32xf32, #tpu.memory_space<vmem>>) offsets(%dma_start3A_16 : memref<128xi32, #tpu.memory_space<vmem>>) semaphore(%arg7 : memref<!tpu.dma_semaphore, #tpu.memory_space<semaphore_mem>>)
    %dma_start3A_20 = arith.constant 2 : i32
    %dma_start3A_21 = arith.constant 256 : i32
    %dma_start3A_22 = arith.constant 0 : i32
    %dma_start3A_23 = tpu.memref_slice %arg6[%dma_start3A_21, %dma_start3A_22] : memref<1280x32xf32, #tpu.memory_space<vmem>> -> memref<128x32xf32, #tpu.memory_space<vmem>>
    %dma_start3A_24 = arith.constant 0 : i32
    %dma_start3A_25 = tpu.memref_slice %arg5[%dma_start3A_20, %dma_start3A_24] : memref<10x128xi32, #tpu.memory_space<vmem>> -> memref<1x128xi32, #tpu.memory_space<vmem>>
    %dma_start3A_26 = tpu.memref_squeeze %dma_start3A_25 : memref<1x128xi32, #tpu.memory_space<vmem>> -> memref<128xi32, #tpu.memory_space<vmem>>
    %dma_start3A_27 = arith.constant 0 : i32
    %dma_start3A_28 = arith.constant 0 : i32
    %dma_start3A_29 = tpu.memref_slice %arg3[%dma_start3A_27, %dma_start3A_28] : memref<20480x32xf32, #tpu.memory_space<hbm>> -> memref<20480x32xf32, #tpu.memory_space<hbm>>
    tpu.enqueue_indirect_dma source(%dma_start3A_29 : memref<20480x32xf32, #tpu.memory_space<hbm>>) target(%dma_start3A_23 : memref<128x32xf32, #tpu.memory_space<vmem>>) offsets(%dma_start3A_26 : memref<128xi32, #tpu.memory_space<vmem>>) semaphore(%arg7 : memref<!tpu.dma_semaphore, #tpu.memory_space<semaphore_mem>>)
    %dma_start3A_30 = arith.constant 3 : i32
    %dma_start3A_31 = arith.constant 384 : i32
    %dma_start3A_32 = arith.constant 0 : i32
    %dma_start3A_33 = tpu.memref_slice %arg6[%dma_start3A_31, %dma_start3A_32] : memref<1280x32xf32, #tpu.memory_space<vmem>> -> memref<128x32xf32, #tpu.memory_space<vmem>>
    %dma_start3A_34 = arith.constant 0 : i32
    %dma_start3A_35 = tpu.memref_slice %arg5[%dma_start3A_30, %dma_start3A_34] : memref<10x128xi32, #tpu.memory_space<vmem>> -> memref<1x128xi32, #tpu.memory_space<vmem>>
    %dma_start3A_36 = tpu.memref_squeeze %dma_start3A_35 : memref<1x128xi32, #tpu.memory_space<vmem>> -> memref<128xi32, #tpu.memory_space<vmem>>
    %dma_start3A_37 = arith.constant 0 : i32
    %dma_start3A_38 = arith.constant 0 : i32
    %dma_start3A_39 = tpu.memref_slice %arg3[%dma_start3A_37, %dma_start3A_38] : memref<20480x32xf32, #tpu.memory_space<hbm>> -> memref<20480x32xf32, #tpu.memory_space<hbm>>
    tpu.enqueue_indirect_dma source(%dma_start3A_39 : memref<20480x32xf32, #tpu.memory_space<hbm>>) target(%dma_start3A_33 : memref<128x32xf32, #tpu.memory_space<vmem>>) offsets(%dma_start3A_36 : memref<128xi32, #tpu.memory_space<vmem>>) semaphore(%arg7 : memref<!tpu.dma_semaphore, #tpu.memory_space<semaphore_mem>>)
    %dma_start3A_40 = arith.constant 4 : i32
    %dma_start3A_41 = arith.constant 512 : i32
    %dma_start3A_42 = arith.constant 0 : i32
    %dma_start3A_43 = tpu.memref_slice %arg6[%dma_start3A_41, %dma_start3A_42] : memref<1280x32xf32, #tpu.memory_space<vmem>> -> memref<128x32xf32, #tpu.memory_space<vmem>>
    %dma_start3A_44 = arith.constant 0 : i32
    %dma_start3A_45 = tpu.memref_slice %arg5[%dma_start3A_40, %dma_start3A_44] : memref<10x128xi32, #tpu.memory_space<vmem>> -> memref<1x128xi32, #tpu.memory_space<vmem>>
    %dma_start3A_46 = tpu.memref_squeeze %dma_start3A_45 : memref<1x128xi32, #tpu.memory_space<vmem>> -> memref<128xi32, #tpu.memory_space<vmem>>
    %dma_start3A_47 = arith.constant 0 : i32
    %dma_start3A_48 = arith.constant 0 : i32
    %dma_start3A_49 = tpu.memref_slice %arg3[%dma_start3A_47, %dma_start3A_48] : memref<20480x32xf32, #tpu.memory_space<hbm>> -> memref<20480x32xf32, #tpu.memory_space<hbm>>
    tpu.enqueue_indirect_dma source(%dma_start3A_49 : memref<20480x32xf32, #tpu.memory_space<hbm>>) target(%dma_start3A_43 : memref<128x32xf32, #tpu.memory_space<vmem>>) offsets(%dma_start3A_46 : memref<128xi32, #tpu.memory_space<vmem>>) semaphore(%arg7 : memref<!tpu.dma_semaphore, #tpu.memory_space<semaphore_mem>>)
    %dma_start3A_50 = arith.constant 5 : i32
    %dma_start3A_51 = arith.constant 640 : i32
    %dma_start3A_52 = arith.constant 0 : i32
    %dma_start3A_53 = tpu.memref_slice %arg6[%dma_start3A_51, %dma_start3A_52] : memref<1280x32xf32, #tpu.memory_space<vmem>> -> memref<128x32xf32, #tpu.memory_space<vmem>>
    %dma_start3A_54 = arith.constant 0 : i32
    %dma_start3A_55 = tpu.memref_slice %arg5[%dma_start3A_50, %dma_start3A_54] : memref<10x128xi32, #tpu.memory_space<vmem>> -> memref<1x128xi32, #tpu.memory_space<vmem>>
    %dma_start3A_56 = tpu.memref_squeeze %dma_start3A_55 : memref<1x128xi32, #tpu.memory_space<vmem>> -> memref<128xi32, #tpu.memory_space<vmem>>
    %dma_start3A_57 = arith.constant 0 : i32
    %dma_start3A_58 = arith.constant 0 : i32
    %dma_start3A_59 = tpu.memref_slice %arg3[%dma_start3A_57, %dma_start3A_58] : memref<20480x32xf32, #tpu.memory_space<hbm>> -> memref<20480x32xf32, #tpu.memory_space<hbm>>
    tpu.enqueue_indirect_dma source(%dma_start3A_59 : memref<20480x32xf32, #tpu.memory_space<hbm>>) target(%dma_start3A_53 : memref<128x32xf32, #tpu.memory_space<vmem>>) offsets(%dma_start3A_56 : memref<128xi32, #tpu.memory_space<vmem>>) semaphore(%arg7 : memref<!tpu.dma_semaphore, #tpu.memory_space<semaphore_mem>>)
    %dma_start3A_60 = arith.constant 6 : i32
    %dma_start3A_61 = arith.constant 768 : i32
    %dma_start3A_62 = arith.constant 0 : i32
    %dma_start3A_63 = tpu.memref_slice %arg6[%dma_start3A_61, %dma_start3A_62] : memref<1280x32xf32, #tpu.memory_space<vmem>> -> memref<128x32xf32, #tpu.memory_space<vmem>>
    %dma_start3A_64 = arith.constant 0 : i32
    %dma_start3A_65 = tpu.memref_slice %arg5[%dma_start3A_60, %dma_start3A_64] : memref<10x128xi32, #tpu.memory_space<vmem>> -> memref<1x128xi32, #tpu.memory_space<vmem>>
    %dma_start3A_66 = tpu.memref_squeeze %dma_start3A_65 : memref<1x128xi32, #tpu.memory_space<vmem>> -> memref<128xi32, #tpu.memory_space<vmem>>
    %dma_start3A_67 = arith.constant 0 : i32
    %dma_start3A_68 = arith.constant 0 : i32
    %dma_start3A_69 = tpu.memref_slice %arg3[%dma_start3A_67, %dma_start3A_68] : memref<20480x32xf32, #tpu.memory_space<hbm>> -> memref<20480x32xf32, #tpu.memory_space<hbm>>
    tpu.enqueue_indirect_dma source(%dma_start3A_69 : memref<20480x32xf32, #tpu.memory_space<hbm>>) target(%dma_start3A_63 : memref<128x32xf32, #tpu.memory_space<vmem>>) offsets(%dma_start3A_66 : memref<128xi32, #tpu.memory_space<vmem>>) semaphore(%arg7 : memref<!tpu.dma_semaphore, #tpu.memory_space<semaphore_mem>>)
    %dma_start3A_70 = arith.constant 7 : i32
    %dma_start3A_71 = arith.constant 896 : i32
    %dma_start3A_72 = arith.constant 0 : i32
    %dma_start3A_73 = tpu.memref_slice %arg6[%dma_start3A_71, %dma_start3A_72] : memref<1280x32xf32, #tpu.memory_space<vmem>> -> memref<128x32xf32, #tpu.memory_space<vmem>>
    %dma_start3A_74 = arith.constant 0 : i32
    %dma_start3A_75 = tpu.memref_slice %arg5[%dma_start3A_70, %dma_start3A_74] : memref<10x128xi32, #tpu.memory_space<vmem>> -> memref<1x128xi32, #tpu.memory_space<vmem>>
    %dma_start3A_76 = tpu.memref_squeeze %dma_start3A_75 : memref<1x128xi32, #tpu.memory_space<vmem>> -> memref<128xi32, #tpu.memory_space<vmem>>
    %dma_start3A_77 = arith.constant 0 : i32
    %dma_start3A_78 = arith.constant 0 : i32
    %dma_start3A_79 = tpu.memref_slice %arg3[%dma_start3A_77, %dma_start3A_78] : memref<20480x32xf32, #tpu.memory_space<hbm>> -> memref<20480x32xf32, #tpu.memory_space<hbm>>
    tpu.enqueue_indirect_dma source(%dma_start3A_79 : memref<20480x32xf32, #tpu.memory_space<hbm>>) target(%dma_start3A_73 : memref<128x32xf32, #tpu.memory_space<vmem>>) offsets(%dma_start3A_76 : memref<128xi32, #tpu.memory_space<vmem>>) semaphore(%arg7 : memref<!tpu.dma_semaphore, #tpu.memory_space<semaphore_mem>>)
    %dma_start3A_80 = arith.constant 8 : i32
    %dma_start3A_81 = arith.constant 1024 : i32
    %dma_start3A_82 = arith.constant 0 : i32
    %dma_start3A_83 = tpu.memref_slice %arg6[%dma_start3A_81, %dma_start3A_82] : memref<1280x32xf32, #tpu.memory_space<vmem>> -> memref<128x32xf32, #tpu.memory_space<vmem>>
    %dma_start3A_84 = arith.constant 0 : i32
    %dma_start3A_85 = tpu.memref_slice %arg5[%dma_start3A_80, %dma_start3A_84] : memref<10x128xi32, #tpu.memory_space<vmem>> -> memref<1x128xi32, #tpu.memory_space<vmem>>
    %dma_start3A_86 = tpu.memref_squeeze %dma_start3A_85 : memref<1x128xi32, #tpu.memory_space<vmem>> -> memref<128xi32, #tpu.memory_space<vmem>>
    %dma_start3A_87 = arith.constant 0 : i32
    %dma_start3A_88 = arith.constant 0 : i32
    %dma_start3A_89 = tpu.memref_slice %arg3[%dma_start3A_87, %dma_start3A_88] : memref<20480x32xf32, #tpu.memory_space<hbm>> -> memref<20480x32xf32, #tpu.memory_space<hbm>>
    tpu.enqueue_indirect_dma source(%dma_start3A_89 : memref<20480x32xf32, #tpu.memory_space<hbm>>) target(%dma_start3A_83 : memref<128x32xf32, #tpu.memory_space<vmem>>) offsets(%dma_start3A_86 : memref<128xi32, #tpu.memory_space<vmem>>) semaphore(%arg7 : memref<!tpu.dma_semaphore, #tpu.memory_space<semaphore_mem>>)
    %dma_start3A_90 = arith.constant 9 : i32
    %dma_start3A_91 = arith.constant 1152 : i32
    %dma_start3A_92 = arith.constant 0 : i32
    %dma_start3A_93 = tpu.memref_slice %arg6[%dma_start3A_91, %dma_start3A_92] : memref<1280x32xf32, #tpu.memory_space<vmem>> -> memref<128x32xf32, #tpu.memory_space<vmem>>
    %dma_start3A_94 = arith.constant 0 : i32
    %dma_start3A_95 = tpu.memref_slice %arg5[%dma_start3A_90, %dma_start3A_94] : memref<10x128xi32, #tpu.memory_space<vmem>> -> memref<1x128xi32, #tpu.memory_space<vmem>>
    %dma_start3A_96 = tpu.memref_squeeze %dma_start3A_95 : memref<1x128xi32, #tpu.memory_space<vmem>> -> memref<128xi32, #tpu.memory_space<vmem>>
    %dma_start3A_97 = arith.constant 0 : i32
    %dma_start3A_98 = arith.constant 0 : i32
    %dma_start3A_99 = tpu.memref_slice %arg3[%dma_start3A_97, %dma_start3A_98] : memref<20480x32xf32, #tpu.memory_space<hbm>> -> memref<20480x32xf32, #tpu.memory_space<hbm>>
    tpu.enqueue_indirect_dma source(%dma_start3A_99 : memref<20480x32xf32, #tpu.memory_space<hbm>>) target(%dma_start3A_93 : memref<128x32xf32, #tpu.memory_space<vmem>>) offsets(%dma_start3A_96 : memref<128xi32, #tpu.memory_space<vmem>>) semaphore(%arg7 : memref<!tpu.dma_semaphore, #tpu.memory_space<semaphore_mem>>)
    %dma_wait3A = arith.constant 0 : i32
    %dma_wait3A_100 = arith.constant 0 : i32
    %dma_wait3A_101 = arith.constant 0 : i32
    %dma_wait3A_102 = tpu.memref_slice %arg6[%dma_wait3A_100, %dma_wait3A_101] : memref<1280x32xf32, #tpu.memory_space<vmem>> -> memref<128x32xf32, #tpu.memory_space<vmem>>
    %dma_wait3A_103 = arith.constant 0 : i32
    %dma_wait3A_104 = tpu.memref_slice %arg5[%dma_wait3A, %dma_wait3A_103] : memref<10x128xi32, #tpu.memory_space<vmem>> -> memref<1x128xi32, #tpu.memory_space<vmem>>
    %dma_wait3A_105 = tpu.memref_squeeze %dma_wait3A_104 : memref<1x128xi32, #tpu.memory_space<vmem>> -> memref<128xi32, #tpu.memory_space<vmem>>
    %dma_wait3A_106 = arith.constant 0 : i32
    %dma_wait3A_107 = arith.constant 0 : i32
    %dma_wait3A_108 = tpu.memref_slice %arg3[%dma_wait3A_106, %dma_wait3A_107] : memref<20480x32xf32, #tpu.memory_space<hbm>> -> memref<20480x32xf32, #tpu.memory_space<hbm>>
    tpu.wait_indirect_dma semaphore(%arg7 : memref<!tpu.dma_semaphore, #tpu.memory_space<semaphore_mem>>) src(%dma_wait3A_108 : memref<20480x32xf32, #tpu.memory_space<hbm>>) dst(%dma_wait3A_102 : memref<128x32xf32, #tpu.memory_space<vmem>>)
    %dma_wait3A_109 = arith.constant 1 : i32
    %dma_wait3A_110 = arith.constant 128 : i32
    %dma_wait3A_111 = arith.constant 0 : i32
    %dma_wait3A_112 = tpu.memref_slice %arg6[%dma_wait3A_110, %dma_wait3A_111] : memref<1280x32xf32, #tpu.memory_space<vmem>> -> memref<128x32xf32, #tpu.memory_space<vmem>>
    %dma_wait3A_113 = arith.constant 0 : i32
    %dma_wait3A_114 = tpu.memref_slice %arg5[%dma_wait3A_109, %dma_wait3A_113] : memref<10x128xi32, #tpu.memory_space<vmem>> -> memref<1x128xi32, #tpu.memory_space<vmem>>
    %dma_wait3A_115 = tpu.memref_squeeze %dma_wait3A_114 : memref<1x128xi32, #tpu.memory_space<vmem>> -> memref<128xi32, #tpu.memory_space<vmem>>
    %dma_wait3A_116 = arith.constant 0 : i32
    %dma_wait3A_117 = arith.constant 0 : i32
    %dma_wait3A_118 = tpu.memref_slice %arg3[%dma_wait3A_116, %dma_wait3A_117] : memref<20480x32xf32, #tpu.memory_space<hbm>> -> memref<20480x32xf32, #tpu.memory_space<hbm>>
    tpu.wait_indirect_dma semaphore(%arg7 : memref<!tpu.dma_semaphore, #tpu.memory_space<semaphore_mem>>) src(%dma_wait3A_118 : memref<20480x32xf32, #tpu.memory_space<hbm>>) dst(%dma_wait3A_112 : memref<128x32xf32, #tpu.memory_space<vmem>>)
    %dma_wait3A_119 = arith.constant 2 : i32
    %dma_wait3A_120 = arith.constant 256 : i32
    %dma_wait3A_121 = arith.constant 0 : i32
    %dma_wait3A_122 = tpu.memref_slice %arg6[%dma_wait3A_120, %dma_wait3A_121] : memref<1280x32xf32, #tpu.memory_space<vmem>> -> memref<128x32xf32, #tpu.memory_space<vmem>>
    %dma_wait3A_123 = arith.constant 0 : i32
    %dma_wait3A_124 = tpu.memref_slice %arg5[%dma_wait3A_119, %dma_wait3A_123] : memref<10x128xi32, #tpu.memory_space<vmem>> -> memref<1x128xi32, #tpu.memory_space<vmem>>
    %dma_wait3A_125 = tpu.memref_squeeze %dma_wait3A_124 : memref<1x128xi32, #tpu.memory_space<vmem>> -> memref<128xi32, #tpu.memory_space<vmem>>
    %dma_wait3A_126 = arith.constant 0 : i32
    %dma_wait3A_127 = arith.constant 0 : i32
    %dma_wait3A_128 = tpu.memref_slice %arg3[%dma_wait3A_126, %dma_wait3A_127] : memref<20480x32xf32, #tpu.memory_space<hbm>> -> memref<20480x32xf32, #tpu.memory_space<hbm>>
    tpu.wait_indirect_dma semaphore(%arg7 : memref<!tpu.dma_semaphore, #tpu.memory_space<semaphore_mem>>) src(%dma_wait3A_128 : memref<20480x32xf32, #tpu.memory_space<hbm>>) dst(%dma_wait3A_122 : memref<128x32xf32, #tpu.memory_space<vmem>>)
    %dma_wait3A_129 = arith.constant 3 : i32
    %dma_wait3A_130 = arith.constant 384 : i32
    %dma_wait3A_131 = arith.constant 0 : i32
    %dma_wait3A_132 = tpu.memref_slice %arg6[%dma_wait3A_130, %dma_wait3A_131] : memref<1280x32xf32, #tpu.memory_space<vmem>> -> memref<128x32xf32, #tpu.memory_space<vmem>>
    %dma_wait3A_133 = arith.constant 0 : i32
    %dma_wait3A_134 = tpu.memref_slice %arg5[%dma_wait3A_129, %dma_wait3A_133] : memref<10x128xi32, #tpu.memory_space<vmem>> -> memref<1x128xi32, #tpu.memory_space<vmem>>
    %dma_wait3A_135 = tpu.memref_squeeze %dma_wait3A_134 : memref<1x128xi32, #tpu.memory_space<vmem>> -> memref<128xi32, #tpu.memory_space<vmem>>
    %dma_wait3A_136 = arith.constant 0 : i32
    %dma_wait3A_137 = arith.constant 0 : i32
    %dma_wait3A_138 = tpu.memref_slice %arg3[%dma_wait3A_136, %dma_wait3A_137] : memref<20480x32xf32, #tpu.memory_space<hbm>> -> memref<20480x32xf32, #tpu.memory_space<hbm>>
    tpu.wait_indirect_dma semaphore(%arg7 : memref<!tpu.dma_semaphore, #tpu.memory_space<semaphore_mem>>) src(%dma_wait3A_138 : memref<20480x32xf32, #tpu.memory_space<hbm>>) dst(%dma_wait3A_132 : memref<128x32xf32, #tpu.memory_space<vmem>>)
    %dma_wait3A_139 = arith.constant 4 : i32
    %dma_wait3A_140 = arith.constant 512 : i32
    %dma_wait3A_141 = arith.constant 0 : i32
    %dma_wait3A_142 = tpu.memref_slice %arg6[%dma_wait3A_140, %dma_wait3A_141] : memref<1280x32xf32, #tpu.memory_space<vmem>> -> memref<128x32xf32, #tpu.memory_space<vmem>>
    %dma_wait3A_143 = arith.constant 0 : i32
    %dma_wait3A_144 = tpu.memref_slice %arg5[%dma_wait3A_139, %dma_wait3A_143] : memref<10x128xi32, #tpu.memory_space<vmem>> -> memref<1x128xi32, #tpu.memory_space<vmem>>
    %dma_wait3A_145 = tpu.memref_squeeze %dma_wait3A_144 : memref<1x128xi32, #tpu.memory_space<vmem>> -> memref<128xi32, #tpu.memory_space<vmem>>
    %dma_wait3A_146 = arith.constant 0 : i32
    %dma_wait3A_147 = arith.constant 0 : i32
    %dma_wait3A_148 = tpu.memref_slice %arg3[%dma_wait3A_146, %dma_wait3A_147] : memref<20480x32xf32, #tpu.memory_space<hbm>> -> memref<20480x32xf32, #tpu.memory_space<hbm>>
    tpu.wait_indirect_dma semaphore(%arg7 : memref<!tpu.dma_semaphore, #tpu.memory_space<semaphore_mem>>) src(%dma_wait3A_148 : memref<20480x32xf32, #tpu.memory_space<hbm>>) dst(%dma_wait3A_142 : memref<128x32xf32, #tpu.memory_space<vmem>>)
    %dma_wait3A_149 = arith.constant 5 : i32
    %dma_wait3A_150 = arith.constant 640 : i32
    %dma_wait3A_151 = arith.constant 0 : i32
    %dma_wait3A_152 = tpu.memref_slice %arg6[%dma_wait3A_150, %dma_wait3A_151] : memref<1280x32xf32, #tpu.memory_space<vmem>> -> memref<128x32xf32, #tpu.memory_space<vmem>>
    %dma_wait3A_153 = arith.constant 0 : i32
    %dma_wait3A_154 = tpu.memref_slice %arg5[%dma_wait3A_149, %dma_wait3A_153] : memref<10x128xi32, #tpu.memory_space<vmem>> -> memref<1x128xi32, #tpu.memory_space<vmem>>
    %dma_wait3A_155 = tpu.memref_squeeze %dma_wait3A_154 : memref<1x128xi32, #tpu.memory_space<vmem>> -> memref<128xi32, #tpu.memory_space<vmem>>
    %dma_wait3A_156 = arith.constant 0 : i32
    %dma_wait3A_157 = arith.constant 0 : i32
    %dma_wait3A_158 = tpu.memref_slice %arg3[%dma_wait3A_156, %dma_wait3A_157] : memref<20480x32xf32, #tpu.memory_space<hbm>> -> memref<20480x32xf32, #tpu.memory_space<hbm>>
    tpu.wait_indirect_dma semaphore(%arg7 : memref<!tpu.dma_semaphore, #tpu.memory_space<semaphore_mem>>) src(%dma_wait3A_158 : memref<20480x32xf32, #tpu.memory_space<hbm>>) dst(%dma_wait3A_152 : memref<128x32xf32, #tpu.memory_space<vmem>>)
    %dma_wait3A_159 = arith.constant 6 : i32
    %dma_wait3A_160 = arith.constant 768 : i32
    %dma_wait3A_161 = arith.constant 0 : i32
    %dma_wait3A_162 = tpu.memref_slice %arg6[%dma_wait3A_160, %dma_wait3A_161] : memref<1280x32xf32, #tpu.memory_space<vmem>> -> memref<128x32xf32, #tpu.memory_space<vmem>>
    %dma_wait3A_163 = arith.constant 0 : i32
    %dma_wait3A_164 = tpu.memref_slice %arg5[%dma_wait3A_159, %dma_wait3A_163] : memref<10x128xi32, #tpu.memory_space<vmem>> -> memref<1x128xi32, #tpu.memory_space<vmem>>
    %dma_wait3A_165 = tpu.memref_squeeze %dma_wait3A_164 : memref<1x128xi32, #tpu.memory_space<vmem>> -> memref<128xi32, #tpu.memory_space<vmem>>
    %dma_wait3A_166 = arith.constant 0 : i32
    %dma_wait3A_167 = arith.constant 0 : i32
    %dma_wait3A_168 = tpu.memref_slice %arg3[%dma_wait3A_166, %dma_wait3A_167] : memref<20480x32xf32, #tpu.memory_space<hbm>> -> memref<20480x32xf32, #tpu.memory_space<hbm>>
    tpu.wait_indirect_dma semaphore(%arg7 : memref<!tpu.dma_semaphore, #tpu.memory_space<semaphore_mem>>) src(%dma_wait3A_168 : memref<20480x32xf32, #tpu.memory_space<hbm>>) dst(%dma_wait3A_162 : memref<128x32xf32, #tpu.memory_space<vmem>>)
    %dma_wait3A_169 = arith.constant 7 : i32
    %dma_wait3A_170 = arith.constant 896 : i32
    %dma_wait3A_171 = arith.constant 0 : i32
    %dma_wait3A_172 = tpu.memref_slice %arg6[%dma_wait3A_170, %dma_wait3A_171] : memref<1280x32xf32, #tpu.memory_space<vmem>> -> memref<128x32xf32, #tpu.memory_space<vmem>>
    %dma_wait3A_173 = arith.constant 0 : i32
    %dma_wait3A_174 = tpu.memref_slice %arg5[%dma_wait3A_169, %dma_wait3A_173] : memref<10x128xi32, #tpu.memory_space<vmem>> -> memref<1x128xi32, #tpu.memory_space<vmem>>
    %dma_wait3A_175 = tpu.memref_squeeze %dma_wait3A_174 : memref<1x128xi32, #tpu.memory_space<vmem>> -> memref<128xi32, #tpu.memory_space<vmem>>
    %dma_wait3A_176 = arith.constant 0 : i32
    %dma_wait3A_177 = arith.constant 0 : i32
    %dma_wait3A_178 = tpu.memref_slice %arg3[%dma_wait3A_176, %dma_wait3A_177] : memref<20480x32xf32, #tpu.memory_space<hbm>> -> memref<20480x32xf32, #tpu.memory_space<hbm>>
    tpu.wait_indirect_dma semaphore(%arg7 : memref<!tpu.dma_semaphore, #tpu.memory_space<semaphore_mem>>) src(%dma_wait3A_178 : memref<20480x32xf32, #tpu.memory_space<hbm>>) dst(%dma_wait3A_172 : memref<128x32xf32, #tpu.memory_space<vmem>>)
    %dma_wait3A_179 = arith.constant 8 : i32
    %dma_wait3A_180 = arith.constant 1024 : i32
    %dma_wait3A_181 = arith.constant 0 : i32
    %dma_wait3A_182 = tpu.memref_slice %arg6[%dma_wait3A_180, %dma_wait3A_181] : memref<1280x32xf32, #tpu.memory_space<vmem>> -> memref<128x32xf32, #tpu.memory_space<vmem>>
    %dma_wait3A_183 = arith.constant 0 : i32
    %dma_wait3A_184 = tpu.memref_slice %arg5[%dma_wait3A_179, %dma_wait3A_183] : memref<10x128xi32, #tpu.memory_space<vmem>> -> memref<1x128xi32, #tpu.memory_space<vmem>>
    %dma_wait3A_185 = tpu.memref_squeeze %dma_wait3A_184 : memref<1x128xi32, #tpu.memory_space<vmem>> -> memref<128xi32, #tpu.memory_space<vmem>>
    %dma_wait3A_186 = arith.constant 0 : i32
    %dma_wait3A_187 = arith.constant 0 : i32
    %dma_wait3A_188 = tpu.memref_slice %arg3[%dma_wait3A_186, %dma_wait3A_187] : memref<20480x32xf32, #tpu.memory_space<hbm>> -> memref<20480x32xf32, #tpu.memory_space<hbm>>
    tpu.wait_indirect_dma semaphore(%arg7 : memref<!tpu.dma_semaphore, #tpu.memory_space<semaphore_mem>>) src(%dma_wait3A_188 : memref<20480x32xf32, #tpu.memory_space<hbm>>) dst(%dma_wait3A_182 : memref<128x32xf32, #tpu.memory_space<vmem>>)
    %dma_wait3A_189 = arith.constant 9 : i32
    %dma_wait3A_190 = arith.constant 1152 : i32
    %dma_wait3A_191 = arith.constant 0 : i32
    %dma_wait3A_192 = tpu.memref_slice %arg6[%dma_wait3A_190, %dma_wait3A_191] : memref<1280x32xf32, #tpu.memory_space<vmem>> -> memref<128x32xf32, #tpu.memory_space<vmem>>
    %dma_wait3A_193 = arith.constant 0 : i32
    %dma_wait3A_194 = tpu.memref_slice %arg5[%dma_wait3A_189, %dma_wait3A_193] : memref<10x128xi32, #tpu.memory_space<vmem>> -> memref<1x128xi32, #tpu.memory_space<vmem>>
    %dma_wait3A_195 = tpu.memref_squeeze %dma_wait3A_194 : memref<1x128xi32, #tpu.memory_space<vmem>> -> memref<128xi32, #tpu.memory_space<vmem>>
    %dma_wait3A_196 = arith.constant 0 : i32
    %dma_wait3A_197 = arith.constant 0 : i32
    %dma_wait3A_198 = tpu.memref_slice %arg3[%dma_wait3A_196, %dma_wait3A_197] : memref<20480x32xf32, #tpu.memory_space<hbm>> -> memref<20480x32xf32, #tpu.memory_space<hbm>>
    tpu.wait_indirect_dma semaphore(%arg7 : memref<!tpu.dma_semaphore, #tpu.memory_space<semaphore_mem>>) src(%dma_wait3A_198 : memref<20480x32xf32, #tpu.memory_space<hbm>>) dst(%dma_wait3A_192 : memref<128x32xf32, #tpu.memory_space<vmem>>)
    %mul3A_199 = arith.constant 1280 : i32
    %mul3A_200 = arith.muli %add3A, %mul3A_199 : i32
    "tpu.region"() ({
      %run_scoped3A = tpu.sem_alloc : memref<!tpu.dma_semaphore, #tpu.memory_space<semaphore_mem>>
      %dma_start3A_201 = arith.constant 0 : i32
      %dma_start3A_202 = tpu.memref_slice %arg4[%mul3A_200, %dma_start3A_201] : memref<40960x32xf32, #tpu.memory_space<hbm>> -> memref<1280x32xf32, #tpu.memory_space<hbm>>
      %dma_start3A_203 = arith.constant 0 : i32
      %dma_start3A_204 = tpu.memref_slice %arg4[%mul3A_200, %dma_start3A_203] : memref<40960x32xf32, #tpu.memory_space<hbm>> -> memref<1280x32xf32, #tpu.memory_space<hbm>>
      tpu.enqueue_dma source(%arg6 : memref<1280x32xf32, #tpu.memory_space<vmem>>) target(%dma_start3A_204 : memref<1280x32xf32, #tpu.memory_space<hbm>>) target_semaphore(%run_scoped3A : memref<!tpu.dma_semaphore, #tpu.memory_space<semaphore_mem>>)
      %dma_wait3A_205 = arith.constant 0 : i32
      %dma_wait3A_206 = tpu.memref_slice %arg4[%mul3A_200, %dma_wait3A_205] : memref<40960x32xf32, #tpu.memory_space<hbm>> -> memref<1280x32xf32, #tpu.memory_space<hbm>>
      %dma_wait3A_207 = arith.constant 0 : i32
      %dma_wait3A_208 = tpu.memref_slice %arg4[%mul3A_200, %dma_wait3A_207] : memref<40960x32xf32, #tpu.memory_space<hbm>> -> memref<1280x32xf32, #tpu.memory_space<hbm>>
      tpu.wait_dma2 semaphore(%run_scoped3A : memref<!tpu.dma_semaphore, #tpu.memory_space<semaphore_mem>>) src(%arg6 : memref<1280x32xf32, #tpu.memory_space<vmem>>) dst(%dma_wait3A_208 : memref<1280x32xf32, #tpu.memory_space<hbm>>)
      tpu.yield
    }) : () -> ()
    return
  }
}

#map = affine_map<(d0, d1) -> (0, 0, 0)>
#map1 = affine_map<(d0, d1) -> (0, 0)>
#map2 = affine_map<(d0, d1) -> (0, 0, 0, 0)>
module attributes {stable_mosaic.version = 14 : i64} {
  func.func @sk(%arg0: i32, %arg1: i32, %arg2: memref<32x10x128xi32, #tpu.memory_space<hbm>>, %arg3: memref<40960x64xf32, #tpu.memory_space<hbm>>, %arg4: memref<20480x32xf32, #tpu.memory_space<hbm>>, %arg5: memref<2x2x20480x32xf32, #tpu.memory_space<hbm>>, %arg6: memref<10x128xi32, #tpu.memory_space<vmem>>, %arg7: memref<1280x32xf32, #tpu.memory_space<vmem>>, %arg8: memref<20480x32xf32, #tpu.memory_space<vmem_shared>>) attributes {dimension_semantics = [#tpu.dimension_semantics<core_parallel>, #tpu.dimension_semantics<subcore_parallel>], iteration_bounds = array<i64: 2, 16>, scalar_prefetch = 0 : i64, scratch_operands = 3 : i64, tpu.core_type = #tpu.core_type<sc_vector_subcore>, window_params = [{transform_indices = #map}, {transform_indices = #map1}, {transform_indices = #map1}, {transform_indices = #map2}]} {
    %mul3A = arith.constant 16 : i32
    %mul3A_0 = arith.muli %arg0, %mul3A : i32
    %add3A = arith.addi %mul3A_0, %arg1 : i32
    %mul3A_1 = arith.constant 1280 : i32
    %mul3A_2 = arith.muli %arg1, %mul3A_1 : i32
    "tpu.region"() ({
      %run_scoped3A_33 = tpu.sem_alloc : memref<!tpu.dma_semaphore, #tpu.memory_space<semaphore_mem>>
      %dma_start3A = arith.constant 0 : i32
      %dma_start3A_34 = arith.constant 0 : i32
      %dma_start3A_35 = tpu.memref_slice %arg2[%add3A, %dma_start3A, %dma_start3A_34] : memref<32x10x128xi32, #tpu.memory_space<hbm>> -> memref<1x10x128xi32, #tpu.memory_space<hbm>>
      %dma_start3A_36 = tpu.memref_squeeze %dma_start3A_35 : memref<1x10x128xi32, #tpu.memory_space<hbm>> -> memref<10x128xi32, #tpu.memory_space<hbm>>
      %dma_start3A_37 = arith.constant 0 : i32
      %dma_start3A_38 = arith.constant 0 : i32
      %dma_start3A_39 = tpu.memref_slice %arg2[%add3A, %dma_start3A_37, %dma_start3A_38] : memref<32x10x128xi32, #tpu.memory_space<hbm>> -> memref<1x10x128xi32, #tpu.memory_space<hbm>>
      %dma_start3A_40 = tpu.memref_squeeze %dma_start3A_39 : memref<1x10x128xi32, #tpu.memory_space<hbm>> -> memref<10x128xi32, #tpu.memory_space<hbm>>
      tpu.enqueue_dma source(%dma_start3A_40 : memref<10x128xi32, #tpu.memory_space<hbm>>) target(%arg6 : memref<10x128xi32, #tpu.memory_space<vmem>>) target_semaphore(%run_scoped3A_33 : memref<!tpu.dma_semaphore, #tpu.memory_space<semaphore_mem>>)
      %dma_wait3A = arith.constant 0 : i32
      %dma_wait3A_41 = arith.constant 0 : i32
      %dma_wait3A_42 = tpu.memref_slice %arg2[%add3A, %dma_wait3A, %dma_wait3A_41] : memref<32x10x128xi32, #tpu.memory_space<hbm>> -> memref<1x10x128xi32, #tpu.memory_space<hbm>>
      %dma_wait3A_43 = tpu.memref_squeeze %dma_wait3A_42 : memref<1x10x128xi32, #tpu.memory_space<hbm>> -> memref<10x128xi32, #tpu.memory_space<hbm>>
      %dma_wait3A_44 = arith.constant 0 : i32
      %dma_wait3A_45 = arith.constant 0 : i32
      %dma_wait3A_46 = tpu.memref_slice %arg2[%add3A, %dma_wait3A_44, %dma_wait3A_45] : memref<32x10x128xi32, #tpu.memory_space<hbm>> -> memref<1x10x128xi32, #tpu.memory_space<hbm>>
      %dma_wait3A_47 = tpu.memref_squeeze %dma_wait3A_46 : memref<1x10x128xi32, #tpu.memory_space<hbm>> -> memref<10x128xi32, #tpu.memory_space<hbm>>
      tpu.wait_dma2 semaphore(%run_scoped3A_33 : memref<!tpu.dma_semaphore, #tpu.memory_space<semaphore_mem>>) src(%dma_wait3A_47 : memref<10x128xi32, #tpu.memory_space<hbm>>) dst(%arg6 : memref<10x128xi32, #tpu.memory_space<vmem>>)
      tpu.yield
    }) : () -> ()
    "tpu.region"() ({
      %run_scoped3A_33 = tpu.sem_alloc : memref<!tpu.dma_semaphore, #tpu.memory_space<semaphore_mem>>
      %dma_start3A = arith.constant 0 : i32
      %dma_start3A_34 = tpu.memref_slice %arg8[%mul3A_2, %dma_start3A] : memref<20480x32xf32, #tpu.memory_space<vmem_shared>> -> memref<1280x32xf32, #tpu.memory_space<vmem_shared>>
      %dma_start3A_35 = arith.constant 0 : i32
      %dma_start3A_36 = tpu.memref_slice %arg4[%mul3A_2, %dma_start3A_35] : memref<20480x32xf32, #tpu.memory_space<hbm>> -> memref<1280x32xf32, #tpu.memory_space<hbm>>
      tpu.enqueue_dma source(%dma_start3A_36 : memref<1280x32xf32, #tpu.memory_space<hbm>>) target(%dma_start3A_34 : memref<1280x32xf32, #tpu.memory_space<vmem_shared>>) target_semaphore(%run_scoped3A_33 : memref<!tpu.dma_semaphore, #tpu.memory_space<semaphore_mem>>)
      %dma_wait3A = arith.constant 0 : i32
      %dma_wait3A_37 = tpu.memref_slice %arg8[%mul3A_2, %dma_wait3A] : memref<20480x32xf32, #tpu.memory_space<vmem_shared>> -> memref<1280x32xf32, #tpu.memory_space<vmem_shared>>
      %dma_wait3A_38 = arith.constant 0 : i32
      %dma_wait3A_39 = tpu.memref_slice %arg4[%mul3A_2, %dma_wait3A_38] : memref<20480x32xf32, #tpu.memory_space<hbm>> -> memref<1280x32xf32, #tpu.memory_space<hbm>>
      tpu.wait_dma2 semaphore(%run_scoped3A_33 : memref<!tpu.dma_semaphore, #tpu.memory_space<semaphore_mem>>) src(%dma_wait3A_39 : memref<1280x32xf32, #tpu.memory_space<hbm>>) dst(%dma_wait3A_37 : memref<1280x32xf32, #tpu.memory_space<vmem_shared>>)
      tpu.yield
    }) : () -> ()
    %mul3A_3 = arith.constant 1280 : i32
    %mul3A_4 = arith.muli %add3A, %mul3A_3 : i32
    "tpu.region"() ({
      %run_scoped3A_33 = tpu.sem_alloc : memref<!tpu.dma_semaphore, #tpu.memory_space<semaphore_mem>>
      %dma_start3A = arith.constant 0 : i32
      %dma_start3A_34 = tpu.memref_slice %arg3[%mul3A_4, %dma_start3A] : memref<40960x64xf32, #tpu.memory_space<hbm>> -> memref<1280x32xf32, #tpu.memory_space<hbm>>
      %dma_start3A_35 = arith.constant 0 : i32
      %dma_start3A_36 = tpu.memref_slice %arg3[%mul3A_4, %dma_start3A_35] : memref<40960x64xf32, #tpu.memory_space<hbm>> -> memref<1280x32xf32, #tpu.memory_space<hbm>>
      tpu.enqueue_dma source(%dma_start3A_36 : memref<1280x32xf32, #tpu.memory_space<hbm>>) target(%arg7 : memref<1280x32xf32, #tpu.memory_space<vmem>>) target_semaphore(%run_scoped3A_33 : memref<!tpu.dma_semaphore, #tpu.memory_space<semaphore_mem>>)
      %dma_wait3A = arith.constant 0 : i32
      %dma_wait3A_37 = tpu.memref_slice %arg3[%mul3A_4, %dma_wait3A] : memref<40960x64xf32, #tpu.memory_space<hbm>> -> memref<1280x32xf32, #tpu.memory_space<hbm>>
      %dma_wait3A_38 = arith.constant 0 : i32
      %dma_wait3A_39 = tpu.memref_slice %arg3[%mul3A_4, %dma_wait3A_38] : memref<40960x64xf32, #tpu.memory_space<hbm>> -> memref<1280x32xf32, #tpu.memory_space<hbm>>
      tpu.wait_dma2 semaphore(%run_scoped3A_33 : memref<!tpu.dma_semaphore, #tpu.memory_space<semaphore_mem>>) src(%dma_wait3A_39 : memref<1280x32xf32, #tpu.memory_space<hbm>>) dst(%arg7 : memref<1280x32xf32, #tpu.memory_space<vmem>>)
      tpu.yield
    }) : () -> ()
    %barrier3A = arith.constant 0 : index
    tpu.barrier barrier_id(%barrier3A)
    %while3A = arith.constant 0 : i32
    %while3A_5 = arith.constant 0 : i32
    %while3A_6 = arith.constant 10 : i32
    %while3A_7 = arith.subi %while3A_6, %while3A_5 : i32
    %while3A_8 = arith.addi %while3A_5, %while3A_7 : i32
    %while3A_9 = arith.constant 1 : i32
    %while3A_10 = arith.divsi %while3A_7, %while3A_9 : i32
    %while3A_11 = arith.muli %while3A_10, %while3A_9 : i32
    %while3A_12 = arith.addi %while3A_5, %while3A_11 : i32
    %while3A_13 = arith.constant 1 : i32
    scf.for %while3A_33 = %while3A_5 to %while3A_12 step %while3A_13  : i32 {
      %mul3A_34 = arith.constant 128 : i32
      %mul3A_35 = arith.muli %while3A_33, %mul3A_34 : i32
      "tpu.region"() ({
        %run_scoped3A_36 = tpu.sem_alloc : memref<!tpu.dma_semaphore, #tpu.memory_space<semaphore_mem>>
        %dma_start3A = arith.constant 0 : i32
        %dma_start3A_37 = tpu.memref_slice %arg7[%mul3A_35, %dma_start3A] : memref<1280x32xf32, #tpu.memory_space<vmem>> -> memref<128x32xf32, #tpu.memory_space<vmem>>
        %dma_start3A_38 = arith.constant 0 : i32
        %dma_start3A_39 = tpu.memref_slice %arg6[%while3A_33, %dma_start3A_38] : memref<10x128xi32, #tpu.memory_space<vmem>> -> memref<1x128xi32, #tpu.memory_space<vmem>>
        %dma_start3A_40 = tpu.memref_squeeze %dma_start3A_39 : memref<1x128xi32, #tpu.memory_space<vmem>> -> memref<128xi32, #tpu.memory_space<vmem>>
        %dma_start3A_41 = arith.constant 0 : i32
        %dma_start3A_42 = arith.constant 0 : i32
        %dma_start3A_43 = tpu.memref_slice %arg8[%dma_start3A_41, %dma_start3A_42] : memref<20480x32xf32, #tpu.memory_space<vmem_shared>> -> memref<20480x32xf32, #tpu.memory_space<vmem_shared>>
        tpu.enqueue_indirect_dma source(%dma_start3A_37 : memref<128x32xf32, #tpu.memory_space<vmem>>) target(%dma_start3A_43 : memref<20480x32xf32, #tpu.memory_space<vmem_shared>>) offsets(%dma_start3A_40 : memref<128xi32, #tpu.memory_space<vmem>>) semaphore(%run_scoped3A_36 : memref<!tpu.dma_semaphore, #tpu.memory_space<semaphore_mem>>) {add = true}
        %dma_wait3A = arith.constant 0 : i32
        %dma_wait3A_44 = tpu.memref_slice %arg7[%mul3A_35, %dma_wait3A] : memref<1280x32xf32, #tpu.memory_space<vmem>> -> memref<128x32xf32, #tpu.memory_space<vmem>>
        %dma_wait3A_45 = arith.constant 0 : i32
        %dma_wait3A_46 = tpu.memref_slice %arg6[%while3A_33, %dma_wait3A_45] : memref<10x128xi32, #tpu.memory_space<vmem>> -> memref<1x128xi32, #tpu.memory_space<vmem>>
        %dma_wait3A_47 = tpu.memref_squeeze %dma_wait3A_46 : memref<1x128xi32, #tpu.memory_space<vmem>> -> memref<128xi32, #tpu.memory_space<vmem>>
        %dma_wait3A_48 = arith.constant 0 : i32
        %dma_wait3A_49 = arith.constant 0 : i32
        %dma_wait3A_50 = tpu.memref_slice %arg8[%dma_wait3A_48, %dma_wait3A_49] : memref<20480x32xf32, #tpu.memory_space<vmem_shared>> -> memref<20480x32xf32, #tpu.memory_space<vmem_shared>>
        tpu.wait_indirect_dma semaphore(%run_scoped3A_36 : memref<!tpu.dma_semaphore, #tpu.memory_space<semaphore_mem>>) src(%dma_wait3A_44 : memref<128x32xf32, #tpu.memory_space<vmem>>) dst(%dma_wait3A_50 : memref<20480x32xf32, #tpu.memory_space<vmem_shared>>)
        tpu.yield
      }) : () -> ()
    }
    %while3A_14 = arith.constant 1 : i32
    scf.for %while3A_33 = %while3A_12 to %while3A_8 step %while3A_14  : i32 {
      %mul3A_34 = arith.constant 128 : i32
      %mul3A_35 = arith.muli %while3A_33, %mul3A_34 : i32
      "tpu.region"() ({
        %run_scoped3A_36 = tpu.sem_alloc : memref<!tpu.dma_semaphore, #tpu.memory_space<semaphore_mem>>
        %dma_start3A = arith.constant 0 : i32
        %dma_start3A_37 = tpu.memref_slice %arg7[%mul3A_35, %dma_start3A] : memref<1280x32xf32, #tpu.memory_space<vmem>> -> memref<128x32xf32, #tpu.memory_space<vmem>>
        %dma_start3A_38 = arith.constant 0 : i32
        %dma_start3A_39 = tpu.memref_slice %arg6[%while3A_33, %dma_start3A_38] : memref<10x128xi32, #tpu.memory_space<vmem>> -> memref<1x128xi32, #tpu.memory_space<vmem>>
        %dma_start3A_40 = tpu.memref_squeeze %dma_start3A_39 : memref<1x128xi32, #tpu.memory_space<vmem>> -> memref<128xi32, #tpu.memory_space<vmem>>
        %dma_start3A_41 = arith.constant 0 : i32
        %dma_start3A_42 = arith.constant 0 : i32
        %dma_start3A_43 = tpu.memref_slice %arg8[%dma_start3A_41, %dma_start3A_42] : memref<20480x32xf32, #tpu.memory_space<vmem_shared>> -> memref<20480x32xf32, #tpu.memory_space<vmem_shared>>
        tpu.enqueue_indirect_dma source(%dma_start3A_37 : memref<128x32xf32, #tpu.memory_space<vmem>>) target(%dma_start3A_43 : memref<20480x32xf32, #tpu.memory_space<vmem_shared>>) offsets(%dma_start3A_40 : memref<128xi32, #tpu.memory_space<vmem>>) semaphore(%run_scoped3A_36 : memref<!tpu.dma_semaphore, #tpu.memory_space<semaphore_mem>>) {add = true}
        %dma_wait3A = arith.constant 0 : i32
        %dma_wait3A_44 = tpu.memref_slice %arg7[%mul3A_35, %dma_wait3A] : memref<1280x32xf32, #tpu.memory_space<vmem>> -> memref<128x32xf32, #tpu.memory_space<vmem>>
        %dma_wait3A_45 = arith.constant 0 : i32
        %dma_wait3A_46 = tpu.memref_slice %arg6[%while3A_33, %dma_wait3A_45] : memref<10x128xi32, #tpu.memory_space<vmem>> -> memref<1x128xi32, #tpu.memory_space<vmem>>
        %dma_wait3A_47 = tpu.memref_squeeze %dma_wait3A_46 : memref<1x128xi32, #tpu.memory_space<vmem>> -> memref<128xi32, #tpu.memory_space<vmem>>
        %dma_wait3A_48 = arith.constant 0 : i32
        %dma_wait3A_49 = arith.constant 0 : i32
        %dma_wait3A_50 = tpu.memref_slice %arg8[%dma_wait3A_48, %dma_wait3A_49] : memref<20480x32xf32, #tpu.memory_space<vmem_shared>> -> memref<20480x32xf32, #tpu.memory_space<vmem_shared>>
        tpu.wait_indirect_dma semaphore(%run_scoped3A_36 : memref<!tpu.dma_semaphore, #tpu.memory_space<semaphore_mem>>) src(%dma_wait3A_44 : memref<128x32xf32, #tpu.memory_space<vmem>>) dst(%dma_wait3A_50 : memref<20480x32xf32, #tpu.memory_space<vmem_shared>>)
        tpu.yield
      }) : () -> ()
    }
    %barrier3A_15 = arith.constant 0 : index
    tpu.barrier barrier_id(%barrier3A_15)
    %run_scoped3A = arith.constant 0 : i32
    "tpu.region"() ({
      %run_scoped3A_33 = tpu.sem_alloc : memref<!tpu.dma_semaphore, #tpu.memory_space<semaphore_mem>>
      %dma_start3A = arith.constant 0 : i32
      %dma_start3A_34 = tpu.memref_slice %arg5[%arg0, %run_scoped3A, %mul3A_2, %dma_start3A] : memref<2x2x20480x32xf32, #tpu.memory_space<hbm>> -> memref<1x1x1280x32xf32, #tpu.memory_space<hbm>>
      %dma_start3A_35 = tpu.memref_squeeze %dma_start3A_34 : memref<1x1x1280x32xf32, #tpu.memory_space<hbm>> -> memref<1280x32xf32, #tpu.memory_space<hbm>>
      %dma_start3A_36 = arith.constant 0 : i32
      %dma_start3A_37 = tpu.memref_slice %arg8[%mul3A_2, %dma_start3A_36] : memref<20480x32xf32, #tpu.memory_space<vmem_shared>> -> memref<1280x32xf32, #tpu.memory_space<vmem_shared>>
      tpu.enqueue_dma source(%dma_start3A_37 : memref<1280x32xf32, #tpu.memory_space<vmem_shared>>) target(%dma_start3A_35 : memref<1280x32xf32, #tpu.memory_space<hbm>>) target_semaphore(%run_scoped3A_33 : memref<!tpu.dma_semaphore, #tpu.memory_space<semaphore_mem>>)
      %dma_wait3A = arith.constant 0 : i32
      %dma_wait3A_38 = tpu.memref_slice %arg5[%arg0, %run_scoped3A, %mul3A_2, %dma_wait3A] : memref<2x2x20480x32xf32, #tpu.memory_space<hbm>> -> memref<1x1x1280x32xf32, #tpu.memory_space<hbm>>
      %dma_wait3A_39 = tpu.memref_squeeze %dma_wait3A_38 : memref<1x1x1280x32xf32, #tpu.memory_space<hbm>> -> memref<1280x32xf32, #tpu.memory_space<hbm>>
      %dma_wait3A_40 = arith.constant 0 : i32
      %dma_wait3A_41 = tpu.memref_slice %arg8[%mul3A_2, %dma_wait3A_40] : memref<20480x32xf32, #tpu.memory_space<vmem_shared>> -> memref<1280x32xf32, #tpu.memory_space<vmem_shared>>
      tpu.wait_dma2 semaphore(%run_scoped3A_33 : memref<!tpu.dma_semaphore, #tpu.memory_space<semaphore_mem>>) src(%dma_wait3A_41 : memref<1280x32xf32, #tpu.memory_space<vmem_shared>>) dst(%dma_wait3A_39 : memref<1280x32xf32, #tpu.memory_space<hbm>>)
      tpu.yield
    }) : () -> ()
    %barrier3A_16 = arith.constant 0 : index
    tpu.barrier barrier_id(%barrier3A_16)
    "tpu.region"() ({
      %run_scoped3A_33 = tpu.sem_alloc : memref<!tpu.dma_semaphore, #tpu.memory_space<semaphore_mem>>
      %dma_start3A = arith.constant 0 : i32
      %dma_start3A_34 = tpu.memref_slice %arg8[%mul3A_2, %dma_start3A] : memref<20480x32xf32, #tpu.memory_space<vmem_shared>> -> memref<1280x32xf32, #tpu.memory_space<vmem_shared>>
      %dma_start3A_35 = arith.constant 0 : i32
      %dma_start3A_36 = tpu.memref_slice %arg4[%mul3A_2, %dma_start3A_35] : memref<20480x32xf32, #tpu.memory_space<hbm>> -> memref<1280x32xf32, #tpu.memory_space<hbm>>
      tpu.enqueue_dma source(%dma_start3A_36 : memref<1280x32xf32, #tpu.memory_space<hbm>>) target(%dma_start3A_34 : memref<1280x32xf32, #tpu.memory_space<vmem_shared>>) target_semaphore(%run_scoped3A_33 : memref<!tpu.dma_semaphore, #tpu.memory_space<semaphore_mem>>)
      %dma_wait3A = arith.constant 0 : i32
      %dma_wait3A_37 = tpu.memref_slice %arg8[%mul3A_2, %dma_wait3A] : memref<20480x32xf32, #tpu.memory_space<vmem_shared>> -> memref<1280x32xf32, #tpu.memory_space<vmem_shared>>
      %dma_wait3A_38 = arith.constant 0 : i32
      %dma_wait3A_39 = tpu.memref_slice %arg4[%mul3A_2, %dma_wait3A_38] : memref<20480x32xf32, #tpu.memory_space<hbm>> -> memref<1280x32xf32, #tpu.memory_space<hbm>>
      tpu.wait_dma2 semaphore(%run_scoped3A_33 : memref<!tpu.dma_semaphore, #tpu.memory_space<semaphore_mem>>) src(%dma_wait3A_39 : memref<1280x32xf32, #tpu.memory_space<hbm>>) dst(%dma_wait3A_37 : memref<1280x32xf32, #tpu.memory_space<vmem_shared>>)
      tpu.yield
    }) : () -> ()
    %mul3A_17 = arith.constant 1280 : i32
    %mul3A_18 = arith.muli %add3A, %mul3A_17 : i32
    "tpu.region"() ({
      %run_scoped3A_33 = tpu.sem_alloc : memref<!tpu.dma_semaphore, #tpu.memory_space<semaphore_mem>>
      %dma_start3A = arith.constant 32 : i32
      %dma_start3A_34 = tpu.memref_slice %arg3[%mul3A_18, %dma_start3A] : memref<40960x64xf32, #tpu.memory_space<hbm>> -> memref<1280x32xf32, #tpu.memory_space<hbm>>
      %dma_start3A_35 = arith.constant 32 : i32
      %dma_start3A_36 = tpu.memref_slice %arg3[%mul3A_18, %dma_start3A_35] : memref<40960x64xf32, #tpu.memory_space<hbm>> -> memref<1280x32xf32, #tpu.memory_space<hbm>>
      tpu.enqueue_dma source(%dma_start3A_36 : memref<1280x32xf32, #tpu.memory_space<hbm>>) target(%arg7 : memref<1280x32xf32, #tpu.memory_space<vmem>>) target_semaphore(%run_scoped3A_33 : memref<!tpu.dma_semaphore, #tpu.memory_space<semaphore_mem>>)
      %dma_wait3A = arith.constant 32 : i32
      %dma_wait3A_37 = tpu.memref_slice %arg3[%mul3A_18, %dma_wait3A] : memref<40960x64xf32, #tpu.memory_space<hbm>> -> memref<1280x32xf32, #tpu.memory_space<hbm>>
      %dma_wait3A_38 = arith.constant 32 : i32
      %dma_wait3A_39 = tpu.memref_slice %arg3[%mul3A_18, %dma_wait3A_38] : memref<40960x64xf32, #tpu.memory_space<hbm>> -> memref<1280x32xf32, #tpu.memory_space<hbm>>
      tpu.wait_dma2 semaphore(%run_scoped3A_33 : memref<!tpu.dma_semaphore, #tpu.memory_space<semaphore_mem>>) src(%dma_wait3A_39 : memref<1280x32xf32, #tpu.memory_space<hbm>>) dst(%arg7 : memref<1280x32xf32, #tpu.memory_space<vmem>>)
      tpu.yield
    }) : () -> ()
    %barrier3A_19 = arith.constant 0 : index
    tpu.barrier barrier_id(%barrier3A_19)
    %while3A_20 = arith.constant 0 : i32
    %while3A_21 = arith.constant 0 : i32
    %while3A_22 = arith.constant 10 : i32
    %while3A_23 = arith.subi %while3A_22, %while3A_21 : i32
    %while3A_24 = arith.addi %while3A_21, %while3A_23 : i32
    %while3A_25 = arith.constant 1 : i32
    %while3A_26 = arith.divsi %while3A_23, %while3A_25 : i32
    %while3A_27 = arith.muli %while3A_26, %while3A_25 : i32
    %while3A_28 = arith.addi %while3A_21, %while3A_27 : i32
    %while3A_29 = arith.constant 1 : i32
    scf.for %while3A_33 = %while3A_21 to %while3A_28 step %while3A_29  : i32 {
      %mul3A_34 = arith.constant 128 : i32
      %mul3A_35 = arith.muli %while3A_33, %mul3A_34 : i32
      "tpu.region"() ({
        %run_scoped3A_36 = tpu.sem_alloc : memref<!tpu.dma_semaphore, #tpu.memory_space<semaphore_mem>>
        %dma_start3A = arith.constant 0 : i32
        %dma_start3A_37 = tpu.memref_slice %arg7[%mul3A_35, %dma_start3A] : memref<1280x32xf32, #tpu.memory_space<vmem>> -> memref<128x32xf32, #tpu.memory_space<vmem>>
        %dma_start3A_38 = arith.constant 0 : i32
        %dma_start3A_39 = tpu.memref_slice %arg6[%while3A_33, %dma_start3A_38] : memref<10x128xi32, #tpu.memory_space<vmem>> -> memref<1x128xi32, #tpu.memory_space<vmem>>
        %dma_start3A_40 = tpu.memref_squeeze %dma_start3A_39 : memref<1x128xi32, #tpu.memory_space<vmem>> -> memref<128xi32, #tpu.memory_space<vmem>>
        %dma_start3A_41 = arith.constant 0 : i32
        %dma_start3A_42 = arith.constant 0 : i32
        %dma_start3A_43 = tpu.memref_slice %arg8[%dma_start3A_41, %dma_start3A_42] : memref<20480x32xf32, #tpu.memory_space<vmem_shared>> -> memref<20480x32xf32, #tpu.memory_space<vmem_shared>>
        tpu.enqueue_indirect_dma source(%dma_start3A_37 : memref<128x32xf32, #tpu.memory_space<vmem>>) target(%dma_start3A_43 : memref<20480x32xf32, #tpu.memory_space<vmem_shared>>) offsets(%dma_start3A_40 : memref<128xi32, #tpu.memory_space<vmem>>) semaphore(%run_scoped3A_36 : memref<!tpu.dma_semaphore, #tpu.memory_space<semaphore_mem>>) {add = true}
        %dma_wait3A = arith.constant 0 : i32
        %dma_wait3A_44 = tpu.memref_slice %arg7[%mul3A_35, %dma_wait3A] : memref<1280x32xf32, #tpu.memory_space<vmem>> -> memref<128x32xf32, #tpu.memory_space<vmem>>
        %dma_wait3A_45 = arith.constant 0 : i32
        %dma_wait3A_46 = tpu.memref_slice %arg6[%while3A_33, %dma_wait3A_45] : memref<10x128xi32, #tpu.memory_space<vmem>> -> memref<1x128xi32, #tpu.memory_space<vmem>>
        %dma_wait3A_47 = tpu.memref_squeeze %dma_wait3A_46 : memref<1x128xi32, #tpu.memory_space<vmem>> -> memref<128xi32, #tpu.memory_space<vmem>>
        %dma_wait3A_48 = arith.constant 0 : i32
        %dma_wait3A_49 = arith.constant 0 : i32
        %dma_wait3A_50 = tpu.memref_slice %arg8[%dma_wait3A_48, %dma_wait3A_49] : memref<20480x32xf32, #tpu.memory_space<vmem_shared>> -> memref<20480x32xf32, #tpu.memory_space<vmem_shared>>
        tpu.wait_indirect_dma semaphore(%run_scoped3A_36 : memref<!tpu.dma_semaphore, #tpu.memory_space<semaphore_mem>>) src(%dma_wait3A_44 : memref<128x32xf32, #tpu.memory_space<vmem>>) dst(%dma_wait3A_50 : memref<20480x32xf32, #tpu.memory_space<vmem_shared>>)
        tpu.yield
      }) : () -> ()
    }
    %while3A_30 = arith.constant 1 : i32
    scf.for %while3A_33 = %while3A_28 to %while3A_24 step %while3A_30  : i32 {
      %mul3A_34 = arith.constant 128 : i32
      %mul3A_35 = arith.muli %while3A_33, %mul3A_34 : i32
      "tpu.region"() ({
        %run_scoped3A_36 = tpu.sem_alloc : memref<!tpu.dma_semaphore, #tpu.memory_space<semaphore_mem>>
        %dma_start3A = arith.constant 0 : i32
        %dma_start3A_37 = tpu.memref_slice %arg7[%mul3A_35, %dma_start3A] : memref<1280x32xf32, #tpu.memory_space<vmem>> -> memref<128x32xf32, #tpu.memory_space<vmem>>
        %dma_start3A_38 = arith.constant 0 : i32
        %dma_start3A_39 = tpu.memref_slice %arg6[%while3A_33, %dma_start3A_38] : memref<10x128xi32, #tpu.memory_space<vmem>> -> memref<1x128xi32, #tpu.memory_space<vmem>>
        %dma_start3A_40 = tpu.memref_squeeze %dma_start3A_39 : memref<1x128xi32, #tpu.memory_space<vmem>> -> memref<128xi32, #tpu.memory_space<vmem>>
        %dma_start3A_41 = arith.constant 0 : i32
        %dma_start3A_42 = arith.constant 0 : i32
        %dma_start3A_43 = tpu.memref_slice %arg8[%dma_start3A_41, %dma_start3A_42] : memref<20480x32xf32, #tpu.memory_space<vmem_shared>> -> memref<20480x32xf32, #tpu.memory_space<vmem_shared>>
        tpu.enqueue_indirect_dma source(%dma_start3A_37 : memref<128x32xf32, #tpu.memory_space<vmem>>) target(%dma_start3A_43 : memref<20480x32xf32, #tpu.memory_space<vmem_shared>>) offsets(%dma_start3A_40 : memref<128xi32, #tpu.memory_space<vmem>>) semaphore(%run_scoped3A_36 : memref<!tpu.dma_semaphore, #tpu.memory_space<semaphore_mem>>) {add = true}
        %dma_wait3A = arith.constant 0 : i32
        %dma_wait3A_44 = tpu.memref_slice %arg7[%mul3A_35, %dma_wait3A] : memref<1280x32xf32, #tpu.memory_space<vmem>> -> memref<128x32xf32, #tpu.memory_space<vmem>>
        %dma_wait3A_45 = arith.constant 0 : i32
        %dma_wait3A_46 = tpu.memref_slice %arg6[%while3A_33, %dma_wait3A_45] : memref<10x128xi32, #tpu.memory_space<vmem>> -> memref<1x128xi32, #tpu.memory_space<vmem>>
        %dma_wait3A_47 = tpu.memref_squeeze %dma_wait3A_46 : memref<1x128xi32, #tpu.memory_space<vmem>> -> memref<128xi32, #tpu.memory_space<vmem>>
        %dma_wait3A_48 = arith.constant 0 : i32
        %dma_wait3A_49 = arith.constant 0 : i32
        %dma_wait3A_50 = tpu.memref_slice %arg8[%dma_wait3A_48, %dma_wait3A_49] : memref<20480x32xf32, #tpu.memory_space<vmem_shared>> -> memref<20480x32xf32, #tpu.memory_space<vmem_shared>>
        tpu.wait_indirect_dma semaphore(%run_scoped3A_36 : memref<!tpu.dma_semaphore, #tpu.memory_space<semaphore_mem>>) src(%dma_wait3A_44 : memref<128x32xf32, #tpu.memory_space<vmem>>) dst(%dma_wait3A_50 : memref<20480x32xf32, #tpu.memory_space<vmem_shared>>)
        tpu.yield
      }) : () -> ()
    }
    %barrier3A_31 = arith.constant 0 : index
    tpu.barrier barrier_id(%barrier3A_31)
    %run_scoped3A_32 = arith.constant 1 : i32
    "tpu.region"() ({
      %run_scoped3A_33 = tpu.sem_alloc : memref<!tpu.dma_semaphore, #tpu.memory_space<semaphore_mem>>
      %dma_start3A = arith.constant 0 : i32
      %dma_start3A_34 = tpu.memref_slice %arg5[%arg0, %run_scoped3A_32, %mul3A_2, %dma_start3A] : memref<2x2x20480x32xf32, #tpu.memory_space<hbm>> -> memref<1x1x1280x32xf32, #tpu.memory_space<hbm>>
      %dma_start3A_35 = tpu.memref_squeeze %dma_start3A_34 : memref<1x1x1280x32xf32, #tpu.memory_space<hbm>> -> memref<1280x32xf32, #tpu.memory_space<hbm>>
      %dma_start3A_36 = arith.constant 0 : i32
      %dma_start3A_37 = tpu.memref_slice %arg8[%mul3A_2, %dma_start3A_36] : memref<20480x32xf32, #tpu.memory_space<vmem_shared>> -> memref<1280x32xf32, #tpu.memory_space<vmem_shared>>
      tpu.enqueue_dma source(%dma_start3A_37 : memref<1280x32xf32, #tpu.memory_space<vmem_shared>>) target(%dma_start3A_35 : memref<1280x32xf32, #tpu.memory_space<hbm>>) target_semaphore(%run_scoped3A_33 : memref<!tpu.dma_semaphore, #tpu.memory_space<semaphore_mem>>)
      %dma_wait3A = arith.constant 0 : i32
      %dma_wait3A_38 = tpu.memref_slice %arg5[%arg0, %run_scoped3A_32, %mul3A_2, %dma_wait3A] : memref<2x2x20480x32xf32, #tpu.memory_space<hbm>> -> memref<1x1x1280x32xf32, #tpu.memory_space<hbm>>
      %dma_wait3A_39 = tpu.memref_squeeze %dma_wait3A_38 : memref<1x1x1280x32xf32, #tpu.memory_space<hbm>> -> memref<1280x32xf32, #tpu.memory_space<hbm>>
      %dma_wait3A_40 = arith.constant 0 : i32
      %dma_wait3A_41 = tpu.memref_slice %arg8[%mul3A_2, %dma_wait3A_40] : memref<20480x32xf32, #tpu.memory_space<vmem_shared>> -> memref<1280x32xf32, #tpu.memory_space<vmem_shared>>
      tpu.wait_dma2 semaphore(%run_scoped3A_33 : memref<!tpu.dma_semaphore, #tpu.memory_space<semaphore_mem>>) src(%dma_wait3A_41 : memref<1280x32xf32, #tpu.memory_space<vmem_shared>>) dst(%dma_wait3A_39 : memref<1280x32xf32, #tpu.memory_space<hbm>>)
      tpu.yield
    }) : () -> ()
    return
  }
}

#map = affine_map<(d0, d1) -> (0, 0, 0)>
#map1 = affine_map<(d0, d1) -> (0, 0)>
module attributes {stable_mosaic.version = 14 : i64} {
  func.func @gk(%arg0: i32, %arg1: i32, %arg2: memref<32x10x128xi32, #tpu.memory_space<hbm>>, %arg3: memref<20480x32xf32, #tpu.memory_space<hbm>>, %arg4: memref<40960x32xf32, #tpu.memory_space<hbm>>, %arg5: memref<10x128xi32, #tpu.memory_space<vmem>>, %arg6: memref<1280x32xf32, #tpu.memory_space<vmem>>, %arg7: memref<!tpu.dma_semaphore, #tpu.memory_space<semaphore_mem>>) attributes {dimension_semantics = [#tpu.dimension_semantics<core_parallel>, #tpu.dimension_semantics<subcore_parallel>], iteration_bounds = array<i64: 2, 16>, scalar_prefetch = 0 : i64, scratch_operands = 3 : i64, tpu.core_type = #tpu.core_type<sc_vector_subcore>, window_params = [{transform_indices = #map}, {transform_indices = #map1}, {transform_indices = #map1}]} {
    %mul3A = arith.constant 16 : i32
    %mul3A_0 = arith.muli %arg0, %mul3A : i32
    %add3A = arith.addi %mul3A_0, %arg1 : i32
    "tpu.region"() ({
      %run_scoped3A = tpu.sem_alloc : memref<!tpu.dma_semaphore, #tpu.memory_space<semaphore_mem>>
      %dma_start3A_201 = arith.constant 0 : i32
      %dma_start3A_202 = arith.constant 0 : i32
      %dma_start3A_203 = tpu.memref_slice %arg2[%add3A, %dma_start3A_201, %dma_start3A_202] : memref<32x10x128xi32, #tpu.memory_space<hbm>> -> memref<1x10x128xi32, #tpu.memory_space<hbm>>
      %dma_start3A_204 = tpu.memref_squeeze %dma_start3A_203 : memref<1x10x128xi32, #tpu.memory_space<hbm>> -> memref<10x128xi32, #tpu.memory_space<hbm>>
      %dma_start3A_205 = arith.constant 0 : i32
      %dma_start3A_206 = arith.constant 0 : i32
      %dma_start3A_207 = tpu.memref_slice %arg2[%add3A, %dma_start3A_205, %dma_start3A_206] : memref<32x10x128xi32, #tpu.memory_space<hbm>> -> memref<1x10x128xi32, #tpu.memory_space<hbm>>
      %dma_start3A_208 = tpu.memref_squeeze %dma_start3A_207 : memref<1x10x128xi32, #tpu.memory_space<hbm>> -> memref<10x128xi32, #tpu.memory_space<hbm>>
      tpu.enqueue_dma source(%dma_start3A_208 : memref<10x128xi32, #tpu.memory_space<hbm>>) target(%arg5 : memref<10x128xi32, #tpu.memory_space<vmem>>) target_semaphore(%run_scoped3A : memref<!tpu.dma_semaphore, #tpu.memory_space<semaphore_mem>>)
      %dma_wait3A_209 = arith.constant 0 : i32
      %dma_wait3A_210 = arith.constant 0 : i32
      %dma_wait3A_211 = tpu.memref_slice %arg2[%add3A, %dma_wait3A_209, %dma_wait3A_210] : memref<32x10x128xi32, #tpu.memory_space<hbm>> -> memref<1x10x128xi32, #tpu.memory_space<hbm>>
      %dma_wait3A_212 = tpu.memref_squeeze %dma_wait3A_211 : memref<1x10x128xi32, #tpu.memory_space<hbm>> -> memref<10x128xi32, #tpu.memory_space<hbm>>
      %dma_wait3A_213 = arith.constant 0 : i32
      %dma_wait3A_214 = arith.constant 0 : i32
      %dma_wait3A_215 = tpu.memref_slice %arg2[%add3A, %dma_wait3A_213, %dma_wait3A_214] : memref<32x10x128xi32, #tpu.memory_space<hbm>> -> memref<1x10x128xi32, #tpu.memory_space<hbm>>
      %dma_wait3A_216 = tpu.memref_squeeze %dma_wait3A_215 : memref<1x10x128xi32, #tpu.memory_space<hbm>> -> memref<10x128xi32, #tpu.memory_space<hbm>>
      tpu.wait_dma2 semaphore(%run_scoped3A : memref<!tpu.dma_semaphore, #tpu.memory_space<semaphore_mem>>) src(%dma_wait3A_216 : memref<10x128xi32, #tpu.memory_space<hbm>>) dst(%arg5 : memref<10x128xi32, #tpu.memory_space<vmem>>)
      tpu.yield
    }) : () -> ()
    %dma_start3A = arith.constant 0 : i32
    %dma_start3A_1 = arith.constant 0 : i32
    %dma_start3A_2 = arith.constant 0 : i32
    %dma_start3A_3 = tpu.memref_slice %arg6[%dma_start3A_1, %dma_start3A_2] : memref<1280x32xf32, #tpu.memory_space<vmem>> -> memref<128x32xf32, #tpu.memory_space<vmem>>
    %dma_start3A_4 = arith.constant 0 : i32
    %dma_start3A_5 = tpu.memref_slice %arg5[%dma_start3A, %dma_start3A_4] : memref<10x128xi32, #tpu.memory_space<vmem>> -> memref<1x128xi32, #tpu.memory_space<vmem>>
    %dma_start3A_6 = tpu.memref_squeeze %dma_start3A_5 : memref<1x128xi32, #tpu.memory_space<vmem>> -> memref<128xi32, #tpu.memory_space<vmem>>
    %dma_start3A_7 = arith.constant 0 : i32
    %dma_start3A_8 = arith.constant 0 : i32
    %dma_start3A_9 = tpu.memref_slice %arg3[%dma_start3A_7, %dma_start3A_8] : memref<20480x32xf32, #tpu.memory_space<hbm>> -> memref<20480x32xf32, #tpu.memory_space<hbm>>
    tpu.enqueue_indirect_dma source(%dma_start3A_9 : memref<20480x32xf32, #tpu.memory_space<hbm>>) target(%dma_start3A_3 : memref<128x32xf32, #tpu.memory_space<vmem>>) offsets(%dma_start3A_6 : memref<128xi32, #tpu.memory_space<vmem>>) semaphore(%arg7 : memref<!tpu.dma_semaphore, #tpu.memory_space<semaphore_mem>>)
    %dma_start3A_10 = arith.constant 1 : i32
    %dma_start3A_11 = arith.constant 128 : i32
    %dma_start3A_12 = arith.constant 0 : i32
    %dma_start3A_13 = tpu.memref_slice %arg6[%dma_start3A_11, %dma_start3A_12] : memref<1280x32xf32, #tpu.memory_space<vmem>> -> memref<128x32xf32, #tpu.memory_space<vmem>>
    %dma_start3A_14 = arith.constant 0 : i32
    %dma_start3A_15 = tpu.memref_slice %arg5[%dma_start3A_10, %dma_start3A_14] : memref<10x128xi32, #tpu.memory_space<vmem>> -> memref<1x128xi32, #tpu.memory_space<vmem>>
    %dma_start3A_16 = tpu.memref_squeeze %dma_start3A_15 : memref<1x128xi32, #tpu.memory_space<vmem>> -> memref<128xi32, #tpu.memory_space<vmem>>
    %dma_start3A_17 = arith.constant 0 : i32
    %dma_start3A_18 = arith.constant 0 : i32
    %dma_start3A_19 = tpu.memref_slice %arg3[%dma_start3A_17, %dma_start3A_18] : memref<20480x32xf32, #tpu.memory_space<hbm>> -> memref<20480x32xf32, #tpu.memory_space<hbm>>
    tpu.enqueue_indirect_dma source(%dma_start3A_19 : memref<20480x32xf32, #tpu.memory_space<hbm>>) target(%dma_start3A_13 : memref<128x32xf32, #tpu.memory_space<vmem>>) offsets(%dma_start3A_16 : memref<128xi32, #tpu.memory_space<vmem>>) semaphore(%arg7 : memref<!tpu.dma_semaphore, #tpu.memory_space<semaphore_mem>>)
    %dma_start3A_20 = arith.constant 2 : i32
    %dma_start3A_21 = arith.constant 256 : i32
    %dma_start3A_22 = arith.constant 0 : i32
    %dma_start3A_23 = tpu.memref_slice %arg6[%dma_start3A_21, %dma_start3A_22] : memref<1280x32xf32, #tpu.memory_space<vmem>> -> memref<128x32xf32, #tpu.memory_space<vmem>>
    %dma_start3A_24 = arith.constant 0 : i32
    %dma_start3A_25 = tpu.memref_slice %arg5[%dma_start3A_20, %dma_start3A_24] : memref<10x128xi32, #tpu.memory_space<vmem>> -> memref<1x128xi32, #tpu.memory_space<vmem>>
    %dma_start3A_26 = tpu.memref_squeeze %dma_start3A_25 : memref<1x128xi32, #tpu.memory_space<vmem>> -> memref<128xi32, #tpu.memory_space<vmem>>
    %dma_start3A_27 = arith.constant 0 : i32
    %dma_start3A_28 = arith.constant 0 : i32
    %dma_start3A_29 = tpu.memref_slice %arg3[%dma_start3A_27, %dma_start3A_28] : memref<20480x32xf32, #tpu.memory_space<hbm>> -> memref<20480x32xf32, #tpu.memory_space<hbm>>
    tpu.enqueue_indirect_dma source(%dma_start3A_29 : memref<20480x32xf32, #tpu.memory_space<hbm>>) target(%dma_start3A_23 : memref<128x32xf32, #tpu.memory_space<vmem>>) offsets(%dma_start3A_26 : memref<128xi32, #tpu.memory_space<vmem>>) semaphore(%arg7 : memref<!tpu.dma_semaphore, #tpu.memory_space<semaphore_mem>>)
    %dma_start3A_30 = arith.constant 3 : i32
    %dma_start3A_31 = arith.constant 384 : i32
    %dma_start3A_32 = arith.constant 0 : i32
    %dma_start3A_33 = tpu.memref_slice %arg6[%dma_start3A_31, %dma_start3A_32] : memref<1280x32xf32, #tpu.memory_space<vmem>> -> memref<128x32xf32, #tpu.memory_space<vmem>>
    %dma_start3A_34 = arith.constant 0 : i32
    %dma_start3A_35 = tpu.memref_slice %arg5[%dma_start3A_30, %dma_start3A_34] : memref<10x128xi32, #tpu.memory_space<vmem>> -> memref<1x128xi32, #tpu.memory_space<vmem>>
    %dma_start3A_36 = tpu.memref_squeeze %dma_start3A_35 : memref<1x128xi32, #tpu.memory_space<vmem>> -> memref<128xi32, #tpu.memory_space<vmem>>
    %dma_start3A_37 = arith.constant 0 : i32
    %dma_start3A_38 = arith.constant 0 : i32
    %dma_start3A_39 = tpu.memref_slice %arg3[%dma_start3A_37, %dma_start3A_38] : memref<20480x32xf32, #tpu.memory_space<hbm>> -> memref<20480x32xf32, #tpu.memory_space<hbm>>
    tpu.enqueue_indirect_dma source(%dma_start3A_39 : memref<20480x32xf32, #tpu.memory_space<hbm>>) target(%dma_start3A_33 : memref<128x32xf32, #tpu.memory_space<vmem>>) offsets(%dma_start3A_36 : memref<128xi32, #tpu.memory_space<vmem>>) semaphore(%arg7 : memref<!tpu.dma_semaphore, #tpu.memory_space<semaphore_mem>>)
    %dma_start3A_40 = arith.constant 4 : i32
    %dma_start3A_41 = arith.constant 512 : i32
    %dma_start3A_42 = arith.constant 0 : i32
    %dma_start3A_43 = tpu.memref_slice %arg6[%dma_start3A_41, %dma_start3A_42] : memref<1280x32xf32, #tpu.memory_space<vmem>> -> memref<128x32xf32, #tpu.memory_space<vmem>>
    %dma_start3A_44 = arith.constant 0 : i32
    %dma_start3A_45 = tpu.memref_slice %arg5[%dma_start3A_40, %dma_start3A_44] : memref<10x128xi32, #tpu.memory_space<vmem>> -> memref<1x128xi32, #tpu.memory_space<vmem>>
    %dma_start3A_46 = tpu.memref_squeeze %dma_start3A_45 : memref<1x128xi32, #tpu.memory_space<vmem>> -> memref<128xi32, #tpu.memory_space<vmem>>
    %dma_start3A_47 = arith.constant 0 : i32
    %dma_start3A_48 = arith.constant 0 : i32
    %dma_start3A_49 = tpu.memref_slice %arg3[%dma_start3A_47, %dma_start3A_48] : memref<20480x32xf32, #tpu.memory_space<hbm>> -> memref<20480x32xf32, #tpu.memory_space<hbm>>
    tpu.enqueue_indirect_dma source(%dma_start3A_49 : memref<20480x32xf32, #tpu.memory_space<hbm>>) target(%dma_start3A_43 : memref<128x32xf32, #tpu.memory_space<vmem>>) offsets(%dma_start3A_46 : memref<128xi32, #tpu.memory_space<vmem>>) semaphore(%arg7 : memref<!tpu.dma_semaphore, #tpu.memory_space<semaphore_mem>>)
    %dma_start3A_50 = arith.constant 5 : i32
    %dma_start3A_51 = arith.constant 640 : i32
    %dma_start3A_52 = arith.constant 0 : i32
    %dma_start3A_53 = tpu.memref_slice %arg6[%dma_start3A_51, %dma_start3A_52] : memref<1280x32xf32, #tpu.memory_space<vmem>> -> memref<128x32xf32, #tpu.memory_space<vmem>>
    %dma_start3A_54 = arith.constant 0 : i32
    %dma_start3A_55 = tpu.memref_slice %arg5[%dma_start3A_50, %dma_start3A_54] : memref<10x128xi32, #tpu.memory_space<vmem>> -> memref<1x128xi32, #tpu.memory_space<vmem>>
    %dma_start3A_56 = tpu.memref_squeeze %dma_start3A_55 : memref<1x128xi32, #tpu.memory_space<vmem>> -> memref<128xi32, #tpu.memory_space<vmem>>
    %dma_start3A_57 = arith.constant 0 : i32
    %dma_start3A_58 = arith.constant 0 : i32
    %dma_start3A_59 = tpu.memref_slice %arg3[%dma_start3A_57, %dma_start3A_58] : memref<20480x32xf32, #tpu.memory_space<hbm>> -> memref<20480x32xf32, #tpu.memory_space<hbm>>
    tpu.enqueue_indirect_dma source(%dma_start3A_59 : memref<20480x32xf32, #tpu.memory_space<hbm>>) target(%dma_start3A_53 : memref<128x32xf32, #tpu.memory_space<vmem>>) offsets(%dma_start3A_56 : memref<128xi32, #tpu.memory_space<vmem>>) semaphore(%arg7 : memref<!tpu.dma_semaphore, #tpu.memory_space<semaphore_mem>>)
    %dma_start3A_60 = arith.constant 6 : i32
    %dma_start3A_61 = arith.constant 768 : i32
    %dma_start3A_62 = arith.constant 0 : i32
    %dma_start3A_63 = tpu.memref_slice %arg6[%dma_start3A_61, %dma_start3A_62] : memref<1280x32xf32, #tpu.memory_space<vmem>> -> memref<128x32xf32, #tpu.memory_space<vmem>>
    %dma_start3A_64 = arith.constant 0 : i32
    %dma_start3A_65 = tpu.memref_slice %arg5[%dma_start3A_60, %dma_start3A_64] : memref<10x128xi32, #tpu.memory_space<vmem>> -> memref<1x128xi32, #tpu.memory_space<vmem>>
    %dma_start3A_66 = tpu.memref_squeeze %dma_start3A_65 : memref<1x128xi32, #tpu.memory_space<vmem>> -> memref<128xi32, #tpu.memory_space<vmem>>
    %dma_start3A_67 = arith.constant 0 : i32
    %dma_start3A_68 = arith.constant 0 : i32
    %dma_start3A_69 = tpu.memref_slice %arg3[%dma_start3A_67, %dma_start3A_68] : memref<20480x32xf32, #tpu.memory_space<hbm>> -> memref<20480x32xf32, #tpu.memory_space<hbm>>
    tpu.enqueue_indirect_dma source(%dma_start3A_69 : memref<20480x32xf32, #tpu.memory_space<hbm>>) target(%dma_start3A_63 : memref<128x32xf32, #tpu.memory_space<vmem>>) offsets(%dma_start3A_66 : memref<128xi32, #tpu.memory_space<vmem>>) semaphore(%arg7 : memref<!tpu.dma_semaphore, #tpu.memory_space<semaphore_mem>>)
    %dma_start3A_70 = arith.constant 7 : i32
    %dma_start3A_71 = arith.constant 896 : i32
    %dma_start3A_72 = arith.constant 0 : i32
    %dma_start3A_73 = tpu.memref_slice %arg6[%dma_start3A_71, %dma_start3A_72] : memref<1280x32xf32, #tpu.memory_space<vmem>> -> memref<128x32xf32, #tpu.memory_space<vmem>>
    %dma_start3A_74 = arith.constant 0 : i32
    %dma_start3A_75 = tpu.memref_slice %arg5[%dma_start3A_70, %dma_start3A_74] : memref<10x128xi32, #tpu.memory_space<vmem>> -> memref<1x128xi32, #tpu.memory_space<vmem>>
    %dma_start3A_76 = tpu.memref_squeeze %dma_start3A_75 : memref<1x128xi32, #tpu.memory_space<vmem>> -> memref<128xi32, #tpu.memory_space<vmem>>
    %dma_start3A_77 = arith.constant 0 : i32
    %dma_start3A_78 = arith.constant 0 : i32
    %dma_start3A_79 = tpu.memref_slice %arg3[%dma_start3A_77, %dma_start3A_78] : memref<20480x32xf32, #tpu.memory_space<hbm>> -> memref<20480x32xf32, #tpu.memory_space<hbm>>
    tpu.enqueue_indirect_dma source(%dma_start3A_79 : memref<20480x32xf32, #tpu.memory_space<hbm>>) target(%dma_start3A_73 : memref<128x32xf32, #tpu.memory_space<vmem>>) offsets(%dma_start3A_76 : memref<128xi32, #tpu.memory_space<vmem>>) semaphore(%arg7 : memref<!tpu.dma_semaphore, #tpu.memory_space<semaphore_mem>>)
    %dma_start3A_80 = arith.constant 8 : i32
    %dma_start3A_81 = arith.constant 1024 : i32
    %dma_start3A_82 = arith.constant 0 : i32
    %dma_start3A_83 = tpu.memref_slice %arg6[%dma_start3A_81, %dma_start3A_82] : memref<1280x32xf32, #tpu.memory_space<vmem>> -> memref<128x32xf32, #tpu.memory_space<vmem>>
    %dma_start3A_84 = arith.constant 0 : i32
    %dma_start3A_85 = tpu.memref_slice %arg5[%dma_start3A_80, %dma_start3A_84] : memref<10x128xi32, #tpu.memory_space<vmem>> -> memref<1x128xi32, #tpu.memory_space<vmem>>
    %dma_start3A_86 = tpu.memref_squeeze %dma_start3A_85 : memref<1x128xi32, #tpu.memory_space<vmem>> -> memref<128xi32, #tpu.memory_space<vmem>>
    %dma_start3A_87 = arith.constant 0 : i32
    %dma_start3A_88 = arith.constant 0 : i32
    %dma_start3A_89 = tpu.memref_slice %arg3[%dma_start3A_87, %dma_start3A_88] : memref<20480x32xf32, #tpu.memory_space<hbm>> -> memref<20480x32xf32, #tpu.memory_space<hbm>>
    tpu.enqueue_indirect_dma source(%dma_start3A_89 : memref<20480x32xf32, #tpu.memory_space<hbm>>) target(%dma_start3A_83 : memref<128x32xf32, #tpu.memory_space<vmem>>) offsets(%dma_start3A_86 : memref<128xi32, #tpu.memory_space<vmem>>) semaphore(%arg7 : memref<!tpu.dma_semaphore, #tpu.memory_space<semaphore_mem>>)
    %dma_start3A_90 = arith.constant 9 : i32
    %dma_start3A_91 = arith.constant 1152 : i32
    %dma_start3A_92 = arith.constant 0 : i32
    %dma_start3A_93 = tpu.memref_slice %arg6[%dma_start3A_91, %dma_start3A_92] : memref<1280x32xf32, #tpu.memory_space<vmem>> -> memref<128x32xf32, #tpu.memory_space<vmem>>
    %dma_start3A_94 = arith.constant 0 : i32
    %dma_start3A_95 = tpu.memref_slice %arg5[%dma_start3A_90, %dma_start3A_94] : memref<10x128xi32, #tpu.memory_space<vmem>> -> memref<1x128xi32, #tpu.memory_space<vmem>>
    %dma_start3A_96 = tpu.memref_squeeze %dma_start3A_95 : memref<1x128xi32, #tpu.memory_space<vmem>> -> memref<128xi32, #tpu.memory_space<vmem>>
    %dma_start3A_97 = arith.constant 0 : i32
    %dma_start3A_98 = arith.constant 0 : i32
    %dma_start3A_99 = tpu.memref_slice %arg3[%dma_start3A_97, %dma_start3A_98] : memref<20480x32xf32, #tpu.memory_space<hbm>> -> memref<20480x32xf32, #tpu.memory_space<hbm>>
    tpu.enqueue_indirect_dma source(%dma_start3A_99 : memref<20480x32xf32, #tpu.memory_space<hbm>>) target(%dma_start3A_93 : memref<128x32xf32, #tpu.memory_space<vmem>>) offsets(%dma_start3A_96 : memref<128xi32, #tpu.memory_space<vmem>>) semaphore(%arg7 : memref<!tpu.dma_semaphore, #tpu.memory_space<semaphore_mem>>)
    %dma_wait3A = arith.constant 0 : i32
    %dma_wait3A_100 = arith.constant 0 : i32
    %dma_wait3A_101 = arith.constant 0 : i32
    %dma_wait3A_102 = tpu.memref_slice %arg6[%dma_wait3A_100, %dma_wait3A_101] : memref<1280x32xf32, #tpu.memory_space<vmem>> -> memref<128x32xf32, #tpu.memory_space<vmem>>
    %dma_wait3A_103 = arith.constant 0 : i32
    %dma_wait3A_104 = tpu.memref_slice %arg5[%dma_wait3A, %dma_wait3A_103] : memref<10x128xi32, #tpu.memory_space<vmem>> -> memref<1x128xi32, #tpu.memory_space<vmem>>
    %dma_wait3A_105 = tpu.memref_squeeze %dma_wait3A_104 : memref<1x128xi32, #tpu.memory_space<vmem>> -> memref<128xi32, #tpu.memory_space<vmem>>
    %dma_wait3A_106 = arith.constant 0 : i32
    %dma_wait3A_107 = arith.constant 0 : i32
    %dma_wait3A_108 = tpu.memref_slice %arg3[%dma_wait3A_106, %dma_wait3A_107] : memref<20480x32xf32, #tpu.memory_space<hbm>> -> memref<20480x32xf32, #tpu.memory_space<hbm>>
    tpu.wait_indirect_dma semaphore(%arg7 : memref<!tpu.dma_semaphore, #tpu.memory_space<semaphore_mem>>) src(%dma_wait3A_108 : memref<20480x32xf32, #tpu.memory_space<hbm>>) dst(%dma_wait3A_102 : memref<128x32xf32, #tpu.memory_space<vmem>>)
    %dma_wait3A_109 = arith.constant 1 : i32
    %dma_wait3A_110 = arith.constant 128 : i32
    %dma_wait3A_111 = arith.constant 0 : i32
    %dma_wait3A_112 = tpu.memref_slice %arg6[%dma_wait3A_110, %dma_wait3A_111] : memref<1280x32xf32, #tpu.memory_space<vmem>> -> memref<128x32xf32, #tpu.memory_space<vmem>>
    %dma_wait3A_113 = arith.constant 0 : i32
    %dma_wait3A_114 = tpu.memref_slice %arg5[%dma_wait3A_109, %dma_wait3A_113] : memref<10x128xi32, #tpu.memory_space<vmem>> -> memref<1x128xi32, #tpu.memory_space<vmem>>
    %dma_wait3A_115 = tpu.memref_squeeze %dma_wait3A_114 : memref<1x128xi32, #tpu.memory_space<vmem>> -> memref<128xi32, #tpu.memory_space<vmem>>
    %dma_wait3A_116 = arith.constant 0 : i32
    %dma_wait3A_117 = arith.constant 0 : i32
    %dma_wait3A_118 = tpu.memref_slice %arg3[%dma_wait3A_116, %dma_wait3A_117] : memref<20480x32xf32, #tpu.memory_space<hbm>> -> memref<20480x32xf32, #tpu.memory_space<hbm>>
    tpu.wait_indirect_dma semaphore(%arg7 : memref<!tpu.dma_semaphore, #tpu.memory_space<semaphore_mem>>) src(%dma_wait3A_118 : memref<20480x32xf32, #tpu.memory_space<hbm>>) dst(%dma_wait3A_112 : memref<128x32xf32, #tpu.memory_space<vmem>>)
    %dma_wait3A_119 = arith.constant 2 : i32
    %dma_wait3A_120 = arith.constant 256 : i32
    %dma_wait3A_121 = arith.constant 0 : i32
    %dma_wait3A_122 = tpu.memref_slice %arg6[%dma_wait3A_120, %dma_wait3A_121] : memref<1280x32xf32, #tpu.memory_space<vmem>> -> memref<128x32xf32, #tpu.memory_space<vmem>>
    %dma_wait3A_123 = arith.constant 0 : i32
    %dma_wait3A_124 = tpu.memref_slice %arg5[%dma_wait3A_119, %dma_wait3A_123] : memref<10x128xi32, #tpu.memory_space<vmem>> -> memref<1x128xi32, #tpu.memory_space<vmem>>
    %dma_wait3A_125 = tpu.memref_squeeze %dma_wait3A_124 : memref<1x128xi32, #tpu.memory_space<vmem>> -> memref<128xi32, #tpu.memory_space<vmem>>
    %dma_wait3A_126 = arith.constant 0 : i32
    %dma_wait3A_127 = arith.constant 0 : i32
    %dma_wait3A_128 = tpu.memref_slice %arg3[%dma_wait3A_126, %dma_wait3A_127] : memref<20480x32xf32, #tpu.memory_space<hbm>> -> memref<20480x32xf32, #tpu.memory_space<hbm>>
    tpu.wait_indirect_dma semaphore(%arg7 : memref<!tpu.dma_semaphore, #tpu.memory_space<semaphore_mem>>) src(%dma_wait3A_128 : memref<20480x32xf32, #tpu.memory_space<hbm>>) dst(%dma_wait3A_122 : memref<128x32xf32, #tpu.memory_space<vmem>>)
    %dma_wait3A_129 = arith.constant 3 : i32
    %dma_wait3A_130 = arith.constant 384 : i32
    %dma_wait3A_131 = arith.constant 0 : i32
    %dma_wait3A_132 = tpu.memref_slice %arg6[%dma_wait3A_130, %dma_wait3A_131] : memref<1280x32xf32, #tpu.memory_space<vmem>> -> memref<128x32xf32, #tpu.memory_space<vmem>>
    %dma_wait3A_133 = arith.constant 0 : i32
    %dma_wait3A_134 = tpu.memref_slice %arg5[%dma_wait3A_129, %dma_wait3A_133] : memref<10x128xi32, #tpu.memory_space<vmem>> -> memref<1x128xi32, #tpu.memory_space<vmem>>
    %dma_wait3A_135 = tpu.memref_squeeze %dma_wait3A_134 : memref<1x128xi32, #tpu.memory_space<vmem>> -> memref<128xi32, #tpu.memory_space<vmem>>
    %dma_wait3A_136 = arith.constant 0 : i32
    %dma_wait3A_137 = arith.constant 0 : i32
    %dma_wait3A_138 = tpu.memref_slice %arg3[%dma_wait3A_136, %dma_wait3A_137] : memref<20480x32xf32, #tpu.memory_space<hbm>> -> memref<20480x32xf32, #tpu.memory_space<hbm>>
    tpu.wait_indirect_dma semaphore(%arg7 : memref<!tpu.dma_semaphore, #tpu.memory_space<semaphore_mem>>) src(%dma_wait3A_138 : memref<20480x32xf32, #tpu.memory_space<hbm>>) dst(%dma_wait3A_132 : memref<128x32xf32, #tpu.memory_space<vmem>>)
    %dma_wait3A_139 = arith.constant 4 : i32
    %dma_wait3A_140 = arith.constant 512 : i32
    %dma_wait3A_141 = arith.constant 0 : i32
    %dma_wait3A_142 = tpu.memref_slice %arg6[%dma_wait3A_140, %dma_wait3A_141] : memref<1280x32xf32, #tpu.memory_space<vmem>> -> memref<128x32xf32, #tpu.memory_space<vmem>>
    %dma_wait3A_143 = arith.constant 0 : i32
    %dma_wait3A_144 = tpu.memref_slice %arg5[%dma_wait3A_139, %dma_wait3A_143] : memref<10x128xi32, #tpu.memory_space<vmem>> -> memref<1x128xi32, #tpu.memory_space<vmem>>
    %dma_wait3A_145 = tpu.memref_squeeze %dma_wait3A_144 : memref<1x128xi32, #tpu.memory_space<vmem>> -> memref<128xi32, #tpu.memory_space<vmem>>
    %dma_wait3A_146 = arith.constant 0 : i32
    %dma_wait3A_147 = arith.constant 0 : i32
    %dma_wait3A_148 = tpu.memref_slice %arg3[%dma_wait3A_146, %dma_wait3A_147] : memref<20480x32xf32, #tpu.memory_space<hbm>> -> memref<20480x32xf32, #tpu.memory_space<hbm>>
    tpu.wait_indirect_dma semaphore(%arg7 : memref<!tpu.dma_semaphore, #tpu.memory_space<semaphore_mem>>) src(%dma_wait3A_148 : memref<20480x32xf32, #tpu.memory_space<hbm>>) dst(%dma_wait3A_142 : memref<128x32xf32, #tpu.memory_space<vmem>>)
    %dma_wait3A_149 = arith.constant 5 : i32
    %dma_wait3A_150 = arith.constant 640 : i32
    %dma_wait3A_151 = arith.constant 0 : i32
    %dma_wait3A_152 = tpu.memref_slice %arg6[%dma_wait3A_150, %dma_wait3A_151] : memref<1280x32xf32, #tpu.memory_space<vmem>> -> memref<128x32xf32, #tpu.memory_space<vmem>>
    %dma_wait3A_153 = arith.constant 0 : i32
    %dma_wait3A_154 = tpu.memref_slice %arg5[%dma_wait3A_149, %dma_wait3A_153] : memref<10x128xi32, #tpu.memory_space<vmem>> -> memref<1x128xi32, #tpu.memory_space<vmem>>
    %dma_wait3A_155 = tpu.memref_squeeze %dma_wait3A_154 : memref<1x128xi32, #tpu.memory_space<vmem>> -> memref<128xi32, #tpu.memory_space<vmem>>
    %dma_wait3A_156 = arith.constant 0 : i32
    %dma_wait3A_157 = arith.constant 0 : i32
    %dma_wait3A_158 = tpu.memref_slice %arg3[%dma_wait3A_156, %dma_wait3A_157] : memref<20480x32xf32, #tpu.memory_space<hbm>> -> memref<20480x32xf32, #tpu.memory_space<hbm>>
    tpu.wait_indirect_dma semaphore(%arg7 : memref<!tpu.dma_semaphore, #tpu.memory_space<semaphore_mem>>) src(%dma_wait3A_158 : memref<20480x32xf32, #tpu.memory_space<hbm>>) dst(%dma_wait3A_152 : memref<128x32xf32, #tpu.memory_space<vmem>>)
    %dma_wait3A_159 = arith.constant 6 : i32
    %dma_wait3A_160 = arith.constant 768 : i32
    %dma_wait3A_161 = arith.constant 0 : i32
    %dma_wait3A_162 = tpu.memref_slice %arg6[%dma_wait3A_160, %dma_wait3A_161] : memref<1280x32xf32, #tpu.memory_space<vmem>> -> memref<128x32xf32, #tpu.memory_space<vmem>>
    %dma_wait3A_163 = arith.constant 0 : i32
    %dma_wait3A_164 = tpu.memref_slice %arg5[%dma_wait3A_159, %dma_wait3A_163] : memref<10x128xi32, #tpu.memory_space<vmem>> -> memref<1x128xi32, #tpu.memory_space<vmem>>
    %dma_wait3A_165 = tpu.memref_squeeze %dma_wait3A_164 : memref<1x128xi32, #tpu.memory_space<vmem>> -> memref<128xi32, #tpu.memory_space<vmem>>
    %dma_wait3A_166 = arith.constant 0 : i32
    %dma_wait3A_167 = arith.constant 0 : i32
    %dma_wait3A_168 = tpu.memref_slice %arg3[%dma_wait3A_166, %dma_wait3A_167] : memref<20480x32xf32, #tpu.memory_space<hbm>> -> memref<20480x32xf32, #tpu.memory_space<hbm>>
    tpu.wait_indirect_dma semaphore(%arg7 : memref<!tpu.dma_semaphore, #tpu.memory_space<semaphore_mem>>) src(%dma_wait3A_168 : memref<20480x32xf32, #tpu.memory_space<hbm>>) dst(%dma_wait3A_162 : memref<128x32xf32, #tpu.memory_space<vmem>>)
    %dma_wait3A_169 = arith.constant 7 : i32
    %dma_wait3A_170 = arith.constant 896 : i32
    %dma_wait3A_171 = arith.constant 0 : i32
    %dma_wait3A_172 = tpu.memref_slice %arg6[%dma_wait3A_170, %dma_wait3A_171] : memref<1280x32xf32, #tpu.memory_space<vmem>> -> memref<128x32xf32, #tpu.memory_space<vmem>>
    %dma_wait3A_173 = arith.constant 0 : i32
    %dma_wait3A_174 = tpu.memref_slice %arg5[%dma_wait3A_169, %dma_wait3A_173] : memref<10x128xi32, #tpu.memory_space<vmem>> -> memref<1x128xi32, #tpu.memory_space<vmem>>
    %dma_wait3A_175 = tpu.memref_squeeze %dma_wait3A_174 : memref<1x128xi32, #tpu.memory_space<vmem>> -> memref<128xi32, #tpu.memory_space<vmem>>
    %dma_wait3A_176 = arith.constant 0 : i32
    %dma_wait3A_177 = arith.constant 0 : i32
    %dma_wait3A_178 = tpu.memref_slice %arg3[%dma_wait3A_176, %dma_wait3A_177] : memref<20480x32xf32, #tpu.memory_space<hbm>> -> memref<20480x32xf32, #tpu.memory_space<hbm>>
    tpu.wait_indirect_dma semaphore(%arg7 : memref<!tpu.dma_semaphore, #tpu.memory_space<semaphore_mem>>) src(%dma_wait3A_178 : memref<20480x32xf32, #tpu.memory_space<hbm>>) dst(%dma_wait3A_172 : memref<128x32xf32, #tpu.memory_space<vmem>>)
    %dma_wait3A_179 = arith.constant 8 : i32
    %dma_wait3A_180 = arith.constant 1024 : i32
    %dma_wait3A_181 = arith.constant 0 : i32
    %dma_wait3A_182 = tpu.memref_slice %arg6[%dma_wait3A_180, %dma_wait3A_181] : memref<1280x32xf32, #tpu.memory_space<vmem>> -> memref<128x32xf32, #tpu.memory_space<vmem>>
    %dma_wait3A_183 = arith.constant 0 : i32
    %dma_wait3A_184 = tpu.memref_slice %arg5[%dma_wait3A_179, %dma_wait3A_183] : memref<10x128xi32, #tpu.memory_space<vmem>> -> memref<1x128xi32, #tpu.memory_space<vmem>>
    %dma_wait3A_185 = tpu.memref_squeeze %dma_wait3A_184 : memref<1x128xi32, #tpu.memory_space<vmem>> -> memref<128xi32, #tpu.memory_space<vmem>>
    %dma_wait3A_186 = arith.constant 0 : i32
    %dma_wait3A_187 = arith.constant 0 : i32
    %dma_wait3A_188 = tpu.memref_slice %arg3[%dma_wait3A_186, %dma_wait3A_187] : memref<20480x32xf32, #tpu.memory_space<hbm>> -> memref<20480x32xf32, #tpu.memory_space<hbm>>
    tpu.wait_indirect_dma semaphore(%arg7 : memref<!tpu.dma_semaphore, #tpu.memory_space<semaphore_mem>>) src(%dma_wait3A_188 : memref<20480x32xf32, #tpu.memory_space<hbm>>) dst(%dma_wait3A_182 : memref<128x32xf32, #tpu.memory_space<vmem>>)
    %dma_wait3A_189 = arith.constant 9 : i32
    %dma_wait3A_190 = arith.constant 1152 : i32
    %dma_wait3A_191 = arith.constant 0 : i32
    %dma_wait3A_192 = tpu.memref_slice %arg6[%dma_wait3A_190, %dma_wait3A_191] : memref<1280x32xf32, #tpu.memory_space<vmem>> -> memref<128x32xf32, #tpu.memory_space<vmem>>
    %dma_wait3A_193 = arith.constant 0 : i32
    %dma_wait3A_194 = tpu.memref_slice %arg5[%dma_wait3A_189, %dma_wait3A_193] : memref<10x128xi32, #tpu.memory_space<vmem>> -> memref<1x128xi32, #tpu.memory_space<vmem>>
    %dma_wait3A_195 = tpu.memref_squeeze %dma_wait3A_194 : memref<1x128xi32, #tpu.memory_space<vmem>> -> memref<128xi32, #tpu.memory_space<vmem>>
    %dma_wait3A_196 = arith.constant 0 : i32
    %dma_wait3A_197 = arith.constant 0 : i32
    %dma_wait3A_198 = tpu.memref_slice %arg3[%dma_wait3A_196, %dma_wait3A_197] : memref<20480x32xf32, #tpu.memory_space<hbm>> -> memref<20480x32xf32, #tpu.memory_space<hbm>>
    tpu.wait_indirect_dma semaphore(%arg7 : memref<!tpu.dma_semaphore, #tpu.memory_space<semaphore_mem>>) src(%dma_wait3A_198 : memref<20480x32xf32, #tpu.memory_space<hbm>>) dst(%dma_wait3A_192 : memref<128x32xf32, #tpu.memory_space<vmem>>)
    %mul3A_199 = arith.constant 1280 : i32
    %mul3A_200 = arith.muli %add3A, %mul3A_199 : i32
    "tpu.region"() ({
      %run_scoped3A = tpu.sem_alloc : memref<!tpu.dma_semaphore, #tpu.memory_space<semaphore_mem>>
      %dma_start3A_201 = arith.constant 0 : i32
      %dma_start3A_202 = tpu.memref_slice %arg4[%mul3A_200, %dma_start3A_201] : memref<40960x32xf32, #tpu.memory_space<hbm>> -> memref<1280x32xf32, #tpu.memory_space<hbm>>
      %dma_start3A_203 = arith.constant 0 : i32
      %dma_start3A_204 = tpu.memref_slice %arg4[%mul3A_200, %dma_start3A_203] : memref<40960x32xf32, #tpu.memory_space<hbm>> -> memref<1280x32xf32, #tpu.memory_space<hbm>>
      tpu.enqueue_dma source(%arg6 : memref<1280x32xf32, #tpu.memory_space<vmem>>) target(%dma_start3A_204 : memref<1280x32xf32, #tpu.memory_space<hbm>>) target_semaphore(%run_scoped3A : memref<!tpu.dma_semaphore, #tpu.memory_space<semaphore_mem>>)
      %dma_wait3A_205 = arith.constant 0 : i32
      %dma_wait3A_206 = tpu.memref_slice %arg4[%mul3A_200, %dma_wait3A_205] : memref<40960x32xf32, #tpu.memory_space<hbm>> -> memref<1280x32xf32, #tpu.memory_space<hbm>>
      %dma_wait3A_207 = arith.constant 0 : i32
      %dma_wait3A_208 = tpu.memref_slice %arg4[%mul3A_200, %dma_wait3A_207] : memref<40960x32xf32, #tpu.memory_space<hbm>> -> memref<1280x32xf32, #tpu.memory_space<hbm>>
      tpu.wait_dma2 semaphore(%run_scoped3A : memref<!tpu.dma_semaphore, #tpu.memory_space<semaphore_mem>>) src(%arg6 : memref<1280x32xf32, #tpu.memory_space<vmem>>) dst(%dma_wait3A_208 : memref<1280x32xf32, #tpu.memory_space<hbm>>)
      tpu.yield
    }) : () -> ()
    return
  }
}

#map = affine_map<(d0, d1) -> (0, 0, 0)>
#map1 = affine_map<(d0, d1) -> (0, 0)>
#map2 = affine_map<(d0, d1) -> (0, 0, 0, 0)>
module attributes {stable_mosaic.version = 14 : i64} {
  func.func @sk(%arg0: i32, %arg1: i32, %arg2: memref<32x10x128xi32, #tpu.memory_space<hbm>>, %arg3: memref<40960x32xf32, #tpu.memory_space<hbm>>, %arg4: memref<20480x32xf32, #tpu.memory_space<hbm>>, %arg5: memref<2x1x20480x32xf32, #tpu.memory_space<hbm>>, %arg6: memref<10x128xi32, #tpu.memory_space<vmem>>, %arg7: memref<1280x32xf32, #tpu.memory_space<vmem>>, %arg8: memref<20480x32xf32, #tpu.memory_space<vmem_shared>>) attributes {dimension_semantics = [#tpu.dimension_semantics<core_parallel>, #tpu.dimension_semantics<subcore_parallel>], iteration_bounds = array<i64: 2, 16>, scalar_prefetch = 0 : i64, scratch_operands = 3 : i64, tpu.core_type = #tpu.core_type<sc_vector_subcore>, window_params = [{transform_indices = #map}, {transform_indices = #map1}, {transform_indices = #map1}, {transform_indices = #map2}]} {
    %mul3A = arith.constant 16 : i32
    %mul3A_0 = arith.muli %arg0, %mul3A : i32
    %add3A = arith.addi %mul3A_0, %arg1 : i32
    %mul3A_1 = arith.constant 1280 : i32
    %mul3A_2 = arith.muli %arg1, %mul3A_1 : i32
    "tpu.region"() ({
      %run_scoped3A_16 = tpu.sem_alloc : memref<!tpu.dma_semaphore, #tpu.memory_space<semaphore_mem>>
      %dma_start3A = arith.constant 0 : i32
      %dma_start3A_17 = arith.constant 0 : i32
      %dma_start3A_18 = tpu.memref_slice %arg2[%add3A, %dma_start3A, %dma_start3A_17] : memref<32x10x128xi32, #tpu.memory_space<hbm>> -> memref<1x10x128xi32, #tpu.memory_space<hbm>>
      %dma_start3A_19 = tpu.memref_squeeze %dma_start3A_18 : memref<1x10x128xi32, #tpu.memory_space<hbm>> -> memref<10x128xi32, #tpu.memory_space<hbm>>
      %dma_start3A_20 = arith.constant 0 : i32
      %dma_start3A_21 = arith.constant 0 : i32
      %dma_start3A_22 = tpu.memref_slice %arg2[%add3A, %dma_start3A_20, %dma_start3A_21] : memref<32x10x128xi32, #tpu.memory_space<hbm>> -> memref<1x10x128xi32, #tpu.memory_space<hbm>>
      %dma_start3A_23 = tpu.memref_squeeze %dma_start3A_22 : memref<1x10x128xi32, #tpu.memory_space<hbm>> -> memref<10x128xi32, #tpu.memory_space<hbm>>
      tpu.enqueue_dma source(%dma_start3A_23 : memref<10x128xi32, #tpu.memory_space<hbm>>) target(%arg6 : memref<10x128xi32, #tpu.memory_space<vmem>>) target_semaphore(%run_scoped3A_16 : memref<!tpu.dma_semaphore, #tpu.memory_space<semaphore_mem>>)
      %dma_wait3A = arith.constant 0 : i32
      %dma_wait3A_24 = arith.constant 0 : i32
      %dma_wait3A_25 = tpu.memref_slice %arg2[%add3A, %dma_wait3A, %dma_wait3A_24] : memref<32x10x128xi32, #tpu.memory_space<hbm>> -> memref<1x10x128xi32, #tpu.memory_space<hbm>>
      %dma_wait3A_26 = tpu.memref_squeeze %dma_wait3A_25 : memref<1x10x128xi32, #tpu.memory_space<hbm>> -> memref<10x128xi32, #tpu.memory_space<hbm>>
      %dma_wait3A_27 = arith.constant 0 : i32
      %dma_wait3A_28 = arith.constant 0 : i32
      %dma_wait3A_29 = tpu.memref_slice %arg2[%add3A, %dma_wait3A_27, %dma_wait3A_28] : memref<32x10x128xi32, #tpu.memory_space<hbm>> -> memref<1x10x128xi32, #tpu.memory_space<hbm>>
      %dma_wait3A_30 = tpu.memref_squeeze %dma_wait3A_29 : memref<1x10x128xi32, #tpu.memory_space<hbm>> -> memref<10x128xi32, #tpu.memory_space<hbm>>
      tpu.wait_dma2 semaphore(%run_scoped3A_16 : memref<!tpu.dma_semaphore, #tpu.memory_space<semaphore_mem>>) src(%dma_wait3A_30 : memref<10x128xi32, #tpu.memory_space<hbm>>) dst(%arg6 : memref<10x128xi32, #tpu.memory_space<vmem>>)
      tpu.yield
    }) : () -> ()
    "tpu.region"() ({
      %run_scoped3A_16 = tpu.sem_alloc : memref<!tpu.dma_semaphore, #tpu.memory_space<semaphore_mem>>
      %dma_start3A = arith.constant 0 : i32
      %dma_start3A_17 = tpu.memref_slice %arg8[%mul3A_2, %dma_start3A] : memref<20480x32xf32, #tpu.memory_space<vmem_shared>> -> memref<1280x32xf32, #tpu.memory_space<vmem_shared>>
      %dma_start3A_18 = arith.constant 0 : i32
      %dma_start3A_19 = tpu.memref_slice %arg4[%mul3A_2, %dma_start3A_18] : memref<20480x32xf32, #tpu.memory_space<hbm>> -> memref<1280x32xf32, #tpu.memory_space<hbm>>
      tpu.enqueue_dma source(%dma_start3A_19 : memref<1280x32xf32, #tpu.memory_space<hbm>>) target(%dma_start3A_17 : memref<1280x32xf32, #tpu.memory_space<vmem_shared>>) target_semaphore(%run_scoped3A_16 : memref<!tpu.dma_semaphore, #tpu.memory_space<semaphore_mem>>)
      %dma_wait3A = arith.constant 0 : i32
      %dma_wait3A_20 = tpu.memref_slice %arg8[%mul3A_2, %dma_wait3A] : memref<20480x32xf32, #tpu.memory_space<vmem_shared>> -> memref<1280x32xf32, #tpu.memory_space<vmem_shared>>
      %dma_wait3A_21 = arith.constant 0 : i32
      %dma_wait3A_22 = tpu.memref_slice %arg4[%mul3A_2, %dma_wait3A_21] : memref<20480x32xf32, #tpu.memory_space<hbm>> -> memref<1280x32xf32, #tpu.memory_space<hbm>>
      tpu.wait_dma2 semaphore(%run_scoped3A_16 : memref<!tpu.dma_semaphore, #tpu.memory_space<semaphore_mem>>) src(%dma_wait3A_22 : memref<1280x32xf32, #tpu.memory_space<hbm>>) dst(%dma_wait3A_20 : memref<1280x32xf32, #tpu.memory_space<vmem_shared>>)
      tpu.yield
    }) : () -> ()
    %mul3A_3 = arith.constant 1280 : i32
    %mul3A_4 = arith.muli %add3A, %mul3A_3 : i32
    "tpu.region"() ({
      %run_scoped3A_16 = tpu.sem_alloc : memref<!tpu.dma_semaphore, #tpu.memory_space<semaphore_mem>>
      %dma_start3A = arith.constant 0 : i32
      %dma_start3A_17 = tpu.memref_slice %arg3[%mul3A_4, %dma_start3A] : memref<40960x32xf32, #tpu.memory_space<hbm>> -> memref<1280x32xf32, #tpu.memory_space<hbm>>
      %dma_start3A_18 = arith.constant 0 : i32
      %dma_start3A_19 = tpu.memref_slice %arg3[%mul3A_4, %dma_start3A_18] : memref<40960x32xf32, #tpu.memory_space<hbm>> -> memref<1280x32xf32, #tpu.memory_space<hbm>>
      tpu.enqueue_dma source(%dma_start3A_19 : memref<1280x32xf32, #tpu.memory_space<hbm>>) target(%arg7 : memref<1280x32xf32, #tpu.memory_space<vmem>>) target_semaphore(%run_scoped3A_16 : memref<!tpu.dma_semaphore, #tpu.memory_space<semaphore_mem>>)
      %dma_wait3A = arith.constant 0 : i32
      %dma_wait3A_20 = tpu.memref_slice %arg3[%mul3A_4, %dma_wait3A] : memref<40960x32xf32, #tpu.memory_space<hbm>> -> memref<1280x32xf32, #tpu.memory_space<hbm>>
      %dma_wait3A_21 = arith.constant 0 : i32
      %dma_wait3A_22 = tpu.memref_slice %arg3[%mul3A_4, %dma_wait3A_21] : memref<40960x32xf32, #tpu.memory_space<hbm>> -> memref<1280x32xf32, #tpu.memory_space<hbm>>
      tpu.wait_dma2 semaphore(%run_scoped3A_16 : memref<!tpu.dma_semaphore, #tpu.memory_space<semaphore_mem>>) src(%dma_wait3A_22 : memref<1280x32xf32, #tpu.memory_space<hbm>>) dst(%arg7 : memref<1280x32xf32, #tpu.memory_space<vmem>>)
      tpu.yield
    }) : () -> ()
    %barrier3A = arith.constant 0 : index
    tpu.barrier barrier_id(%barrier3A)
    %while3A = arith.constant 0 : i32
    %while3A_5 = arith.constant 0 : i32
    %while3A_6 = arith.constant 10 : i32
    %while3A_7 = arith.subi %while3A_6, %while3A_5 : i32
    %while3A_8 = arith.addi %while3A_5, %while3A_7 : i32
    %while3A_9 = arith.constant 1 : i32
    %while3A_10 = arith.divsi %while3A_7, %while3A_9 : i32
    %while3A_11 = arith.muli %while3A_10, %while3A_9 : i32
    %while3A_12 = arith.addi %while3A_5, %while3A_11 : i32
    %while3A_13 = arith.constant 1 : i32
    scf.for %while3A_16 = %while3A_5 to %while3A_12 step %while3A_13  : i32 {
      %mul3A_17 = arith.constant 128 : i32
      %mul3A_18 = arith.muli %while3A_16, %mul3A_17 : i32
      "tpu.region"() ({
        %run_scoped3A_19 = tpu.sem_alloc : memref<!tpu.dma_semaphore, #tpu.memory_space<semaphore_mem>>
        %dma_start3A = arith.constant 0 : i32
        %dma_start3A_20 = tpu.memref_slice %arg7[%mul3A_18, %dma_start3A] : memref<1280x32xf32, #tpu.memory_space<vmem>> -> memref<128x32xf32, #tpu.memory_space<vmem>>
        %dma_start3A_21 = arith.constant 0 : i32
        %dma_start3A_22 = tpu.memref_slice %arg6[%while3A_16, %dma_start3A_21] : memref<10x128xi32, #tpu.memory_space<vmem>> -> memref<1x128xi32, #tpu.memory_space<vmem>>
        %dma_start3A_23 = tpu.memref_squeeze %dma_start3A_22 : memref<1x128xi32, #tpu.memory_space<vmem>> -> memref<128xi32, #tpu.memory_space<vmem>>
        %dma_start3A_24 = arith.constant 0 : i32
        %dma_start3A_25 = arith.constant 0 : i32
        %dma_start3A_26 = tpu.memref_slice %arg8[%dma_start3A_24, %dma_start3A_25] : memref<20480x32xf32, #tpu.memory_space<vmem_shared>> -> memref<20480x32xf32, #tpu.memory_space<vmem_shared>>
        tpu.enqueue_indirect_dma source(%dma_start3A_20 : memref<128x32xf32, #tpu.memory_space<vmem>>) target(%dma_start3A_26 : memref<20480x32xf32, #tpu.memory_space<vmem_shared>>) offsets(%dma_start3A_23 : memref<128xi32, #tpu.memory_space<vmem>>) semaphore(%run_scoped3A_19 : memref<!tpu.dma_semaphore, #tpu.memory_space<semaphore_mem>>) {add = true}
        %dma_wait3A = arith.constant 0 : i32
        %dma_wait3A_27 = tpu.memref_slice %arg7[%mul3A_18, %dma_wait3A] : memref<1280x32xf32, #tpu.memory_space<vmem>> -> memref<128x32xf32, #tpu.memory_space<vmem>>
        %dma_wait3A_28 = arith.constant 0 : i32
        %dma_wait3A_29 = tpu.memref_slice %arg6[%while3A_16, %dma_wait3A_28] : memref<10x128xi32, #tpu.memory_space<vmem>> -> memref<1x128xi32, #tpu.memory_space<vmem>>
        %dma_wait3A_30 = tpu.memref_squeeze %dma_wait3A_29 : memref<1x128xi32, #tpu.memory_space<vmem>> -> memref<128xi32, #tpu.memory_space<vmem>>
        %dma_wait3A_31 = arith.constant 0 : i32
        %dma_wait3A_32 = arith.constant 0 : i32
        %dma_wait3A_33 = tpu.memref_slice %arg8[%dma_wait3A_31, %dma_wait3A_32] : memref<20480x32xf32, #tpu.memory_space<vmem_shared>> -> memref<20480x32xf32, #tpu.memory_space<vmem_shared>>
        tpu.wait_indirect_dma semaphore(%run_scoped3A_19 : memref<!tpu.dma_semaphore, #tpu.memory_space<semaphore_mem>>) src(%dma_wait3A_27 : memref<128x32xf32, #tpu.memory_space<vmem>>) dst(%dma_wait3A_33 : memref<20480x32xf32, #tpu.memory_space<vmem_shared>>)
        tpu.yield
      }) : () -> ()
    }
    %while3A_14 = arith.constant 1 : i32
    scf.for %while3A_16 = %while3A_12 to %while3A_8 step %while3A_14  : i32 {
      %mul3A_17 = arith.constant 128 : i32
      %mul3A_18 = arith.muli %while3A_16, %mul3A_17 : i32
      "tpu.region"() ({
        %run_scoped3A_19 = tpu.sem_alloc : memref<!tpu.dma_semaphore, #tpu.memory_space<semaphore_mem>>
        %dma_start3A = arith.constant 0 : i32
        %dma_start3A_20 = tpu.memref_slice %arg7[%mul3A_18, %dma_start3A] : memref<1280x32xf32, #tpu.memory_space<vmem>> -> memref<128x32xf32, #tpu.memory_space<vmem>>
        %dma_start3A_21 = arith.constant 0 : i32
        %dma_start3A_22 = tpu.memref_slice %arg6[%while3A_16, %dma_start3A_21] : memref<10x128xi32, #tpu.memory_space<vmem>> -> memref<1x128xi32, #tpu.memory_space<vmem>>
        %dma_start3A_23 = tpu.memref_squeeze %dma_start3A_22 : memref<1x128xi32, #tpu.memory_space<vmem>> -> memref<128xi32, #tpu.memory_space<vmem>>
        %dma_start3A_24 = arith.constant 0 : i32
        %dma_start3A_25 = arith.constant 0 : i32
        %dma_start3A_26 = tpu.memref_slice %arg8[%dma_start3A_24, %dma_start3A_25] : memref<20480x32xf32, #tpu.memory_space<vmem_shared>> -> memref<20480x32xf32, #tpu.memory_space<vmem_shared>>
        tpu.enqueue_indirect_dma source(%dma_start3A_20 : memref<128x32xf32, #tpu.memory_space<vmem>>) target(%dma_start3A_26 : memref<20480x32xf32, #tpu.memory_space<vmem_shared>>) offsets(%dma_start3A_23 : memref<128xi32, #tpu.memory_space<vmem>>) semaphore(%run_scoped3A_19 : memref<!tpu.dma_semaphore, #tpu.memory_space<semaphore_mem>>) {add = true}
        %dma_wait3A = arith.constant 0 : i32
        %dma_wait3A_27 = tpu.memref_slice %arg7[%mul3A_18, %dma_wait3A] : memref<1280x32xf32, #tpu.memory_space<vmem>> -> memref<128x32xf32, #tpu.memory_space<vmem>>
        %dma_wait3A_28 = arith.constant 0 : i32
        %dma_wait3A_29 = tpu.memref_slice %arg6[%while3A_16, %dma_wait3A_28] : memref<10x128xi32, #tpu.memory_space<vmem>> -> memref<1x128xi32, #tpu.memory_space<vmem>>
        %dma_wait3A_30 = tpu.memref_squeeze %dma_wait3A_29 : memref<1x128xi32, #tpu.memory_space<vmem>> -> memref<128xi32, #tpu.memory_space<vmem>>
        %dma_wait3A_31 = arith.constant 0 : i32
        %dma_wait3A_32 = arith.constant 0 : i32
        %dma_wait3A_33 = tpu.memref_slice %arg8[%dma_wait3A_31, %dma_wait3A_32] : memref<20480x32xf32, #tpu.memory_space<vmem_shared>> -> memref<20480x32xf32, #tpu.memory_space<vmem_shared>>
        tpu.wait_indirect_dma semaphore(%run_scoped3A_19 : memref<!tpu.dma_semaphore, #tpu.memory_space<semaphore_mem>>) src(%dma_wait3A_27 : memref<128x32xf32, #tpu.memory_space<vmem>>) dst(%dma_wait3A_33 : memref<20480x32xf32, #tpu.memory_space<vmem_shared>>)
        tpu.yield
      }) : () -> ()
    }
    %barrier3A_15 = arith.constant 0 : index
    tpu.barrier barrier_id(%barrier3A_15)
    %run_scoped3A = arith.constant 0 : i32
    "tpu.region"() ({
      %run_scoped3A_16 = tpu.sem_alloc : memref<!tpu.dma_semaphore, #tpu.memory_space<semaphore_mem>>
      %dma_start3A = arith.constant 0 : i32
      %dma_start3A_17 = tpu.memref_slice %arg5[%arg0, %run_scoped3A, %mul3A_2, %dma_start3A] : memref<2x1x20480x32xf32, #tpu.memory_space<hbm>> -> memref<1x1x1280x32xf32, #tpu.memory_space<hbm>>
      %dma_start3A_18 = tpu.memref_squeeze %dma_start3A_17 : memref<1x1x1280x32xf32, #tpu.memory_space<hbm>> -> memref<1280x32xf32, #tpu.memory_space<hbm>>
      %dma_start3A_19 = arith.constant 0 : i32
      %dma_start3A_20 = tpu.memref_slice %arg8[%mul3A_2, %dma_start3A_19] : memref<20480x32xf32, #tpu.memory_space<vmem_shared>> -> memref<1280x32xf32, #tpu.memory_space<vmem_shared>>
      tpu.enqueue_dma source(%dma_start3A_20 : memref<1280x32xf32, #tpu.memory_space<vmem_shared>>) target(%dma_start3A_18 : memref<1280x32xf32, #tpu.memory_space<hbm>>) target_semaphore(%run_scoped3A_16 : memref<!tpu.dma_semaphore, #tpu.memory_space<semaphore_mem>>)
      %dma_wait3A = arith.constant 0 : i32
      %dma_wait3A_21 = tpu.memref_slice %arg5[%arg0, %run_scoped3A, %mul3A_2, %dma_wait3A] : memref<2x1x20480x32xf32, #tpu.memory_space<hbm>> -> memref<1x1x1280x32xf32, #tpu.memory_space<hbm>>
      %dma_wait3A_22 = tpu.memref_squeeze %dma_wait3A_21 : memref<1x1x1280x32xf32, #tpu.memory_space<hbm>> -> memref<1280x32xf32, #tpu.memory_space<hbm>>
      %dma_wait3A_23 = arith.constant 0 : i32
      %dma_wait3A_24 = tpu.memref_slice %arg8[%mul3A_2, %dma_wait3A_23] : memref<20480x32xf32, #tpu.memory_space<vmem_shared>> -> memref<1280x32xf32, #tpu.memory_space<vmem_shared>>
      tpu.wait_dma2 semaphore(%run_scoped3A_16 : memref<!tpu.dma_semaphore, #tpu.memory_space<semaphore_mem>>) src(%dma_wait3A_24 : memref<1280x32xf32, #tpu.memory_space<vmem_shared>>) dst(%dma_wait3A_22 : memref<1280x32xf32, #tpu.memory_space<hbm>>)
      tpu.yield
    }) : () -> ()
    return
  }
}

#map = affine_map<(d0, d1) -> (0, 0, 0)>
#map1 = affine_map<(d0, d1) -> (0, 0)>
module attributes {stable_mosaic.version = 14 : i64} {
  func.func @gk(%arg0: i32, %arg1: i32, %arg2: memref<32x10x128xi32, #tpu.memory_space<hbm>>, %arg3: memref<20480x64xf32, #tpu.memory_space<hbm>>, %arg4: memref<40960x64xf32, #tpu.memory_space<hbm>>, %arg5: memref<10x128xi32, #tpu.memory_space<vmem>>, %arg6: memref<1280x64xf32, #tpu.memory_space<vmem>>, %arg7: memref<!tpu.dma_semaphore, #tpu.memory_space<semaphore_mem>>) attributes {dimension_semantics = [#tpu.dimension_semantics<core_parallel>, #tpu.dimension_semantics<subcore_parallel>], iteration_bounds = array<i64: 2, 16>, scalar_prefetch = 0 : i64, scratch_operands = 3 : i64, tpu.core_type = #tpu.core_type<sc_vector_subcore>, window_params = [{transform_indices = #map}, {transform_indices = #map1}, {transform_indices = #map1}]} {
    %mul3A = arith.constant 16 : i32
    %mul3A_0 = arith.muli %arg0, %mul3A : i32
    %add3A = arith.addi %mul3A_0, %arg1 : i32
    "tpu.region"() ({
      %run_scoped3A = tpu.sem_alloc : memref<!tpu.dma_semaphore, #tpu.memory_space<semaphore_mem>>
      %dma_start3A_201 = arith.constant 0 : i32
      %dma_start3A_202 = arith.constant 0 : i32
      %dma_start3A_203 = tpu.memref_slice %arg2[%add3A, %dma_start3A_201, %dma_start3A_202] : memref<32x10x128xi32, #tpu.memory_space<hbm>> -> memref<1x10x128xi32, #tpu.memory_space<hbm>>
      %dma_start3A_204 = tpu.memref_squeeze %dma_start3A_203 : memref<1x10x128xi32, #tpu.memory_space<hbm>> -> memref<10x128xi32, #tpu.memory_space<hbm>>
      %dma_start3A_205 = arith.constant 0 : i32
      %dma_start3A_206 = arith.constant 0 : i32
      %dma_start3A_207 = tpu.memref_slice %arg2[%add3A, %dma_start3A_205, %dma_start3A_206] : memref<32x10x128xi32, #tpu.memory_space<hbm>> -> memref<1x10x128xi32, #tpu.memory_space<hbm>>
      %dma_start3A_208 = tpu.memref_squeeze %dma_start3A_207 : memref<1x10x128xi32, #tpu.memory_space<hbm>> -> memref<10x128xi32, #tpu.memory_space<hbm>>
      tpu.enqueue_dma source(%dma_start3A_208 : memref<10x128xi32, #tpu.memory_space<hbm>>) target(%arg5 : memref<10x128xi32, #tpu.memory_space<vmem>>) target_semaphore(%run_scoped3A : memref<!tpu.dma_semaphore, #tpu.memory_space<semaphore_mem>>)
      %dma_wait3A_209 = arith.constant 0 : i32
      %dma_wait3A_210 = arith.constant 0 : i32
      %dma_wait3A_211 = tpu.memref_slice %arg2[%add3A, %dma_wait3A_209, %dma_wait3A_210] : memref<32x10x128xi32, #tpu.memory_space<hbm>> -> memref<1x10x128xi32, #tpu.memory_space<hbm>>
      %dma_wait3A_212 = tpu.memref_squeeze %dma_wait3A_211 : memref<1x10x128xi32, #tpu.memory_space<hbm>> -> memref<10x128xi32, #tpu.memory_space<hbm>>
      %dma_wait3A_213 = arith.constant 0 : i32
      %dma_wait3A_214 = arith.constant 0 : i32
      %dma_wait3A_215 = tpu.memref_slice %arg2[%add3A, %dma_wait3A_213, %dma_wait3A_214] : memref<32x10x128xi32, #tpu.memory_space<hbm>> -> memref<1x10x128xi32, #tpu.memory_space<hbm>>
      %dma_wait3A_216 = tpu.memref_squeeze %dma_wait3A_215 : memref<1x10x128xi32, #tpu.memory_space<hbm>> -> memref<10x128xi32, #tpu.memory_space<hbm>>
      tpu.wait_dma2 semaphore(%run_scoped3A : memref<!tpu.dma_semaphore, #tpu.memory_space<semaphore_mem>>) src(%dma_wait3A_216 : memref<10x128xi32, #tpu.memory_space<hbm>>) dst(%arg5 : memref<10x128xi32, #tpu.memory_space<vmem>>)
      tpu.yield
    }) : () -> ()
    %dma_start3A = arith.constant 0 : i32
    %dma_start3A_1 = arith.constant 0 : i32
    %dma_start3A_2 = arith.constant 0 : i32
    %dma_start3A_3 = tpu.memref_slice %arg6[%dma_start3A_1, %dma_start3A_2] : memref<1280x64xf32, #tpu.memory_space<vmem>> -> memref<128x64xf32, #tpu.memory_space<vmem>>
    %dma_start3A_4 = arith.constant 0 : i32
    %dma_start3A_5 = tpu.memref_slice %arg5[%dma_start3A, %dma_start3A_4] : memref<10x128xi32, #tpu.memory_space<vmem>> -> memref<1x128xi32, #tpu.memory_space<vmem>>
    %dma_start3A_6 = tpu.memref_squeeze %dma_start3A_5 : memref<1x128xi32, #tpu.memory_space<vmem>> -> memref<128xi32, #tpu.memory_space<vmem>>
    %dma_start3A_7 = arith.constant 0 : i32
    %dma_start3A_8 = arith.constant 0 : i32
    %dma_start3A_9 = tpu.memref_slice %arg3[%dma_start3A_7, %dma_start3A_8] : memref<20480x64xf32, #tpu.memory_space<hbm>> -> memref<20480x64xf32, #tpu.memory_space<hbm>>
    tpu.enqueue_indirect_dma source(%dma_start3A_9 : memref<20480x64xf32, #tpu.memory_space<hbm>>) target(%dma_start3A_3 : memref<128x64xf32, #tpu.memory_space<vmem>>) offsets(%dma_start3A_6 : memref<128xi32, #tpu.memory_space<vmem>>) semaphore(%arg7 : memref<!tpu.dma_semaphore, #tpu.memory_space<semaphore_mem>>)
    %dma_start3A_10 = arith.constant 1 : i32
    %dma_start3A_11 = arith.constant 128 : i32
    %dma_start3A_12 = arith.constant 0 : i32
    %dma_start3A_13 = tpu.memref_slice %arg6[%dma_start3A_11, %dma_start3A_12] : memref<1280x64xf32, #tpu.memory_space<vmem>> -> memref<128x64xf32, #tpu.memory_space<vmem>>
    %dma_start3A_14 = arith.constant 0 : i32
    %dma_start3A_15 = tpu.memref_slice %arg5[%dma_start3A_10, %dma_start3A_14] : memref<10x128xi32, #tpu.memory_space<vmem>> -> memref<1x128xi32, #tpu.memory_space<vmem>>
    %dma_start3A_16 = tpu.memref_squeeze %dma_start3A_15 : memref<1x128xi32, #tpu.memory_space<vmem>> -> memref<128xi32, #tpu.memory_space<vmem>>
    %dma_start3A_17 = arith.constant 0 : i32
    %dma_start3A_18 = arith.constant 0 : i32
    %dma_start3A_19 = tpu.memref_slice %arg3[%dma_start3A_17, %dma_start3A_18] : memref<20480x64xf32, #tpu.memory_space<hbm>> -> memref<20480x64xf32, #tpu.memory_space<hbm>>
    tpu.enqueue_indirect_dma source(%dma_start3A_19 : memref<20480x64xf32, #tpu.memory_space<hbm>>) target(%dma_start3A_13 : memref<128x64xf32, #tpu.memory_space<vmem>>) offsets(%dma_start3A_16 : memref<128xi32, #tpu.memory_space<vmem>>) semaphore(%arg7 : memref<!tpu.dma_semaphore, #tpu.memory_space<semaphore_mem>>)
    %dma_start3A_20 = arith.constant 2 : i32
    %dma_start3A_21 = arith.constant 256 : i32
    %dma_start3A_22 = arith.constant 0 : i32
    %dma_start3A_23 = tpu.memref_slice %arg6[%dma_start3A_21, %dma_start3A_22] : memref<1280x64xf32, #tpu.memory_space<vmem>> -> memref<128x64xf32, #tpu.memory_space<vmem>>
    %dma_start3A_24 = arith.constant 0 : i32
    %dma_start3A_25 = tpu.memref_slice %arg5[%dma_start3A_20, %dma_start3A_24] : memref<10x128xi32, #tpu.memory_space<vmem>> -> memref<1x128xi32, #tpu.memory_space<vmem>>
    %dma_start3A_26 = tpu.memref_squeeze %dma_start3A_25 : memref<1x128xi32, #tpu.memory_space<vmem>> -> memref<128xi32, #tpu.memory_space<vmem>>
    %dma_start3A_27 = arith.constant 0 : i32
    %dma_start3A_28 = arith.constant 0 : i32
    %dma_start3A_29 = tpu.memref_slice %arg3[%dma_start3A_27, %dma_start3A_28] : memref<20480x64xf32, #tpu.memory_space<hbm>> -> memref<20480x64xf32, #tpu.memory_space<hbm>>
    tpu.enqueue_indirect_dma source(%dma_start3A_29 : memref<20480x64xf32, #tpu.memory_space<hbm>>) target(%dma_start3A_23 : memref<128x64xf32, #tpu.memory_space<vmem>>) offsets(%dma_start3A_26 : memref<128xi32, #tpu.memory_space<vmem>>) semaphore(%arg7 : memref<!tpu.dma_semaphore, #tpu.memory_space<semaphore_mem>>)
    %dma_start3A_30 = arith.constant 3 : i32
    %dma_start3A_31 = arith.constant 384 : i32
    %dma_start3A_32 = arith.constant 0 : i32
    %dma_start3A_33 = tpu.memref_slice %arg6[%dma_start3A_31, %dma_start3A_32] : memref<1280x64xf32, #tpu.memory_space<vmem>> -> memref<128x64xf32, #tpu.memory_space<vmem>>
    %dma_start3A_34 = arith.constant 0 : i32
    %dma_start3A_35 = tpu.memref_slice %arg5[%dma_start3A_30, %dma_start3A_34] : memref<10x128xi32, #tpu.memory_space<vmem>> -> memref<1x128xi32, #tpu.memory_space<vmem>>
    %dma_start3A_36 = tpu.memref_squeeze %dma_start3A_35 : memref<1x128xi32, #tpu.memory_space<vmem>> -> memref<128xi32, #tpu.memory_space<vmem>>
    %dma_start3A_37 = arith.constant 0 : i32
    %dma_start3A_38 = arith.constant 0 : i32
    %dma_start3A_39 = tpu.memref_slice %arg3[%dma_start3A_37, %dma_start3A_38] : memref<20480x64xf32, #tpu.memory_space<hbm>> -> memref<20480x64xf32, #tpu.memory_space<hbm>>
    tpu.enqueue_indirect_dma source(%dma_start3A_39 : memref<20480x64xf32, #tpu.memory_space<hbm>>) target(%dma_start3A_33 : memref<128x64xf32, #tpu.memory_space<vmem>>) offsets(%dma_start3A_36 : memref<128xi32, #tpu.memory_space<vmem>>) semaphore(%arg7 : memref<!tpu.dma_semaphore, #tpu.memory_space<semaphore_mem>>)
    %dma_start3A_40 = arith.constant 4 : i32
    %dma_start3A_41 = arith.constant 512 : i32
    %dma_start3A_42 = arith.constant 0 : i32
    %dma_start3A_43 = tpu.memref_slice %arg6[%dma_start3A_41, %dma_start3A_42] : memref<1280x64xf32, #tpu.memory_space<vmem>> -> memref<128x64xf32, #tpu.memory_space<vmem>>
    %dma_start3A_44 = arith.constant 0 : i32
    %dma_start3A_45 = tpu.memref_slice %arg5[%dma_start3A_40, %dma_start3A_44] : memref<10x128xi32, #tpu.memory_space<vmem>> -> memref<1x128xi32, #tpu.memory_space<vmem>>
    %dma_start3A_46 = tpu.memref_squeeze %dma_start3A_45 : memref<1x128xi32, #tpu.memory_space<vmem>> -> memref<128xi32, #tpu.memory_space<vmem>>
    %dma_start3A_47 = arith.constant 0 : i32
    %dma_start3A_48 = arith.constant 0 : i32
    %dma_start3A_49 = tpu.memref_slice %arg3[%dma_start3A_47, %dma_start3A_48] : memref<20480x64xf32, #tpu.memory_space<hbm>> -> memref<20480x64xf32, #tpu.memory_space<hbm>>
    tpu.enqueue_indirect_dma source(%dma_start3A_49 : memref<20480x64xf32, #tpu.memory_space<hbm>>) target(%dma_start3A_43 : memref<128x64xf32, #tpu.memory_space<vmem>>) offsets(%dma_start3A_46 : memref<128xi32, #tpu.memory_space<vmem>>) semaphore(%arg7 : memref<!tpu.dma_semaphore, #tpu.memory_space<semaphore_mem>>)
    %dma_start3A_50 = arith.constant 5 : i32
    %dma_start3A_51 = arith.constant 640 : i32
    %dma_start3A_52 = arith.constant 0 : i32
    %dma_start3A_53 = tpu.memref_slice %arg6[%dma_start3A_51, %dma_start3A_52] : memref<1280x64xf32, #tpu.memory_space<vmem>> -> memref<128x64xf32, #tpu.memory_space<vmem>>
    %dma_start3A_54 = arith.constant 0 : i32
    %dma_start3A_55 = tpu.memref_slice %arg5[%dma_start3A_50, %dma_start3A_54] : memref<10x128xi32, #tpu.memory_space<vmem>> -> memref<1x128xi32, #tpu.memory_space<vmem>>
    %dma_start3A_56 = tpu.memref_squeeze %dma_start3A_55 : memref<1x128xi32, #tpu.memory_space<vmem>> -> memref<128xi32, #tpu.memory_space<vmem>>
    %dma_start3A_57 = arith.constant 0 : i32
    %dma_start3A_58 = arith.constant 0 : i32
    %dma_start3A_59 = tpu.memref_slice %arg3[%dma_start3A_57, %dma_start3A_58] : memref<20480x64xf32, #tpu.memory_space<hbm>> -> memref<20480x64xf32, #tpu.memory_space<hbm>>
    tpu.enqueue_indirect_dma source(%dma_start3A_59 : memref<20480x64xf32, #tpu.memory_space<hbm>>) target(%dma_start3A_53 : memref<128x64xf32, #tpu.memory_space<vmem>>) offsets(%dma_start3A_56 : memref<128xi32, #tpu.memory_space<vmem>>) semaphore(%arg7 : memref<!tpu.dma_semaphore, #tpu.memory_space<semaphore_mem>>)
    %dma_start3A_60 = arith.constant 6 : i32
    %dma_start3A_61 = arith.constant 768 : i32
    %dma_start3A_62 = arith.constant 0 : i32
    %dma_start3A_63 = tpu.memref_slice %arg6[%dma_start3A_61, %dma_start3A_62] : memref<1280x64xf32, #tpu.memory_space<vmem>> -> memref<128x64xf32, #tpu.memory_space<vmem>>
    %dma_start3A_64 = arith.constant 0 : i32
    %dma_start3A_65 = tpu.memref_slice %arg5[%dma_start3A_60, %dma_start3A_64] : memref<10x128xi32, #tpu.memory_space<vmem>> -> memref<1x128xi32, #tpu.memory_space<vmem>>
    %dma_start3A_66 = tpu.memref_squeeze %dma_start3A_65 : memref<1x128xi32, #tpu.memory_space<vmem>> -> memref<128xi32, #tpu.memory_space<vmem>>
    %dma_start3A_67 = arith.constant 0 : i32
    %dma_start3A_68 = arith.constant 0 : i32
    %dma_start3A_69 = tpu.memref_slice %arg3[%dma_start3A_67, %dma_start3A_68] : memref<20480x64xf32, #tpu.memory_space<hbm>> -> memref<20480x64xf32, #tpu.memory_space<hbm>>
    tpu.enqueue_indirect_dma source(%dma_start3A_69 : memref<20480x64xf32, #tpu.memory_space<hbm>>) target(%dma_start3A_63 : memref<128x64xf32, #tpu.memory_space<vmem>>) offsets(%dma_start3A_66 : memref<128xi32, #tpu.memory_space<vmem>>) semaphore(%arg7 : memref<!tpu.dma_semaphore, #tpu.memory_space<semaphore_mem>>)
    %dma_start3A_70 = arith.constant 7 : i32
    %dma_start3A_71 = arith.constant 896 : i32
    %dma_start3A_72 = arith.constant 0 : i32
    %dma_start3A_73 = tpu.memref_slice %arg6[%dma_start3A_71, %dma_start3A_72] : memref<1280x64xf32, #tpu.memory_space<vmem>> -> memref<128x64xf32, #tpu.memory_space<vmem>>
    %dma_start3A_74 = arith.constant 0 : i32
    %dma_start3A_75 = tpu.memref_slice %arg5[%dma_start3A_70, %dma_start3A_74] : memref<10x128xi32, #tpu.memory_space<vmem>> -> memref<1x128xi32, #tpu.memory_space<vmem>>
    %dma_start3A_76 = tpu.memref_squeeze %dma_start3A_75 : memref<1x128xi32, #tpu.memory_space<vmem>> -> memref<128xi32, #tpu.memory_space<vmem>>
    %dma_start3A_77 = arith.constant 0 : i32
    %dma_start3A_78 = arith.constant 0 : i32
    %dma_start3A_79 = tpu.memref_slice %arg3[%dma_start3A_77, %dma_start3A_78] : memref<20480x64xf32, #tpu.memory_space<hbm>> -> memref<20480x64xf32, #tpu.memory_space<hbm>>
    tpu.enqueue_indirect_dma source(%dma_start3A_79 : memref<20480x64xf32, #tpu.memory_space<hbm>>) target(%dma_start3A_73 : memref<128x64xf32, #tpu.memory_space<vmem>>) offsets(%dma_start3A_76 : memref<128xi32, #tpu.memory_space<vmem>>) semaphore(%arg7 : memref<!tpu.dma_semaphore, #tpu.memory_space<semaphore_mem>>)
    %dma_start3A_80 = arith.constant 8 : i32
    %dma_start3A_81 = arith.constant 1024 : i32
    %dma_start3A_82 = arith.constant 0 : i32
    %dma_start3A_83 = tpu.memref_slice %arg6[%dma_start3A_81, %dma_start3A_82] : memref<1280x64xf32, #tpu.memory_space<vmem>> -> memref<128x64xf32, #tpu.memory_space<vmem>>
    %dma_start3A_84 = arith.constant 0 : i32
    %dma_start3A_85 = tpu.memref_slice %arg5[%dma_start3A_80, %dma_start3A_84] : memref<10x128xi32, #tpu.memory_space<vmem>> -> memref<1x128xi32, #tpu.memory_space<vmem>>
    %dma_start3A_86 = tpu.memref_squeeze %dma_start3A_85 : memref<1x128xi32, #tpu.memory_space<vmem>> -> memref<128xi32, #tpu.memory_space<vmem>>
    %dma_start3A_87 = arith.constant 0 : i32
    %dma_start3A_88 = arith.constant 0 : i32
    %dma_start3A_89 = tpu.memref_slice %arg3[%dma_start3A_87, %dma_start3A_88] : memref<20480x64xf32, #tpu.memory_space<hbm>> -> memref<20480x64xf32, #tpu.memory_space<hbm>>
    tpu.enqueue_indirect_dma source(%dma_start3A_89 : memref<20480x64xf32, #tpu.memory_space<hbm>>) target(%dma_start3A_83 : memref<128x64xf32, #tpu.memory_space<vmem>>) offsets(%dma_start3A_86 : memref<128xi32, #tpu.memory_space<vmem>>) semaphore(%arg7 : memref<!tpu.dma_semaphore, #tpu.memory_space<semaphore_mem>>)
    %dma_start3A_90 = arith.constant 9 : i32
    %dma_start3A_91 = arith.constant 1152 : i32
    %dma_start3A_92 = arith.constant 0 : i32
    %dma_start3A_93 = tpu.memref_slice %arg6[%dma_start3A_91, %dma_start3A_92] : memref<1280x64xf32, #tpu.memory_space<vmem>> -> memref<128x64xf32, #tpu.memory_space<vmem>>
    %dma_start3A_94 = arith.constant 0 : i32
    %dma_start3A_95 = tpu.memref_slice %arg5[%dma_start3A_90, %dma_start3A_94] : memref<10x128xi32, #tpu.memory_space<vmem>> -> memref<1x128xi32, #tpu.memory_space<vmem>>
    %dma_start3A_96 = tpu.memref_squeeze %dma_start3A_95 : memref<1x128xi32, #tpu.memory_space<vmem>> -> memref<128xi32, #tpu.memory_space<vmem>>
    %dma_start3A_97 = arith.constant 0 : i32
    %dma_start3A_98 = arith.constant 0 : i32
    %dma_start3A_99 = tpu.memref_slice %arg3[%dma_start3A_97, %dma_start3A_98] : memref<20480x64xf32, #tpu.memory_space<hbm>> -> memref<20480x64xf32, #tpu.memory_space<hbm>>
    tpu.enqueue_indirect_dma source(%dma_start3A_99 : memref<20480x64xf32, #tpu.memory_space<hbm>>) target(%dma_start3A_93 : memref<128x64xf32, #tpu.memory_space<vmem>>) offsets(%dma_start3A_96 : memref<128xi32, #tpu.memory_space<vmem>>) semaphore(%arg7 : memref<!tpu.dma_semaphore, #tpu.memory_space<semaphore_mem>>)
    %dma_wait3A = arith.constant 0 : i32
    %dma_wait3A_100 = arith.constant 0 : i32
    %dma_wait3A_101 = arith.constant 0 : i32
    %dma_wait3A_102 = tpu.memref_slice %arg6[%dma_wait3A_100, %dma_wait3A_101] : memref<1280x64xf32, #tpu.memory_space<vmem>> -> memref<128x64xf32, #tpu.memory_space<vmem>>
    %dma_wait3A_103 = arith.constant 0 : i32
    %dma_wait3A_104 = tpu.memref_slice %arg5[%dma_wait3A, %dma_wait3A_103] : memref<10x128xi32, #tpu.memory_space<vmem>> -> memref<1x128xi32, #tpu.memory_space<vmem>>
    %dma_wait3A_105 = tpu.memref_squeeze %dma_wait3A_104 : memref<1x128xi32, #tpu.memory_space<vmem>> -> memref<128xi32, #tpu.memory_space<vmem>>
    %dma_wait3A_106 = arith.constant 0 : i32
    %dma_wait3A_107 = arith.constant 0 : i32
    %dma_wait3A_108 = tpu.memref_slice %arg3[%dma_wait3A_106, %dma_wait3A_107] : memref<20480x64xf32, #tpu.memory_space<hbm>> -> memref<20480x64xf32, #tpu.memory_space<hbm>>
    tpu.wait_indirect_dma semaphore(%arg7 : memref<!tpu.dma_semaphore, #tpu.memory_space<semaphore_mem>>) src(%dma_wait3A_108 : memref<20480x64xf32, #tpu.memory_space<hbm>>) dst(%dma_wait3A_102 : memref<128x64xf32, #tpu.memory_space<vmem>>)
    %dma_wait3A_109 = arith.constant 1 : i32
    %dma_wait3A_110 = arith.constant 128 : i32
    %dma_wait3A_111 = arith.constant 0 : i32
    %dma_wait3A_112 = tpu.memref_slice %arg6[%dma_wait3A_110, %dma_wait3A_111] : memref<1280x64xf32, #tpu.memory_space<vmem>> -> memref<128x64xf32, #tpu.memory_space<vmem>>
    %dma_wait3A_113 = arith.constant 0 : i32
    %dma_wait3A_114 = tpu.memref_slice %arg5[%dma_wait3A_109, %dma_wait3A_113] : memref<10x128xi32, #tpu.memory_space<vmem>> -> memref<1x128xi32, #tpu.memory_space<vmem>>
    %dma_wait3A_115 = tpu.memref_squeeze %dma_wait3A_114 : memref<1x128xi32, #tpu.memory_space<vmem>> -> memref<128xi32, #tpu.memory_space<vmem>>
    %dma_wait3A_116 = arith.constant 0 : i32
    %dma_wait3A_117 = arith.constant 0 : i32
    %dma_wait3A_118 = tpu.memref_slice %arg3[%dma_wait3A_116, %dma_wait3A_117] : memref<20480x64xf32, #tpu.memory_space<hbm>> -> memref<20480x64xf32, #tpu.memory_space<hbm>>
    tpu.wait_indirect_dma semaphore(%arg7 : memref<!tpu.dma_semaphore, #tpu.memory_space<semaphore_mem>>) src(%dma_wait3A_118 : memref<20480x64xf32, #tpu.memory_space<hbm>>) dst(%dma_wait3A_112 : memref<128x64xf32, #tpu.memory_space<vmem>>)
    %dma_wait3A_119 = arith.constant 2 : i32
    %dma_wait3A_120 = arith.constant 256 : i32
    %dma_wait3A_121 = arith.constant 0 : i32
    %dma_wait3A_122 = tpu.memref_slice %arg6[%dma_wait3A_120, %dma_wait3A_121] : memref<1280x64xf32, #tpu.memory_space<vmem>> -> memref<128x64xf32, #tpu.memory_space<vmem>>
    %dma_wait3A_123 = arith.constant 0 : i32
    %dma_wait3A_124 = tpu.memref_slice %arg5[%dma_wait3A_119, %dma_wait3A_123] : memref<10x128xi32, #tpu.memory_space<vmem>> -> memref<1x128xi32, #tpu.memory_space<vmem>>
    %dma_wait3A_125 = tpu.memref_squeeze %dma_wait3A_124 : memref<1x128xi32, #tpu.memory_space<vmem>> -> memref<128xi32, #tpu.memory_space<vmem>>
    %dma_wait3A_126 = arith.constant 0 : i32
    %dma_wait3A_127 = arith.constant 0 : i32
    %dma_wait3A_128 = tpu.memref_slice %arg3[%dma_wait3A_126, %dma_wait3A_127] : memref<20480x64xf32, #tpu.memory_space<hbm>> -> memref<20480x64xf32, #tpu.memory_space<hbm>>
    tpu.wait_indirect_dma semaphore(%arg7 : memref<!tpu.dma_semaphore, #tpu.memory_space<semaphore_mem>>) src(%dma_wait3A_128 : memref<20480x64xf32, #tpu.memory_space<hbm>>) dst(%dma_wait3A_122 : memref<128x64xf32, #tpu.memory_space<vmem>>)
    %dma_wait3A_129 = arith.constant 3 : i32
    %dma_wait3A_130 = arith.constant 384 : i32
    %dma_wait3A_131 = arith.constant 0 : i32
    %dma_wait3A_132 = tpu.memref_slice %arg6[%dma_wait3A_130, %dma_wait3A_131] : memref<1280x64xf32, #tpu.memory_space<vmem>> -> memref<128x64xf32, #tpu.memory_space<vmem>>
    %dma_wait3A_133 = arith.constant 0 : i32
    %dma_wait3A_134 = tpu.memref_slice %arg5[%dma_wait3A_129, %dma_wait3A_133] : memref<10x128xi32, #tpu.memory_space<vmem>> -> memref<1x128xi32, #tpu.memory_space<vmem>>
    %dma_wait3A_135 = tpu.memref_squeeze %dma_wait3A_134 : memref<1x128xi32, #tpu.memory_space<vmem>> -> memref<128xi32, #tpu.memory_space<vmem>>
    %dma_wait3A_136 = arith.constant 0 : i32
    %dma_wait3A_137 = arith.constant 0 : i32
    %dma_wait3A_138 = tpu.memref_slice %arg3[%dma_wait3A_136, %dma_wait3A_137] : memref<20480x64xf32, #tpu.memory_space<hbm>> -> memref<20480x64xf32, #tpu.memory_space<hbm>>
    tpu.wait_indirect_dma semaphore(%arg7 : memref<!tpu.dma_semaphore, #tpu.memory_space<semaphore_mem>>) src(%dma_wait3A_138 : memref<20480x64xf32, #tpu.memory_space<hbm>>) dst(%dma_wait3A_132 : memref<128x64xf32, #tpu.memory_space<vmem>>)
    %dma_wait3A_139 = arith.constant 4 : i32
    %dma_wait3A_140 = arith.constant 512 : i32
    %dma_wait3A_141 = arith.constant 0 : i32
    %dma_wait3A_142 = tpu.memref_slice %arg6[%dma_wait3A_140, %dma_wait3A_141] : memref<1280x64xf32, #tpu.memory_space<vmem>> -> memref<128x64xf32, #tpu.memory_space<vmem>>
    %dma_wait3A_143 = arith.constant 0 : i32
    %dma_wait3A_144 = tpu.memref_slice %arg5[%dma_wait3A_139, %dma_wait3A_143] : memref<10x128xi32, #tpu.memory_space<vmem>> -> memref<1x128xi32, #tpu.memory_space<vmem>>
    %dma_wait3A_145 = tpu.memref_squeeze %dma_wait3A_144 : memref<1x128xi32, #tpu.memory_space<vmem>> -> memref<128xi32, #tpu.memory_space<vmem>>
    %dma_wait3A_146 = arith.constant 0 : i32
    %dma_wait3A_147 = arith.constant 0 : i32
    %dma_wait3A_148 = tpu.memref_slice %arg3[%dma_wait3A_146, %dma_wait3A_147] : memref<20480x64xf32, #tpu.memory_space<hbm>> -> memref<20480x64xf32, #tpu.memory_space<hbm>>
    tpu.wait_indirect_dma semaphore(%arg7 : memref<!tpu.dma_semaphore, #tpu.memory_space<semaphore_mem>>) src(%dma_wait3A_148 : memref<20480x64xf32, #tpu.memory_space<hbm>>) dst(%dma_wait3A_142 : memref<128x64xf32, #tpu.memory_space<vmem>>)
    %dma_wait3A_149 = arith.constant 5 : i32
    %dma_wait3A_150 = arith.constant 640 : i32
    %dma_wait3A_151 = arith.constant 0 : i32
    %dma_wait3A_152 = tpu.memref_slice %arg6[%dma_wait3A_150, %dma_wait3A_151] : memref<1280x64xf32, #tpu.memory_space<vmem>> -> memref<128x64xf32, #tpu.memory_space<vmem>>
    %dma_wait3A_153 = arith.constant 0 : i32
    %dma_wait3A_154 = tpu.memref_slice %arg5[%dma_wait3A_149, %dma_wait3A_153] : memref<10x128xi32, #tpu.memory_space<vmem>> -> memref<1x128xi32, #tpu.memory_space<vmem>>
    %dma_wait3A_155 = tpu.memref_squeeze %dma_wait3A_154 : memref<1x128xi32, #tpu.memory_space<vmem>> -> memref<128xi32, #tpu.memory_space<vmem>>
    %dma_wait3A_156 = arith.constant 0 : i32
    %dma_wait3A_157 = arith.constant 0 : i32
    %dma_wait3A_158 = tpu.memref_slice %arg3[%dma_wait3A_156, %dma_wait3A_157] : memref<20480x64xf32, #tpu.memory_space<hbm>> -> memref<20480x64xf32, #tpu.memory_space<hbm>>
    tpu.wait_indirect_dma semaphore(%arg7 : memref<!tpu.dma_semaphore, #tpu.memory_space<semaphore_mem>>) src(%dma_wait3A_158 : memref<20480x64xf32, #tpu.memory_space<hbm>>) dst(%dma_wait3A_152 : memref<128x64xf32, #tpu.memory_space<vmem>>)
    %dma_wait3A_159 = arith.constant 6 : i32
    %dma_wait3A_160 = arith.constant 768 : i32
    %dma_wait3A_161 = arith.constant 0 : i32
    %dma_wait3A_162 = tpu.memref_slice %arg6[%dma_wait3A_160, %dma_wait3A_161] : memref<1280x64xf32, #tpu.memory_space<vmem>> -> memref<128x64xf32, #tpu.memory_space<vmem>>
    %dma_wait3A_163 = arith.constant 0 : i32
    %dma_wait3A_164 = tpu.memref_slice %arg5[%dma_wait3A_159, %dma_wait3A_163] : memref<10x128xi32, #tpu.memory_space<vmem>> -> memref<1x128xi32, #tpu.memory_space<vmem>>
    %dma_wait3A_165 = tpu.memref_squeeze %dma_wait3A_164 : memref<1x128xi32, #tpu.memory_space<vmem>> -> memref<128xi32, #tpu.memory_space<vmem>>
    %dma_wait3A_166 = arith.constant 0 : i32
    %dma_wait3A_167 = arith.constant 0 : i32
    %dma_wait3A_168 = tpu.memref_slice %arg3[%dma_wait3A_166, %dma_wait3A_167] : memref<20480x64xf32, #tpu.memory_space<hbm>> -> memref<20480x64xf32, #tpu.memory_space<hbm>>
    tpu.wait_indirect_dma semaphore(%arg7 : memref<!tpu.dma_semaphore, #tpu.memory_space<semaphore_mem>>) src(%dma_wait3A_168 : memref<20480x64xf32, #tpu.memory_space<hbm>>) dst(%dma_wait3A_162 : memref<128x64xf32, #tpu.memory_space<vmem>>)
    %dma_wait3A_169 = arith.constant 7 : i32
    %dma_wait3A_170 = arith.constant 896 : i32
    %dma_wait3A_171 = arith.constant 0 : i32
    %dma_wait3A_172 = tpu.memref_slice %arg6[%dma_wait3A_170, %dma_wait3A_171] : memref<1280x64xf32, #tpu.memory_space<vmem>> -> memref<128x64xf32, #tpu.memory_space<vmem>>
    %dma_wait3A_173 = arith.constant 0 : i32
    %dma_wait3A_174 = tpu.memref_slice %arg5[%dma_wait3A_169, %dma_wait3A_173] : memref<10x128xi32, #tpu.memory_space<vmem>> -> memref<1x128xi32, #tpu.memory_space<vmem>>
    %dma_wait3A_175 = tpu.memref_squeeze %dma_wait3A_174 : memref<1x128xi32, #tpu.memory_space<vmem>> -> memref<128xi32, #tpu.memory_space<vmem>>
    %dma_wait3A_176 = arith.constant 0 : i32
    %dma_wait3A_177 = arith.constant 0 : i32
    %dma_wait3A_178 = tpu.memref_slice %arg3[%dma_wait3A_176, %dma_wait3A_177] : memref<20480x64xf32, #tpu.memory_space<hbm>> -> memref<20480x64xf32, #tpu.memory_space<hbm>>
    tpu.wait_indirect_dma semaphore(%arg7 : memref<!tpu.dma_semaphore, #tpu.memory_space<semaphore_mem>>) src(%dma_wait3A_178 : memref<20480x64xf32, #tpu.memory_space<hbm>>) dst(%dma_wait3A_172 : memref<128x64xf32, #tpu.memory_space<vmem>>)
    %dma_wait3A_179 = arith.constant 8 : i32
    %dma_wait3A_180 = arith.constant 1024 : i32
    %dma_wait3A_181 = arith.constant 0 : i32
    %dma_wait3A_182 = tpu.memref_slice %arg6[%dma_wait3A_180, %dma_wait3A_181] : memref<1280x64xf32, #tpu.memory_space<vmem>> -> memref<128x64xf32, #tpu.memory_space<vmem>>
    %dma_wait3A_183 = arith.constant 0 : i32
    %dma_wait3A_184 = tpu.memref_slice %arg5[%dma_wait3A_179, %dma_wait3A_183] : memref<10x128xi32, #tpu.memory_space<vmem>> -> memref<1x128xi32, #tpu.memory_space<vmem>>
    %dma_wait3A_185 = tpu.memref_squeeze %dma_wait3A_184 : memref<1x128xi32, #tpu.memory_space<vmem>> -> memref<128xi32, #tpu.memory_space<vmem>>
    %dma_wait3A_186 = arith.constant 0 : i32
    %dma_wait3A_187 = arith.constant 0 : i32
    %dma_wait3A_188 = tpu.memref_slice %arg3[%dma_wait3A_186, %dma_wait3A_187] : memref<20480x64xf32, #tpu.memory_space<hbm>> -> memref<20480x64xf32, #tpu.memory_space<hbm>>
    tpu.wait_indirect_dma semaphore(%arg7 : memref<!tpu.dma_semaphore, #tpu.memory_space<semaphore_mem>>) src(%dma_wait3A_188 : memref<20480x64xf32, #tpu.memory_space<hbm>>) dst(%dma_wait3A_182 : memref<128x64xf32, #tpu.memory_space<vmem>>)
    %dma_wait3A_189 = arith.constant 9 : i32
    %dma_wait3A_190 = arith.constant 1152 : i32
    %dma_wait3A_191 = arith.constant 0 : i32
    %dma_wait3A_192 = tpu.memref_slice %arg6[%dma_wait3A_190, %dma_wait3A_191] : memref<1280x64xf32, #tpu.memory_space<vmem>> -> memref<128x64xf32, #tpu.memory_space<vmem>>
    %dma_wait3A_193 = arith.constant 0 : i32
    %dma_wait3A_194 = tpu.memref_slice %arg5[%dma_wait3A_189, %dma_wait3A_193] : memref<10x128xi32, #tpu.memory_space<vmem>> -> memref<1x128xi32, #tpu.memory_space<vmem>>
    %dma_wait3A_195 = tpu.memref_squeeze %dma_wait3A_194 : memref<1x128xi32, #tpu.memory_space<vmem>> -> memref<128xi32, #tpu.memory_space<vmem>>
    %dma_wait3A_196 = arith.constant 0 : i32
    %dma_wait3A_197 = arith.constant 0 : i32
    %dma_wait3A_198 = tpu.memref_slice %arg3[%dma_wait3A_196, %dma_wait3A_197] : memref<20480x64xf32, #tpu.memory_space<hbm>> -> memref<20480x64xf32, #tpu.memory_space<hbm>>
    tpu.wait_indirect_dma semaphore(%arg7 : memref<!tpu.dma_semaphore, #tpu.memory_space<semaphore_mem>>) src(%dma_wait3A_198 : memref<20480x64xf32, #tpu.memory_space<hbm>>) dst(%dma_wait3A_192 : memref<128x64xf32, #tpu.memory_space<vmem>>)
    %mul3A_199 = arith.constant 1280 : i32
    %mul3A_200 = arith.muli %add3A, %mul3A_199 : i32
    "tpu.region"() ({
      %run_scoped3A = tpu.sem_alloc : memref<!tpu.dma_semaphore, #tpu.memory_space<semaphore_mem>>
      %dma_start3A_201 = arith.constant 0 : i32
      %dma_start3A_202 = tpu.memref_slice %arg4[%mul3A_200, %dma_start3A_201] : memref<40960x64xf32, #tpu.memory_space<hbm>> -> memref<1280x64xf32, #tpu.memory_space<hbm>>
      %dma_start3A_203 = arith.constant 0 : i32
      %dma_start3A_204 = tpu.memref_slice %arg4[%mul3A_200, %dma_start3A_203] : memref<40960x64xf32, #tpu.memory_space<hbm>> -> memref<1280x64xf32, #tpu.memory_space<hbm>>
      tpu.enqueue_dma source(%arg6 : memref<1280x64xf32, #tpu.memory_space<vmem>>) target(%dma_start3A_204 : memref<1280x64xf32, #tpu.memory_space<hbm>>) target_semaphore(%run_scoped3A : memref<!tpu.dma_semaphore, #tpu.memory_space<semaphore_mem>>)
      %dma_wait3A_205 = arith.constant 0 : i32
      %dma_wait3A_206 = tpu.memref_slice %arg4[%mul3A_200, %dma_wait3A_205] : memref<40960x64xf32, #tpu.memory_space<hbm>> -> memref<1280x64xf32, #tpu.memory_space<hbm>>
      %dma_wait3A_207 = arith.constant 0 : i32
      %dma_wait3A_208 = tpu.memref_slice %arg4[%mul3A_200, %dma_wait3A_207] : memref<40960x64xf32, #tpu.memory_space<hbm>> -> memref<1280x64xf32, #tpu.memory_space<hbm>>
      tpu.wait_dma2 semaphore(%run_scoped3A : memref<!tpu.dma_semaphore, #tpu.memory_space<semaphore_mem>>) src(%arg6 : memref<1280x64xf32, #tpu.memory_space<vmem>>) dst(%dma_wait3A_208 : memref<1280x64xf32, #tpu.memory_space<hbm>>)
      tpu.yield
    }) : () -> ()
    return
  }
}

#map = affine_map<(d0, d1) -> (0, 0, 0)>
#map1 = affine_map<(d0, d1) -> (0, 0)>
#map2 = affine_map<(d0, d1) -> (0, 0, 0, 0)>
module attributes {stable_mosaic.version = 14 : i64} {
  func.func @sk(%arg0: i32, %arg1: i32, %arg2: memref<32x10x128xi32, #tpu.memory_space<hbm>>, %arg3: memref<40960x64xf32, #tpu.memory_space<hbm>>, %arg4: memref<20480x32xf32, #tpu.memory_space<hbm>>, %arg5: memref<2x2x20480x32xf32, #tpu.memory_space<hbm>>, %arg6: memref<10x128xi32, #tpu.memory_space<vmem>>, %arg7: memref<1280x32xf32, #tpu.memory_space<vmem>>, %arg8: memref<20480x32xf32, #tpu.memory_space<vmem_shared>>) attributes {dimension_semantics = [#tpu.dimension_semantics<core_parallel>, #tpu.dimension_semantics<subcore_parallel>], iteration_bounds = array<i64: 2, 16>, scalar_prefetch = 0 : i64, scratch_operands = 3 : i64, tpu.core_type = #tpu.core_type<sc_vector_subcore>, window_params = [{transform_indices = #map}, {transform_indices = #map1}, {transform_indices = #map1}, {transform_indices = #map2}]} {
    %mul3A = arith.constant 16 : i32
    %mul3A_0 = arith.muli %arg0, %mul3A : i32
    %add3A = arith.addi %mul3A_0, %arg1 : i32
    %mul3A_1 = arith.constant 1280 : i32
    %mul3A_2 = arith.muli %arg1, %mul3A_1 : i32
    "tpu.region"() ({
      %run_scoped3A_33 = tpu.sem_alloc : memref<!tpu.dma_semaphore, #tpu.memory_space<semaphore_mem>>
      %dma_start3A = arith.constant 0 : i32
      %dma_start3A_34 = arith.constant 0 : i32
      %dma_start3A_35 = tpu.memref_slice %arg2[%add3A, %dma_start3A, %dma_start3A_34] : memref<32x10x128xi32, #tpu.memory_space<hbm>> -> memref<1x10x128xi32, #tpu.memory_space<hbm>>
      %dma_start3A_36 = tpu.memref_squeeze %dma_start3A_35 : memref<1x10x128xi32, #tpu.memory_space<hbm>> -> memref<10x128xi32, #tpu.memory_space<hbm>>
      %dma_start3A_37 = arith.constant 0 : i32
      %dma_start3A_38 = arith.constant 0 : i32
      %dma_start3A_39 = tpu.memref_slice %arg2[%add3A, %dma_start3A_37, %dma_start3A_38] : memref<32x10x128xi32, #tpu.memory_space<hbm>> -> memref<1x10x128xi32, #tpu.memory_space<hbm>>
      %dma_start3A_40 = tpu.memref_squeeze %dma_start3A_39 : memref<1x10x128xi32, #tpu.memory_space<hbm>> -> memref<10x128xi32, #tpu.memory_space<hbm>>
      tpu.enqueue_dma source(%dma_start3A_40 : memref<10x128xi32, #tpu.memory_space<hbm>>) target(%arg6 : memref<10x128xi32, #tpu.memory_space<vmem>>) target_semaphore(%run_scoped3A_33 : memref<!tpu.dma_semaphore, #tpu.memory_space<semaphore_mem>>)
      %dma_wait3A = arith.constant 0 : i32
      %dma_wait3A_41 = arith.constant 0 : i32
      %dma_wait3A_42 = tpu.memref_slice %arg2[%add3A, %dma_wait3A, %dma_wait3A_41] : memref<32x10x128xi32, #tpu.memory_space<hbm>> -> memref<1x10x128xi32, #tpu.memory_space<hbm>>
      %dma_wait3A_43 = tpu.memref_squeeze %dma_wait3A_42 : memref<1x10x128xi32, #tpu.memory_space<hbm>> -> memref<10x128xi32, #tpu.memory_space<hbm>>
      %dma_wait3A_44 = arith.constant 0 : i32
      %dma_wait3A_45 = arith.constant 0 : i32
      %dma_wait3A_46 = tpu.memref_slice %arg2[%add3A, %dma_wait3A_44, %dma_wait3A_45] : memref<32x10x128xi32, #tpu.memory_space<hbm>> -> memref<1x10x128xi32, #tpu.memory_space<hbm>>
      %dma_wait3A_47 = tpu.memref_squeeze %dma_wait3A_46 : memref<1x10x128xi32, #tpu.memory_space<hbm>> -> memref<10x128xi32, #tpu.memory_space<hbm>>
      tpu.wait_dma2 semaphore(%run_scoped3A_33 : memref<!tpu.dma_semaphore, #tpu.memory_space<semaphore_mem>>) src(%dma_wait3A_47 : memref<10x128xi32, #tpu.memory_space<hbm>>) dst(%arg6 : memref<10x128xi32, #tpu.memory_space<vmem>>)
      tpu.yield
    }) : () -> ()
    "tpu.region"() ({
      %run_scoped3A_33 = tpu.sem_alloc : memref<!tpu.dma_semaphore, #tpu.memory_space<semaphore_mem>>
      %dma_start3A = arith.constant 0 : i32
      %dma_start3A_34 = tpu.memref_slice %arg8[%mul3A_2, %dma_start3A] : memref<20480x32xf32, #tpu.memory_space<vmem_shared>> -> memref<1280x32xf32, #tpu.memory_space<vmem_shared>>
      %dma_start3A_35 = arith.constant 0 : i32
      %dma_start3A_36 = tpu.memref_slice %arg4[%mul3A_2, %dma_start3A_35] : memref<20480x32xf32, #tpu.memory_space<hbm>> -> memref<1280x32xf32, #tpu.memory_space<hbm>>
      tpu.enqueue_dma source(%dma_start3A_36 : memref<1280x32xf32, #tpu.memory_space<hbm>>) target(%dma_start3A_34 : memref<1280x32xf32, #tpu.memory_space<vmem_shared>>) target_semaphore(%run_scoped3A_33 : memref<!tpu.dma_semaphore, #tpu.memory_space<semaphore_mem>>)
      %dma_wait3A = arith.constant 0 : i32
      %dma_wait3A_37 = tpu.memref_slice %arg8[%mul3A_2, %dma_wait3A] : memref<20480x32xf32, #tpu.memory_space<vmem_shared>> -> memref<1280x32xf32, #tpu.memory_space<vmem_shared>>
      %dma_wait3A_38 = arith.constant 0 : i32
      %dma_wait3A_39 = tpu.memref_slice %arg4[%mul3A_2, %dma_wait3A_38] : memref<20480x32xf32, #tpu.memory_space<hbm>> -> memref<1280x32xf32, #tpu.memory_space<hbm>>
      tpu.wait_dma2 semaphore(%run_scoped3A_33 : memref<!tpu.dma_semaphore, #tpu.memory_space<semaphore_mem>>) src(%dma_wait3A_39 : memref<1280x32xf32, #tpu.memory_space<hbm>>) dst(%dma_wait3A_37 : memref<1280x32xf32, #tpu.memory_space<vmem_shared>>)
      tpu.yield
    }) : () -> ()
    %mul3A_3 = arith.constant 1280 : i32
    %mul3A_4 = arith.muli %add3A, %mul3A_3 : i32
    "tpu.region"() ({
      %run_scoped3A_33 = tpu.sem_alloc : memref<!tpu.dma_semaphore, #tpu.memory_space<semaphore_mem>>
      %dma_start3A = arith.constant 0 : i32
      %dma_start3A_34 = tpu.memref_slice %arg3[%mul3A_4, %dma_start3A] : memref<40960x64xf32, #tpu.memory_space<hbm>> -> memref<1280x32xf32, #tpu.memory_space<hbm>>
      %dma_start3A_35 = arith.constant 0 : i32
      %dma_start3A_36 = tpu.memref_slice %arg3[%mul3A_4, %dma_start3A_35] : memref<40960x64xf32, #tpu.memory_space<hbm>> -> memref<1280x32xf32, #tpu.memory_space<hbm>>
      tpu.enqueue_dma source(%dma_start3A_36 : memref<1280x32xf32, #tpu.memory_space<hbm>>) target(%arg7 : memref<1280x32xf32, #tpu.memory_space<vmem>>) target_semaphore(%run_scoped3A_33 : memref<!tpu.dma_semaphore, #tpu.memory_space<semaphore_mem>>)
      %dma_wait3A = arith.constant 0 : i32
      %dma_wait3A_37 = tpu.memref_slice %arg3[%mul3A_4, %dma_wait3A] : memref<40960x64xf32, #tpu.memory_space<hbm>> -> memref<1280x32xf32, #tpu.memory_space<hbm>>
      %dma_wait3A_38 = arith.constant 0 : i32
      %dma_wait3A_39 = tpu.memref_slice %arg3[%mul3A_4, %dma_wait3A_38] : memref<40960x64xf32, #tpu.memory_space<hbm>> -> memref<1280x32xf32, #tpu.memory_space<hbm>>
      tpu.wait_dma2 semaphore(%run_scoped3A_33 : memref<!tpu.dma_semaphore, #tpu.memory_space<semaphore_mem>>) src(%dma_wait3A_39 : memref<1280x32xf32, #tpu.memory_space<hbm>>) dst(%arg7 : memref<1280x32xf32, #tpu.memory_space<vmem>>)
      tpu.yield
    }) : () -> ()
    %barrier3A = arith.constant 0 : index
    tpu.barrier barrier_id(%barrier3A)
    %while3A = arith.constant 0 : i32
    %while3A_5 = arith.constant 0 : i32
    %while3A_6 = arith.constant 10 : i32
    %while3A_7 = arith.subi %while3A_6, %while3A_5 : i32
    %while3A_8 = arith.addi %while3A_5, %while3A_7 : i32
    %while3A_9 = arith.constant 1 : i32
    %while3A_10 = arith.divsi %while3A_7, %while3A_9 : i32
    %while3A_11 = arith.muli %while3A_10, %while3A_9 : i32
    %while3A_12 = arith.addi %while3A_5, %while3A_11 : i32
    %while3A_13 = arith.constant 1 : i32
    scf.for %while3A_33 = %while3A_5 to %while3A_12 step %while3A_13  : i32 {
      %mul3A_34 = arith.constant 128 : i32
      %mul3A_35 = arith.muli %while3A_33, %mul3A_34 : i32
      "tpu.region"() ({
        %run_scoped3A_36 = tpu.sem_alloc : memref<!tpu.dma_semaphore, #tpu.memory_space<semaphore_mem>>
        %dma_start3A = arith.constant 0 : i32
        %dma_start3A_37 = tpu.memref_slice %arg7[%mul3A_35, %dma_start3A] : memref<1280x32xf32, #tpu.memory_space<vmem>> -> memref<128x32xf32, #tpu.memory_space<vmem>>
        %dma_start3A_38 = arith.constant 0 : i32
        %dma_start3A_39 = tpu.memref_slice %arg6[%while3A_33, %dma_start3A_38] : memref<10x128xi32, #tpu.memory_space<vmem>> -> memref<1x128xi32, #tpu.memory_space<vmem>>
        %dma_start3A_40 = tpu.memref_squeeze %dma_start3A_39 : memref<1x128xi32, #tpu.memory_space<vmem>> -> memref<128xi32, #tpu.memory_space<vmem>>
        %dma_start3A_41 = arith.constant 0 : i32
        %dma_start3A_42 = arith.constant 0 : i32
        %dma_start3A_43 = tpu.memref_slice %arg8[%dma_start3A_41, %dma_start3A_42] : memref<20480x32xf32, #tpu.memory_space<vmem_shared>> -> memref<20480x32xf32, #tpu.memory_space<vmem_shared>>
        tpu.enqueue_indirect_dma source(%dma_start3A_37 : memref<128x32xf32, #tpu.memory_space<vmem>>) target(%dma_start3A_43 : memref<20480x32xf32, #tpu.memory_space<vmem_shared>>) offsets(%dma_start3A_40 : memref<128xi32, #tpu.memory_space<vmem>>) semaphore(%run_scoped3A_36 : memref<!tpu.dma_semaphore, #tpu.memory_space<semaphore_mem>>) {add = true}
        %dma_wait3A = arith.constant 0 : i32
        %dma_wait3A_44 = tpu.memref_slice %arg7[%mul3A_35, %dma_wait3A] : memref<1280x32xf32, #tpu.memory_space<vmem>> -> memref<128x32xf32, #tpu.memory_space<vmem>>
        %dma_wait3A_45 = arith.constant 0 : i32
        %dma_wait3A_46 = tpu.memref_slice %arg6[%while3A_33, %dma_wait3A_45] : memref<10x128xi32, #tpu.memory_space<vmem>> -> memref<1x128xi32, #tpu.memory_space<vmem>>
        %dma_wait3A_47 = tpu.memref_squeeze %dma_wait3A_46 : memref<1x128xi32, #tpu.memory_space<vmem>> -> memref<128xi32, #tpu.memory_space<vmem>>
        %dma_wait3A_48 = arith.constant 0 : i32
        %dma_wait3A_49 = arith.constant 0 : i32
        %dma_wait3A_50 = tpu.memref_slice %arg8[%dma_wait3A_48, %dma_wait3A_49] : memref<20480x32xf32, #tpu.memory_space<vmem_shared>> -> memref<20480x32xf32, #tpu.memory_space<vmem_shared>>
        tpu.wait_indirect_dma semaphore(%run_scoped3A_36 : memref<!tpu.dma_semaphore, #tpu.memory_space<semaphore_mem>>) src(%dma_wait3A_44 : memref<128x32xf32, #tpu.memory_space<vmem>>) dst(%dma_wait3A_50 : memref<20480x32xf32, #tpu.memory_space<vmem_shared>>)
        tpu.yield
      }) : () -> ()
    }
    %while3A_14 = arith.constant 1 : i32
    scf.for %while3A_33 = %while3A_12 to %while3A_8 step %while3A_14  : i32 {
      %mul3A_34 = arith.constant 128 : i32
      %mul3A_35 = arith.muli %while3A_33, %mul3A_34 : i32
      "tpu.region"() ({
        %run_scoped3A_36 = tpu.sem_alloc : memref<!tpu.dma_semaphore, #tpu.memory_space<semaphore_mem>>
        %dma_start3A = arith.constant 0 : i32
        %dma_start3A_37 = tpu.memref_slice %arg7[%mul3A_35, %dma_start3A] : memref<1280x32xf32, #tpu.memory_space<vmem>> -> memref<128x32xf32, #tpu.memory_space<vmem>>
        %dma_start3A_38 = arith.constant 0 : i32
        %dma_start3A_39 = tpu.memref_slice %arg6[%while3A_33, %dma_start3A_38] : memref<10x128xi32, #tpu.memory_space<vmem>> -> memref<1x128xi32, #tpu.memory_space<vmem>>
        %dma_start3A_40 = tpu.memref_squeeze %dma_start3A_39 : memref<1x128xi32, #tpu.memory_space<vmem>> -> memref<128xi32, #tpu.memory_space<vmem>>
        %dma_start3A_41 = arith.constant 0 : i32
        %dma_start3A_42 = arith.constant 0 : i32
        %dma_start3A_43 = tpu.memref_slice %arg8[%dma_start3A_41, %dma_start3A_42] : memref<20480x32xf32, #tpu.memory_space<vmem_shared>> -> memref<20480x32xf32, #tpu.memory_space<vmem_shared>>
        tpu.enqueue_indirect_dma source(%dma_start3A_37 : memref<128x32xf32, #tpu.memory_space<vmem>>) target(%dma_start3A_43 : memref<20480x32xf32, #tpu.memory_space<vmem_shared>>) offsets(%dma_start3A_40 : memref<128xi32, #tpu.memory_space<vmem>>) semaphore(%run_scoped3A_36 : memref<!tpu.dma_semaphore, #tpu.memory_space<semaphore_mem>>) {add = true}
        %dma_wait3A = arith.constant 0 : i32
        %dma_wait3A_44 = tpu.memref_slice %arg7[%mul3A_35, %dma_wait3A] : memref<1280x32xf32, #tpu.memory_space<vmem>> -> memref<128x32xf32, #tpu.memory_space<vmem>>
        %dma_wait3A_45 = arith.constant 0 : i32
        %dma_wait3A_46 = tpu.memref_slice %arg6[%while3A_33, %dma_wait3A_45] : memref<10x128xi32, #tpu.memory_space<vmem>> -> memref<1x128xi32, #tpu.memory_space<vmem>>
        %dma_wait3A_47 = tpu.memref_squeeze %dma_wait3A_46 : memref<1x128xi32, #tpu.memory_space<vmem>> -> memref<128xi32, #tpu.memory_space<vmem>>
        %dma_wait3A_48 = arith.constant 0 : i32
        %dma_wait3A_49 = arith.constant 0 : i32
        %dma_wait3A_50 = tpu.memref_slice %arg8[%dma_wait3A_48, %dma_wait3A_49] : memref<20480x32xf32, #tpu.memory_space<vmem_shared>> -> memref<20480x32xf32, #tpu.memory_space<vmem_shared>>
        tpu.wait_indirect_dma semaphore(%run_scoped3A_36 : memref<!tpu.dma_semaphore, #tpu.memory_space<semaphore_mem>>) src(%dma_wait3A_44 : memref<128x32xf32, #tpu.memory_space<vmem>>) dst(%dma_wait3A_50 : memref<20480x32xf32, #tpu.memory_space<vmem_shared>>)
        tpu.yield
      }) : () -> ()
    }
    %barrier3A_15 = arith.constant 0 : index
    tpu.barrier barrier_id(%barrier3A_15)
    %run_scoped3A = arith.constant 0 : i32
    "tpu.region"() ({
      %run_scoped3A_33 = tpu.sem_alloc : memref<!tpu.dma_semaphore, #tpu.memory_space<semaphore_mem>>
      %dma_start3A = arith.constant 0 : i32
      %dma_start3A_34 = tpu.memref_slice %arg5[%arg0, %run_scoped3A, %mul3A_2, %dma_start3A] : memref<2x2x20480x32xf32, #tpu.memory_space<hbm>> -> memref<1x1x1280x32xf32, #tpu.memory_space<hbm>>
      %dma_start3A_35 = tpu.memref_squeeze %dma_start3A_34 : memref<1x1x1280x32xf32, #tpu.memory_space<hbm>> -> memref<1280x32xf32, #tpu.memory_space<hbm>>
      %dma_start3A_36 = arith.constant 0 : i32
      %dma_start3A_37 = tpu.memref_slice %arg8[%mul3A_2, %dma_start3A_36] : memref<20480x32xf32, #tpu.memory_space<vmem_shared>> -> memref<1280x32xf32, #tpu.memory_space<vmem_shared>>
      tpu.enqueue_dma source(%dma_start3A_37 : memref<1280x32xf32, #tpu.memory_space<vmem_shared>>) target(%dma_start3A_35 : memref<1280x32xf32, #tpu.memory_space<hbm>>) target_semaphore(%run_scoped3A_33 : memref<!tpu.dma_semaphore, #tpu.memory_space<semaphore_mem>>)
      %dma_wait3A = arith.constant 0 : i32
      %dma_wait3A_38 = tpu.memref_slice %arg5[%arg0, %run_scoped3A, %mul3A_2, %dma_wait3A] : memref<2x2x20480x32xf32, #tpu.memory_space<hbm>> -> memref<1x1x1280x32xf32, #tpu.memory_space<hbm>>
      %dma_wait3A_39 = tpu.memref_squeeze %dma_wait3A_38 : memref<1x1x1280x32xf32, #tpu.memory_space<hbm>> -> memref<1280x32xf32, #tpu.memory_space<hbm>>
      %dma_wait3A_40 = arith.constant 0 : i32
      %dma_wait3A_41 = tpu.memref_slice %arg8[%mul3A_2, %dma_wait3A_40] : memref<20480x32xf32, #tpu.memory_space<vmem_shared>> -> memref<1280x32xf32, #tpu.memory_space<vmem_shared>>
      tpu.wait_dma2 semaphore(%run_scoped3A_33 : memref<!tpu.dma_semaphore, #tpu.memory_space<semaphore_mem>>) src(%dma_wait3A_41 : memref<1280x32xf32, #tpu.memory_space<vmem_shared>>) dst(%dma_wait3A_39 : memref<1280x32xf32, #tpu.memory_space<hbm>>)
      tpu.yield
    }) : () -> ()
    %barrier3A_16 = arith.constant 0 : index
    tpu.barrier barrier_id(%barrier3A_16)
    "tpu.region"() ({
      %run_scoped3A_33 = tpu.sem_alloc : memref<!tpu.dma_semaphore, #tpu.memory_space<semaphore_mem>>
      %dma_start3A = arith.constant 0 : i32
      %dma_start3A_34 = tpu.memref_slice %arg8[%mul3A_2, %dma_start3A] : memref<20480x32xf32, #tpu.memory_space<vmem_shared>> -> memref<1280x32xf32, #tpu.memory_space<vmem_shared>>
      %dma_start3A_35 = arith.constant 0 : i32
      %dma_start3A_36 = tpu.memref_slice %arg4[%mul3A_2, %dma_start3A_35] : memref<20480x32xf32, #tpu.memory_space<hbm>> -> memref<1280x32xf32, #tpu.memory_space<hbm>>
      tpu.enqueue_dma source(%dma_start3A_36 : memref<1280x32xf32, #tpu.memory_space<hbm>>) target(%dma_start3A_34 : memref<1280x32xf32, #tpu.memory_space<vmem_shared>>) target_semaphore(%run_scoped3A_33 : memref<!tpu.dma_semaphore, #tpu.memory_space<semaphore_mem>>)
      %dma_wait3A = arith.constant 0 : i32
      %dma_wait3A_37 = tpu.memref_slice %arg8[%mul3A_2, %dma_wait3A] : memref<20480x32xf32, #tpu.memory_space<vmem_shared>> -> memref<1280x32xf32, #tpu.memory_space<vmem_shared>>
      %dma_wait3A_38 = arith.constant 0 : i32
      %dma_wait3A_39 = tpu.memref_slice %arg4[%mul3A_2, %dma_wait3A_38] : memref<20480x32xf32, #tpu.memory_space<hbm>> -> memref<1280x32xf32, #tpu.memory_space<hbm>>
      tpu.wait_dma2 semaphore(%run_scoped3A_33 : memref<!tpu.dma_semaphore, #tpu.memory_space<semaphore_mem>>) src(%dma_wait3A_39 : memref<1280x32xf32, #tpu.memory_space<hbm>>) dst(%dma_wait3A_37 : memref<1280x32xf32, #tpu.memory_space<vmem_shared>>)
      tpu.yield
    }) : () -> ()
    %mul3A_17 = arith.constant 1280 : i32
    %mul3A_18 = arith.muli %add3A, %mul3A_17 : i32
    "tpu.region"() ({
      %run_scoped3A_33 = tpu.sem_alloc : memref<!tpu.dma_semaphore, #tpu.memory_space<semaphore_mem>>
      %dma_start3A = arith.constant 32 : i32
      %dma_start3A_34 = tpu.memref_slice %arg3[%mul3A_18, %dma_start3A] : memref<40960x64xf32, #tpu.memory_space<hbm>> -> memref<1280x32xf32, #tpu.memory_space<hbm>>
      %dma_start3A_35 = arith.constant 32 : i32
      %dma_start3A_36 = tpu.memref_slice %arg3[%mul3A_18, %dma_start3A_35] : memref<40960x64xf32, #tpu.memory_space<hbm>> -> memref<1280x32xf32, #tpu.memory_space<hbm>>
      tpu.enqueue_dma source(%dma_start3A_36 : memref<1280x32xf32, #tpu.memory_space<hbm>>) target(%arg7 : memref<1280x32xf32, #tpu.memory_space<vmem>>) target_semaphore(%run_scoped3A_33 : memref<!tpu.dma_semaphore, #tpu.memory_space<semaphore_mem>>)
      %dma_wait3A = arith.constant 32 : i32
      %dma_wait3A_37 = tpu.memref_slice %arg3[%mul3A_18, %dma_wait3A] : memref<40960x64xf32, #tpu.memory_space<hbm>> -> memref<1280x32xf32, #tpu.memory_space<hbm>>
      %dma_wait3A_38 = arith.constant 32 : i32
      %dma_wait3A_39 = tpu.memref_slice %arg3[%mul3A_18, %dma_wait3A_38] : memref<40960x64xf32, #tpu.memory_space<hbm>> -> memref<1280x32xf32, #tpu.memory_space<hbm>>
      tpu.wait_dma2 semaphore(%run_scoped3A_33 : memref<!tpu.dma_semaphore, #tpu.memory_space<semaphore_mem>>) src(%dma_wait3A_39 : memref<1280x32xf32, #tpu.memory_space<hbm>>) dst(%arg7 : memref<1280x32xf32, #tpu.memory_space<vmem>>)
      tpu.yield
    }) : () -> ()
    %barrier3A_19 = arith.constant 0 : index
    tpu.barrier barrier_id(%barrier3A_19)
    %while3A_20 = arith.constant 0 : i32
    %while3A_21 = arith.constant 0 : i32
    %while3A_22 = arith.constant 10 : i32
    %while3A_23 = arith.subi %while3A_22, %while3A_21 : i32
    %while3A_24 = arith.addi %while3A_21, %while3A_23 : i32
    %while3A_25 = arith.constant 1 : i32
    %while3A_26 = arith.divsi %while3A_23, %while3A_25 : i32
    %while3A_27 = arith.muli %while3A_26, %while3A_25 : i32
    %while3A_28 = arith.addi %while3A_21, %while3A_27 : i32
    %while3A_29 = arith.constant 1 : i32
    scf.for %while3A_33 = %while3A_21 to %while3A_28 step %while3A_29  : i32 {
      %mul3A_34 = arith.constant 128 : i32
      %mul3A_35 = arith.muli %while3A_33, %mul3A_34 : i32
      "tpu.region"() ({
        %run_scoped3A_36 = tpu.sem_alloc : memref<!tpu.dma_semaphore, #tpu.memory_space<semaphore_mem>>
        %dma_start3A = arith.constant 0 : i32
        %dma_start3A_37 = tpu.memref_slice %arg7[%mul3A_35, %dma_start3A] : memref<1280x32xf32, #tpu.memory_space<vmem>> -> memref<128x32xf32, #tpu.memory_space<vmem>>
        %dma_start3A_38 = arith.constant 0 : i32
        %dma_start3A_39 = tpu.memref_slice %arg6[%while3A_33, %dma_start3A_38] : memref<10x128xi32, #tpu.memory_space<vmem>> -> memref<1x128xi32, #tpu.memory_space<vmem>>
        %dma_start3A_40 = tpu.memref_squeeze %dma_start3A_39 : memref<1x128xi32, #tpu.memory_space<vmem>> -> memref<128xi32, #tpu.memory_space<vmem>>
        %dma_start3A_41 = arith.constant 0 : i32
        %dma_start3A_42 = arith.constant 0 : i32
        %dma_start3A_43 = tpu.memref_slice %arg8[%dma_start3A_41, %dma_start3A_42] : memref<20480x32xf32, #tpu.memory_space<vmem_shared>> -> memref<20480x32xf32, #tpu.memory_space<vmem_shared>>
        tpu.enqueue_indirect_dma source(%dma_start3A_37 : memref<128x32xf32, #tpu.memory_space<vmem>>) target(%dma_start3A_43 : memref<20480x32xf32, #tpu.memory_space<vmem_shared>>) offsets(%dma_start3A_40 : memref<128xi32, #tpu.memory_space<vmem>>) semaphore(%run_scoped3A_36 : memref<!tpu.dma_semaphore, #tpu.memory_space<semaphore_mem>>) {add = true}
        %dma_wait3A = arith.constant 0 : i32
        %dma_wait3A_44 = tpu.memref_slice %arg7[%mul3A_35, %dma_wait3A] : memref<1280x32xf32, #tpu.memory_space<vmem>> -> memref<128x32xf32, #tpu.memory_space<vmem>>
        %dma_wait3A_45 = arith.constant 0 : i32
        %dma_wait3A_46 = tpu.memref_slice %arg6[%while3A_33, %dma_wait3A_45] : memref<10x128xi32, #tpu.memory_space<vmem>> -> memref<1x128xi32, #tpu.memory_space<vmem>>
        %dma_wait3A_47 = tpu.memref_squeeze %dma_wait3A_46 : memref<1x128xi32, #tpu.memory_space<vmem>> -> memref<128xi32, #tpu.memory_space<vmem>>
        %dma_wait3A_48 = arith.constant 0 : i32
        %dma_wait3A_49 = arith.constant 0 : i32
        %dma_wait3A_50 = tpu.memref_slice %arg8[%dma_wait3A_48, %dma_wait3A_49] : memref<20480x32xf32, #tpu.memory_space<vmem_shared>> -> memref<20480x32xf32, #tpu.memory_space<vmem_shared>>
        tpu.wait_indirect_dma semaphore(%run_scoped3A_36 : memref<!tpu.dma_semaphore, #tpu.memory_space<semaphore_mem>>) src(%dma_wait3A_44 : memref<128x32xf32, #tpu.memory_space<vmem>>) dst(%dma_wait3A_50 : memref<20480x32xf32, #tpu.memory_space<vmem_shared>>)
        tpu.yield
      }) : () -> ()
    }
    %while3A_30 = arith.constant 1 : i32
    scf.for %while3A_33 = %while3A_28 to %while3A_24 step %while3A_30  : i32 {
      %mul3A_34 = arith.constant 128 : i32
      %mul3A_35 = arith.muli %while3A_33, %mul3A_34 : i32
      "tpu.region"() ({
        %run_scoped3A_36 = tpu.sem_alloc : memref<!tpu.dma_semaphore, #tpu.memory_space<semaphore_mem>>
        %dma_start3A = arith.constant 0 : i32
        %dma_start3A_37 = tpu.memref_slice %arg7[%mul3A_35, %dma_start3A] : memref<1280x32xf32, #tpu.memory_space<vmem>> -> memref<128x32xf32, #tpu.memory_space<vmem>>
        %dma_start3A_38 = arith.constant 0 : i32
        %dma_start3A_39 = tpu.memref_slice %arg6[%while3A_33, %dma_start3A_38] : memref<10x128xi32, #tpu.memory_space<vmem>> -> memref<1x128xi32, #tpu.memory_space<vmem>>
        %dma_start3A_40 = tpu.memref_squeeze %dma_start3A_39 : memref<1x128xi32, #tpu.memory_space<vmem>> -> memref<128xi32, #tpu.memory_space<vmem>>
        %dma_start3A_41 = arith.constant 0 : i32
        %dma_start3A_42 = arith.constant 0 : i32
        %dma_start3A_43 = tpu.memref_slice %arg8[%dma_start3A_41, %dma_start3A_42] : memref<20480x32xf32, #tpu.memory_space<vmem_shared>> -> memref<20480x32xf32, #tpu.memory_space<vmem_shared>>
        tpu.enqueue_indirect_dma source(%dma_start3A_37 : memref<128x32xf32, #tpu.memory_space<vmem>>) target(%dma_start3A_43 : memref<20480x32xf32, #tpu.memory_space<vmem_shared>>) offsets(%dma_start3A_40 : memref<128xi32, #tpu.memory_space<vmem>>) semaphore(%run_scoped3A_36 : memref<!tpu.dma_semaphore, #tpu.memory_space<semaphore_mem>>) {add = true}
        %dma_wait3A = arith.constant 0 : i32
        %dma_wait3A_44 = tpu.memref_slice %arg7[%mul3A_35, %dma_wait3A] : memref<1280x32xf32, #tpu.memory_space<vmem>> -> memref<128x32xf32, #tpu.memory_space<vmem>>
        %dma_wait3A_45 = arith.constant 0 : i32
        %dma_wait3A_46 = tpu.memref_slice %arg6[%while3A_33, %dma_wait3A_45] : memref<10x128xi32, #tpu.memory_space<vmem>> -> memref<1x128xi32, #tpu.memory_space<vmem>>
        %dma_wait3A_47 = tpu.memref_squeeze %dma_wait3A_46 : memref<1x128xi32, #tpu.memory_space<vmem>> -> memref<128xi32, #tpu.memory_space<vmem>>
        %dma_wait3A_48 = arith.constant 0 : i32
        %dma_wait3A_49 = arith.constant 0 : i32
        %dma_wait3A_50 = tpu.memref_slice %arg8[%dma_wait3A_48, %dma_wait3A_49] : memref<20480x32xf32, #tpu.memory_space<vmem_shared>> -> memref<20480x32xf32, #tpu.memory_space<vmem_shared>>
        tpu.wait_indirect_dma semaphore(%run_scoped3A_36 : memref<!tpu.dma_semaphore, #tpu.memory_space<semaphore_mem>>) src(%dma_wait3A_44 : memref<128x32xf32, #tpu.memory_space<vmem>>) dst(%dma_wait3A_50 : memref<20480x32xf32, #tpu.memory_space<vmem_shared>>)
        tpu.yield
      }) : () -> ()
    }
    %barrier3A_31 = arith.constant 0 : index
    tpu.barrier barrier_id(%barrier3A_31)
    %run_scoped3A_32 = arith.constant 1 : i32
    "tpu.region"() ({
      %run_scoped3A_33 = tpu.sem_alloc : memref<!tpu.dma_semaphore, #tpu.memory_space<semaphore_mem>>
      %dma_start3A = arith.constant 0 : i32
      %dma_start3A_34 = tpu.memref_slice %arg5[%arg0, %run_scoped3A_32, %mul3A_2, %dma_start3A] : memref<2x2x20480x32xf32, #tpu.memory_space<hbm>> -> memref<1x1x1280x32xf32, #tpu.memory_space<hbm>>
      %dma_start3A_35 = tpu.memref_squeeze %dma_start3A_34 : memref<1x1x1280x32xf32, #tpu.memory_space<hbm>> -> memref<1280x32xf32, #tpu.memory_space<hbm>>
      %dma_start3A_36 = arith.constant 0 : i32
      %dma_start3A_37 = tpu.memref_slice %arg8[%mul3A_2, %dma_start3A_36] : memref<20480x32xf32, #tpu.memory_space<vmem_shared>> -> memref<1280x32xf32, #tpu.memory_space<vmem_shared>>
      tpu.enqueue_dma source(%dma_start3A_37 : memref<1280x32xf32, #tpu.memory_space<vmem_shared>>) target(%dma_start3A_35 : memref<1280x32xf32, #tpu.memory_space<hbm>>) target_semaphore(%run_scoped3A_33 : memref<!tpu.dma_semaphore, #tpu.memory_space<semaphore_mem>>)
      %dma_wait3A = arith.constant 0 : i32
      %dma_wait3A_38 = tpu.memref_slice %arg5[%arg0, %run_scoped3A_32, %mul3A_2, %dma_wait3A] : memref<2x2x20480x32xf32, #tpu.memory_space<hbm>> -> memref<1x1x1280x32xf32, #tpu.memory_space<hbm>>
      %dma_wait3A_39 = tpu.memref_squeeze %dma_wait3A_38 : memref<1x1x1280x32xf32, #tpu.memory_space<hbm>> -> memref<1280x32xf32, #tpu.memory_space<hbm>>
      %dma_wait3A_40 = arith.constant 0 : i32
      %dma_wait3A_41 = tpu.memref_slice %arg8[%mul3A_2, %dma_wait3A_40] : memref<20480x32xf32, #tpu.memory_space<vmem_shared>> -> memref<1280x32xf32, #tpu.memory_space<vmem_shared>>
      tpu.wait_dma2 semaphore(%run_scoped3A_33 : memref<!tpu.dma_semaphore, #tpu.memory_space<semaphore_mem>>) src(%dma_wait3A_41 : memref<1280x32xf32, #tpu.memory_space<vmem_shared>>) dst(%dma_wait3A_39 : memref<1280x32xf32, #tpu.memory_space<hbm>>)
      tpu.yield
    }) : () -> ()
    return
  }
}

module attributes {stable_mosaic.version = 14 : i64} {
  func.func @body(%arg0: i32, %arg1: memref<2048x32xf32, #tpu.memory_space<vmem>>, %arg2: memref<2x2048x1xf32, #tpu.memory_space<vmem>>, %arg3: memref<2x2048x32xf32, #tpu.memory_space<vmem>>) attributes {dimension_semantics = [#tpu.dimension_semantics<arbitrary>], iteration_bounds = array<i64: 5>, scalar_prefetch = 0 : i64, scratch_operands = 0 : i64, tpu.core_type = #tpu.core_type<tc>, window_params = [{transform_indices = @transform_0, window_bounds = array<i64: 2048, 32>}, {transform_indices = @transform_1, window_bounds = array<i64: 2, 2048, 1>}, {transform_indices = @transform_2, window_bounds = array<i64: 2, 2048, 32>}]} {
    %get3A = arith.constant 0 : index
    %get3A_0 = arith.constant 0 : index
    %get3A_1 = vector.load %arg1[%get3A, %get3A_0] : memref<2048x32xf32, #tpu.memory_space<vmem>>, vector<2048x32xf32>
    %get3A_2 = arith.constant 0 : index
    %get3A_3 = arith.constant 0 : index
    %get3A_4 = arith.constant 0 : index
    %get3A_5 = vector.load %arg2[%get3A_2, %get3A_3, %get3A_4] : memref<2x2048x1xf32, #tpu.memory_space<vmem>>, vector<1x2048x1xf32>
    %get3A_6 = vector.shape_cast %get3A_5 : vector<1x2048x1xf32> to vector<2048x1xf32>
    %mul3A = vector.broadcast %get3A_6 : vector<2048x1xf32> to vector<2048x32xf32>
    %mul3A_7 = arith.mulf %get3A_1, %mul3A : vector<2048x32xf32>
    %swap3A = arith.constant 0 : index
    %swap3A_8 = arith.constant 0 : index
    %swap3A_9 = arith.constant 0 : index
    %swap3A_10 = vector.load %arg3[%swap3A, %swap3A_8, %swap3A_9] : memref<2x2048x32xf32, #tpu.memory_space<vmem>>, vector<1x2048x32xf32>
    %swap3A_11 = vector.shape_cast %swap3A_10 : vector<1x2048x32xf32> to vector<2048x32xf32>
    %swap3A_12 = vector.shape_cast %mul3A_7 : vector<2048x32xf32> to vector<1x2048x32xf32>
    tpu.vector_store %arg3[%swap3A, %swap3A_8, %swap3A_9], %swap3A_12 {strides = array<i32>} : memref<2x2048x32xf32, #tpu.memory_space<vmem>>, vector<1x2048x32xf32>,
    %get3A_13 = arith.constant 0 : index
    %get3A_14 = arith.constant 0 : index
    %get3A_15 = vector.load %arg1[%get3A_13, %get3A_14] : memref<2048x32xf32, #tpu.memory_space<vmem>>, vector<2048x32xf32>
    %get3A_16 = arith.constant 1 : index
    %get3A_17 = arith.constant 0 : index
    %get3A_18 = arith.constant 0 : index
    %get3A_19 = vector.load %arg2[%get3A_16, %get3A_17, %get3A_18] : memref<2x2048x1xf32, #tpu.memory_space<vmem>>, vector<1x2048x1xf32>
    %get3A_20 = vector.shape_cast %get3A_19 : vector<1x2048x1xf32> to vector<2048x1xf32>
    %mul3A_21 = vector.broadcast %get3A_20 : vector<2048x1xf32> to vector<2048x32xf32>
    %mul3A_22 = arith.mulf %get3A_15, %mul3A_21 : vector<2048x32xf32>
    %swap3A_23 = arith.constant 1 : index
    %swap3A_24 = arith.constant 0 : index
    %swap3A_25 = arith.constant 0 : index
    %swap3A_26 = vector.load %arg3[%swap3A_23, %swap3A_24, %swap3A_25] : memref<2x2048x32xf32, #tpu.memory_space<vmem>>, vector<1x2048x32xf32>
    %swap3A_27 = vector.shape_cast %swap3A_26 : vector<1x2048x32xf32> to vector<2048x32xf32>
    %swap3A_28 = vector.shape_cast %mul3A_22 : vector<2048x32xf32> to vector<1x2048x32xf32>
    tpu.vector_store %arg3[%swap3A_23, %swap3A_24, %swap3A_25], %swap3A_28 {strides = array<i32>} : memref<2x2048x32xf32, #tpu.memory_space<vmem>>, vector<1x2048x32xf32>,
    return
  }
  func.func @transform_0(%arg0: i32) -> (i32, i32) {
    %c0_i32 = arith.constant 0 : i32
    %c0_i32_0 = arith.constant 0 : i32
    return %arg0, %c0_i32 : i32, i32
  }
  func.func @transform_1(%arg0: i32) -> (i32, i32, i32) {
    %c0_i32 = arith.constant 0 : i32
    %c0_i32_0 = arith.constant 0 : i32
    %c0_i32_1 = arith.constant 0 : i32
    return %c0_i32, %arg0, %c0_i32_0 : i32, i32, i32
  }
  func.func @transform_2(%arg0: i32) -> (i32, i32, i32) {
    %c0_i32 = arith.constant 0 : i32
    %c0_i32_0 = arith.constant 0 : i32
    %c0_i32_1 = arith.constant 0 : i32
    return %c0_i32, %arg0, %c0_i32_0 : i32, i32, i32
  }
}

module attributes {stable_mosaic.version = 14 : i64} {
  func.func @body(%arg0: i32, %arg1: memref<256x5xf32, #tpu.memory_space<vmem>>, %arg2: memref<2x256x32xf32, #tpu.memory_space<vmem>>, %arg3: memref<5x128xf32, #tpu.memory_space<vmem>>, %arg4: memref<128xf32, #tpu.memory_space<vmem>>, %arg5: memref<128x1024xf32, #tpu.memory_space<vmem>>, %arg6: memref<1024xf32, #tpu.memory_space<vmem>>, %arg7: memref<64x1024xf32, #tpu.memory_space<vmem>>, %arg8: memref<2x256x32xf32, #tpu.memory_space<vmem>>) attributes {dimension_semantics = [#tpu.dimension_semantics<arbitrary>], iteration_bounds = array<i64: 80>, scalar_prefetch = 0 : i64, scratch_operands = 0 : i64, tpu.core_type = #tpu.core_type<tc>, window_params = [{transform_indices = @transform_0, window_bounds = array<i64: 256, 5>}, {transform_indices = @transform_1, window_bounds = array<i64: 2, 256, 32>}, {pipeline_mode = #tpu.pipeline_mode<synchronous>, transform_indices = @transform_2, window_bounds = array<i64: 5, 128>}, {pipeline_mode = #tpu.pipeline_mode<synchronous>, transform_indices = @transform_3, window_bounds = array<i64: 128>}, {pipeline_mode = #tpu.pipeline_mode<synchronous>, transform_indices = @transform_4, window_bounds = array<i64: 128, 1024>}, {pipeline_mode = #tpu.pipeline_mode<synchronous>, transform_indices = @transform_5, window_bounds = array<i64: 1024>}, {pipeline_mode = #tpu.pipeline_mode<synchronous>, transform_indices = @transform_6, window_bounds = array<i64: 64, 1024>}, {transform_indices = @transform_7, window_bounds = array<i64: 2, 256, 32>}]} {
    %get3A = arith.constant 0 : index
    %get3A_0 = arith.constant 0 : index
    %get3A_1 = vector.load %arg1[%get3A, %get3A_0] : memref<256x5xf32, #tpu.memory_space<vmem>>, vector<256x5xf32>
    %get3A_2 = arith.constant 0 : index
    %get3A_3 = arith.constant 0 : index
    %get3A_4 = vector.load %arg3[%get3A_2, %get3A_3] : memref<5x128xf32, #tpu.memory_space<vmem>>, vector<5x128xf32>
    %dot_general3A = arith.constant dense<0.000000e+00> : vector<256x128xf32>
    %dot_general3A_5 = tpu.matmul %get3A_1, %get3A_4, %dot_general3A {dimension_numbers = #tpu.dot_dimension_numbers<[1], [0], [0], [1], [0, 0, 1, 1], [], []>, transpose_lhs_hint = false} : vector<256x5xf32>, vector<5x128xf32>, vector<256x128xf32> -> vector<256x128xf32>
    %get3A_6 = arith.constant 0 : index
    %get3A_7 = vector.load %arg4[%get3A_6] : memref<128xf32, #tpu.memory_space<vmem>>, vector<128xf32>
    %broadcast_in_dim3A = vector.shape_cast %get3A_7 : vector<128xf32> to vector<1x128xf32>
    %add3A = vector.broadcast %broadcast_in_dim3A : vector<1x128xf32> to vector<256x128xf32>
    %add3A_8 = arith.addf %dot_general3A_5, %add3A : vector<256x128xf32>
    %max3A = arith.constant 0.000000e+00 : f32
    %max3A_9 = vector.broadcast %max3A : f32 to vector<256x128xf32>
    %max3A_10 = arith.maximumf %add3A_8, %max3A_9 : vector<256x128xf32>
    %get3A_11 = arith.constant 0 : index
    %get3A_12 = arith.constant 0 : index
    %get3A_13 = vector.load %arg5[%get3A_11, %get3A_12] : memref<128x1024xf32, #tpu.memory_space<vmem>>, vector<128x1024xf32>
    %dot_general3A_14 = arith.constant dense<0.000000e+00> : vector<256x1024xf32>
    %dot_general3A_15 = tpu.matmul %max3A_10, %get3A_13, %dot_general3A_14 {dimension_numbers = #tpu.dot_dimension_numbers<[1], [0], [0], [1], [0, 0, 1, 1], [], []>, transpose_lhs_hint = false} : vector<256x128xf32>, vector<128x1024xf32>, vector<256x1024xf32> -> vector<256x1024xf32>
    %get3A_16 = arith.constant 0 : index
    %get3A_17 = vector.load %arg6[%get3A_16] : memref<1024xf32, #tpu.memory_space<vmem>>, vector<1024xf32>
    %broadcast_in_dim3A_18 = vector.shape_cast %get3A_17 : vector<1024xf32> to vector<1x1024xf32>
    %add3A_19 = vector.broadcast %broadcast_in_dim3A_18 : vector<1x1024xf32> to vector<256x1024xf32>
    %add3A_20 = arith.addf %dot_general3A_15, %add3A_19 : vector<256x1024xf32>
    %get3A_21 = arith.constant 0 : index
    %get3A_22 = arith.constant 0 : index
    %get3A_23 = arith.constant 0 : index
    %get3A_24 = vector.load %arg2[%get3A_21, %get3A_22, %get3A_23] : memref<2x256x32xf32, #tpu.memory_space<vmem>>, vector<1x256x32xf32>
    %get3A_25 = vector.shape_cast %get3A_24 : vector<1x256x32xf32> to vector<256x32xf32>
    %convert_element_type3A = arith.truncf %get3A_25 : vector<256x32xf32> to vector<256x32xbf16>
    %convert_element_type3A_26 = arith.extf %convert_element_type3A : vector<256x32xbf16> to vector<256x32xf32>
    %get3A_27 = arith.constant 0 : index
    %get3A_28 = arith.constant 0 : index
    %get3A_29 = arith.constant 0 : index
    %get3A_30 = vector.load %arg2[%get3A_27, %get3A_28, %get3A_29] : memref<2x256x32xf32, #tpu.memory_space<vmem>>, vector<1x256x32xf32>
    %get3A_31 = vector.shape_cast %get3A_30 : vector<1x256x32xf32> to vector<256x32xf32>
    %sub3A = arith.subf %get3A_31, %convert_element_type3A_26 : vector<256x32xf32>
    %concatenate3A = tpu.concatenate %convert_element_type3A_26, %sub3A in 1 : vector<256x32xf32>, vector<256x32xf32> -> vector<256x64xf32>
    %get3A_32 = arith.constant 0 : index
    %get3A_33 = arith.constant 0 : index
    %get3A_34 = vector.load %arg7[%get3A_32, %get3A_33] : memref<64x1024xf32, #tpu.memory_space<vmem>>, vector<64x1024xf32>
    %dot_general3A_35 = arith.constant dense<0.000000e+00> : vector<256x1024xf32>
    %dot_general3A_36 = tpu.matmul %concatenate3A, %get3A_34, %dot_general3A_35 {dimension_numbers = #tpu.dot_dimension_numbers<[1], [0], [0], [1], [0, 0, 1, 1], [], []>, transpose_lhs_hint = false} : vector<256x64xf32>, vector<64x1024xf32>, vector<256x1024xf32> -> vector<256x1024xf32>
    %mul3A = arith.mulf %dot_general3A_36, %add3A_20 : vector<256x1024xf32>
    %slice3A = vector.extract_strided_slice %mul3A {offsets = [0, 0], sizes = [256, 512], strides = [1, 1]} : vector<256x1024xf32> to vector<256x512xf32>
    %slice3A_37 = vector.extract_strided_slice %mul3A {offsets = [0, 512], sizes = [256, 512], strides = [1, 1]} : vector<256x1024xf32> to vector<256x512xf32>
    %add3A_38 = arith.addf %slice3A, %slice3A_37 : vector<256x512xf32>
    %slice3A_39 = vector.extract_strided_slice %add3A_38 {offsets = [0, 0], sizes = [256, 256], strides = [1, 1]} : vector<256x512xf32> to vector<256x256xf32>
    %slice3A_40 = vector.extract_strided_slice %add3A_38 {offsets = [0, 256], sizes = [256, 256], strides = [1, 1]} : vector<256x512xf32> to vector<256x256xf32>
    %add3A_41 = arith.addf %slice3A_39, %slice3A_40 : vector<256x256xf32>
    %slice3A_42 = vector.extract_strided_slice %add3A_41 {offsets = [0, 0], sizes = [256, 128], strides = [1, 1]} : vector<256x256xf32> to vector<256x128xf32>
    %slice3A_43 = vector.extract_strided_slice %add3A_41 {offsets = [0, 128], sizes = [256, 128], strides = [1, 1]} : vector<256x256xf32> to vector<256x128xf32>
    %add3A_44 = arith.addf %slice3A_42, %slice3A_43 : vector<256x128xf32>
    %slice3A_45 = vector.extract_strided_slice %add3A_44 {offsets = [0, 0], sizes = [256, 64], strides = [1, 1]} : vector<256x128xf32> to vector<256x64xf32>
    %slice3A_46 = vector.extract_strided_slice %add3A_44 {offsets = [0, 64], sizes = [256, 64], strides = [1, 1]} : vector<256x128xf32> to vector<256x64xf32>
    %add3A_47 = arith.addf %slice3A_45, %slice3A_46 : vector<256x64xf32>
    %slice3A_48 = vector.extract_strided_slice %add3A_47 {offsets = [0, 0], sizes = [256, 32], strides = [1, 1]} : vector<256x64xf32> to vector<256x32xf32>
    %slice3A_49 = vector.extract_strided_slice %add3A_47 {offsets = [0, 32], sizes = [256, 32], strides = [1, 1]} : vector<256x64xf32> to vector<256x32xf32>
    %add3A_50 = arith.addf %slice3A_48, %slice3A_49 : vector<256x32xf32>
    %swap3A = arith.constant 0 : index
    %swap3A_51 = arith.constant 0 : index
    %swap3A_52 = arith.constant 0 : index
    %swap3A_53 = vector.load %arg8[%swap3A, %swap3A_51, %swap3A_52] : memref<2x256x32xf32, #tpu.memory_space<vmem>>, vector<1x256x32xf32>
    %swap3A_54 = vector.shape_cast %swap3A_53 : vector<1x256x32xf32> to vector<256x32xf32>
    %swap3A_55 = vector.shape_cast %add3A_50 : vector<256x32xf32> to vector<1x256x32xf32>
    tpu.vector_store %arg8[%swap3A, %swap3A_51, %swap3A_52], %swap3A_55 {strides = array<i32>} : memref<2x256x32xf32, #tpu.memory_space<vmem>>, vector<1x256x32xf32>,
    %get3A_56 = arith.constant 1 : index
    %get3A_57 = arith.constant 0 : index
    %get3A_58 = arith.constant 0 : index
    %get3A_59 = vector.load %arg2[%get3A_56, %get3A_57, %get3A_58] : memref<2x256x32xf32, #tpu.memory_space<vmem>>, vector<1x256x32xf32>
    %get3A_60 = vector.shape_cast %get3A_59 : vector<1x256x32xf32> to vector<256x32xf32>
    %convert_element_type3A_61 = arith.truncf %get3A_60 : vector<256x32xf32> to vector<256x32xbf16>
    %convert_element_type3A_62 = arith.extf %convert_element_type3A_61 : vector<256x32xbf16> to vector<256x32xf32>
    %get3A_63 = arith.constant 1 : index
    %get3A_64 = arith.constant 0 : index
    %get3A_65 = arith.constant 0 : index
    %get3A_66 = vector.load %arg2[%get3A_63, %get3A_64, %get3A_65] : memref<2x256x32xf32, #tpu.memory_space<vmem>>, vector<1x256x32xf32>
    %get3A_67 = vector.shape_cast %get3A_66 : vector<1x256x32xf32> to vector<256x32xf32>
    %sub3A_68 = arith.subf %get3A_67, %convert_element_type3A_62 : vector<256x32xf32>
    %concatenate3A_69 = tpu.concatenate %convert_element_type3A_62, %sub3A_68 in 1 : vector<256x32xf32>, vector<256x32xf32> -> vector<256x64xf32>
    %get3A_70 = arith.constant 0 : index
    %get3A_71 = arith.constant 0 : index
    %get3A_72 = vector.load %arg7[%get3A_70, %get3A_71] : memref<64x1024xf32, #tpu.memory_space<vmem>>, vector<64x1024xf32>
    %dot_general3A_73 = arith.constant dense<0.000000e+00> : vector<256x1024xf32>
    %dot_general3A_74 = tpu.matmul %concatenate3A_69, %get3A_72, %dot_general3A_73 {dimension_numbers = #tpu.dot_dimension_numbers<[1], [0], [0], [1], [0, 0, 1, 1], [], []>, transpose_lhs_hint = false} : vector<256x64xf32>, vector<64x1024xf32>, vector<256x1024xf32> -> vector<256x1024xf32>
    %mul3A_75 = arith.mulf %dot_general3A_74, %add3A_20 : vector<256x1024xf32>
    %slice3A_76 = vector.extract_strided_slice %mul3A_75 {offsets = [0, 0], sizes = [256, 512], strides = [1, 1]} : vector<256x1024xf32> to vector<256x512xf32>
    %slice3A_77 = vector.extract_strided_slice %mul3A_75 {offsets = [0, 512], sizes = [256, 512], strides = [1, 1]} : vector<256x1024xf32> to vector<256x512xf32>
    %add3A_78 = arith.addf %slice3A_76, %slice3A_77 : vector<256x512xf32>
    %slice3A_79 = vector.extract_strided_slice %add3A_78 {offsets = [0, 0], sizes = [256, 256], strides = [1, 1]} : vector<256x512xf32> to vector<256x256xf32>
    %slice3A_80 = vector.extract_strided_slice %add3A_78 {offsets = [0, 256], sizes = [256, 256], strides = [1, 1]} : vector<256x512xf32> to vector<256x256xf32>
    %add3A_81 = arith.addf %slice3A_79, %slice3A_80 : vector<256x256xf32>
    %slice3A_82 = vector.extract_strided_slice %add3A_81 {offsets = [0, 0], sizes = [256, 128], strides = [1, 1]} : vector<256x256xf32> to vector<256x128xf32>
    %slice3A_83 = vector.extract_strided_slice %add3A_81 {offsets = [0, 128], sizes = [256, 128], strides = [1, 1]} : vector<256x256xf32> to vector<256x128xf32>
    %add3A_84 = arith.addf %slice3A_82, %slice3A_83 : vector<256x128xf32>
    %slice3A_85 = vector.extract_strided_slice %add3A_84 {offsets = [0, 0], sizes = [256, 64], strides = [1, 1]} : vector<256x128xf32> to vector<256x64xf32>
    %slice3A_86 = vector.extract_strided_slice %add3A_84 {offsets = [0, 64], sizes = [256, 64], strides = [1, 1]} : vector<256x128xf32> to vector<256x64xf32>
    %add3A_87 = arith.addf %slice3A_85, %slice3A_86 : vector<256x64xf32>
    %slice3A_88 = vector.extract_strided_slice %add3A_87 {offsets = [0, 0], sizes = [256, 32], strides = [1, 1]} : vector<256x64xf32> to vector<256x32xf32>
    %slice3A_89 = vector.extract_strided_slice %add3A_87 {offsets = [0, 32], sizes = [256, 32], strides = [1, 1]} : vector<256x64xf32> to vector<256x32xf32>
    %add3A_90 = arith.addf %slice3A_88, %slice3A_89 : vector<256x32xf32>
    %swap3A_91 = arith.constant 1 : index
    %swap3A_92 = arith.constant 0 : index
    %swap3A_93 = arith.constant 0 : index
    %swap3A_94 = vector.load %arg8[%swap3A_91, %swap3A_92, %swap3A_93] : memref<2x256x32xf32, #tpu.memory_space<vmem>>, vector<1x256x32xf32>
    %swap3A_95 = vector.shape_cast %swap3A_94 : vector<1x256x32xf32> to vector<256x32xf32>
    %swap3A_96 = vector.shape_cast %add3A_90 : vector<256x32xf32> to vector<1x256x32xf32>
    tpu.vector_store %arg8[%swap3A_91, %swap3A_92, %swap3A_93], %swap3A_96 {strides = array<i32>} : memref<2x256x32xf32, #tpu.memory_space<vmem>>, vector<1x256x32xf32>,
    return
  }
  func.func @transform_0(%arg0: i32) -> (i32, i32) {
    %c0_i32 = arith.constant 0 : i32
    %c0_i32_0 = arith.constant 0 : i32
    return %arg0, %c0_i32 : i32, i32
  }
  func.func @transform_1(%arg0: i32) -> (i32, i32, i32) {
    %c0_i32 = arith.constant 0 : i32
    %c0_i32_0 = arith.constant 0 : i32
    %c0_i32_1 = arith.constant 0 : i32
    return %c0_i32, %arg0, %c0_i32_0 : i32, i32, i32
  }
  func.func @transform_2(%arg0: i32) -> (i32, i32) {
    %c0_i32 = arith.constant 0 : i32
    %c0_i32_0 = arith.constant 0 : i32
    %c0_i32_1 = arith.constant 0 : i32
    return %c0_i32, %c0_i32_0 : i32, i32
  }
  func.func @transform_3(%arg0: i32) -> i32 {
    %c0_i32 = arith.constant 0 : i32
    %c0_i32_0 = arith.constant 0 : i32
    return %c0_i32 : i32
  }
  func.func @transform_4(%arg0: i32) -> (i32, i32) {
    %c0_i32 = arith.constant 0 : i32
    %c0_i32_0 = arith.constant 0 : i32
    %c0_i32_1 = arith.constant 0 : i32
    return %c0_i32, %c0_i32_0 : i32, i32
  }
  func.func @transform_5(%arg0: i32) -> i32 {
    %c0_i32 = arith.constant 0 : i32
    %c0_i32_0 = arith.constant 0 : i32
    return %c0_i32 : i32
  }
  func.func @transform_6(%arg0: i32) -> (i32, i32) {
    %c0_i32 = arith.constant 0 : i32
    %c0_i32_0 = arith.constant 0 : i32
    %c0_i32_1 = arith.constant 0 : i32
    return %c0_i32, %c0_i32_0 : i32, i32
  }
  func.func @transform_7(%arg0: i32) -> (i32, i32, i32) {
    %c0_i32 = arith.constant 0 : i32
    %c0_i32_0 = arith.constant 0 : i32
    %c0_i32_1 = arith.constant 0 : i32
    return %c0_i32, %arg0, %c0_i32_0 : i32, i32, i32
  }
}

module attributes {stable_mosaic.version = 14 : i64} {
  func.func @body(%arg0: i32, %arg1: memref<2048x32xf32, #tpu.memory_space<vmem>>, %arg2: memref<2x1x2048x32xf32, #tpu.memory_space<vmem>>, %arg3: memref<32x32xf32, #tpu.memory_space<vmem>>, %arg4: memref<32xf32, #tpu.memory_space<vmem>>, %arg5: memref<2048x32xf32, #tpu.memory_space<vmem>>) attributes {dimension_semantics = [#tpu.dimension_semantics<arbitrary>], iteration_bounds = array<i64: 10>, scalar_prefetch = 0 : i64, scratch_operands = 0 : i64, tpu.core_type = #tpu.core_type<tc>, window_params = [{transform_indices = @transform_0, window_bounds = array<i64: 2048, 32>}, {transform_indices = @transform_1, window_bounds = array<i64: 2, 1, 2048, 32>}, {pipeline_mode = #tpu.pipeline_mode<synchronous>, transform_indices = @transform_2, window_bounds = array<i64: 32, 32>}, {pipeline_mode = #tpu.pipeline_mode<synchronous>, transform_indices = @transform_3, window_bounds = array<i64: 32>}, {transform_indices = @transform_4, window_bounds = array<i64: 2048, 32>}]} {
    %get3A = arith.constant 0 : index
    %get3A_0 = arith.constant 0 : index
    %get3A_1 = arith.constant 0 : index
    %get3A_2 = arith.constant 0 : index
    %get3A_3 = vector.load %arg2[%get3A, %get3A_0, %get3A_1, %get3A_2] : memref<2x1x2048x32xf32, #tpu.memory_space<vmem>>, vector<1x1x2048x32xf32>
    %get3A_4 = vector.shape_cast %get3A_3 : vector<1x1x2048x32xf32> to vector<2048x32xf32>
    %get3A_5 = arith.constant 1 : index
    %get3A_6 = arith.constant 0 : index
    %get3A_7 = arith.constant 0 : index
    %get3A_8 = arith.constant 0 : index
    %get3A_9 = vector.load %arg2[%get3A_5, %get3A_6, %get3A_7, %get3A_8] : memref<2x1x2048x32xf32, #tpu.memory_space<vmem>>, vector<1x1x2048x32xf32>
    %get3A_10 = vector.shape_cast %get3A_9 : vector<1x1x2048x32xf32> to vector<2048x32xf32>
    %add3A = arith.addf %get3A_4, %get3A_10 : vector<2048x32xf32>
    %get3A_11 = arith.constant 0 : index
    %get3A_12 = arith.constant 0 : index
    %get3A_13 = vector.load %arg1[%get3A_11, %get3A_12] : memref<2048x32xf32, #tpu.memory_space<vmem>>, vector<2048x32xf32>
    %get3A_14 = arith.constant 0 : index
    %get3A_15 = arith.constant 0 : index
    %get3A_16 = vector.load %arg3[%get3A_14, %get3A_15] : memref<32x32xf32, #tpu.memory_space<vmem>>, vector<32x32xf32>
    %dot_general3A = arith.constant dense<0.000000e+00> : vector<2048x32xf32>
    %dot_general3A_17 = tpu.matmul %get3A_13, %get3A_16, %dot_general3A {dimension_numbers = #tpu.dot_dimension_numbers<[1], [0], [0], [1], [0, 0, 1, 1], [], []>, transpose_lhs_hint = false} : vector<2048x32xf32>, vector<32x32xf32>, vector<2048x32xf32> -> vector<2048x32xf32>
    %add3A_18 = arith.addf %add3A, %dot_general3A_17 : vector<2048x32xf32>
    %get3A_19 = arith.constant 0 : index
    %get3A_20 = vector.load %arg4[%get3A_19] : memref<32xf32, #tpu.memory_space<vmem>>, vector<32xf32>
    %broadcast_in_dim3A = vector.shape_cast %get3A_20 : vector<32xf32> to vector<1x32xf32>
    %add3A_21 = vector.broadcast %broadcast_in_dim3A : vector<1x32xf32> to vector<2048x32xf32>
    %add3A_22 = arith.addf %add3A_18, %add3A_21 : vector<2048x32xf32>
    %gt3A = arith.constant 0.000000e+00 : f32
    %gt3A_23 = vector.broadcast %gt3A : f32 to vector<2048x32xf32>
    %gt3A_24 = arith.cmpf ogt, %add3A_22, %gt3A_23 : vector<2048x32xf32>
    %exp3A = math.exp %add3A_22 : vector<2048x32xf32>
    %sub3A = arith.constant 1.000000e+00 : f32
    %sub3A_25 = vector.broadcast %sub3A : f32 to vector<2048x32xf32>
    %sub3A_26 = arith.subf %exp3A, %sub3A_25 : vector<2048x32xf32>
    %select_n3A = arith.select %gt3A_24, %add3A_22, %sub3A_26 : vector<2048x32xi1>, vector<2048x32xf32>
    %swap3A = arith.constant 0 : index
    %swap3A_27 = arith.constant 0 : index
    %swap3A_28 = vector.load %arg5[%swap3A, %swap3A_27] : memref<2048x32xf32, #tpu.memory_space<vmem>>, vector<2048x32xf32>
    tpu.vector_store %arg5[%swap3A, %swap3A_27], %select_n3A {strides = array<i32>} : memref<2048x32xf32, #tpu.memory_space<vmem>>, vector<2048x32xf32>,
    return
  }
  func.func @transform_0(%arg0: i32) -> (i32, i32) {
    %c0_i32 = arith.constant 0 : i32
    %c0_i32_0 = arith.constant 0 : i32
    return %arg0, %c0_i32 : i32, i32
  }
  func.func @transform_1(%arg0: i32) -> (i32, i32, i32, i32) {
    %c0_i32 = arith.constant 0 : i32
    %c0_i32_0 = arith.constant 0 : i32
    %c0_i32_1 = arith.constant 0 : i32
    %c0_i32_2 = arith.constant 0 : i32
    return %c0_i32, %c0_i32_0, %arg0, %c0_i32_1 : i32, i32, i32, i32
  }
  func.func @transform_2(%arg0: i32) -> (i32, i32) {
    %c0_i32 = arith.constant 0 : i32
    %c0_i32_0 = arith.constant 0 : i32
    %c0_i32_1 = arith.constant 0 : i32
    return %c0_i32, %c0_i32_0 : i32, i32
  }
  func.func @transform_3(%arg0: i32) -> i32 {
    %c0_i32 = arith.constant 0 : i32
    %c0_i32_0 = arith.constant 0 : i32
    return %c0_i32 : i32
  }
  func.func @transform_4(%arg0: i32) -> (i32, i32) {
    %c0_i32 = arith.constant 0 : i32
    %c0_i32_0 = arith.constant 0 : i32
    return %arg0, %c0_i32 : i32, i32
  }
}

module attributes {stable_mosaic.version = 14 : i64} {
  func.func @body(%arg0: i32, %arg1: memref<256x5xf32, #tpu.memory_space<vmem>>, %arg2: memref<2x256x32xf32, #tpu.memory_space<vmem>>, %arg3: memref<5x128xf32, #tpu.memory_space<vmem>>, %arg4: memref<128xf32, #tpu.memory_space<vmem>>, %arg5: memref<128x2048xf32, #tpu.memory_space<vmem>>, %arg6: memref<2048xf32, #tpu.memory_space<vmem>>, %arg7: memref<64x2048xf32, #tpu.memory_space<vmem>>, %arg8: memref<2x256x64xf32, #tpu.memory_space<vmem>>) attributes {dimension_semantics = [#tpu.dimension_semantics<arbitrary>], iteration_bounds = array<i64: 80>, scalar_prefetch = 0 : i64, scratch_operands = 0 : i64, tpu.core_type = #tpu.core_type<tc>, window_params = [{transform_indices = @transform_0, window_bounds = array<i64: 256, 5>}, {transform_indices = @transform_1, window_bounds = array<i64: 2, 256, 32>}, {pipeline_mode = #tpu.pipeline_mode<synchronous>, transform_indices = @transform_2, window_bounds = array<i64: 5, 128>}, {pipeline_mode = #tpu.pipeline_mode<synchronous>, transform_indices = @transform_3, window_bounds = array<i64: 128>}, {pipeline_mode = #tpu.pipeline_mode<synchronous>, transform_indices = @transform_4, window_bounds = array<i64: 128, 2048>}, {pipeline_mode = #tpu.pipeline_mode<synchronous>, transform_indices = @transform_5, window_bounds = array<i64: 2048>}, {pipeline_mode = #tpu.pipeline_mode<synchronous>, transform_indices = @transform_6, window_bounds = array<i64: 64, 2048>}, {transform_indices = @transform_7, window_bounds = array<i64: 2, 256, 64>}]} {
    %get3A = arith.constant 0 : index
    %get3A_0 = arith.constant 0 : index
    %get3A_1 = vector.load %arg1[%get3A, %get3A_0] : memref<256x5xf32, #tpu.memory_space<vmem>>, vector<256x5xf32>
    %get3A_2 = arith.constant 0 : index
    %get3A_3 = arith.constant 0 : index
    %get3A_4 = vector.load %arg3[%get3A_2, %get3A_3] : memref<5x128xf32, #tpu.memory_space<vmem>>, vector<5x128xf32>
    %dot_general3A = arith.constant dense<0.000000e+00> : vector<256x128xf32>
    %dot_general3A_5 = tpu.matmul %get3A_1, %get3A_4, %dot_general3A {dimension_numbers = #tpu.dot_dimension_numbers<[1], [0], [0], [1], [0, 0, 1, 1], [], []>, transpose_lhs_hint = false} : vector<256x5xf32>, vector<5x128xf32>, vector<256x128xf32> -> vector<256x128xf32>
    %get3A_6 = arith.constant 0 : index
    %get3A_7 = vector.load %arg4[%get3A_6] : memref<128xf32, #tpu.memory_space<vmem>>, vector<128xf32>
    %broadcast_in_dim3A = vector.shape_cast %get3A_7 : vector<128xf32> to vector<1x128xf32>
    %add3A = vector.broadcast %broadcast_in_dim3A : vector<1x128xf32> to vector<256x128xf32>
    %add3A_8 = arith.addf %dot_general3A_5, %add3A : vector<256x128xf32>
    %max3A = arith.constant 0.000000e+00 : f32
    %max3A_9 = vector.broadcast %max3A : f32 to vector<256x128xf32>
    %max3A_10 = arith.maximumf %add3A_8, %max3A_9 : vector<256x128xf32>
    %get3A_11 = arith.constant 0 : index
    %get3A_12 = arith.constant 0 : index
    %get3A_13 = vector.load %arg5[%get3A_11, %get3A_12] : memref<128x2048xf32, #tpu.memory_space<vmem>>, vector<128x2048xf32>
    %dot_general3A_14 = arith.constant dense<0.000000e+00> : vector<256x2048xf32>
    %dot_general3A_15 = tpu.matmul %max3A_10, %get3A_13, %dot_general3A_14 {dimension_numbers = #tpu.dot_dimension_numbers<[1], [0], [0], [1], [0, 0, 1, 1], [], []>, transpose_lhs_hint = false} : vector<256x128xf32>, vector<128x2048xf32>, vector<256x2048xf32> -> vector<256x2048xf32>
    %get3A_16 = arith.constant 0 : index
    %get3A_17 = vector.load %arg6[%get3A_16] : memref<2048xf32, #tpu.memory_space<vmem>>, vector<2048xf32>
    %broadcast_in_dim3A_18 = vector.shape_cast %get3A_17 : vector<2048xf32> to vector<1x2048xf32>
    %add3A_19 = vector.broadcast %broadcast_in_dim3A_18 : vector<1x2048xf32> to vector<256x2048xf32>
    %add3A_20 = arith.addf %dot_general3A_15, %add3A_19 : vector<256x2048xf32>
    %get3A_21 = arith.constant 0 : index
    %get3A_22 = arith.constant 0 : index
    %get3A_23 = arith.constant 0 : index
    %get3A_24 = vector.load %arg2[%get3A_21, %get3A_22, %get3A_23] : memref<2x256x32xf32, #tpu.memory_space<vmem>>, vector<1x256x32xf32>
    %get3A_25 = vector.shape_cast %get3A_24 : vector<1x256x32xf32> to vector<256x32xf32>
    %convert_element_type3A = arith.truncf %get3A_25 : vector<256x32xf32> to vector<256x32xbf16>
    %convert_element_type3A_26 = arith.extf %convert_element_type3A : vector<256x32xbf16> to vector<256x32xf32>
    %get3A_27 = arith.constant 0 : index
    %get3A_28 = arith.constant 0 : index
    %get3A_29 = arith.constant 0 : index
    %get3A_30 = vector.load %arg2[%get3A_27, %get3A_28, %get3A_29] : memref<2x256x32xf32, #tpu.memory_space<vmem>>, vector<1x256x32xf32>
    %get3A_31 = vector.shape_cast %get3A_30 : vector<1x256x32xf32> to vector<256x32xf32>
    %sub3A = arith.subf %get3A_31, %convert_element_type3A_26 : vector<256x32xf32>
    %concatenate3A = tpu.concatenate %convert_element_type3A_26, %sub3A in 1 : vector<256x32xf32>, vector<256x32xf32> -> vector<256x64xf32>
    %get3A_32 = arith.constant 0 : index
    %get3A_33 = arith.constant 0 : index
    %get3A_34 = vector.load %arg7[%get3A_32, %get3A_33] : memref<64x2048xf32, #tpu.memory_space<vmem>>, vector<64x2048xf32>
    %dot_general3A_35 = arith.constant dense<0.000000e+00> : vector<256x2048xf32>
    %dot_general3A_36 = tpu.matmul %concatenate3A, %get3A_34, %dot_general3A_35 {dimension_numbers = #tpu.dot_dimension_numbers<[1], [0], [0], [1], [0, 0, 1, 1], [], []>, transpose_lhs_hint = false} : vector<256x64xf32>, vector<64x2048xf32>, vector<256x2048xf32> -> vector<256x2048xf32>
    %mul3A = arith.mulf %dot_general3A_36, %add3A_20 : vector<256x2048xf32>
    %slice3A = vector.extract_strided_slice %mul3A {offsets = [0, 0], sizes = [256, 1024], strides = [1, 1]} : vector<256x2048xf32> to vector<256x1024xf32>
    %slice3A_37 = vector.extract_strided_slice %mul3A {offsets = [0, 1024], sizes = [256, 1024], strides = [1, 1]} : vector<256x2048xf32> to vector<256x1024xf32>
    %add3A_38 = arith.addf %slice3A, %slice3A_37 : vector<256x1024xf32>
    %slice3A_39 = vector.extract_strided_slice %add3A_38 {offsets = [0, 0], sizes = [256, 512], strides = [1, 1]} : vector<256x1024xf32> to vector<256x512xf32>
    %slice3A_40 = vector.extract_strided_slice %add3A_38 {offsets = [0, 512], sizes = [256, 512], strides = [1, 1]} : vector<256x1024xf32> to vector<256x512xf32>
    %add3A_41 = arith.addf %slice3A_39, %slice3A_40 : vector<256x512xf32>
    %slice3A_42 = vector.extract_strided_slice %add3A_41 {offsets = [0, 0], sizes = [256, 256], strides = [1, 1]} : vector<256x512xf32> to vector<256x256xf32>
    %slice3A_43 = vector.extract_strided_slice %add3A_41 {offsets = [0, 256], sizes = [256, 256], strides = [1, 1]} : vector<256x512xf32> to vector<256x256xf32>
    %add3A_44 = arith.addf %slice3A_42, %slice3A_43 : vector<256x256xf32>
    %slice3A_45 = vector.extract_strided_slice %add3A_44 {offsets = [0, 0], sizes = [256, 128], strides = [1, 1]} : vector<256x256xf32> to vector<256x128xf32>
    %slice3A_46 = vector.extract_strided_slice %add3A_44 {offsets = [0, 128], sizes = [256, 128], strides = [1, 1]} : vector<256x256xf32> to vector<256x128xf32>
    %add3A_47 = arith.addf %slice3A_45, %slice3A_46 : vector<256x128xf32>
    %slice3A_48 = vector.extract_strided_slice %add3A_47 {offsets = [0, 0], sizes = [256, 64], strides = [1, 1]} : vector<256x128xf32> to vector<256x64xf32>
    %slice3A_49 = vector.extract_strided_slice %add3A_47 {offsets = [0, 64], sizes = [256, 64], strides = [1, 1]} : vector<256x128xf32> to vector<256x64xf32>
    %add3A_50 = arith.addf %slice3A_48, %slice3A_49 : vector<256x64xf32>
    %swap3A = arith.constant 0 : index
    %swap3A_51 = arith.constant 0 : index
    %swap3A_52 = arith.constant 0 : index
    %swap3A_53 = vector.load %arg8[%swap3A, %swap3A_51, %swap3A_52] : memref<2x256x64xf32, #tpu.memory_space<vmem>>, vector<1x256x64xf32>
    %swap3A_54 = vector.shape_cast %swap3A_53 : vector<1x256x64xf32> to vector<256x64xf32>
    %swap3A_55 = vector.shape_cast %add3A_50 : vector<256x64xf32> to vector<1x256x64xf32>
    tpu.vector_store %arg8[%swap3A, %swap3A_51, %swap3A_52], %swap3A_55 {strides = array<i32>} : memref<2x256x64xf32, #tpu.memory_space<vmem>>, vector<1x256x64xf32>,
    %get3A_56 = arith.constant 1 : index
    %get3A_57 = arith.constant 0 : index
    %get3A_58 = arith.constant 0 : index
    %get3A_59 = vector.load %arg2[%get3A_56, %get3A_57, %get3A_58] : memref<2x256x32xf32, #tpu.memory_space<vmem>>, vector<1x256x32xf32>
    %get3A_60 = vector.shape_cast %get3A_59 : vector<1x256x32xf32> to vector<256x32xf32>
    %convert_element_type3A_61 = arith.truncf %get3A_60 : vector<256x32xf32> to vector<256x32xbf16>
    %convert_element_type3A_62 = arith.extf %convert_element_type3A_61 : vector<256x32xbf16> to vector<256x32xf32>
    %get3A_63 = arith.constant 1 : index
    %get3A_64 = arith.constant 0 : index
    %get3A_65 = arith.constant 0 : index
    %get3A_66 = vector.load %arg2[%get3A_63, %get3A_64, %get3A_65] : memref<2x256x32xf32, #tpu.memory_space<vmem>>, vector<1x256x32xf32>
    %get3A_67 = vector.shape_cast %get3A_66 : vector<1x256x32xf32> to vector<256x32xf32>
    %sub3A_68 = arith.subf %get3A_67, %convert_element_type3A_62 : vector<256x32xf32>
    %concatenate3A_69 = tpu.concatenate %convert_element_type3A_62, %sub3A_68 in 1 : vector<256x32xf32>, vector<256x32xf32> -> vector<256x64xf32>
    %get3A_70 = arith.constant 0 : index
    %get3A_71 = arith.constant 0 : index
    %get3A_72 = vector.load %arg7[%get3A_70, %get3A_71] : memref<64x2048xf32, #tpu.memory_space<vmem>>, vector<64x2048xf32>
    %dot_general3A_73 = arith.constant dense<0.000000e+00> : vector<256x2048xf32>
    %dot_general3A_74 = tpu.matmul %concatenate3A_69, %get3A_72, %dot_general3A_73 {dimension_numbers = #tpu.dot_dimension_numbers<[1], [0], [0], [1], [0, 0, 1, 1], [], []>, transpose_lhs_hint = false} : vector<256x64xf32>, vector<64x2048xf32>, vector<256x2048xf32> -> vector<256x2048xf32>
    %mul3A_75 = arith.mulf %dot_general3A_74, %add3A_20 : vector<256x2048xf32>
    %slice3A_76 = vector.extract_strided_slice %mul3A_75 {offsets = [0, 0], sizes = [256, 1024], strides = [1, 1]} : vector<256x2048xf32> to vector<256x1024xf32>
    %slice3A_77 = vector.extract_strided_slice %mul3A_75 {offsets = [0, 1024], sizes = [256, 1024], strides = [1, 1]} : vector<256x2048xf32> to vector<256x1024xf32>
    %add3A_78 = arith.addf %slice3A_76, %slice3A_77 : vector<256x1024xf32>
    %slice3A_79 = vector.extract_strided_slice %add3A_78 {offsets = [0, 0], sizes = [256, 512], strides = [1, 1]} : vector<256x1024xf32> to vector<256x512xf32>
    %slice3A_80 = vector.extract_strided_slice %add3A_78 {offsets = [0, 512], sizes = [256, 512], strides = [1, 1]} : vector<256x1024xf32> to vector<256x512xf32>
    %add3A_81 = arith.addf %slice3A_79, %slice3A_80 : vector<256x512xf32>
    %slice3A_82 = vector.extract_strided_slice %add3A_81 {offsets = [0, 0], sizes = [256, 256], strides = [1, 1]} : vector<256x512xf32> to vector<256x256xf32>
    %slice3A_83 = vector.extract_strided_slice %add3A_81 {offsets = [0, 256], sizes = [256, 256], strides = [1, 1]} : vector<256x512xf32> to vector<256x256xf32>
    %add3A_84 = arith.addf %slice3A_82, %slice3A_83 : vector<256x256xf32>
    %slice3A_85 = vector.extract_strided_slice %add3A_84 {offsets = [0, 0], sizes = [256, 128], strides = [1, 1]} : vector<256x256xf32> to vector<256x128xf32>
    %slice3A_86 = vector.extract_strided_slice %add3A_84 {offsets = [0, 128], sizes = [256, 128], strides = [1, 1]} : vector<256x256xf32> to vector<256x128xf32>
    %add3A_87 = arith.addf %slice3A_85, %slice3A_86 : vector<256x128xf32>
    %slice3A_88 = vector.extract_strided_slice %add3A_87 {offsets = [0, 0], sizes = [256, 64], strides = [1, 1]} : vector<256x128xf32> to vector<256x64xf32>
    %slice3A_89 = vector.extract_strided_slice %add3A_87 {offsets = [0, 64], sizes = [256, 64], strides = [1, 1]} : vector<256x128xf32> to vector<256x64xf32>
    %add3A_90 = arith.addf %slice3A_88, %slice3A_89 : vector<256x64xf32>
    %swap3A_91 = arith.constant 1 : index
    %swap3A_92 = arith.constant 0 : index
    %swap3A_93 = arith.constant 0 : index
    %swap3A_94 = vector.load %arg8[%swap3A_91, %swap3A_92, %swap3A_93] : memref<2x256x64xf32, #tpu.memory_space<vmem>>, vector<1x256x64xf32>
    %swap3A_95 = vector.shape_cast %swap3A_94 : vector<1x256x64xf32> to vector<256x64xf32>
    %swap3A_96 = vector.shape_cast %add3A_90 : vector<256x64xf32> to vector<1x256x64xf32>
    tpu.vector_store %arg8[%swap3A_91, %swap3A_92, %swap3A_93], %swap3A_96 {strides = array<i32>} : memref<2x256x64xf32, #tpu.memory_space<vmem>>, vector<1x256x64xf32>,
    return
  }
  func.func @transform_0(%arg0: i32) -> (i32, i32) {
    %c0_i32 = arith.constant 0 : i32
    %c0_i32_0 = arith.constant 0 : i32
    return %arg0, %c0_i32 : i32, i32
  }
  func.func @transform_1(%arg0: i32) -> (i32, i32, i32) {
    %c0_i32 = arith.constant 0 : i32
    %c0_i32_0 = arith.constant 0 : i32
    %c0_i32_1 = arith.constant 0 : i32
    return %c0_i32, %arg0, %c0_i32_0 : i32, i32, i32
  }
  func.func @transform_2(%arg0: i32) -> (i32, i32) {
    %c0_i32 = arith.constant 0 : i32
    %c0_i32_0 = arith.constant 0 : i32
    %c0_i32_1 = arith.constant 0 : i32
    return %c0_i32, %c0_i32_0 : i32, i32
  }
  func.func @transform_3(%arg0: i32) -> i32 {
    %c0_i32 = arith.constant 0 : i32
    %c0_i32_0 = arith.constant 0 : i32
    return %c0_i32 : i32
  }
  func.func @transform_4(%arg0: i32) -> (i32, i32) {
    %c0_i32 = arith.constant 0 : i32
    %c0_i32_0 = arith.constant 0 : i32
    %c0_i32_1 = arith.constant 0 : i32
    return %c0_i32, %c0_i32_0 : i32, i32
  }
  func.func @transform_5(%arg0: i32) -> i32 {
    %c0_i32 = arith.constant 0 : i32
    %c0_i32_0 = arith.constant 0 : i32
    return %c0_i32 : i32
  }
  func.func @transform_6(%arg0: i32) -> (i32, i32) {
    %c0_i32 = arith.constant 0 : i32
    %c0_i32_0 = arith.constant 0 : i32
    %c0_i32_1 = arith.constant 0 : i32
    return %c0_i32, %c0_i32_0 : i32, i32
  }
  func.func @transform_7(%arg0: i32) -> (i32, i32, i32) {
    %c0_i32 = arith.constant 0 : i32
    %c0_i32_0 = arith.constant 0 : i32
    %c0_i32_1 = arith.constant 0 : i32
    return %c0_i32, %arg0, %c0_i32_0 : i32, i32, i32
  }
}

module attributes {stable_mosaic.version = 14 : i64} {
  func.func @body(%arg0: i32, %arg1: memref<2048x32xf32, #tpu.memory_space<vmem>>, %arg2: memref<2x2x2048x32xf32, #tpu.memory_space<vmem>>, %arg3: memref<32x64xf32, #tpu.memory_space<vmem>>, %arg4: memref<64xf32, #tpu.memory_space<vmem>>, %arg5: memref<2048x64xf32, #tpu.memory_space<vmem>>) attributes {dimension_semantics = [#tpu.dimension_semantics<arbitrary>], iteration_bounds = array<i64: 10>, scalar_prefetch = 0 : i64, scratch_operands = 0 : i64, tpu.core_type = #tpu.core_type<tc>, window_params = [{transform_indices = @transform_0, window_bounds = array<i64: 2048, 32>}, {transform_indices = @transform_1, window_bounds = array<i64: 2, 2, 2048, 32>}, {pipeline_mode = #tpu.pipeline_mode<synchronous>, transform_indices = @transform_2, window_bounds = array<i64: 32, 64>}, {pipeline_mode = #tpu.pipeline_mode<synchronous>, transform_indices = @transform_3, window_bounds = array<i64: 64>}, {transform_indices = @transform_4, window_bounds = array<i64: 2048, 64>}]} {
    %get3A = arith.constant 0 : index
    %get3A_0 = arith.constant 0 : index
    %get3A_1 = arith.constant 0 : index
    %get3A_2 = arith.constant 0 : index
    %get3A_3 = vector.load %arg2[%get3A, %get3A_0, %get3A_1, %get3A_2] : memref<2x2x2048x32xf32, #tpu.memory_space<vmem>>, vector<1x1x2048x32xf32>
    %get3A_4 = vector.shape_cast %get3A_3 : vector<1x1x2048x32xf32> to vector<2048x32xf32>
    %get3A_5 = arith.constant 1 : index
    %get3A_6 = arith.constant 0 : index
    %get3A_7 = arith.constant 0 : index
    %get3A_8 = arith.constant 0 : index
    %get3A_9 = vector.load %arg2[%get3A_5, %get3A_6, %get3A_7, %get3A_8] : memref<2x2x2048x32xf32, #tpu.memory_space<vmem>>, vector<1x1x2048x32xf32>
    %get3A_10 = vector.shape_cast %get3A_9 : vector<1x1x2048x32xf32> to vector<2048x32xf32>
    %add3A = arith.addf %get3A_4, %get3A_10 : vector<2048x32xf32>
    %get3A_11 = arith.constant 0 : index
    %get3A_12 = arith.constant 1 : index
    %get3A_13 = arith.constant 0 : index
    %get3A_14 = arith.constant 0 : index
    %get3A_15 = vector.load %arg2[%get3A_11, %get3A_12, %get3A_13, %get3A_14] : memref<2x2x2048x32xf32, #tpu.memory_space<vmem>>, vector<1x1x2048x32xf32>
    %get3A_16 = vector.shape_cast %get3A_15 : vector<1x1x2048x32xf32> to vector<2048x32xf32>
    %get3A_17 = arith.constant 1 : index
    %get3A_18 = arith.constant 1 : index
    %get3A_19 = arith.constant 0 : index
    %get3A_20 = arith.constant 0 : index
    %get3A_21 = vector.load %arg2[%get3A_17, %get3A_18, %get3A_19, %get3A_20] : memref<2x2x2048x32xf32, #tpu.memory_space<vmem>>, vector<1x1x2048x32xf32>
    %get3A_22 = vector.shape_cast %get3A_21 : vector<1x1x2048x32xf32> to vector<2048x32xf32>
    %add3A_23 = arith.addf %get3A_16, %get3A_22 : vector<2048x32xf32>
    %concatenate3A = tpu.concatenate %add3A, %add3A_23 in 1 : vector<2048x32xf32>, vector<2048x32xf32> -> vector<2048x64xf32>
    %get3A_24 = arith.constant 0 : index
    %get3A_25 = arith.constant 0 : index
    %get3A_26 = vector.load %arg1[%get3A_24, %get3A_25] : memref<2048x32xf32, #tpu.memory_space<vmem>>, vector<2048x32xf32>
    %get3A_27 = arith.constant 0 : index
    %get3A_28 = arith.constant 0 : index
    %get3A_29 = vector.load %arg3[%get3A_27, %get3A_28] : memref<32x64xf32, #tpu.memory_space<vmem>>, vector<32x64xf32>
    %dot_general3A = arith.constant dense<0.000000e+00> : vector<2048x64xf32>
    %dot_general3A_30 = tpu.matmul %get3A_26, %get3A_29, %dot_general3A {dimension_numbers = #tpu.dot_dimension_numbers<[1], [0], [0], [1], [0, 0, 1, 1], [], []>, transpose_lhs_hint = false} : vector<2048x32xf32>, vector<32x64xf32>, vector<2048x64xf32> -> vector<2048x64xf32>
    %add3A_31 = arith.addf %concatenate3A, %dot_general3A_30 : vector<2048x64xf32>
    %get3A_32 = arith.constant 0 : index
    %get3A_33 = vector.load %arg4[%get3A_32] : memref<64xf32, #tpu.memory_space<vmem>>, vector<64xf32>
    %broadcast_in_dim3A = vector.shape_cast %get3A_33 : vector<64xf32> to vector<1x64xf32>
    %add3A_34 = vector.broadcast %broadcast_in_dim3A : vector<1x64xf32> to vector<2048x64xf32>
    %add3A_35 = arith.addf %add3A_31, %add3A_34 : vector<2048x64xf32>
    %gt3A = arith.constant 0.000000e+00 : f32
    %gt3A_36 = vector.broadcast %gt3A : f32 to vector<2048x64xf32>
    %gt3A_37 = arith.cmpf ogt, %add3A_35, %gt3A_36 : vector<2048x64xf32>
    %exp3A = math.exp %add3A_35 : vector<2048x64xf32>
    %sub3A = arith.constant 1.000000e+00 : f32
    %sub3A_38 = vector.broadcast %sub3A : f32 to vector<2048x64xf32>
    %sub3A_39 = arith.subf %exp3A, %sub3A_38 : vector<2048x64xf32>
    %select_n3A = arith.select %gt3A_37, %add3A_35, %sub3A_39 : vector<2048x64xi1>, vector<2048x64xf32>
    %swap3A = arith.constant 0 : index
    %swap3A_40 = arith.constant 0 : index
    %swap3A_41 = vector.load %arg5[%swap3A, %swap3A_40] : memref<2048x64xf32, #tpu.memory_space<vmem>>, vector<2048x64xf32>
    tpu.vector_store %arg5[%swap3A, %swap3A_40], %select_n3A {strides = array<i32>} : memref<2048x64xf32, #tpu.memory_space<vmem>>, vector<2048x64xf32>,
    return
  }
  func.func @transform_0(%arg0: i32) -> (i32, i32) {
    %c0_i32 = arith.constant 0 : i32
    %c0_i32_0 = arith.constant 0 : i32
    return %arg0, %c0_i32 : i32, i32
  }
  func.func @transform_1(%arg0: i32) -> (i32, i32, i32, i32) {
    %c0_i32 = arith.constant 0 : i32
    %c0_i32_0 = arith.constant 0 : i32
    %c0_i32_1 = arith.constant 0 : i32
    %c0_i32_2 = arith.constant 0 : i32
    return %c0_i32, %c0_i32_0, %arg0, %c0_i32_1 : i32, i32, i32, i32
  }
  func.func @transform_2(%arg0: i32) -> (i32, i32) {
    %c0_i32 = arith.constant 0 : i32
    %c0_i32_0 = arith.constant 0 : i32
    %c0_i32_1 = arith.constant 0 : i32
    return %c0_i32, %c0_i32_0 : i32, i32
  }
  func.func @transform_3(%arg0: i32) -> i32 {
    %c0_i32 = arith.constant 0 : i32
    %c0_i32_0 = arith.constant 0 : i32
    return %c0_i32 : i32
  }
  func.func @transform_4(%arg0: i32) -> (i32, i32) {
    %c0_i32 = arith.constant 0 : i32
    %c0_i32_0 = arith.constant 0 : i32
    return %arg0, %c0_i32 : i32, i32
  }
}

module attributes {stable_mosaic.version = 14 : i64} {
  func.func @body(%arg0: i32, %arg1: memref<256x5xf32, #tpu.memory_space<vmem>>, %arg2: memref<2x256x64xf32, #tpu.memory_space<vmem>>, %arg3: memref<5x128xf32, #tpu.memory_space<vmem>>, %arg4: memref<128xf32, #tpu.memory_space<vmem>>, %arg5: memref<128x4096xf32, #tpu.memory_space<vmem>>, %arg6: memref<4096xf32, #tpu.memory_space<vmem>>, %arg7: memref<128x4096xf32, #tpu.memory_space<vmem>>, %arg8: memref<2x256x64xf32, #tpu.memory_space<vmem>>) attributes {dimension_semantics = [#tpu.dimension_semantics<arbitrary>], iteration_bounds = array<i64: 80>, scalar_prefetch = 0 : i64, scratch_operands = 0 : i64, tpu.core_type = #tpu.core_type<tc>, window_params = [{transform_indices = @transform_0, window_bounds = array<i64: 256, 5>}, {transform_indices = @transform_1, window_bounds = array<i64: 2, 256, 64>}, {pipeline_mode = #tpu.pipeline_mode<synchronous>, transform_indices = @transform_2, window_bounds = array<i64: 5, 128>}, {pipeline_mode = #tpu.pipeline_mode<synchronous>, transform_indices = @transform_3, window_bounds = array<i64: 128>}, {pipeline_mode = #tpu.pipeline_mode<synchronous>, transform_indices = @transform_4, window_bounds = array<i64: 128, 4096>}, {pipeline_mode = #tpu.pipeline_mode<synchronous>, transform_indices = @transform_5, window_bounds = array<i64: 4096>}, {pipeline_mode = #tpu.pipeline_mode<synchronous>, transform_indices = @transform_6, window_bounds = array<i64: 128, 4096>}, {transform_indices = @transform_7, window_bounds = array<i64: 2, 256, 64>}]} {
    %get3A = arith.constant 0 : index
    %get3A_0 = arith.constant 0 : index
    %get3A_1 = vector.load %arg1[%get3A, %get3A_0] : memref<256x5xf32, #tpu.memory_space<vmem>>, vector<256x5xf32>
    %get3A_2 = arith.constant 0 : index
    %get3A_3 = arith.constant 0 : index
    %get3A_4 = vector.load %arg3[%get3A_2, %get3A_3] : memref<5x128xf32, #tpu.memory_space<vmem>>, vector<5x128xf32>
    %dot_general3A = arith.constant dense<0.000000e+00> : vector<256x128xf32>
    %dot_general3A_5 = tpu.matmul %get3A_1, %get3A_4, %dot_general3A {dimension_numbers = #tpu.dot_dimension_numbers<[1], [0], [0], [1], [0, 0, 1, 1], [], []>, transpose_lhs_hint = false} : vector<256x5xf32>, vector<5x128xf32>, vector<256x128xf32> -> vector<256x128xf32>
    %get3A_6 = arith.constant 0 : index
    %get3A_7 = vector.load %arg4[%get3A_6] : memref<128xf32, #tpu.memory_space<vmem>>, vector<128xf32>
    %broadcast_in_dim3A = vector.shape_cast %get3A_7 : vector<128xf32> to vector<1x128xf32>
    %add3A = vector.broadcast %broadcast_in_dim3A : vector<1x128xf32> to vector<256x128xf32>
    %add3A_8 = arith.addf %dot_general3A_5, %add3A : vector<256x128xf32>
    %max3A = arith.constant 0.000000e+00 : f32
    %max3A_9 = vector.broadcast %max3A : f32 to vector<256x128xf32>
    %max3A_10 = arith.maximumf %add3A_8, %max3A_9 : vector<256x128xf32>
    %get3A_11 = arith.constant 0 : index
    %get3A_12 = arith.constant 0 : index
    %get3A_13 = vector.load %arg5[%get3A_11, %get3A_12] : memref<128x4096xf32, #tpu.memory_space<vmem>>, vector<128x4096xf32>
    %dot_general3A_14 = arith.constant dense<0.000000e+00> : vector<256x4096xf32>
    %dot_general3A_15 = tpu.matmul %max3A_10, %get3A_13, %dot_general3A_14 {dimension_numbers = #tpu.dot_dimension_numbers<[1], [0], [0], [1], [0, 0, 1, 1], [], []>, transpose_lhs_hint = false} : vector<256x128xf32>, vector<128x4096xf32>, vector<256x4096xf32> -> vector<256x4096xf32>
    %get3A_16 = arith.constant 0 : index
    %get3A_17 = vector.load %arg6[%get3A_16] : memref<4096xf32, #tpu.memory_space<vmem>>, vector<4096xf32>
    %broadcast_in_dim3A_18 = vector.shape_cast %get3A_17 : vector<4096xf32> to vector<1x4096xf32>
    %add3A_19 = vector.broadcast %broadcast_in_dim3A_18 : vector<1x4096xf32> to vector<256x4096xf32>
    %add3A_20 = arith.addf %dot_general3A_15, %add3A_19 : vector<256x4096xf32>
    %get3A_21 = arith.constant 0 : index
    %get3A_22 = arith.constant 0 : index
    %get3A_23 = arith.constant 0 : index
    %get3A_24 = vector.load %arg2[%get3A_21, %get3A_22, %get3A_23] : memref<2x256x64xf32, #tpu.memory_space<vmem>>, vector<1x256x64xf32>
    %get3A_25 = vector.shape_cast %get3A_24 : vector<1x256x64xf32> to vector<256x64xf32>
    %convert_element_type3A = arith.truncf %get3A_25 : vector<256x64xf32> to vector<256x64xbf16>
    %convert_element_type3A_26 = arith.extf %convert_element_type3A : vector<256x64xbf16> to vector<256x64xf32>
    %get3A_27 = arith.constant 0 : index
    %get3A_28 = arith.constant 0 : index
    %get3A_29 = arith.constant 0 : index
    %get3A_30 = vector.load %arg2[%get3A_27, %get3A_28, %get3A_29] : memref<2x256x64xf32, #tpu.memory_space<vmem>>, vector<1x256x64xf32>
    %get3A_31 = vector.shape_cast %get3A_30 : vector<1x256x64xf32> to vector<256x64xf32>
    %sub3A = arith.subf %get3A_31, %convert_element_type3A_26 : vector<256x64xf32>
    %concatenate3A = tpu.concatenate %convert_element_type3A_26, %sub3A in 1 : vector<256x64xf32>, vector<256x64xf32> -> vector<256x128xf32>
    %get3A_32 = arith.constant 0 : index
    %get3A_33 = arith.constant 0 : index
    %get3A_34 = vector.load %arg7[%get3A_32, %get3A_33] : memref<128x4096xf32, #tpu.memory_space<vmem>>, vector<128x4096xf32>
    %dot_general3A_35 = arith.constant dense<0.000000e+00> : vector<256x4096xf32>
    %dot_general3A_36 = tpu.matmul %concatenate3A, %get3A_34, %dot_general3A_35 {dimension_numbers = #tpu.dot_dimension_numbers<[1], [0], [0], [1], [0, 0, 1, 1], [], []>, transpose_lhs_hint = false} : vector<256x128xf32>, vector<128x4096xf32>, vector<256x4096xf32> -> vector<256x4096xf32>
    %mul3A = arith.mulf %dot_general3A_36, %add3A_20 : vector<256x4096xf32>
    %slice3A = vector.extract_strided_slice %mul3A {offsets = [0, 0], sizes = [256, 2048], strides = [1, 1]} : vector<256x4096xf32> to vector<256x2048xf32>
    %slice3A_37 = vector.extract_strided_slice %mul3A {offsets = [0, 2048], sizes = [256, 2048], strides = [1, 1]} : vector<256x4096xf32> to vector<256x2048xf32>
    %add3A_38 = arith.addf %slice3A, %slice3A_37 : vector<256x2048xf32>
    %slice3A_39 = vector.extract_strided_slice %add3A_38 {offsets = [0, 0], sizes = [256, 1024], strides = [1, 1]} : vector<256x2048xf32> to vector<256x1024xf32>
    %slice3A_40 = vector.extract_strided_slice %add3A_38 {offsets = [0, 1024], sizes = [256, 1024], strides = [1, 1]} : vector<256x2048xf32> to vector<256x1024xf32>
    %add3A_41 = arith.addf %slice3A_39, %slice3A_40 : vector<256x1024xf32>
    %slice3A_42 = vector.extract_strided_slice %add3A_41 {offsets = [0, 0], sizes = [256, 512], strides = [1, 1]} : vector<256x1024xf32> to vector<256x512xf32>
    %slice3A_43 = vector.extract_strided_slice %add3A_41 {offsets = [0, 512], sizes = [256, 512], strides = [1, 1]} : vector<256x1024xf32> to vector<256x512xf32>
    %add3A_44 = arith.addf %slice3A_42, %slice3A_43 : vector<256x512xf32>
    %slice3A_45 = vector.extract_strided_slice %add3A_44 {offsets = [0, 0], sizes = [256, 256], strides = [1, 1]} : vector<256x512xf32> to vector<256x256xf32>
    %slice3A_46 = vector.extract_strided_slice %add3A_44 {offsets = [0, 256], sizes = [256, 256], strides = [1, 1]} : vector<256x512xf32> to vector<256x256xf32>
    %add3A_47 = arith.addf %slice3A_45, %slice3A_46 : vector<256x256xf32>
    %slice3A_48 = vector.extract_strided_slice %add3A_47 {offsets = [0, 0], sizes = [256, 128], strides = [1, 1]} : vector<256x256xf32> to vector<256x128xf32>
    %slice3A_49 = vector.extract_strided_slice %add3A_47 {offsets = [0, 128], sizes = [256, 128], strides = [1, 1]} : vector<256x256xf32> to vector<256x128xf32>
    %add3A_50 = arith.addf %slice3A_48, %slice3A_49 : vector<256x128xf32>
    %slice3A_51 = vector.extract_strided_slice %add3A_50 {offsets = [0, 0], sizes = [256, 64], strides = [1, 1]} : vector<256x128xf32> to vector<256x64xf32>
    %slice3A_52 = vector.extract_strided_slice %add3A_50 {offsets = [0, 64], sizes = [256, 64], strides = [1, 1]} : vector<256x128xf32> to vector<256x64xf32>
    %add3A_53 = arith.addf %slice3A_51, %slice3A_52 : vector<256x64xf32>
    %swap3A = arith.constant 0 : index
    %swap3A_54 = arith.constant 0 : index
    %swap3A_55 = arith.constant 0 : index
    %swap3A_56 = vector.load %arg8[%swap3A, %swap3A_54, %swap3A_55] : memref<2x256x64xf32, #tpu.memory_space<vmem>>, vector<1x256x64xf32>
    %swap3A_57 = vector.shape_cast %swap3A_56 : vector<1x256x64xf32> to vector<256x64xf32>
    %swap3A_58 = vector.shape_cast %add3A_53 : vector<256x64xf32> to vector<1x256x64xf32>
    tpu.vector_store %arg8[%swap3A, %swap3A_54, %swap3A_55], %swap3A_58 {strides = array<i32>} : memref<2x256x64xf32, #tpu.memory_space<vmem>>, vector<1x256x64xf32>,
    %get3A_59 = arith.constant 1 : index
    %get3A_60 = arith.constant 0 : index
    %get3A_61 = arith.constant 0 : index
    %get3A_62 = vector.load %arg2[%get3A_59, %get3A_60, %get3A_61] : memref<2x256x64xf32, #tpu.memory_space<vmem>>, vector<1x256x64xf32>
    %get3A_63 = vector.shape_cast %get3A_62 : vector<1x256x64xf32> to vector<256x64xf32>
    %convert_element_type3A_64 = arith.truncf %get3A_63 : vector<256x64xf32> to vector<256x64xbf16>
    %convert_element_type3A_65 = arith.extf %convert_element_type3A_64 : vector<256x64xbf16> to vector<256x64xf32>
    %get3A_66 = arith.constant 1 : index
    %get3A_67 = arith.constant 0 : index
    %get3A_68 = arith.constant 0 : index
    %get3A_69 = vector.load %arg2[%get3A_66, %get3A_67, %get3A_68] : memref<2x256x64xf32, #tpu.memory_space<vmem>>, vector<1x256x64xf32>
    %get3A_70 = vector.shape_cast %get3A_69 : vector<1x256x64xf32> to vector<256x64xf32>
    %sub3A_71 = arith.subf %get3A_70, %convert_element_type3A_65 : vector<256x64xf32>
    %concatenate3A_72 = tpu.concatenate %convert_element_type3A_65, %sub3A_71 in 1 : vector<256x64xf32>, vector<256x64xf32> -> vector<256x128xf32>
    %get3A_73 = arith.constant 0 : index
    %get3A_74 = arith.constant 0 : index
    %get3A_75 = vector.load %arg7[%get3A_73, %get3A_74] : memref<128x4096xf32, #tpu.memory_space<vmem>>, vector<128x4096xf32>
    %dot_general3A_76 = arith.constant dense<0.000000e+00> : vector<256x4096xf32>
    %dot_general3A_77 = tpu.matmul %concatenate3A_72, %get3A_75, %dot_general3A_76 {dimension_numbers = #tpu.dot_dimension_numbers<[1], [0], [0], [1], [0, 0, 1, 1], [], []>, transpose_lhs_hint = false} : vector<256x128xf32>, vector<128x4096xf32>, vector<256x4096xf32> -> vector<256x4096xf32>
    %mul3A_78 = arith.mulf %dot_general3A_77, %add3A_20 : vector<256x4096xf32>
    %slice3A_79 = vector.extract_strided_slice %mul3A_78 {offsets = [0, 0], sizes = [256, 2048], strides = [1, 1]} : vector<256x4096xf32> to vector<256x2048xf32>
    %slice3A_80 = vector.extract_strided_slice %mul3A_78 {offsets = [0, 2048], sizes = [256, 2048], strides = [1, 1]} : vector<256x4096xf32> to vector<256x2048xf32>
    %add3A_81 = arith.addf %slice3A_79, %slice3A_80 : vector<256x2048xf32>
    %slice3A_82 = vector.extract_strided_slice %add3A_81 {offsets = [0, 0], sizes = [256, 1024], strides = [1, 1]} : vector<256x2048xf32> to vector<256x1024xf32>
    %slice3A_83 = vector.extract_strided_slice %add3A_81 {offsets = [0, 1024], sizes = [256, 1024], strides = [1, 1]} : vector<256x2048xf32> to vector<256x1024xf32>
    %add3A_84 = arith.addf %slice3A_82, %slice3A_83 : vector<256x1024xf32>
    %slice3A_85 = vector.extract_strided_slice %add3A_84 {offsets = [0, 0], sizes = [256, 512], strides = [1, 1]} : vector<256x1024xf32> to vector<256x512xf32>
    %slice3A_86 = vector.extract_strided_slice %add3A_84 {offsets = [0, 512], sizes = [256, 512], strides = [1, 1]} : vector<256x1024xf32> to vector<256x512xf32>
    %add3A_87 = arith.addf %slice3A_85, %slice3A_86 : vector<256x512xf32>
    %slice3A_88 = vector.extract_strided_slice %add3A_87 {offsets = [0, 0], sizes = [256, 256], strides = [1, 1]} : vector<256x512xf32> to vector<256x256xf32>
    %slice3A_89 = vector.extract_strided_slice %add3A_87 {offsets = [0, 256], sizes = [256, 256], strides = [1, 1]} : vector<256x512xf32> to vector<256x256xf32>
    %add3A_90 = arith.addf %slice3A_88, %slice3A_89 : vector<256x256xf32>
    %slice3A_91 = vector.extract_strided_slice %add3A_90 {offsets = [0, 0], sizes = [256, 128], strides = [1, 1]} : vector<256x256xf32> to vector<256x128xf32>
    %slice3A_92 = vector.extract_strided_slice %add3A_90 {offsets = [0, 128], sizes = [256, 128], strides = [1, 1]} : vector<256x256xf32> to vector<256x128xf32>
    %add3A_93 = arith.addf %slice3A_91, %slice3A_92 : vector<256x128xf32>
    %slice3A_94 = vector.extract_strided_slice %add3A_93 {offsets = [0, 0], sizes = [256, 64], strides = [1, 1]} : vector<256x128xf32> to vector<256x64xf32>
    %slice3A_95 = vector.extract_strided_slice %add3A_93 {offsets = [0, 64], sizes = [256, 64], strides = [1, 1]} : vector<256x128xf32> to vector<256x64xf32>
    %add3A_96 = arith.addf %slice3A_94, %slice3A_95 : vector<256x64xf32>
    %swap3A_97 = arith.constant 1 : index
    %swap3A_98 = arith.constant 0 : index
    %swap3A_99 = arith.constant 0 : index
    %swap3A_100 = vector.load %arg8[%swap3A_97, %swap3A_98, %swap3A_99] : memref<2x256x64xf32, #tpu.memory_space<vmem>>, vector<1x256x64xf32>
    %swap3A_101 = vector.shape_cast %swap3A_100 : vector<1x256x64xf32> to vector<256x64xf32>
    %swap3A_102 = vector.shape_cast %add3A_96 : vector<256x64xf32> to vector<1x256x64xf32>
    tpu.vector_store %arg8[%swap3A_97, %swap3A_98, %swap3A_99], %swap3A_102 {strides = array<i32>} : memref<2x256x64xf32, #tpu.memory_space<vmem>>, vector<1x256x64xf32>,
    return
  }
  func.func @transform_0(%arg0: i32) -> (i32, i32) {
    %c0_i32 = arith.constant 0 : i32
    %c0_i32_0 = arith.constant 0 : i32
    return %arg0, %c0_i32 : i32, i32
  }
  func.func @transform_1(%arg0: i32) -> (i32, i32, i32) {
    %c0_i32 = arith.constant 0 : i32
    %c0_i32_0 = arith.constant 0 : i32
    %c0_i32_1 = arith.constant 0 : i32
    return %c0_i32, %arg0, %c0_i32_0 : i32, i32, i32
  }
  func.func @transform_2(%arg0: i32) -> (i32, i32) {
    %c0_i32 = arith.constant 0 : i32
    %c0_i32_0 = arith.constant 0 : i32
    %c0_i32_1 = arith.constant 0 : i32
    return %c0_i32, %c0_i32_0 : i32, i32
  }
  func.func @transform_3(%arg0: i32) -> i32 {
    %c0_i32 = arith.constant 0 : i32
    %c0_i32_0 = arith.constant 0 : i32
    return %c0_i32 : i32
  }
  func.func @transform_4(%arg0: i32) -> (i32, i32) {
    %c0_i32 = arith.constant 0 : i32
    %c0_i32_0 = arith.constant 0 : i32
    %c0_i32_1 = arith.constant 0 : i32
    return %c0_i32, %c0_i32_0 : i32, i32
  }
  func.func @transform_5(%arg0: i32) -> i32 {
    %c0_i32 = arith.constant 0 : i32
    %c0_i32_0 = arith.constant 0 : i32
    return %c0_i32 : i32
  }
  func.func @transform_6(%arg0: i32) -> (i32, i32) {
    %c0_i32 = arith.constant 0 : i32
    %c0_i32_0 = arith.constant 0 : i32
    %c0_i32_1 = arith.constant 0 : i32
    return %c0_i32, %c0_i32_0 : i32, i32
  }
  func.func @transform_7(%arg0: i32) -> (i32, i32, i32) {
    %c0_i32 = arith.constant 0 : i32
    %c0_i32_0 = arith.constant 0 : i32
    %c0_i32_1 = arith.constant 0 : i32
    return %c0_i32, %arg0, %c0_i32_0 : i32, i32, i32
  }
}

module attributes {stable_mosaic.version = 14 : i64} {
  func.func @body(%arg0: i32, %arg1: memref<2048x64xf32, #tpu.memory_space<vmem>>, %arg2: memref<2x2x2048x32xf32, #tpu.memory_space<vmem>>, %arg3: memref<64x64xf32, #tpu.memory_space<vmem>>, %arg4: memref<64xf32, #tpu.memory_space<vmem>>, %arg5: memref<2048x64xf32, #tpu.memory_space<vmem>>) attributes {dimension_semantics = [#tpu.dimension_semantics<arbitrary>], iteration_bounds = array<i64: 10>, scalar_prefetch = 0 : i64, scratch_operands = 0 : i64, tpu.core_type = #tpu.core_type<tc>, window_params = [{transform_indices = @transform_0, window_bounds = array<i64: 2048, 64>}, {transform_indices = @transform_1, window_bounds = array<i64: 2, 2, 2048, 32>}, {pipeline_mode = #tpu.pipeline_mode<synchronous>, transform_indices = @transform_2, window_bounds = array<i64: 64, 64>}, {pipeline_mode = #tpu.pipeline_mode<synchronous>, transform_indices = @transform_3, window_bounds = array<i64: 64>}, {transform_indices = @transform_4, window_bounds = array<i64: 2048, 64>}]} {
    %get3A = arith.constant 0 : index
    %get3A_0 = arith.constant 0 : index
    %get3A_1 = arith.constant 0 : index
    %get3A_2 = arith.constant 0 : index
    %get3A_3 = vector.load %arg2[%get3A, %get3A_0, %get3A_1, %get3A_2] : memref<2x2x2048x32xf32, #tpu.memory_space<vmem>>, vector<1x1x2048x32xf32>
    %get3A_4 = vector.shape_cast %get3A_3 : vector<1x1x2048x32xf32> to vector<2048x32xf32>
    %get3A_5 = arith.constant 1 : index
    %get3A_6 = arith.constant 0 : index
    %get3A_7 = arith.constant 0 : index
    %get3A_8 = arith.constant 0 : index
    %get3A_9 = vector.load %arg2[%get3A_5, %get3A_6, %get3A_7, %get3A_8] : memref<2x2x2048x32xf32, #tpu.memory_space<vmem>>, vector<1x1x2048x32xf32>
    %get3A_10 = vector.shape_cast %get3A_9 : vector<1x1x2048x32xf32> to vector<2048x32xf32>
    %add3A = arith.addf %get3A_4, %get3A_10 : vector<2048x32xf32>
    %get3A_11 = arith.constant 0 : index
    %get3A_12 = arith.constant 1 : index
    %get3A_13 = arith.constant 0 : index
    %get3A_14 = arith.constant 0 : index
    %get3A_15 = vector.load %arg2[%get3A_11, %get3A_12, %get3A_13, %get3A_14] : memref<2x2x2048x32xf32, #tpu.memory_space<vmem>>, vector<1x1x2048x32xf32>
    %get3A_16 = vector.shape_cast %get3A_15 : vector<1x1x2048x32xf32> to vector<2048x32xf32>
    %get3A_17 = arith.constant 1 : index
    %get3A_18 = arith.constant 1 : index
    %get3A_19 = arith.constant 0 : index
    %get3A_20 = arith.constant 0 : index
    %get3A_21 = vector.load %arg2[%get3A_17, %get3A_18, %get3A_19, %get3A_20] : memref<2x2x2048x32xf32, #tpu.memory_space<vmem>>, vector<1x1x2048x32xf32>
    %get3A_22 = vector.shape_cast %get3A_21 : vector<1x1x2048x32xf32> to vector<2048x32xf32>
    %add3A_23 = arith.addf %get3A_16, %get3A_22 : vector<2048x32xf32>
    %concatenate3A = tpu.concatenate %add3A, %add3A_23 in 1 : vector<2048x32xf32>, vector<2048x32xf32> -> vector<2048x64xf32>
    %get3A_24 = arith.constant 0 : index
    %get3A_25 = arith.constant 0 : index
    %get3A_26 = vector.load %arg1[%get3A_24, %get3A_25] : memref<2048x64xf32, #tpu.memory_space<vmem>>, vector<2048x64xf32>
    %get3A_27 = arith.constant 0 : index
    %get3A_28 = arith.constant 0 : index
    %get3A_29 = vector.load %arg3[%get3A_27, %get3A_28] : memref<64x64xf32, #tpu.memory_space<vmem>>, vector<64x64xf32>
    %dot_general3A = arith.constant dense<0.000000e+00> : vector<2048x64xf32>
    %dot_general3A_30 = tpu.matmul %get3A_26, %get3A_29, %dot_general3A {dimension_numbers = #tpu.dot_dimension_numbers<[1], [0], [0], [1], [0, 0, 1, 1], [], []>, transpose_lhs_hint = false} : vector<2048x64xf32>, vector<64x64xf32>, vector<2048x64xf32> -> vector<2048x64xf32>
    %add3A_31 = arith.addf %concatenate3A, %dot_general3A_30 : vector<2048x64xf32>
    %get3A_32 = arith.constant 0 : index
    %get3A_33 = vector.load %arg4[%get3A_32] : memref<64xf32, #tpu.memory_space<vmem>>, vector<64xf32>
    %broadcast_in_dim3A = vector.shape_cast %get3A_33 : vector<64xf32> to vector<1x64xf32>
    %add3A_34 = vector.broadcast %broadcast_in_dim3A : vector<1x64xf32> to vector<2048x64xf32>
    %add3A_35 = arith.addf %add3A_31, %add3A_34 : vector<2048x64xf32>
    %gt3A = arith.constant 0.000000e+00 : f32
    %gt3A_36 = vector.broadcast %gt3A : f32 to vector<2048x64xf32>
    %gt3A_37 = arith.cmpf ogt, %add3A_35, %gt3A_36 : vector<2048x64xf32>
    %exp3A = math.exp %add3A_35 : vector<2048x64xf32>
    %sub3A = arith.constant 1.000000e+00 : f32
    %sub3A_38 = vector.broadcast %sub3A : f32 to vector<2048x64xf32>
    %sub3A_39 = arith.subf %exp3A, %sub3A_38 : vector<2048x64xf32>
    %select_n3A = arith.select %gt3A_37, %add3A_35, %sub3A_39 : vector<2048x64xi1>, vector<2048x64xf32>
    %swap3A = arith.constant 0 : index
    %swap3A_40 = arith.constant 0 : index
    %swap3A_41 = vector.load %arg5[%swap3A, %swap3A_40] : memref<2048x64xf32, #tpu.memory_space<vmem>>, vector<2048x64xf32>
    tpu.vector_store %arg5[%swap3A, %swap3A_40], %select_n3A {strides = array<i32>} : memref<2048x64xf32, #tpu.memory_space<vmem>>, vector<2048x64xf32>,
    return
  }
  func.func @transform_0(%arg0: i32) -> (i32, i32) {
    %c0_i32 = arith.constant 0 : i32
    %c0_i32_0 = arith.constant 0 : i32
    return %arg0, %c0_i32 : i32, i32
  }
  func.func @transform_1(%arg0: i32) -> (i32, i32, i32, i32) {
    %c0_i32 = arith.constant 0 : i32
    %c0_i32_0 = arith.constant 0 : i32
    %c0_i32_1 = arith.constant 0 : i32
    %c0_i32_2 = arith.constant 0 : i32
    return %c0_i32, %c0_i32_0, %arg0, %c0_i32_1 : i32, i32, i32, i32
  }
  func.func @transform_2(%arg0: i32) -> (i32, i32) {
    %c0_i32 = arith.constant 0 : i32
    %c0_i32_0 = arith.constant 0 : i32
    %c0_i32_1 = arith.constant 0 : i32
    return %c0_i32, %c0_i32_0 : i32, i32
  }
  func.func @transform_3(%arg0: i32) -> i32 {
    %c0_i32 = arith.constant 0 : i32
    %c0_i32_0 = arith.constant 0 : i32
    return %c0_i32 : i32
  }
  func.func @transform_4(%arg0: i32) -> (i32, i32) {
    %c0_i32 = arith.constant 0 : i32
    %c0_i32_0 = arith.constant 0 : i32
    return %arg0, %c0_i32 : i32, i32
  }
}

module attributes {stable_mosaic.version = 14 : i64} {
  func.func @body(%arg0: i32, %arg1: memref<2x2048x64xf32, #tpu.memory_space<vmem>>, %arg2: memref<1x1x2048xi32, #tpu.memory_space<vmem>>, %arg3: memref<64x32xf32, #tpu.memory_space<vmem>>, %arg4: memref<32xf32, #tpu.memory_space<vmem>>, %arg5: memref<32x16xf32, #tpu.memory_space<vmem>>, %arg6: memref<16xf32, #tpu.memory_space<vmem>>, %arg7: memref<16x1xf32, #tpu.memory_space<vmem>>, %arg8: memref<1xf32, #tpu.memory_space<vmem>>, %arg9: memref<512x1xf32, #tpu.memory_space<vmem>>, %arg10: memref<512x64xf32, #tpu.memory_space<vmem>>, %arg11: memref<512x1xf32, #tpu.memory_space<vmem>>) attributes {dimension_semantics = [#tpu.dimension_semantics<arbitrary>], iteration_bounds = array<i64: 5>, scalar_prefetch = 0 : i64, scratch_operands = 2 : i64, tpu.core_type = #tpu.core_type<tc>, window_params = [{transform_indices = @transform_0, window_bounds = array<i64: 2, 2048, 64>}, {transform_indices = @transform_1, window_bounds = array<i64: 1, 1, 2048>}, {pipeline_mode = #tpu.pipeline_mode<synchronous>, transform_indices = @transform_2, window_bounds = array<i64: 64, 32>}, {pipeline_mode = #tpu.pipeline_mode<synchronous>, transform_indices = @transform_3, window_bounds = array<i64: 32>}, {pipeline_mode = #tpu.pipeline_mode<synchronous>, transform_indices = @transform_4, window_bounds = array<i64: 32, 16>}, {pipeline_mode = #tpu.pipeline_mode<synchronous>, transform_indices = @transform_5, window_bounds = array<i64: 16>}, {pipeline_mode = #tpu.pipeline_mode<synchronous>, transform_indices = @transform_6, window_bounds = array<i64: 16, 1>}, {pipeline_mode = #tpu.pipeline_mode<synchronous>, transform_indices = @transform_7, window_bounds = array<i64: 1>}, {pipeline_mode = #tpu.pipeline_mode<synchronous>, transform_indices = @transform_8, window_bounds = array<i64: 512, 1>}]} {
    %eq3A = arith.constant 0 : i32
    %eq3A_0 = arith.cmpi eq, %arg0, %eq3A : i32
    %convert_element_type3A = arith.extui %eq3A_0 : i1 to i32
    %cond3A = arith.constant 0 : i32
    %cond3A_1 = arith.cmpi ne, %convert_element_type3A, %cond3A : i32
    scf.if %cond3A_1 {
      %broadcast_in_dim3A_43 = arith.constant 0.000000e+00 : f32
      %broadcast_in_dim3A_44 = vector.broadcast %broadcast_in_dim3A_43 : f32 to vector<512x64xf32>
      %swap3A_45 = arith.constant 0 : index
      %swap3A_46 = arith.constant 0 : index
      %swap3A_47 = vector.load %arg10[%swap3A_45, %swap3A_46] : memref<512x64xf32, #tpu.memory_space<vmem>>, vector<512x64xf32>
      tpu.vector_store %arg10[%swap3A_45, %swap3A_46], %broadcast_in_dim3A_44 {strides = array<i32>} : memref<512x64xf32, #tpu.memory_space<vmem>>, vector<512x64xf32>,
      %broadcast_in_dim3A_48 = arith.constant 0.000000e+00 : f32
      %broadcast_in_dim3A_49 = vector.broadcast %broadcast_in_dim3A_48 : f32 to vector<512x1xf32>
      %swap3A_50 = arith.constant 0 : index
      %swap3A_51 = arith.constant 0 : index
      %swap3A_52 = vector.load %arg11[%swap3A_50, %swap3A_51] : memref<512x1xf32, #tpu.memory_space<vmem>>, vector<512x1xf32>
      tpu.vector_store %arg11[%swap3A_50, %swap3A_51], %broadcast_in_dim3A_49 {strides = array<i32>} : memref<512x1xf32, #tpu.memory_space<vmem>>, vector<512x1xf32>,
    } else {
    }
    %get3A = arith.constant 0 : index
    %get3A_2 = arith.constant 0 : index
    %get3A_3 = arith.constant 0 : index
    %get3A_4 = vector.load %arg1[%get3A, %get3A_2, %get3A_3] : memref<2x2048x64xf32, #tpu.memory_space<vmem>>, vector<1x2048x64xf32>
    %get3A_5 = vector.shape_cast %get3A_4 : vector<1x2048x64xf32> to vector<2048x64xf32>
    %get3A_6 = arith.constant 1 : index
    %get3A_7 = arith.constant 0 : index
    %get3A_8 = arith.constant 0 : index
    %get3A_9 = vector.load %arg1[%get3A_6, %get3A_7, %get3A_8] : memref<2x2048x64xf32, #tpu.memory_space<vmem>>, vector<1x2048x64xf32>
    %get3A_10 = vector.shape_cast %get3A_9 : vector<1x2048x64xf32> to vector<2048x64xf32>
    %add3A = arith.addf %get3A_5, %get3A_10 : vector<2048x64xf32>
    %mul3A = arith.constant 5.000000e-01 : f32
    %mul3A_11 = vector.broadcast %mul3A : f32 to vector<2048x64xf32>
    %mul3A_12 = arith.mulf %mul3A_11, %add3A : vector<2048x64xf32>
    %get3A_13 = arith.constant 0 : index
    %get3A_14 = arith.constant 0 : index
    %get3A_15 = arith.constant 0 : index
    %get3A_16 = vector.load %arg2[%get3A_13, %get3A_14, %get3A_15] : memref<1x1x2048xi32, #tpu.memory_space<vmem>>, vector<1x1x2048xi32>
    %get3A_17 = vector.shape_cast %get3A_16 : vector<1x1x2048xi32> to vector<2048xi32>
    %iota3A = tpu.iota {dimensions = array<i32: 0>} : vector<512x2048xi32>
    %broadcast_in_dim3A = vector.shape_cast %get3A_17 : vector<2048xi32> to vector<1x2048xi32>
    %eq3A_18 = vector.broadcast %broadcast_in_dim3A : vector<1x2048xi32> to vector<512x2048xi32>
    %eq3A_19 = arith.cmpi eq, %iota3A, %eq3A_18 : vector<512x2048xi32>
    %convert_element_type3A_20 = arith.extui %eq3A_19 : vector<512x2048xi1> to vector<512x2048xi32>
    %convert_element_type3A_21 = arith.sitofp %convert_element_type3A_20 : vector<512x2048xi32> to vector<512x2048xf32>
    %get3A_22 = arith.constant 0 : index
    %get3A_23 = arith.constant 0 : index
    %get3A_24 = vector.load %arg10[%get3A_22, %get3A_23] : memref<512x64xf32, #tpu.memory_space<vmem>>, vector<512x64xf32>
    %dot_general3A = arith.constant dense<0.000000e+00> : vector<512x64xf32>
    %dot_general3A_25 = tpu.matmul %convert_element_type3A_21, %mul3A_12, %dot_general3A {dimension_numbers = #tpu.dot_dimension_numbers<[1], [0], [0], [1], [0, 0, 1, 1], [], []>, transpose_lhs_hint = false} : vector<512x2048xf32>, vector<2048x64xf32>, vector<512x64xf32> -> vector<512x64xf32>
    %add3A_26 = arith.addf %get3A_24, %dot_general3A_25 : vector<512x64xf32>
    %swap3A = arith.constant 0 : index
    %swap3A_27 = arith.constant 0 : index
    %swap3A_28 = vector.load %arg10[%swap3A, %swap3A_27] : memref<512x64xf32, #tpu.memory_space<vmem>>, vector<512x64xf32>
    tpu.vector_store %arg10[%swap3A, %swap3A_27], %add3A_26 {strides = array<i32>} : memref<512x64xf32, #tpu.memory_space<vmem>>, vector<512x64xf32>,
    %get3A_29 = arith.constant 0 : index
    %get3A_30 = arith.constant 0 : index
    %get3A_31 = vector.load %arg11[%get3A_29, %get3A_30] : memref<512x1xf32, #tpu.memory_space<vmem>>, vector<512x1xf32>
    %reduce_sum3A = arith.constant dense<0.000000e+00> : vector<512xf32>
    %reduce_sum3A_32 = vector.multi_reduction <add>, %convert_element_type3A_21, %reduce_sum3A [1] : vector<512x2048xf32> to vector<512xf32>
    %broadcast_in_dim3A_33 = vector.shape_cast %reduce_sum3A_32 : vector<512xf32> to vector<512x1xf32>
    %add3A_34 = arith.addf %get3A_31, %broadcast_in_dim3A_33 : vector<512x1xf32>
    %swap3A_35 = arith.constant 0 : index
    %swap3A_36 = arith.constant 0 : index
    %swap3A_37 = vector.load %arg11[%swap3A_35, %swap3A_36] : memref<512x1xf32, #tpu.memory_space<vmem>>, vector<512x1xf32>
    tpu.vector_store %arg11[%swap3A_35, %swap3A_36], %add3A_34 {strides = array<i32>} : memref<512x1xf32, #tpu.memory_space<vmem>>, vector<512x1xf32>,
    %eq3A_38 = arith.constant 4 : i32
    %eq3A_39 = arith.cmpi eq, %arg0, %eq3A_38 : i32
    %convert_element_type3A_40 = arith.extui %eq3A_39 : i1 to i32
    %cond3A_41 = arith.constant 0 : i32
    %cond3A_42 = arith.cmpi ne, %convert_element_type3A_40, %cond3A_41 : i32
    scf.if %cond3A_42 {
      %get3A_43 = arith.constant 0 : index
      %get3A_44 = arith.constant 0 : index
      %get3A_45 = vector.load %arg10[%get3A_43, %get3A_44] : memref<512x64xf32, #tpu.memory_space<vmem>>, vector<512x64xf32>
      %get3A_46 = arith.constant 0 : index
      %get3A_47 = arith.constant 0 : index
      %get3A_48 = vector.load %arg11[%get3A_46, %get3A_47] : memref<512x1xf32, #tpu.memory_space<vmem>>, vector<512x1xf32>
      %max3A = arith.constant 1.000000e+00 : f32
      %max3A_49 = vector.broadcast %max3A : f32 to vector<512x1xf32>
      %max3A_50 = arith.maximumf %get3A_48, %max3A_49 : vector<512x1xf32>
      %div3A = vector.broadcast %max3A_50 : vector<512x1xf32> to vector<512x64xf32>
      %div3A_51 = arith.divf %get3A_45, %div3A : vector<512x64xf32>
      %get3A_52 = arith.constant 0 : index
      %get3A_53 = arith.constant 0 : index
      %get3A_54 = vector.load %arg3[%get3A_52, %get3A_53] : memref<64x32xf32, #tpu.memory_space<vmem>>, vector<64x32xf32>
      %dot_general3A_55 = arith.constant dense<0.000000e+00> : vector<512x32xf32>
      %dot_general3A_56 = tpu.matmul %div3A_51, %get3A_54, %dot_general3A_55 {dimension_numbers = #tpu.dot_dimension_numbers<[1], [0], [0], [1], [0, 0, 1, 1], [], []>, transpose_lhs_hint = false} : vector<512x64xf32>, vector<64x32xf32>, vector<512x32xf32> -> vector<512x32xf32>
      %get3A_57 = arith.constant 0 : index
      %get3A_58 = vector.load %arg4[%get3A_57] : memref<32xf32, #tpu.memory_space<vmem>>, vector<32xf32>
      %broadcast_in_dim3A_59 = vector.shape_cast %get3A_58 : vector<32xf32> to vector<1x32xf32>
      %add3A_60 = vector.broadcast %broadcast_in_dim3A_59 : vector<1x32xf32> to vector<512x32xf32>
      %add3A_61 = arith.addf %dot_general3A_56, %add3A_60 : vector<512x32xf32>
      %gt3A = arith.constant 0.000000e+00 : f32
      %gt3A_62 = vector.broadcast %gt3A : f32 to vector<512x32xf32>
      %gt3A_63 = arith.cmpf ogt, %add3A_61, %gt3A_62 : vector<512x32xf32>
      %exp3A = math.exp %add3A_61 : vector<512x32xf32>
      %sub3A = arith.constant 1.000000e+00 : f32
      %sub3A_64 = vector.broadcast %sub3A : f32 to vector<512x32xf32>
      %sub3A_65 = arith.subf %exp3A, %sub3A_64 : vector<512x32xf32>
      %select_n3A = arith.select %gt3A_63, %add3A_61, %sub3A_65 : vector<512x32xi1>, vector<512x32xf32>
      %get3A_66 = arith.constant 0 : index
      %get3A_67 = arith.constant 0 : index
      %get3A_68 = vector.load %arg5[%get3A_66, %get3A_67] : memref<32x16xf32, #tpu.memory_space<vmem>>, vector<32x16xf32>
      %dot_general3A_69 = arith.constant dense<0.000000e+00> : vector<512x16xf32>
      %dot_general3A_70 = tpu.matmul %select_n3A, %get3A_68, %dot_general3A_69 {dimension_numbers = #tpu.dot_dimension_numbers<[1], [0], [0], [1], [0, 0, 1, 1], [], []>, transpose_lhs_hint = false} : vector<512x32xf32>, vector<32x16xf32>, vector<512x16xf32> -> vector<512x16xf32>
      %get3A_71 = arith.constant 0 : index
      %get3A_72 = vector.load %arg6[%get3A_71] : memref<16xf32, #tpu.memory_space<vmem>>, vector<16xf32>
      %broadcast_in_dim3A_73 = vector.shape_cast %get3A_72 : vector<16xf32> to vector<1x16xf32>
      %add3A_74 = vector.broadcast %broadcast_in_dim3A_73 : vector<1x16xf32> to vector<512x16xf32>
      %add3A_75 = arith.addf %dot_general3A_70, %add3A_74 : vector<512x16xf32>
      %gt3A_76 = arith.constant 0.000000e+00 : f32
      %gt3A_77 = vector.broadcast %gt3A_76 : f32 to vector<512x16xf32>
      %gt3A_78 = arith.cmpf ogt, %add3A_75, %gt3A_77 : vector<512x16xf32>
      %exp3A_79 = math.exp %add3A_75 : vector<512x16xf32>
      %sub3A_80 = arith.constant 1.000000e+00 : f32
      %sub3A_81 = vector.broadcast %sub3A_80 : f32 to vector<512x16xf32>
      %sub3A_82 = arith.subf %exp3A_79, %sub3A_81 : vector<512x16xf32>
      %select_n3A_83 = arith.select %gt3A_78, %add3A_75, %sub3A_82 : vector<512x16xi1>, vector<512x16xf32>
      %get3A_84 = arith.constant 0 : index
      %get3A_85 = arith.constant 0 : index
      %get3A_86 = vector.load %arg7[%get3A_84, %get3A_85] : memref<16x1xf32, #tpu.memory_space<vmem>>, vector<16x1xf32>
      %dot_general3A_87 = arith.constant dense<0.000000e+00> : vector<512x1xf32>
      %dot_general3A_88 = tpu.matmul %select_n3A_83, %get3A_86, %dot_general3A_87 {dimension_numbers = #tpu.dot_dimension_numbers<[1], [0], [0], [1], [0, 0, 1, 1], [], []>, transpose_lhs_hint = false} : vector<512x16xf32>, vector<16x1xf32>, vector<512x1xf32> -> vector<512x1xf32>
      %get3A_89 = arith.constant 0 : index
      %get3A_90 = vector.load %arg8[%get3A_89] : memref<1xf32, #tpu.memory_space<vmem>>, vector<1xf32>
      %broadcast_in_dim3A_91 = vector.shape_cast %get3A_90 : vector<1xf32> to vector<1x1xf32>
      %add3A_92 = vector.broadcast %broadcast_in_dim3A_91 : vector<1x1xf32> to vector<512x1xf32>
      %add3A_93 = arith.addf %dot_general3A_88, %add3A_92 : vector<512x1xf32>
      %swap3A_94 = arith.constant 0 : index
      %swap3A_95 = arith.constant 0 : index
      %swap3A_96 = vector.load %arg9[%swap3A_94, %swap3A_95] : memref<512x1xf32, #tpu.memory_space<vmem>>, vector<512x1xf32>
      tpu.vector_store %arg9[%swap3A_94, %swap3A_95], %add3A_93 {strides = array<i32>} : memref<512x1xf32, #tpu.memory_space<vmem>>, vector<512x1xf32>,
    } else {
    }
    return
  }
  func.func @transform_0(%arg0: i32) -> (i32, i32, i32) {
    %c0_i32 = arith.constant 0 : i32
    %c0_i32_0 = arith.constant 0 : i32
    %c0_i32_1 = arith.constant 0 : i32
    return %c0_i32, %arg0, %c0_i32_0 : i32, i32, i32
  }
  func.func @transform_1(%arg0: i32) -> (i32, i32, i32) {
    %c0_i32 = arith.constant 0 : i32
    %c0_i32_0 = arith.constant 0 : i32
    %c0_i32_1 = arith.constant 0 : i32
    return %arg0, %c0_i32, %c0_i32_0 : i32, i32, i32
  }
  func.func @transform_2(%arg0: i32) -> (i32, i32) {
    %c0_i32 = arith.constant 0 : i32
    %c0_i32_0 = arith.constant 0 : i32
    %c0_i32_1 = arith.constant 0 : i32
    return %c0_i32, %c0_i32_0 : i32, i32
  }
  func.func @transform_3(%arg0: i32) -> i32 {
    %c0_i32 = arith.constant 0 : i32
    %c0_i32_0 = arith.constant 0 : i32
    return %c0_i32 : i32
  }
  func.func @transform_4(%arg0: i32) -> (i32, i32) {
    %c0_i32 = arith.constant 0 : i32
    %c0_i32_0 = arith.constant 0 : i32
    %c0_i32_1 = arith.constant 0 : i32
    return %c0_i32, %c0_i32_0 : i32, i32
  }
  func.func @transform_5(%arg0: i32) -> i32 {
    %c0_i32 = arith.constant 0 : i32
    %c0_i32_0 = arith.constant 0 : i32
    return %c0_i32 : i32
  }
  func.func @transform_6(%arg0: i32) -> (i32, i32) {
    %c0_i32 = arith.constant 0 : i32
    %c0_i32_0 = arith.constant 0 : i32
    %c0_i32_1 = arith.constant 0 : i32
    return %c0_i32, %c0_i32_0 : i32, i32
  }
  func.func @transform_7(%arg0: i32) -> i32 {
    %c0_i32 = arith.constant 0 : i32
    %c0_i32_0 = arith.constant 0 : i32
    return %c0_i32 : i32
  }
  func.func @transform_8(%arg0: i32) -> (i32, i32) {
    %c0_i32 = arith.constant 0 : i32
    %c0_i32_0 = arith.constant 0 : i32
    %c0_i32_1 = arith.constant 0 : i32
    return %c0_i32, %c0_i32_0 : i32, i32
  }
}

</mosaic_0001>

<sc_bundles>
// kernel: kernel.16.cloned.1.call-start
scs
__scs_entry_jumppad:
0x0: {  	(pc) =	sbr.rel $0x88, $3  }
0x1: {  	(tag) =	ssettag $0x0;
	lr =	simm.s32 $0x1  }
0x2: {  	[smem:$0x3F85] =	sst lr;
	_ =	strace $0xD0000000  }
0x3: {  	_ = 	snop  }
0x4: {  	_ = 	snop  }
0x5: {  	_ = 	snop  }
0x6: {  	_ = 	snop  }
0x7: {  	_ = 	snop  }
__scs_overlays_trampoline_lowered:
0x8: {  	[smem:$0x3F94] =	sst s0  }
0x9: {  	[smem:$0x3F95] =	sst s1  }
0xa: {  	[smem:$0x3F96] =	sst s2  }
0xb: {  	[smem:$0x3F97] =	sst s3  }
0xc: {  	[smem:$0x3F98] =	sst s4  }
0xd: {  	[smem:$0x3F99] =	sst s5  }
0xe: {  	[smem:$0x3F9A] =	sst s6  }
0xf: {  	[smem:$0x3F9B] =	sst s7  }
0x10: {  	[smem:$0x3F9C] =	sst s8  }
0x11: {  	[smem:$0x3F9D] =	sst s9;
	s0 =	simm.s32 @!p0 $0x0  }
0x12: {  	s1 =	sld [smem:$0x3F83];
	s0 =	simm.s32 @p0 $0x1  }
0x13: {  	[smem:$0x3F9E] =	sst s0;
	s0 =	simm.s32 @!p1 $0x0  }
0x14: {  	s2 =	sld [smem:$0x3F82];
	s0 =	simm.s32 @p1 $0x1  }
0x15: {  	[smem:$0x3F9F] =	sst s0;
	s0 =	simm.s32 @!p2 $0x0  }
0x16: {  	s3 =	sld [smem:$0x3FDB];
	s0 =	simm.s32 @p2 $0x1  }
0x17: {  	s4 =	simm.s32 $0x1BF5;
	[smem:$0x3FA1] =	sst s0  }
0x18: {  	s0 =	sld [smem:$0x3F84];
	_ =	swait.ge [sflag:s4], $0x0  }
0x19: {  	s7 =	sld [smem:$0x3F85]  }
0x1a: {  	s8 =	sadd.s32 $0xFFFFE003, lr  }
0x1b: {  	s9 =	sadd.s32 $0xFFFFFEF7, lr;
	s5 =	simm.s32 $0xFFFFFFFF;
	p2 =	slt.u32 s8, $0xFFFFF086  }
0x1c: {  	p1 =	slt.u32 s9, $0xF7A;
	s5 =	simm.s32 @!p2 $0x0  }
0x1d: {  	s5 =	simm.s32 @p1 $0x1;
	p0 =	seq.s32 s7, s2  }
0x1e: {  	s7 =	smul.u32 @!p0 $0xF7A, s2;
	p2 =	seq.s32 @!p0 s5, $0x0  }
0x1f: {  	s9 =	smul.u32 $0xF7A, s1;
	s8 =	simm.s32 @!p0 $0x1BF5;
	p2 =	por !p2, p0  }
0x20: {  	[sflag:s8] =	ssyncset.s32 @!p0 $0xFFFFF086;
	s6 =	sadd.s32 @!p0 s3, s7;
	s7 =	simm.s32 @!p0 $0x108  }
0x21: {  	s3 =	sadd.s32 s3, s9;
	s6 =	sadd.s32 @!p0 $0x88, s6;
	s7 =	simm.s32 @p2 $0x1082  }
0x22: {  	[simem:s7], [sflag:s8] =	dma.local @!p0 [hbm:s6], $0xF7A  }
0x23: {  	s9 =	sor.u32 $0xD0000000, s2;
	s6 =	simm.s32 $0x108;
	_ =	swait.ge @!p0 [sflag:s8], $0x0  }
0x24: {  	s3 =	sadd.s32 $0x88, s3;
	s6 =	simm.s32 @!p1 $0x1082;
	[sflag:s4] =	ssyncset.s32 $0xFFFFF086  }
0x25: {  	[simem:s6], [sflag:s4] =	dma.local [hbm:s3], $0xF7A  }
0x26: {  	[smem:$0x3F85] =	sst s1;
	(tag) =	ssettag s2;
	_ =	strace s9  }
0x27: {  	s1 =	sld [smem:$0x3F95]  }
0x28: {  	s2 =	sld [smem:$0x3F96]  }
0x29: {  	s4 =	sld [smem:$0x3F98]  }
0x2a: {  	p0 =	seq.s32 s5, $0x0;
	s5 =	sld [smem:$0x3F99]  }
0x2b: {  	s6 =	sld [smem:$0x3F9A]  }
0x2c: {  	s7 =	sld [smem:$0x3F9B]  }
0x2d: {  	s3 =	simm.s32 $0x108;
	s8 =	sld [smem:$0x3F9C]  }
0x2e: {  	s3 =	simm.s32 @!p0 $0x1082;
	s9 =	sld [smem:$0x3F9D]  }
0x2f: {  	lr =	sadd.s32 s0, s3;
	s0 =	sld [smem:$0x3F94]  }
0x30: {  	s3 =	sld [smem:$0x3F97]  }
0x31: {  	[smem:$0x3FA0] =	sst s10  }
0x32: {  	s10 =	sld [smem:$0x3F9E];
	_ =	sdelay $0x3  }
0x33: {  	p0 =	seq.s32 s10, $0x1;
	s10 =	sld [smem:$0x3FA0];
	_ =	sdelay $0x3  }
0x34: {  	[smem:$0x3FA0] =	sst s10  }
0x35: {  	s10 =	sld [smem:$0x3F9F];
	_ =	sdelay $0x3  }
0x36: {  	p1 =	seq.s32 s10, $0x1;
	s10 =	sld [smem:$0x3FA0];
	_ =	sdelay $0x3  }
0x37: {  	[smem:$0x3FA0] =	sst s10  }
0x38: {  	s10 =	sld [smem:$0x3FA1]  }
0x39: {  	_ = 	snop;
	(pc) =	sbr.ind lr, $3  }
0x3a: {  	_ = 	snop  }
0x3b: {  	_ = 	snop  }
0x3c: {  	p2 =	seq.s32 s10, $0x1;
	s10 =	sld [smem:$0x3FA0]  }
0x3d: {  	_ =	shalt  }
0x3e: {  	_ =	shalt  }
0x3f: {  	_ =	shalt  }
0x40: {  	_ =	shalt  }
0x41: {  	_ =	shalt  }
0x42: {  	_ =	shalt  }
0x43: {  	_ =	shalt  }
0x44: {  	_ =	shalt  }
0x45: {  	_ =	shalt  }
0x46: {  	_ =	shalt  }
0x47: {  	_ =	shalt  }
0x48: {  	_ =	shalt  }
0x49: {  	_ =	shalt  }
0x4a: {  	_ =	shalt  }
0x4b: {  	_ =	shalt  }
0x4c: {  	_ =	shalt  }
0x4d: {  	_ =	shalt  }
0x4e: {  	_ =	shalt  }
0x4f: {  	_ =	shalt  }
0x50: {  	_ =	shalt  }
0x51: {  	_ =	shalt  }
0x52: {  	_ =	shalt  }
0x53: {  	_ =	shalt  }
0x54: {  	_ =	shalt  }
0x55: {  	_ =	shalt  }
0x56: {  	_ =	shalt  }
0x57: {  	_ =	shalt  }
0x58: {  	_ =	shalt  }
0x59: {  	_ =	shalt  }
0x5a: {  	_ =	shalt  }
0x5b: {  	_ =	shalt  }
0x5c: {  	_ =	shalt  }
0x5d: {  	_ =	shalt  }
0x5e: {  	_ =	shalt  }
0x5f: {  	_ =	shalt  }
0x60: {  	_ =	shalt  }
0x61: {  	_ =	shalt  }
0x62: {  	_ =	shalt  }
0x63: {  	_ =	shalt  }
0x64: {  	_ =	shalt  }
0x65: {  	_ =	shalt  }
0x66: {  	_ =	shalt  }
0x67: {  	_ =	shalt  }
0x68: {  	_ =	shalt  }
0x69: {  	_ =	shalt  }
0x6a: {  	_ =	shalt  }
0x6b: {  	_ =	shalt  }
0x6c: {  	_ =	shalt  }
0x6d: {  	_ =	shalt  }
0x6e: {  	_ =	shalt  }
0x6f: {  	_ =	shalt  }
0x70: {  	_ =	shalt  }
0x71: {  	_ =	shalt  }
0x72: {  	_ =	shalt  }
0x73: {  	_ =	shalt  }
0x74: {  	_ =	shalt  }
0x75: {  	_ =	shalt  }
0x76: {  	_ =	shalt  }
0x77: {  	_ =	shalt  }
0x78: {  	_ =	shalt  }
0x79: {  	_ =	shalt  }
0x7a: {  	_ =	shalt  }
0x7b: {  	_ =	shalt  }
0x7c: {  	_ =	shalt  }
0x7d: {  	_ =	shalt  }
0x7e: {  	_ =	shalt  }
0x7f: {  	_ =	shalt  }
0x80: {  	_ =	shalt  }
0x81: {  	_ =	shalt  }
0x82: {  	_ =	shalt  }
0x83: {  	_ =	shalt  }
0x84: {  	_ =	shalt  }
0x85: {  	_ =	shalt  }
0x86: {  	_ =	shalt  }
0x87: {  	_ =	shalt  }
.Lfunc_end0:
.L_simem_size_0:
called_computation_lowered:
.L_overlay_start_0:
0x88: {  	s2 =	sld [smem:$0x3FD9]  }
0x89: {  	s3 =	sld [smem:$0x3FFE];
	_ =	sdelay $0x1  }
0x8a: {  	s1 =	srdreg.scid  }
0x8b: {  	s0 =	sand.u32 $0x1, s1  }
0x8c: {  	s16 =	sshll.u32 s0, $0xA;
	s2 =	sadd.s32 s3, s2  }
0x8d: {  	s2 =	sadd.s32 s2, s16  }
0x8e: {  	[smem:$0x3FAC] =	sst s2  }
0x8f: {  	_ = 	snop  }
0x90: {  	(tm) =	ssettm $0x1  }
0x91: {  	s17 =	sld [smem:$0x3FFB];
	_ =	sdelay $0x3  }
0x92: {  	_ =	strace s17  }
0x93: {  	s2 =	sld [smem:$0x3FFC];
	_ =	sdelay $0x3  }
0x94: {  	_ =	strace s2  }
0x95: {  	s2 =	sld [smem:$0x3FFD];
	_ =	sdelay $0x3  }
0x96: {  	_ =	strace s2  }
0x97: {  	_ =	strace $0x8FFFFFFF  }
0x98: {  	s18 =	sld [smem:$0x3FDB];
	_ =	sdelay $0x1  }
0x99: {  	s19 =	simm.s32 $_scs_section_size  }
0x9a: {  	s4 =	simm.s32 $_size__tile_overlayer_lowered;
	s5 =	simm.s32 $_tile_overlayer_lowered  }
0x9b: {  	s22 =	simm.s32 $0x1BFF;
	s21 =	sshll.u32 s5, $0x1;
	s2 =	sadd.s32 s19, s18  }
0x9c: {  	s6 =	simm.s32 $0x0;
	s20 =	sshll.u32 s4, $0x1;
	s4 =	sadd.s32 s21, s2  }
0x9d: {  	[timem:s6], [sflag:s22] =	dma.local [hbm:s4], s20  }
0x9e: {  	_ =	swait.ge [sflag:s22], s20  }
0x9f: {  	s3 =	ssub.s32 $0x0, s20;
	[sflag:s22] =	ssyncset.done $0x0  }
0xa0: {  	[sflag:s22] =	ssyncadd.s32 s3;
	_ =	sdelay $0x1  }
0xa1: {  	s23 =	simm.s32 $0x1B8B  }
0xa2: {  	_ =	swait.ge [sflag:s23], $0x1  }
0xa3: {  	[sflag:s23] =	ssyncset.done $0x0  }
0xa4: {  	s25 =	simm.s32 $0x1B8E;
	s24 =	sld [smem:$0x3FFE];
	[sflag:s23] =	ssyncadd.s32 $0xFFFFFFFF  }
0xa5: {  	s26 =	simm.s32 $execute0_lowered;
	[smem:$0x3FD2] =	sst s25  }
0xa6: {  	s4 =	sshll.u32 s26, $0x1;
	_ =	strace $0x80000046;
	[dreg:$0x1] =	wrdreg $0xFFFFFFFF  }
0xa7: {  	s28 =	simm.s32 $_size_execute0_lowered;
	s2 =	sadd.s32 s2, s4;
	[dreg:$0x0] =	wrdreg $0x0  }
0xa8: {  	s4 =	sshll.u32 s28, $0x1;
	[dreg:$0x2] =	wrdreg s2  }
0xa9: {  	[dreg:$0x3] =	wrdreg s4  }
0xaa: {  	[dreg:$0x4] =	wrdreg $0xC0  }
0xab: {  	_ =	task [dreg:s6], $0x5FFFF  }
0xac: {  	[dreg:$0x1] =	wrdreg $0xFFFFFFFF  }
0xad: {  	[dreg:$0x0] =	wrdreg $0x60  }
0xae: {  	[dreg:$0x2] =	wrdreg s24  }
0xaf: {  	[dreg:$0x3] =	wrdreg $0x9  }
0xb0: {  	_ =	task.clear_ibuf [dreg:s6], $0x4FFFF;
	_ =	strace $0x90000046  }
0xb1: {  	s29 =	simm.s32 $0x9;
	_ =	strace $0x80000048  }
0xb2: {  	_ =	swait.ge [sflag:s29], $0x1  }
0xb3: {  	[sflag:s29] =	ssyncadd.s32 $0xFFFFFFFF  }
0xb4: {  	_ =	strace $0x90000048  }
0xb5: {  	_ =	sfence  }
0xb6: {  	s30 =	sld [smem:$0x0];
	_ =	sdelay $0x2  }
0xb7: {  	s31 =	sshll.u32 s1, $0xD;
	s1 =	sshrl.u32 s1, $0x2  }
0xb8: {  	s3 =	sand.u32 $0x4000, s31;
	s1 =	sadd.s32 s1, s30  }
0xb9: {  	s0 =	sor.u32 s3, s0;
	s1 =	sshll.u32 s1, $0x11  }
0xba: {  	s0 =	sor.u32 s1, s0  }
0xbb: {  	s0 =	sadd.s32 $0x8F2B, s0  }
0xbc: {  	[sflag:s0] =	ssyncadd.remote.s32 $0x1  }
0xbd: {  	_ =	sfence.sel $0xFFFF  }
0xbe: {  	[dreg:$0x0] =	wrdreg $0xFFFFFFFF;
	(pc) =	sbr.abs _section_cstart, $3  }
0xbf: {  	[dreg:$0x1] =	wrdreg $0xFFFFFFFF  }
0xc0: {  	_ =	task.clear_ibuf [dreg:s6], $0x2FFFF;
	_ =	strace $0x9FFFFFFF  }
0xc1: {  	(tm) =	ssettm $0x7FFFFFFF  }
tec
execute0_lowered:
.L_overlay_start_1:
0x0: {  	(tag) =	ssettag $0x1  }
0x1: {  	s0 =	srdreg.scid  }
0x2: {  	s28 =	sand.u32 $0x1, s0  }
0x3: {  	s0 =	stileid.u32;
	s1 =	sshll.u32 s28, $0x4  }
0x4: {  	s29 =	sor.u32 s0, s1  }
0x5: {  	s26 =	rddreg [dreg:$0x0];
	s2 =	simm.s32 $0x0;
	s3 =	smul.u32 $0xA0, s29  }
0x6: {  	[smem:$0x7FF] =	sst s2  }
0x7: {  	s1 =	rddreg [dreg:$0x1];
	s3 =	sadd.s32 s3, s26  }
0x8: {  	_ =	strace $0x80000047;
	s4 =	sadd.s32 $0x5000, s3;
	s3 =	simm.s32 $0x2  }
0x9: {  	[tilespmem:s2], [sflag:$0x2] =	stream.linear.gather [hbm4b:s4+s2], $0x500, $0x38;
	[tilespmem:$0xA500] =	vst v63  }
0xa: {  	_ =	swait.ge [sflag:s3], $0x500  }
0xb: {  	s6 =	simm.s32 $0x80;
	[sflag:s3] =	ssyncset.done $0x0  }
0xc: {  	s7 =	simm.s32 $0x500;
	s5 =	sadd.s32 $0x56400, s26;
	[sflag:s3] =	ssyncadd.s32 $0xFFFFFB00  }
0xd: {  	[tilespmem:s7], [sflag:$0x1] =	stream.indirect.gather [hbm4b:s5+s6], $0x20, s2, s6, $0xb8;
	[tilespmem:$0xA500] =	vst v63  }
0xe: {  	s8 =	simm.s32 $0x1500  }
0xf: {  	[tilespmem:s8], [sflag:$0x1] =	stream.indirect.gather [hbm4b:s5+s6], $0x20, s6, s6, $0xb8;
	[tilespmem:$0xA500] =	vst v63  }
0x10: {  	s9 =	simm.s32 $0x100;
	s10 =	simm.s32 $0x2500  }
0x11: {  	[tilespmem:s10], [sflag:$0x1] =	stream.indirect.gather [hbm4b:s5+s6], $0x20, s9, s6, $0xb8;
	[tilespmem:$0xA500] =	vst v63  }
0x12: {  	s11 =	simm.s32 $0x180;
	s12 =	simm.s32 $0x3500  }
0x13: {  	[tilespmem:s12], [sflag:$0x1] =	stream.indirect.gather [hbm4b:s5+s6], $0x20, s11, s6, $0xb8;
	[tilespmem:$0xA500] =	vst v63  }
0x14: {  	s13 =	simm.s32 $0x200;
	s14 =	simm.s32 $0x4500  }
0x15: {  	[tilespmem:s14], [sflag:$0x1] =	stream.indirect.gather [hbm4b:s5+s6], $0x20, s13, s6, $0xb8;
	[tilespmem:$0xA500] =	vst v63  }
0x16: {  	s15 =	simm.s32 $0x280;
	s16 =	simm.s32 $0x5500  }
0x17: {  	[tilespmem:s16], [sflag:$0x1] =	stream.indirect.gather [hbm4b:s5+s6], $0x20, s15, s6, $0xb8;
	[tilespmem:$0xA500] =	vst v63  }
0x18: {  	s17 =	simm.s32 $0x300;
	s18 =	simm.s32 $0x6500  }
0x19: {  	[tilespmem:s18], [sflag:$0x1] =	stream.indirect.gather [hbm4b:s5+s6], $0x20, s17, s6, $0xb8;
	[tilespmem:$0xA500] =	vst v63  }
0x1a: {  	s19 =	simm.s32 $0x380;
	s20 =	simm.s32 $0x7500  }
0x1b: {  	[tilespmem:s20], [sflag:$0x1] =	stream.indirect.gather [hbm4b:s5+s6], $0x20, s19, s6, $0xb8;
	[tilespmem:$0xA500] =	vst v63  }
0x1c: {  	s21 =	simm.s32 $0x400;
	s22 =	simm.s32 $0x8500  }
0x1d: {  	[tilespmem:s22], [sflag:$0x1] =	stream.indirect.gather [hbm4b:s5+s6], $0x20, s21, s6, $0xb8;
	[tilespmem:$0xA500] =	vst v63  }
0x1e: {  	s23 =	simm.s32 $0x480;
	s24 =	simm.s32 $0x9500;
	s25 =	simm.s32 $0x1  }
0x1f: {  	[tilespmem:s24], [sflag:$0x1] =	stream.indirect.gather [hbm4b:s5+s6], $0x20, s23, s6, $0xb8;
	[tilespmem:$0xA500] =	vst v63  }
0x20: {  	_ =	swait.ge [sflag:s25], $0x1000  }
0x21: {  	[sflag:s25] =	ssyncset.done $0x0  }
0x22: {  	[sflag:s25] =	ssyncadd.s32 $0xFFFFF000  }
0x23: {  	_ =	swait.ge [sflag:s25], $0x1000  }
0x24: {  	[sflag:s25] =	ssyncset.done $0x0  }
0x25: {  	[sflag:s25] =	ssyncadd.s32 $0xFFFFF000  }
0x26: {  	_ =	swait.ge [sflag:s25], $0x1000  }
0x27: {  	[sflag:s25] =	ssyncset.done $0x0  }
0x28: {  	[sflag:s25] =	ssyncadd.s32 $0xFFFFF000  }
0x29: {  	_ =	swait.ge [sflag:s25], $0x1000  }
0x2a: {  	[sflag:s25] =	ssyncset.done $0x0  }
0x2b: {  	[sflag:s25] =	ssyncadd.s32 $0xFFFFF000  }
0x2c: {  	_ =	swait.ge [sflag:s25], $0x1000  }
0x2d: {  	[sflag:s25] =	ssyncset.done $0x0  }
0x2e: {  	[sflag:s25] =	ssyncadd.s32 $0xFFFFF000  }
0x2f: {  	_ =	swait.ge [sflag:s25], $0x1000  }
0x30: {  	[sflag:s25] =	ssyncset.done $0x0  }
0x31: {  	[sflag:s25] =	ssyncadd.s32 $0xFFFFF000  }
0x32: {  	_ =	swait.ge [sflag:s25], $0x1000  }
0x33: {  	[sflag:s25] =	ssyncset.done $0x0  }
0x34: {  	[sflag:s25] =	ssyncadd.s32 $0xFFFFF000  }
0x35: {  	_ =	swait.ge [sflag:s25], $0x1000  }
0x36: {  	[sflag:s25] =	ssyncset.done $0x0  }
0x37: {  	s28 =	ssub.s32 $0x2, s28;
	[sflag:s25] =	ssyncadd.s32 $0xFFFFF000  }
0x38: {  	s30 =	sshrl.u32 s28, $0x1;
	_ =	swait.ge [sflag:s25], $0x1000  }
0x39: {  	s28 =	ssub.s32 s28, s30;
	[sflag:s25] =	ssyncset.done $0x0  }
0x3a: {  	s29 =	smul.u32 $0x1400, s29;
	s28 =	smax.u32 s28, $0x1;
	[sflag:s25] =	ssyncadd.s32 $0xFFFFF000  }
0x3b: {  	p0 =	sne.s32 s28, $0x1;
	_ =	swait.ge [sflag:s25], $0x1000  }
.Ltmp0:
0x3c: {  	s26 =	sadd.s32 s29, s26;
	[sflag:s25] =	ssyncset.done $0x0;
	(pc) =	sbr.rel @!p0 .LBB2_2-.Ltmp0, $4  }
0x3d: {  	s26 =	sadd.s32 $0x6A400, s26;
	[sflag:s25] =	ssyncadd.s32 $0xFFFFF000  }
0x3e: {  	[hbm4b:s26+s2] =	stream.linear.scatter [tilespmem:s7], [sflag:$0x2], $0xA000, $0x38;
	[tilespmem:$0xA500] =	vst v63  }
0x3f: {  	_ =	swait.ge [sflag:s3], $0xA000  }
0x40: {  	s28 =	sadd.s32 $0xFFFFFFFF, s28;
	[sflag:s3] =	ssyncset.done $0x0  }
.LBB2_1:
0x41: {  	p0 =	sne.s32 s28, $0x1;
	s28 =	sadd.s32 $0xFFFFFFFF, s28;
	[sflag:s3] =	ssyncadd.s32 $0xFFFF6000  }
0x42: {  	[tilespmem:s2], [sflag:$0x2] =	stream.linear.gather [hbm4b:s4+s2], $0x500, $0x38;
	[tilespmem:$0xA500] =	vst v63  }
0x43: {  	_ =	swait.ge [sflag:s3], $0x500  }
0x44: {  	[sflag:s3] =	ssyncset.done $0x0  }
0x45: {  	[sflag:s3] =	ssyncadd.s32 $0xFFFFFB00  }
0x46: {  	[tilespmem:s7], [sflag:$0x1] =	stream.indirect.gather [hbm4b:s5+s6], $0x20, s2, s6, $0xb8;
	[tilespmem:$0xA500] =	vst v63  }
0x47: {  	_ = 	snop  }
0x48: {  	[tilespmem:s8], [sflag:$0x1] =	stream.indirect.gather [hbm4b:s5+s6], $0x20, s6, s6, $0xb8;
	[tilespmem:$0xA500] =	vst v63  }
0x49: {  	_ = 	snop  }
0x4a: {  	[tilespmem:s10], [sflag:$0x1] =	stream.indirect.gather [hbm4b:s5+s6], $0x20, s9, s6, $0xb8;
	[tilespmem:$0xA500] =	vst v63  }
0x4b: {  	_ = 	snop  }
0x4c: {  	[tilespmem:s12], [sflag:$0x1] =	stream.indirect.gather [hbm4b:s5+s6], $0x20, s11, s6, $0xb8;
	[tilespmem:$0xA500] =	vst v63  }
0x4d: {  	_ = 	snop  }
0x4e: {  	[tilespmem:s14], [sflag:$0x1] =	stream.indirect.gather [hbm4b:s5+s6], $0x20, s13, s6, $0xb8;
	[tilespmem:$0xA500] =	vst v63  }
0x4f: {  	_ = 	snop  }
0x50: {  	[tilespmem:s16], [sflag:$0x1] =	stream.indirect.gather [hbm4b:s5+s6], $0x20, s15, s6, $0xb8;
	[tilespmem:$0xA500] =	vst v63  }
0x51: {  	_ = 	snop  }
0x52: {  	[tilespmem:s18], [sflag:$0x1] =	stream.indirect.gather [hbm4b:s5+s6], $0x20, s17, s6, $0xb8;
	[tilespmem:$0xA500] =	vst v63  }
0x53: {  	_ = 	snop  }
0x54: {  	[tilespmem:s20], [sflag:$0x1] =	stream.indirect.gather [hbm4b:s5+s6], $0x20, s19, s6, $0xb8;
	[tilespmem:$0xA500] =	vst v63  }
0x55: {  	_ = 	snop  }
0x56: {  	[tilespmem:s22], [sflag:$0x1] =	stream.indirect.gather [hbm4b:s5+s6], $0x20, s21, s6, $0xb8;
	[tilespmem:$0xA500] =	vst v63  }
0x57: {  	_ = 	snop  }
0x58: {  	[tilespmem:s24], [sflag:$0x1] =	stream.indirect.gather [hbm4b:s5+s6], $0x20, s23, s6, $0xb8;
	[tilespmem:$0xA500] =	vst v63  }
0x59: {  	_ =	swait.ge [sflag:s25], $0x1000  }
0x5a: {  	[sflag:s25] =	ssyncset.done $0x0  }
0x5b: {  	[sflag:s25] =	ssyncadd.s32 $0xFFFFF000  }
0x5c: {  	_ =	swait.ge [sflag:s25], $0x1000  }
0x5d: {  	[sflag:s25] =	ssyncset.done $0x0  }
0x5e: {  	[sflag:s25] =	ssyncadd.s32 $0xFFFFF000  }
0x5f: {  	_ =	swait.ge [sflag:s25], $0x1000  }
0x60: {  	[sflag:s25] =	ssyncset.done $0x0  }
0x61: {  	[sflag:s25] =	ssyncadd.s32 $0xFFFFF000  }
0x62: {  	_ =	swait.ge [sflag:s25], $0x1000  }
0x63: {  	[sflag:s25] =	ssyncset.done $0x0  }
0x64: {  	[sflag:s25] =	ssyncadd.s32 $0xFFFFF000  }
0x65: {  	_ =	swait.ge [sflag:s25], $0x1000  }
0x66: {  	[sflag:s25] =	ssyncset.done $0x0  }
0x67: {  	[sflag:s25] =	ssyncadd.s32 $0xFFFFF000  }
0x68: {  	_ =	swait.ge [sflag:s25], $0x1000  }
0x69: {  	[sflag:s25] =	ssyncset.done $0x0  }
0x6a: {  	[sflag:s25] =	ssyncadd.s32 $0xFFFFF000  }
0x6b: {  	_ =	swait.ge [sflag:s25], $0x1000  }
0x6c: {  	[sflag:s25] =	ssyncset.done $0x0  }
0x6d: {  	[sflag:s25] =	ssyncadd.s32 $0xFFFFF000  }
0x6e: {  	_ =	swait.ge [sflag:s25], $0x1000  }
0x6f: {  	[sflag:s25] =	ssyncset.done $0x0  }
0x70: {  	[sflag:s25] =	ssyncadd.s32 $0xFFFFF000  }
0x71: {  	_ =	swait.ge [sflag:s25], $0x1000  }
0x72: {  	[sflag:s25] =	ssyncset.done $0x0  }
0x73: {  	[sflag:s25] =	ssyncadd.s32 $0xFFFFF000  }
0x74: {  	_ =	swait.ge [sflag:s25], $0x1000  }
.Ltmp1:
0x75: {  	[sflag:s25] =	ssyncset.done $0x0;
	(pc) =	sbr.rel @p0 .LBB2_1-.Ltmp1, $4  }
0x76: {  	[sflag:s25] =	ssyncadd.s32 $0xFFFFF000  }
0x77: {  	[hbm4b:s26+s2] =	stream.linear.scatter [tilespmem:s7], [sflag:$0x2], $0xA000, $0x38;
	[tilespmem:$0xA500] =	vst v63  }
0x78: {  	_ =	swait.ge [sflag:s3], $0xA000  }
0x79: {  	[sflag:s3] =	ssyncset.done $0x0  }
.LBB2_2:
0x7a: {  	[sflag:s3] =	ssyncadd.s32 $0xFFFF6000  }
0x7b: {  	_ =	sfence.sel $0x180000  }
0x7c: {  	[bflag:$0x0] =	sbarrier.arrive $0xFFFF  }
0x7d: {  	p0 =	sne.s32 s0, $0x0;
	_ =	strace $0x90000047  }
0x7e: {  	s0 =	sadd.s32 @!p0 $0x100000, s1;
	[bflag:$0x2] =	sbarrier.arrive $0xFFFF  }
0x7f: {  	[sflag:s0] =	ssyncadd.tile.s32 @!p0 $0x1;
	_ =	shalt  }
.Lfunc_end2:
_tile_overlayer_lowered:
.L_overlay_start_2:
0x80: {  	(tag) =	ssettag $0x2  }
0x81: {  	s0 =	rddreg [dreg:$0x0];
	s2 =	stileid.u32  }
0x82: {  	s1 =	rddreg [dreg:$0x1];
	p0 =	sne.s32 s2, $0x0  }
0x83: {  	s3 =	rddreg [dreg:$0x2];
	[bflag:$0x3] =	sbarrier.arrive $0xFFFF;
	s2 =	simm.s32 @!p0 $0x1C02  }
0x84: {  	[timem:s3], [sflag:s2] =	dma.local @!p0 [hbm:s0], s1  }
0x85: {  	s0 =	simm.s32 @!p0 $0x2  }
0x86: {  	_ =	swait.ge @!p0 [sflag:s0], s1  }
0x87: {  	s1 =	ssub.s32 @!p0 $0x0, s1;
	[sflag:s0] =	ssyncset.done @!p0 $0x0  }
0x88: {  	[sflag:s0] =	ssyncadd.s32 @!p0 s1  }
0x89: {  	[bflag:$0x3] =	sbarrier.arrive $0xFFFF  }
0x8a: {  	_ =	shalt  }

// kernel: kernel.19.cloned.1.call-start
scs
__scs_entry_jumppad:
0x0: {  	(pc) =	sbr.rel $0x88, $3  }
0x1: {  	(tag) =	ssettag $0x0;
	lr =	simm.s32 $0x1  }
0x2: {  	[smem:$0x3F85] =	sst lr;
	_ =	strace $0xD0000000  }
0x3: {  	_ = 	snop  }
0x4: {  	_ = 	snop  }
0x5: {  	_ = 	snop  }
0x6: {  	_ = 	snop  }
0x7: {  	_ = 	snop  }
__scs_overlays_trampoline_lowered:
0x8: {  	[smem:$0x3F94] =	sst s0  }
0x9: {  	[smem:$0x3F95] =	sst s1  }
0xa: {  	[smem:$0x3F96] =	sst s2  }
0xb: {  	[smem:$0x3F97] =	sst s3  }
0xc: {  	[smem:$0x3F98] =	sst s4  }
0xd: {  	[smem:$0x3F99] =	sst s5  }
0xe: {  	[smem:$0x3F9A] =	sst s6  }
0xf: {  	[smem:$0x3F9B] =	sst s7  }
0x10: {  	[smem:$0x3F9C] =	sst s8  }
0x11: {  	[smem:$0x3F9D] =	sst s9;
	s0 =	simm.s32 @!p0 $0x0  }
0x12: {  	s1 =	sld [smem:$0x3F83];
	s0 =	simm.s32 @p0 $0x1  }
0x13: {  	[smem:$0x3F9E] =	sst s0;
	s0 =	simm.s32 @!p1 $0x0  }
0x14: {  	s2 =	sld [smem:$0x3F82];
	s0 =	simm.s32 @p1 $0x1  }
0x15: {  	[smem:$0x3F9F] =	sst s0;
	s0 =	simm.s32 @!p2 $0x0  }
0x16: {  	s3 =	sld [smem:$0x3FDB];
	s0 =	simm.s32 @p2 $0x1  }
0x17: {  	s4 =	simm.s32 $0x1BF5;
	[smem:$0x3FA1] =	sst s0  }
0x18: {  	s0 =	sld [smem:$0x3F84];
	_ =	swait.ge [sflag:s4], $0x0  }
0x19: {  	s7 =	sld [smem:$0x3F85]  }
0x1a: {  	s8 =	sadd.s32 $0xFFFFE003, lr  }
0x1b: {  	s9 =	sadd.s32 $0xFFFFFEF7, lr;
	s5 =	simm.s32 $0xFFFFFFFF;
	p2 =	slt.u32 s8, $0xFFFFF086  }
0x1c: {  	p1 =	slt.u32 s9, $0xF7A;
	s5 =	simm.s32 @!p2 $0x0  }
0x1d: {  	s5 =	simm.s32 @p1 $0x1;
	p0 =	seq.s32 s7, s2  }
0x1e: {  	s7 =	smul.u32 @!p0 $0xF7A, s2;
	p2 =	seq.s32 @!p0 s5, $0x0  }
0x1f: {  	s9 =	smul.u32 $0xF7A, s1;
	s8 =	simm.s32 @!p0 $0x1BF5;
	p2 =	por !p2, p0  }
0x20: {  	[sflag:s8] =	ssyncset.s32 @!p0 $0xFFFFF086;
	s6 =	sadd.s32 @!p0 s3, s7;
	s7 =	simm.s32 @!p0 $0x108  }
0x21: {  	s3 =	sadd.s32 s3, s9;
	s6 =	sadd.s32 @!p0 $0x88, s6;
	s7 =	simm.s32 @p2 $0x1082  }
0x22: {  	[simem:s7], [sflag:s8] =	dma.local @!p0 [hbm:s6], $0xF7A  }
0x23: {  	s9 =	sor.u32 $0xD0000000, s2;
	s6 =	simm.s32 $0x108;
	_ =	swait.ge @!p0 [sflag:s8], $0x0  }
0x24: {  	s3 =	sadd.s32 $0x88, s3;
	s6 =	simm.s32 @!p1 $0x1082;
	[sflag:s4] =	ssyncset.s32 $0xFFFFF086  }
0x25: {  	[simem:s6], [sflag:s4] =	dma.local [hbm:s3], $0xF7A  }
0x26: {  	[smem:$0x3F85] =	sst s1;
	(tag) =	ssettag s2;
	_ =	strace s9  }
0x27: {  	s1 =	sld [smem:$0x3F95]  }
0x28: {  	s2 =	sld [smem:$0x3F96]  }
0x29: {  	s4 =	sld [smem:$0x3F98]  }
0x2a: {  	p0 =	seq.s32 s5, $0x0;
	s5 =	sld [smem:$0x3F99]  }
0x2b: {  	s6 =	sld [smem:$0x3F9A]  }
0x2c: {  	s7 =	sld [smem:$0x3F9B]  }
0x2d: {  	s3 =	simm.s32 $0x108;
	s8 =	sld [smem:$0x3F9C]  }
0x2e: {  	s3 =	simm.s32 @!p0 $0x1082;
	s9 =	sld [smem:$0x3F9D]  }
0x2f: {  	lr =	sadd.s32 s0, s3;
	s0 =	sld [smem:$0x3F94]  }
0x30: {  	s3 =	sld [smem:$0x3F97]  }
0x31: {  	[smem:$0x3FA0] =	sst s10  }
0x32: {  	s10 =	sld [smem:$0x3F9E];
	_ =	sdelay $0x3  }
0x33: {  	p0 =	seq.s32 s10, $0x1;
	s10 =	sld [smem:$0x3FA0];
	_ =	sdelay $0x3  }
0x34: {  	[smem:$0x3FA0] =	sst s10  }
0x35: {  	s10 =	sld [smem:$0x3F9F];
	_ =	sdelay $0x3  }
0x36: {  	p1 =	seq.s32 s10, $0x1;
	s10 =	sld [smem:$0x3FA0];
	_ =	sdelay $0x3  }
0x37: {  	[smem:$0x3FA0] =	sst s10  }
0x38: {  	s10 =	sld [smem:$0x3FA1]  }
0x39: {  	_ = 	snop;
	(pc) =	sbr.ind lr, $3  }
0x3a: {  	_ = 	snop  }
0x3b: {  	_ = 	snop  }
0x3c: {  	p2 =	seq.s32 s10, $0x1;
	s10 =	sld [smem:$0x3FA0]  }
0x3d: {  	_ =	shalt  }
0x3e: {  	_ =	shalt  }
0x3f: {  	_ =	shalt  }
0x40: {  	_ =	shalt  }
0x41: {  	_ =	shalt  }
0x42: {  	_ =	shalt  }
0x43: {  	_ =	shalt  }
0x44: {  	_ =	shalt  }
0x45: {  	_ =	shalt  }
0x46: {  	_ =	shalt  }
0x47: {  	_ =	shalt  }
0x48: {  	_ =	shalt  }
0x49: {  	_ =	shalt  }
0x4a: {  	_ =	shalt  }
0x4b: {  	_ =	shalt  }
0x4c: {  	_ =	shalt  }
0x4d: {  	_ =	shalt  }
0x4e: {  	_ =	shalt  }
0x4f: {  	_ =	shalt  }
0x50: {  	_ =	shalt  }
0x51: {  	_ =	shalt  }
0x52: {  	_ =	shalt  }
0x53: {  	_ =	shalt  }
0x54: {  	_ =	shalt  }
0x55: {  	_ =	shalt  }
0x56: {  	_ =	shalt  }
0x57: {  	_ =	shalt  }
0x58: {  	_ =	shalt  }
0x59: {  	_ =	shalt  }
0x5a: {  	_ =	shalt  }
0x5b: {  	_ =	shalt  }
0x5c: {  	_ =	shalt  }
0x5d: {  	_ =	shalt  }
0x5e: {  	_ =	shalt  }
0x5f: {  	_ =	shalt  }
0x60: {  	_ =	shalt  }
0x61: {  	_ =	shalt  }
0x62: {  	_ =	shalt  }
0x63: {  	_ =	shalt  }
0x64: {  	_ =	shalt  }
0x65: {  	_ =	shalt  }
0x66: {  	_ =	shalt  }
0x67: {  	_ =	shalt  }
0x68: {  	_ =	shalt  }
0x69: {  	_ =	shalt  }
0x6a: {  	_ =	shalt  }
0x6b: {  	_ =	shalt  }
0x6c: {  	_ =	shalt  }
0x6d: {  	_ =	shalt  }
0x6e: {  	_ =	shalt  }
0x6f: {  	_ =	shalt  }
0x70: {  	_ =	shalt  }
0x71: {  	_ =	shalt  }
0x72: {  	_ =	shalt  }
0x73: {  	_ =	shalt  }
0x74: {  	_ =	shalt  }
0x75: {  	_ =	shalt  }
0x76: {  	_ =	shalt  }
0x77: {  	_ =	shalt  }
0x78: {  	_ =	shalt  }
0x79: {  	_ =	shalt  }
0x7a: {  	_ =	shalt  }
0x7b: {  	_ =	shalt  }
0x7c: {  	_ =	shalt  }
0x7d: {  	_ =	shalt  }
0x7e: {  	_ =	shalt  }
0x7f: {  	_ =	shalt  }
0x80: {  	_ =	shalt  }
0x81: {  	_ =	shalt  }
0x82: {  	_ =	shalt  }
0x83: {  	_ =	shalt  }
0x84: {  	_ =	shalt  }
0x85: {  	_ =	shalt  }
0x86: {  	_ =	shalt  }
0x87: {  	_ =	shalt  }
.Lfunc_end0:
.L_simem_size_0:
called_computation.1_lowered:
.L_overlay_start_0:
0x88: {  	s2 =	sld [smem:$0x3FD9]  }
0x89: {  	s3 =	sld [smem:$0x3FFE];
	_ =	sdelay $0x1  }
0x8a: {  	s1 =	srdreg.scid  }
0x8b: {  	s0 =	sand.u32 $0x1, s1  }
0x8c: {  	s16 =	sshll.u32 s0, $0xA;
	s2 =	sadd.s32 s3, s2  }
0x8d: {  	s2 =	sadd.s32 s2, s16  }
0x8e: {  	[smem:$0x3FAC] =	sst s2  }
0x8f: {  	_ = 	snop  }
0x90: {  	(tm) =	ssettm $0x1  }
0x91: {  	s17 =	sld [smem:$0x3FFB];
	_ =	sdelay $0x3  }
0x92: {  	_ =	strace s17  }
0x93: {  	s2 =	sld [smem:$0x3FFC];
	_ =	sdelay $0x3  }
0x94: {  	_ =	strace s2  }
0x95: {  	s2 =	sld [smem:$0x3FFD];
	_ =	sdelay $0x3  }
0x96: {  	_ =	strace s2  }
0x97: {  	_ =	strace $0x8FFFFFFF  }
0x98: {  	s18 =	sld [smem:$0x3FDB];
	_ =	sdelay $0x1  }
0x99: {  	s19 =	simm.s32 $_scs_section_size  }
0x9a: {  	s4 =	simm.s32 $_size__tile_overlayer_lowered;
	s5 =	simm.s32 $_tile_overlayer_lowered  }
0x9b: {  	s22 =	simm.s32 $0x1BFF;
	s21 =	sshll.u32 s5, $0x1;
	s2 =	sadd.s32 s19, s18  }
0x9c: {  	s6 =	simm.s32 $0x0;
	s20 =	sshll.u32 s4, $0x1;
	s4 =	sadd.s32 s21, s2  }
0x9d: {  	[timem:s6], [sflag:s22] =	dma.local [hbm:s4], s20  }
0x9e: {  	_ =	swait.ge [sflag:s22], s20  }
0x9f: {  	s3 =	ssub.s32 $0x0, s20;
	[sflag:s22] =	ssyncset.done $0x0  }
0xa0: {  	[sflag:s22] =	ssyncadd.s32 s3;
	_ =	sdelay $0x1  }
0xa1: {  	s23 =	simm.s32 $0x1B8B  }
0xa2: {  	_ =	swait.ge [sflag:s23], $0x1  }
0xa3: {  	[sflag:s23] =	ssyncset.done $0x0  }
0xa4: {  	s25 =	simm.s32 $0x1B8E;
	s24 =	sld [smem:$0x3FFE];
	[sflag:s23] =	ssyncadd.s32 $0xFFFFFFFF  }
0xa5: {  	s26 =	simm.s32 $execute0_lowered;
	[smem:$0x3FD2] =	sst s25  }
0xa6: {  	s4 =	sshll.u32 s26, $0x1;
	_ =	strace $0x80000049;
	[dreg:$0x1] =	wrdreg $0xFFFFFFFF  }
0xa7: {  	s28 =	simm.s32 $_size_execute0_lowered;
	s2 =	sadd.s32 s2, s4;
	[dreg:$0x0] =	wrdreg $0x0  }
0xa8: {  	s4 =	sshll.u32 s28, $0x1;
	[dreg:$0x2] =	wrdreg s2  }
0xa9: {  	[dreg:$0x3] =	wrdreg s4  }
0xaa: {  	[dreg:$0x4] =	wrdreg $0xC0  }
0xab: {  	_ =	task [dreg:s6], $0x5FFFF  }
0xac: {  	[dreg:$0x1] =	wrdreg $0xFFFFFFFF  }
0xad: {  	[dreg:$0x0] =	wrdreg $0x60  }
0xae: {  	[dreg:$0x2] =	wrdreg s24  }
0xaf: {  	[dreg:$0x3] =	wrdreg $0xA5000  }
0xb0: {  	[dreg:$0x4] =	wrdreg $0x9  }
0xb1: {  	_ =	task.clear_ibuf [dreg:s6], $0x5FFFF;
	_ =	strace $0x90000049  }
0xb2: {  	s29 =	simm.s32 $0x9;
	_ =	strace $0x8000004B  }
0xb3: {  	_ =	swait.ge [sflag:s29], $0x1  }
0xb4: {  	[sflag:s29] =	ssyncadd.s32 $0xFFFFFFFF  }
0xb5: {  	_ =	strace $0x9000004B  }
0xb6: {  	_ =	sfence  }
0xb7: {  	s30 =	sld [smem:$0x0];
	_ =	sdelay $0x2  }
0xb8: {  	s31 =	sshll.u32 s1, $0xD;
	s1 =	sshrl.u32 s1, $0x2  }
0xb9: {  	s3 =	sand.u32 $0x4000, s31;
	s1 =	sadd.s32 s1, s30  }
0xba: {  	s0 =	sor.u32 s3, s0;
	s1 =	sshll.u32 s1, $0x11  }
0xbb: {  	s0 =	sor.u32 s1, s0  }
0xbc: {  	s0 =	sadd.s32 $0x8F2B, s0  }
0xbd: {  	[sflag:s0] =	ssyncadd.remote.s32 $0x1  }
0xbe: {  	_ =	sfence.sel $0xFFFF  }
0xbf: {  	[dreg:$0x0] =	wrdreg $0xFFFFFFFF;
	(pc) =	sbr.abs _section_cstart, $3  }
0xc0: {  	[dreg:$0x1] =	wrdreg $0xFFFFFFFF  }
0xc1: {  	_ =	task.clear_ibuf [dreg:s6], $0x2FFFF;
	_ =	strace $0x9FFFFFFF  }
0xc2: {  	(tm) =	ssettm $0x7FFFFFFF  }
0xc3: {  	_ =	shalt  }
tec
execute0_lowered:
.L_overlay_start_1:
0x0: {  	(tag) =	ssettag $0x1  }
0x1: {  	s0 =	srdreg.scid  }
0x2: {  	s31 =	sand.u32 $0x1, s0  }
0x3: {  	s26 =	stileid.u32;
	s1 =	sshll.u32 s31, $0x4  }
0x4: {  	s30 =	rddreg [dreg:$0x0];
	s4 =	sor.u32 s26, s1  }
0x5: {  	s2 =	rddreg [dreg:$0x1];
	s3 =	simm.s32 $0x0;
	s5 =	smul.u32 $0xA0, s4  }
0x6: {  	[smem:$0x7FF] =	sst s3;
	s7 =	sshll.u32 s26, $0x6  }
0x7: {  	_ =	strace $0x8000004A;
	s1 =	smul.u32 $0xA000, s26;
	s5 =	sadd.s32 s5, s30  }
0x8: {  	s9 =	smul.u32 $0x1400, s4;
	s4 =	simm.s32 $0x1;
	s5 =	sadd.s32 $0x92400, s5  }
0x9: {  	[tilespmem:s3], [sflag:$0x1] =	stream.linear.gather [hbm4b:s5+s3], $0x500, $0x38;
	[tilespmem:$0x14500] =	vst v63  }
0xa: {  	s7 =	sor.u32 $0x1C01, s7;
	s6 =	sshrl.u32 s1, $0x3;
	_ =	swait.ge [sflag:s4], $0x500  }
0xb: {  	s8 =	sadd.s32 s1, s2;
	s6 =	sadd.s32 s6, s30;
	[sflag:s4] =	ssyncset.done $0x0  }
0xc: {  	s8 =	sshrl.u32 s8, $0x3;
	s6 =	sadd.s32 $0x7E400, s6;
	[sflag:s4] =	ssyncadd.s32 $0xFFFFFB00  }
0xd: {  	[spmem:s8], [sflag:s7] =	dma.local [hbm:s6], $0x1400  }
0xe: {  	_ =	swait.ge [sflag:s4], $0x1400  }
0xf: {  	s9 =	sadd.s32 s9, s30;
	[sflag:s4] =	ssyncset.done $0x0  }
0x10: {  	s10 =	simm.s32 $0x500;
	s9 =	sadd.s32 $0x56400, s9;
	[sflag:s4] =	ssyncadd.s32 $0xFFFFEC00  }
0x11: {  	[tilespmem:s10], [sflag:$0x1] =	stream.linear.gather [hbm4b:s9+s3], $0xA000, $0x38;
	[tilespmem:$0x14500] =	vst v63  }
0x12: {  	_ =	swait.ge [sflag:s4], $0xA000  }
0x13: {  	[sflag:s4] =	ssyncset.done $0x0  }
0x14: {  	[sflag:s4] =	ssyncadd.s32 $0xFFFF6000  }
0x15: {  	s11 =	simm.s32 $0x80;
	[bflag:$0x0] =	sbarrier.arrive $0xFFFF  }
0x16: {  	[spmem:s2] =	stream.indirect.scatter.add.f32 [tilespmem:s10], [sflag:$0x1], $0x20, s3, s11, $0xb8;
	[tilespmem:$0x14500] =	vst v63  }
0x17: {  	_ =	swait.ge [sflag:s4], $0x1000  }
0x18: {  	[sflag:s4] =	ssyncset.done $0x0  }
0x19: {  	s12 =	simm.s32 $0x1500;
	[sflag:s4] =	ssyncadd.s32 $0xFFFFF000  }
0x1a: {  	[spmem:s2] =	stream.indirect.scatter.add.f32 [tilespmem:s12], [sflag:$0x1], $0x20, s11, s11, $0xb8;
	[tilespmem:$0x14500] =	vst v63  }
0x1b: {  	_ =	swait.ge [sflag:s4], $0x1000  }
0x1c: {  	[sflag:s4] =	ssyncset.done $0x0  }
0x1d: {  	s13 =	simm.s32 $0x100;
	s14 =	simm.s32 $0x2500;
	[sflag:s4] =	ssyncadd.s32 $0xFFFFF000  }
0x1e: {  	[spmem:s2] =	stream.indirect.scatter.add.f32 [tilespmem:s14], [sflag:$0x1], $0x20, s13, s11, $0xb8;
	[tilespmem:$0x14500] =	vst v63  }
0x1f: {  	_ =	swait.ge [sflag:s4], $0x1000  }
0x20: {  	[sflag:s4] =	ssyncset.done $0x0  }
0x21: {  	s15 =	simm.s32 $0x180;
	s16 =	simm.s32 $0x3500;
	[sflag:s4] =	ssyncadd.s32 $0xFFFFF000  }
0x22: {  	[spmem:s2] =	stream.indirect.scatter.add.f32 [tilespmem:s16], [sflag:$0x1], $0x20, s15, s11, $0xb8;
	[tilespmem:$0x14500] =	vst v63  }
0x23: {  	_ =	swait.ge [sflag:s4], $0x1000  }
0x24: {  	[sflag:s4] =	ssyncset.done $0x0  }
0x25: {  	s17 =	simm.s32 $0x200;
	s18 =	simm.s32 $0x4500;
	[sflag:s4] =	ssyncadd.s32 $0xFFFFF000  }
0x26: {  	[spmem:s2] =	stream.indirect.scatter.add.f32 [tilespmem:s18], [sflag:$0x1], $0x20, s17, s11, $0xb8;
	[tilespmem:$0x14500] =	vst v63  }
0x27: {  	_ =	swait.ge [sflag:s4], $0x1000  }
0x28: {  	[sflag:s4] =	ssyncset.done $0x0  }
0x29: {  	s19 =	simm.s32 $0x280;
	s20 =	simm.s32 $0x5500;
	[sflag:s4] =	ssyncadd.s32 $0xFFFFF000  }
0x2a: {  	[spmem:s2] =	stream.indirect.scatter.add.f32 [tilespmem:s20], [sflag:$0x1], $0x20, s19, s11, $0xb8;
	[tilespmem:$0x14500] =	vst v63  }
0x2b: {  	_ =	swait.ge [sflag:s4], $0x1000  }
0x2c: {  	[sflag:s4] =	ssyncset.done $0x0  }
0x2d: {  	s21 =	simm.s32 $0x300;
	s22 =	simm.s32 $0x6500;
	[sflag:s4] =	ssyncadd.s32 $0xFFFFF000  }
0x2e: {  	[spmem:s2] =	stream.indirect.scatter.add.f32 [tilespmem:s22], [sflag:$0x1], $0x20, s21, s11, $0xb8;
	[tilespmem:$0x14500] =	vst v63  }
0x2f: {  	_ =	swait.ge [sflag:s4], $0x1000  }
0x30: {  	[sflag:s4] =	ssyncset.done $0x0  }
0x31: {  	s23 =	simm.s32 $0x380;
	s24 =	simm.s32 $0x7500;
	[sflag:s4] =	ssyncadd.s32 $0xFFFFF000  }
0x32: {  	[spmem:s2] =	stream.indirect.scatter.add.f32 [tilespmem:s24], [sflag:$0x1], $0x20, s23, s11, $0xb8;
	[tilespmem:$0x14500] =	vst v63  }
0x33: {  	_ =	swait.ge [sflag:s4], $0x1000  }
0x34: {  	s25 =	simm.s32 $0x400;
	[sflag:s4] =	ssyncset.done $0x0  }
0x35: {  	s0 =	smul.u32 $0xA0000, s31;
	s26 =	simm.s32 $0x8500;
	[sflag:s4] =	ssyncadd.s32 $0xFFFFF000  }
0x36: {  	[spmem:s2] =	stream.indirect.scatter.add.f32 [tilespmem:s26], [sflag:$0x1], $0x20, s25, s11, $0xb8;
	[tilespmem:$0x14500] =	vst v63  }
0x37: {  	s0 =	sadd.s32 s1, s0;
	s1 =	ssub.s32 $0x2, s31;
	_ =	swait.ge [sflag:s4], $0x1000  }
0x38: {  	s28 =	simm.s32 $0x480;
	s31 =	sshrl.u32 s1, $0x1;
	[sflag:s4] =	ssyncset.done $0x0  }
0x39: {  	s29 =	simm.s32 $0x9500;
	s1 =	ssub.s32 s1, s31;
	[sflag:s4] =	ssyncadd.s32 $0xFFFFF000  }
0x3a: {  	[spmem:s2] =	stream.indirect.scatter.add.f32 [tilespmem:s29], [sflag:$0x1], $0x20, s28, s11, $0xb8;
	[tilespmem:$0x14500] =	vst v63  }
0x3b: {  	s1 =	smax.u32 s1, $0x1;
	_ =	swait.ge [sflag:s4], $0x1000  }
0x3c: {  	s0 =	sshrl.u32 s0, $0x3;
	p0 =	sne.s32 s1, $0x1;
	[sflag:s4] =	ssyncset.done $0x0  }
.Ltmp0:
0x3d: {  	s0 =	sadd.s32 s0, s30;
	[sflag:s4] =	ssyncadd.s32 $0xFFFFF000;
	(pc) =	sbr.rel @!p0 .LBB2_2-.Ltmp0, $4  }
0x3e: {  	s30 =	sadd.s32 $0x93800, s0;
	[bflag:$0x0] =	sbarrier.arrive $0xFFFF  }
0x3f: {  	[hbm:s30], [sflag:s7] =	dma.local [spmem:s8], $0x1400  }
0x40: {  	_ =	swait.ge [sflag:s4], $0x1400  }
0x41: {  	s31 =	sadd.s32 $0xFFFFFFFF, s1;
	[sflag:s4] =	ssyncset.done $0x0  }
.LBB2_1:
0x42: {  	p0 =	sne.s32 s31, $0x1;
	s31 =	sadd.s32 $0xFFFFFFFF, s31;
	[sflag:s4] =	ssyncadd.s32 $0xFFFFEC00  }
0x43: {  	[tilespmem:s3], [sflag:$0x1] =	stream.linear.gather [hbm4b:s5+s3], $0x500, $0x38;
	[tilespmem:$0x14500] =	vst v63  }
0x44: {  	_ =	swait.ge [sflag:s4], $0x500  }
0x45: {  	[sflag:s4] =	ssyncset.done $0x0  }
0x46: {  	[sflag:s4] =	ssyncadd.s32 $0xFFFFFB00  }
0x47: {  	[spmem:s8], [sflag:s7] =	dma.local [hbm:s6], $0x1400  }
0x48: {  	_ =	swait.ge [sflag:s4], $0x1400  }
0x49: {  	[sflag:s4] =	ssyncset.done $0x0  }
0x4a: {  	[sflag:s4] =	ssyncadd.s32 $0xFFFFEC00  }
0x4b: {  	[tilespmem:s10], [sflag:$0x1] =	stream.linear.gather [hbm4b:s9+s3], $0xA000, $0x38;
	[tilespmem:$0x14500] =	vst v63  }
0x4c: {  	_ =	swait.ge [sflag:s4], $0xA000  }
0x4d: {  	[sflag:s4] =	ssyncset.done $0x0  }
0x4e: {  	[sflag:s4] =	ssyncadd.s32 $0xFFFF6000  }
0x4f: {  	[bflag:$0x0] =	sbarrier.arrive $0xFFFF  }
0x50: {  	[spmem:s2] =	stream.indirect.scatter.add.f32 [tilespmem:s10], [sflag:$0x1], $0x20, s3, s11, $0xb8;
	[tilespmem:$0x14500] =	vst v63  }
0x51: {  	_ =	swait.ge [sflag:s4], $0x1000  }
0x52: {  	[sflag:s4] =	ssyncset.done $0x0  }
0x53: {  	[sflag:s4] =	ssyncadd.s32 $0xFFFFF000  }
0x54: {  	[spmem:s2] =	stream.indirect.scatter.add.f32 [tilespmem:s12], [sflag:$0x1], $0x20, s11, s11, $0xb8;
	[tilespmem:$0x14500] =	vst v63  }
0x55: {  	_ =	swait.ge [sflag:s4], $0x1000  }
0x56: {  	[sflag:s4] =	ssyncset.done $0x0  }
0x57: {  	[sflag:s4] =	ssyncadd.s32 $0xFFFFF000  }
0x58: {  	[spmem:s2] =	stream.indirect.scatter.add.f32 [tilespmem:s14], [sflag:$0x1], $0x20, s13, s11, $0xb8;
	[tilespmem:$0x14500] =	vst v63  }
0x59: {  	_ =	swait.ge [sflag:s4], $0x1000  }
0x5a: {  	[sflag:s4] =	ssyncset.done $0x0  }
0x5b: {  	[sflag:s4] =	ssyncadd.s32 $0xFFFFF000  }
0x5c: {  	[spmem:s2] =	stream.indirect.scatter.add.f32 [tilespmem:s16], [sflag:$0x1], $0x20, s15, s11, $0xb8;
	[tilespmem:$0x14500] =	vst v63  }
0x5d: {  	_ =	swait.ge [sflag:s4], $0x1000  }
0x5e: {  	[sflag:s4] =	ssyncset.done $0x0  }
0x5f: {  	[sflag:s4] =	ssyncadd.s32 $0xFFFFF000  }
0x60: {  	[spmem:s2] =	stream.indirect.scatter.add.f32 [tilespmem:s18], [sflag:$0x1], $0x20, s17, s11, $0xb8;
	[tilespmem:$0x14500] =	vst v63  }
0x61: {  	_ =	swait.ge [sflag:s4], $0x1000  }
0x62: {  	[sflag:s4] =	ssyncset.done $0x0  }
0x63: {  	[sflag:s4] =	ssyncadd.s32 $0xFFFFF000  }
0x64: {  	[spmem:s2] =	stream.indirect.scatter.add.f32 [tilespmem:s20], [sflag:$0x1], $0x20, s19, s11, $0xb8;
	[tilespmem:$0x14500] =	vst v63  }
0x65: {  	_ =	swait.ge [sflag:s4], $0x1000  }
0x66: {  	[sflag:s4] =	ssyncset.done $0x0  }
0x67: {  	[sflag:s4] =	ssyncadd.s32 $0xFFFFF000  }
0x68: {  	[spmem:s2] =	stream.indirect.scatter.add.f32 [tilespmem:s22], [sflag:$0x1], $0x20, s21, s11, $0xb8;
	[tilespmem:$0x14500] =	vst v63  }
0x69: {  	_ =	swait.ge [sflag:s4], $0x1000  }
0x6a: {  	[sflag:s4] =	ssyncset.done $0x0  }
0x6b: {  	[sflag:s4] =	ssyncadd.s32 $0xFFFFF000  }
0x6c: {  	[spmem:s2] =	stream.indirect.scatter.add.f32 [tilespmem:s24], [sflag:$0x1], $0x20, s23, s11, $0xb8;
	[tilespmem:$0x14500] =	vst v63  }
0x6d: {  	_ =	swait.ge [sflag:s4], $0x1000  }
0x6e: {  	[sflag:s4] =	ssyncset.done $0x0  }
0x6f: {  	[sflag:s4] =	ssyncadd.s32 $0xFFFFF000  }
0x70: {  	[spmem:s2] =	stream.indirect.scatter.add.f32 [tilespmem:s26], [sflag:$0x1], $0x20, s25, s11, $0xb8;
	[tilespmem:$0x14500] =	vst v63  }
0x71: {  	_ =	swait.ge [sflag:s4], $0x1000  }
0x72: {  	[sflag:s4] =	ssyncset.done $0x0  }
0x73: {  	[sflag:s4] =	ssyncadd.s32 $0xFFFFF000  }
0x74: {  	[spmem:s2] =	stream.indirect.scatter.add.f32 [tilespmem:s29], [sflag:$0x1], $0x20, s28, s11, $0xb8;
	[tilespmem:$0x14500] =	vst v63  }
0x75: {  	_ =	swait.ge [sflag:s4], $0x1000  }
0x76: {  	[sflag:s4] =	ssyncset.done $0x0  }
.Ltmp1:
0x77: {  	[sflag:s4] =	ssyncadd.s32 $0xFFFFF000;
	(pc) =	sbr.rel @p0 .LBB2_1-.Ltmp1, $4  }
0x78: {  	[bflag:$0x0] =	sbarrier.arrive $0xFFFF  }
0x79: {  	[hbm:s30], [sflag:s7] =	dma.local [spmem:s8], $0x1400  }
0x7a: {  	_ =	swait.ge [sflag:s4], $0x1400  }
0x7b: {  	[sflag:s4] =	ssyncset.done $0x0  }
.LBB2_2:
0x7c: {  	[sflag:s4] =	ssyncadd.s32 $0xFFFFEC00  }
0x7d: {  	_ =	sfence.sel $0x180000  }
0x7e: {  	[bflag:$0x0] =	sbarrier.arrive $0xFFFF  }
0x7f: {  	_ =	strace $0x9000004A  }
0x80: {  	s0 =	stileid.u32;
	[bflag:$0x2] =	sbarrier.arrive $0xFFFF  }
0x81: {  	p0 =	sne.s32 s0, $0x0;
	s0 =	rddreg [dreg:$0x2]  }
0x82: {  	s0 =	sadd.s32 @!p0 $0x100000, s0  }
0x83: {  	[sflag:s0] =	ssyncadd.tile.s32 @!p0 $0x1;
	_ =	shalt  }
.Lfunc_end2:
_tile_overlayer_lowered:
.L_overlay_start_2:
0x84: {  	(tag) =	ssettag $0x2  }
0x85: {  	s0 =	rddreg [dreg:$0x0];
	s2 =	stileid.u32  }
0x86: {  	s1 =	rddreg [dreg:$0x1];
	p0 =	sne.s32 s2, $0x0  }
0x87: {  	s3 =	rddreg [dreg:$0x2];
	[bflag:$0x3] =	sbarrier.arrive $0xFFFF;
	s2 =	simm.s32 @!p0 $0x1C01  }
0x88: {  	[timem:s3], [sflag:s2] =	dma.local @!p0 [hbm:s0], s1  }
0x89: {  	s0 =	simm.s32 @!p0 $0x1  }
0x8a: {  	_ =	swait.ge @!p0 [sflag:s0], s1  }
0x8b: {  	s1 =	ssub.s32 @!p0 $0x0, s1;
	[sflag:s0] =	ssyncset.done @!p0 $0x0  }
0x8c: {  	[sflag:s0] =	ssyncadd.s32 @!p0 s1  }
0x8d: {  	[bflag:$0x3] =	sbarrier.arrive $0xFFFF  }
0x8e: {  	_ =	shalt  }

// kernel: kernel.22.cloned.1.call-start
scs
__scs_entry_jumppad:
0x0: {  	(pc) =	sbr.rel $0x88, $3  }
0x1: {  	(tag) =	ssettag $0x0;
	lr =	simm.s32 $0x1  }
0x2: {  	[smem:$0x3F85] =	sst lr;
	_ =	strace $0xD0000000  }
0x3: {  	_ = 	snop  }
0x4: {  	_ = 	snop  }
0x5: {  	_ = 	snop  }
0x6: {  	_ = 	snop  }
0x7: {  	_ = 	snop  }
__scs_overlays_trampoline_lowered:
0x8: {  	[smem:$0x3F94] =	sst s0  }
0x9: {  	[smem:$0x3F95] =	sst s1  }
0xa: {  	[smem:$0x3F96] =	sst s2  }
0xb: {  	[smem:$0x3F97] =	sst s3  }
0xc: {  	[smem:$0x3F98] =	sst s4  }
0xd: {  	[smem:$0x3F99] =	sst s5  }
0xe: {  	[smem:$0x3F9A] =	sst s6  }
0xf: {  	[smem:$0x3F9B] =	sst s7  }
0x10: {  	[smem:$0x3F9C] =	sst s8  }
0x11: {  	[smem:$0x3F9D] =	sst s9;
	s0 =	simm.s32 @!p0 $0x0  }
0x12: {  	s1 =	sld [smem:$0x3F83];
	s0 =	simm.s32 @p0 $0x1  }
0x13: {  	[smem:$0x3F9E] =	sst s0;
	s0 =	simm.s32 @!p1 $0x0  }
0x14: {  	s2 =	sld [smem:$0x3F82];
	s0 =	simm.s32 @p1 $0x1  }
0x15: {  	[smem:$0x3F9F] =	sst s0;
	s0 =	simm.s32 @!p2 $0x0  }
0x16: {  	s3 =	sld [smem:$0x3FDB];
	s0 =	simm.s32 @p2 $0x1  }
0x17: {  	s4 =	simm.s32 $0x1BF5;
	[smem:$0x3FA1] =	sst s0  }
0x18: {  	s0 =	sld [smem:$0x3F84];
	_ =	swait.ge [sflag:s4], $0x0  }
0x19: {  	s7 =	sld [smem:$0x3F85]  }
0x1a: {  	s8 =	sadd.s32 $0xFFFFE003, lr  }
0x1b: {  	s9 =	sadd.s32 $0xFFFFFEF7, lr;
	s5 =	simm.s32 $0xFFFFFFFF;
	p2 =	slt.u32 s8, $0xFFFFF086  }
0x1c: {  	p1 =	slt.u32 s9, $0xF7A;
	s5 =	simm.s32 @!p2 $0x0  }
0x1d: {  	s5 =	simm.s32 @p1 $0x1;
	p0 =	seq.s32 s7, s2  }
0x1e: {  	s7 =	smul.u32 @!p0 $0xF7A, s2;
	p2 =	seq.s32 @!p0 s5, $0x0  }
0x1f: {  	s9 =	smul.u32 $0xF7A, s1;
	s8 =	simm.s32 @!p0 $0x1BF5;
	p2 =	por !p2, p0  }
0x20: {  	[sflag:s8] =	ssyncset.s32 @!p0 $0xFFFFF086;
	s6 =	sadd.s32 @!p0 s3, s7;
	s7 =	simm.s32 @!p0 $0x108  }
0x21: {  	s3 =	sadd.s32 s3, s9;
	s6 =	sadd.s32 @!p0 $0x88, s6;
	s7 =	simm.s32 @p2 $0x1082  }
0x22: {  	[simem:s7], [sflag:s8] =	dma.local @!p0 [hbm:s6], $0xF7A  }
0x23: {  	s9 =	sor.u32 $0xD0000000, s2;
	s6 =	simm.s32 $0x108;
	_ =	swait.ge @!p0 [sflag:s8], $0x0  }
0x24: {  	s3 =	sadd.s32 $0x88, s3;
	s6 =	simm.s32 @!p1 $0x1082;
	[sflag:s4] =	ssyncset.s32 $0xFFFFF086  }
0x25: {  	[simem:s6], [sflag:s4] =	dma.local [hbm:s3], $0xF7A  }
0x26: {  	[smem:$0x3F85] =	sst s1;
	(tag) =	ssettag s2;
	_ =	strace s9  }
0x27: {  	s1 =	sld [smem:$0x3F95]  }
0x28: {  	s2 =	sld [smem:$0x3F96]  }
0x29: {  	s4 =	sld [smem:$0x3F98]  }
0x2a: {  	p0 =	seq.s32 s5, $0x0;
	s5 =	sld [smem:$0x3F99]  }
0x2b: {  	s6 =	sld [smem:$0x3F9A]  }
0x2c: {  	s7 =	sld [smem:$0x3F9B]  }
0x2d: {  	s3 =	simm.s32 $0x108;
	s8 =	sld [smem:$0x3F9C]  }
0x2e: {  	s3 =	simm.s32 @!p0 $0x1082;
	s9 =	sld [smem:$0x3F9D]  }
0x2f: {  	lr =	sadd.s32 s0, s3;
	s0 =	sld [smem:$0x3F94]  }
0x30: {  	s3 =	sld [smem:$0x3F97]  }
0x31: {  	[smem:$0x3FA0] =	sst s10  }
0x32: {  	s10 =	sld [smem:$0x3F9E];
	_ =	sdelay $0x3  }
0x33: {  	p0 =	seq.s32 s10, $0x1;
	s10 =	sld [smem:$0x3FA0];
	_ =	sdelay $0x3  }
0x34: {  	[smem:$0x3FA0] =	sst s10  }
0x35: {  	s10 =	sld [smem:$0x3F9F];
	_ =	sdelay $0x3  }
0x36: {  	p1 =	seq.s32 s10, $0x1;
	s10 =	sld [smem:$0x3FA0];
	_ =	sdelay $0x3  }
0x37: {  	[smem:$0x3FA0] =	sst s10  }
0x38: {  	s10 =	sld [smem:$0x3FA1]  }
0x39: {  	_ = 	snop;
	(pc) =	sbr.ind lr, $3  }
0x3a: {  	_ = 	snop  }
0x3b: {  	_ = 	snop  }
0x3c: {  	p2 =	seq.s32 s10, $0x1;
	s10 =	sld [smem:$0x3FA0]  }
0x3d: {  	_ =	shalt  }
0x3e: {  	_ =	shalt  }
0x3f: {  	_ =	shalt  }
0x40: {  	_ =	shalt  }
0x41: {  	_ =	shalt  }
0x42: {  	_ =	shalt  }
0x43: {  	_ =	shalt  }
0x44: {  	_ =	shalt  }
0x45: {  	_ =	shalt  }
0x46: {  	_ =	shalt  }
0x47: {  	_ =	shalt  }
0x48: {  	_ =	shalt  }
0x49: {  	_ =	shalt  }
0x4a: {  	_ =	shalt  }
0x4b: {  	_ =	shalt  }
0x4c: {  	_ =	shalt  }
0x4d: {  	_ =	shalt  }
0x4e: {  	_ =	shalt  }
0x4f: {  	_ =	shalt  }
0x50: {  	_ =	shalt  }
0x51: {  	_ =	shalt  }
0x52: {  	_ =	shalt  }
0x53: {  	_ =	shalt  }
0x54: {  	_ =	shalt  }
0x55: {  	_ =	shalt  }
0x56: {  	_ =	shalt  }
0x57: {  	_ =	shalt  }
0x58: {  	_ =	shalt  }
0x59: {  	_ =	shalt  }
0x5a: {  	_ =	shalt  }
0x5b: {  	_ =	shalt  }
0x5c: {  	_ =	shalt  }
0x5d: {  	_ =	shalt  }
0x5e: {  	_ =	shalt  }
0x5f: {  	_ =	shalt  }
0x60: {  	_ =	shalt  }
0x61: {  	_ =	shalt  }
0x62: {  	_ =	shalt  }
0x63: {  	_ =	shalt  }
0x64: {  	_ =	shalt  }
0x65: {  	_ =	shalt  }
0x66: {  	_ =	shalt  }
0x67: {  	_ =	shalt  }
0x68: {  	_ =	shalt  }
0x69: {  	_ =	shalt  }
0x6a: {  	_ =	shalt  }
0x6b: {  	_ =	shalt  }
0x6c: {  	_ =	shalt  }
0x6d: {  	_ =	shalt  }
0x6e: {  	_ =	shalt  }
0x6f: {  	_ =	shalt  }
0x70: {  	_ =	shalt  }
0x71: {  	_ =	shalt  }
0x72: {  	_ =	shalt  }
0x73: {  	_ =	shalt  }
0x74: {  	_ =	shalt  }
0x75: {  	_ =	shalt  }
0x76: {  	_ =	shalt  }
0x77: {  	_ =	shalt  }
0x78: {  	_ =	shalt  }
0x79: {  	_ =	shalt  }
0x7a: {  	_ =	shalt  }
0x7b: {  	_ =	shalt  }
0x7c: {  	_ =	shalt  }
0x7d: {  	_ =	shalt  }
0x7e: {  	_ =	shalt  }
0x7f: {  	_ =	shalt  }
0x80: {  	_ =	shalt  }
0x81: {  	_ =	shalt  }
0x82: {  	_ =	shalt  }
0x83: {  	_ =	shalt  }
0x84: {  	_ =	shalt  }
0x85: {  	_ =	shalt  }
0x86: {  	_ =	shalt  }
0x87: {  	_ =	shalt  }
.Lfunc_end0:
.L_simem_size_0:
called_computation.2_lowered:
.L_overlay_start_0:
0x88: {  	s2 =	sld [smem:$0x3FD9]  }
0x89: {  	s3 =	sld [smem:$0x3FFE];
	_ =	sdelay $0x1  }
0x8a: {  	s1 =	srdreg.scid  }
0x8b: {  	s0 =	sand.u32 $0x1, s1  }
0x8c: {  	s16 =	sshll.u32 s0, $0xA;
	s2 =	sadd.s32 s3, s2  }
0x8d: {  	s2 =	sadd.s32 s2, s16  }
0x8e: {  	[smem:$0x3FAC] =	sst s2  }
0x8f: {  	_ = 	snop  }
0x90: {  	(tm) =	ssettm $0x1  }
0x91: {  	s17 =	sld [smem:$0x3FFB];
	_ =	sdelay $0x3  }
0x92: {  	_ =	strace s17  }
0x93: {  	s2 =	sld [smem:$0x3FFC];
	_ =	sdelay $0x3  }
0x94: {  	_ =	strace s2  }
0x95: {  	s2 =	sld [smem:$0x3FFD];
	_ =	sdelay $0x3  }
0x96: {  	_ =	strace s2  }
0x97: {  	_ =	strace $0x8FFFFFFF  }
0x98: {  	s18 =	sld [smem:$0x3FDB];
	_ =	sdelay $0x1  }
0x99: {  	s19 =	simm.s32 $_scs_section_size  }
0x9a: {  	s4 =	simm.s32 $_size__tile_overlayer_lowered;
	s5 =	simm.s32 $_tile_overlayer_lowered  }
0x9b: {  	s22 =	simm.s32 $0x1BFF;
	s21 =	sshll.u32 s5, $0x1;
	s2 =	sadd.s32 s19, s18  }
0x9c: {  	s6 =	simm.s32 $0x0;
	s20 =	sshll.u32 s4, $0x1;
	s4 =	sadd.s32 s21, s2  }
0x9d: {  	[timem:s6], [sflag:s22] =	dma.local [hbm:s4], s20  }
0x9e: {  	_ =	swait.ge [sflag:s22], s20  }
0x9f: {  	s3 =	ssub.s32 $0x0, s20;
	[sflag:s22] =	ssyncset.done $0x0  }
0xa0: {  	[sflag:s22] =	ssyncadd.s32 s3;
	_ =	sdelay $0x1  }
0xa1: {  	s23 =	simm.s32 $0x1B8B  }
0xa2: {  	_ =	swait.ge [sflag:s23], $0x1  }
0xa3: {  	[sflag:s23] =	ssyncset.done $0x0  }
0xa4: {  	s25 =	simm.s32 $0x1B8E;
	s24 =	sld [smem:$0x3FFE];
	[sflag:s23] =	ssyncadd.s32 $0xFFFFFFFF  }
0xa5: {  	s26 =	simm.s32 $execute0_lowered;
	[smem:$0x3FD2] =	sst s25  }
0xa6: {  	s4 =	sshll.u32 s26, $0x1;
	_ =	strace $0x8000004C;
	[dreg:$0x1] =	wrdreg $0xFFFFFFFF  }
0xa7: {  	s28 =	simm.s32 $_size_execute0_lowered;
	s2 =	sadd.s32 s2, s4;
	[dreg:$0x0] =	wrdreg $0x0  }
0xa8: {  	s4 =	sshll.u32 s28, $0x1;
	[dreg:$0x2] =	wrdreg s2  }
0xa9: {  	[dreg:$0x3] =	wrdreg s4  }
0xaa: {  	[dreg:$0x4] =	wrdreg $0xC0  }
0xab: {  	_ =	task [dreg:s6], $0x5FFFF  }
0xac: {  	[dreg:$0x1] =	wrdreg $0xFFFFFFFF  }
0xad: {  	[dreg:$0x0] =	wrdreg $0x60  }
0xae: {  	[dreg:$0x2] =	wrdreg s24  }
0xaf: {  	[dreg:$0x3] =	wrdreg $0x9  }
0xb0: {  	_ =	task.clear_ibuf [dreg:s6], $0x4FFFF;
	_ =	strace $0x9000004C  }
0xb1: {  	s29 =	simm.s32 $0x9;
	_ =	strace $0x8000004E  }
0xb2: {  	_ =	swait.ge [sflag:s29], $0x1  }
0xb3: {  	[sflag:s29] =	ssyncadd.s32 $0xFFFFFFFF  }
0xb4: {  	_ =	strace $0x9000004E  }
0xb5: {  	_ =	sfence  }
0xb6: {  	s30 =	sld [smem:$0x0];
	_ =	sdelay $0x2  }
0xb7: {  	s31 =	sshll.u32 s1, $0xD;
	s1 =	sshrl.u32 s1, $0x2  }
0xb8: {  	s3 =	sand.u32 $0x4000, s31;
	s1 =	sadd.s32 s1, s30  }
0xb9: {  	s0 =	sor.u32 s3, s0;
	s1 =	sshll.u32 s1, $0x11  }
0xba: {  	s0 =	sor.u32 s1, s0  }
0xbb: {  	s0 =	sadd.s32 $0x8F2B, s0  }
0xbc: {  	[sflag:s0] =	ssyncadd.remote.s32 $0x1  }
0xbd: {  	_ =	sfence.sel $0xFFFF  }
0xbe: {  	[dreg:$0x0] =	wrdreg $0xFFFFFFFF;
	(pc) =	sbr.abs _section_cstart, $3  }
0xbf: {  	[dreg:$0x1] =	wrdreg $0xFFFFFFFF  }
0xc0: {  	_ =	task.clear_ibuf [dreg:s6], $0x2FFFF;
	_ =	strace $0x9FFFFFFF  }
0xc1: {  	(tm) =	ssettm $0x7FFFFFFF  }
tec
execute0_lowered:
.L_overlay_start_1:
0x0: {  	(tag) =	ssettag $0x1  }
0x1: {  	s0 =	srdreg.scid  }
0x2: {  	s28 =	sand.u32 $0x1, s0  }
0x3: {  	s0 =	stileid.u32;
	s1 =	sshll.u32 s28, $0x4  }
0x4: {  	s29 =	sor.u32 s0, s1  }
0x5: {  	s26 =	rddreg [dreg:$0x0];
	s2 =	simm.s32 $0x0;
	s3 =	smul.u32 $0xA0, s29  }
0x6: {  	[smem:$0x7FF] =	sst s2  }
0x7: {  	s1 =	rddreg [dreg:$0x1];
	s3 =	sadd.s32 s3, s26  }
0x8: {  	_ =	strace $0x8000004D;
	s4 =	sadd.s32 $0x5000, s3;
	s3 =	simm.s32 $0x2  }
0x9: {  	[tilespmem:s2], [sflag:$0x2] =	stream.linear.gather [hbm4b:s4+s2], $0x500, $0x38;
	[tilespmem:$0xA500] =	vst v63  }
0xa: {  	_ =	swait.ge [sflag:s3], $0x500  }
0xb: {  	s6 =	simm.s32 $0x80;
	[sflag:s3] =	ssyncset.done $0x0  }
0xc: {  	s7 =	simm.s32 $0x500;
	s5 =	sadd.s32 $0x56400, s26;
	[sflag:s3] =	ssyncadd.s32 $0xFFFFFB00  }
0xd: {  	[tilespmem:s7], [sflag:$0x1] =	stream.indirect.gather [hbm4b:s5+s6], $0x20, s2, s6, $0xb8;
	[tilespmem:$0xA500] =	vst v63  }
0xe: {  	s8 =	simm.s32 $0x1500  }
0xf: {  	[tilespmem:s8], [sflag:$0x1] =	stream.indirect.gather [hbm4b:s5+s6], $0x20, s6, s6, $0xb8;
	[tilespmem:$0xA500] =	vst v63  }
0x10: {  	s9 =	simm.s32 $0x100;
	s10 =	simm.s32 $0x2500  }
0x11: {  	[tilespmem:s10], [sflag:$0x1] =	stream.indirect.gather [hbm4b:s5+s6], $0x20, s9, s6, $0xb8;
	[tilespmem:$0xA500] =	vst v63  }
0x12: {  	s11 =	simm.s32 $0x180;
	s12 =	simm.s32 $0x3500  }
0x13: {  	[tilespmem:s12], [sflag:$0x1] =	stream.indirect.gather [hbm4b:s5+s6], $0x20, s11, s6, $0xb8;
	[tilespmem:$0xA500] =	vst v63  }
0x14: {  	s13 =	simm.s32 $0x200;
	s14 =	simm.s32 $0x4500  }
0x15: {  	[tilespmem:s14], [sflag:$0x1] =	stream.indirect.gather [hbm4b:s5+s6], $0x20, s13, s6, $0xb8;
	[tilespmem:$0xA500] =	vst v63  }
0x16: {  	s15 =	simm.s32 $0x280;
	s16 =	simm.s32 $0x5500  }
0x17: {  	[tilespmem:s16], [sflag:$0x1] =	stream.indirect.gather [hbm4b:s5+s6], $0x20, s15, s6, $0xb8;
	[tilespmem:$0xA500] =	vst v63  }
0x18: {  	s17 =	simm.s32 $0x300;
	s18 =	simm.s32 $0x6500  }
0x19: {  	[tilespmem:s18], [sflag:$0x1] =	stream.indirect.gather [hbm4b:s5+s6], $0x20, s17, s6, $0xb8;
	[tilespmem:$0xA500] =	vst v63  }
0x1a: {  	s19 =	simm.s32 $0x380;
	s20 =	simm.s32 $0x7500  }
0x1b: {  	[tilespmem:s20], [sflag:$0x1] =	stream.indirect.gather [hbm4b:s5+s6], $0x20, s19, s6, $0xb8;
	[tilespmem:$0xA500] =	vst v63  }
0x1c: {  	s21 =	simm.s32 $0x400;
	s22 =	simm.s32 $0x8500  }
0x1d: {  	[tilespmem:s22], [sflag:$0x1] =	stream.indirect.gather [hbm4b:s5+s6], $0x20, s21, s6, $0xb8;
	[tilespmem:$0xA500] =	vst v63  }
0x1e: {  	s23 =	simm.s32 $0x480;
	s24 =	simm.s32 $0x9500;
	s25 =	simm.s32 $0x1  }
0x1f: {  	[tilespmem:s24], [sflag:$0x1] =	stream.indirect.gather [hbm4b:s5+s6], $0x20, s23, s6, $0xb8;
	[tilespmem:$0xA500] =	vst v63  }
0x20: {  	_ =	swait.ge [sflag:s25], $0x1000  }
0x21: {  	[sflag:s25] =	ssyncset.done $0x0  }
0x22: {  	[sflag:s25] =	ssyncadd.s32 $0xFFFFF000  }
0x23: {  	_ =	swait.ge [sflag:s25], $0x1000  }
0x24: {  	[sflag:s25] =	ssyncset.done $0x0  }
0x25: {  	[sflag:s25] =	ssyncadd.s32 $0xFFFFF000  }
0x26: {  	_ =	swait.ge [sflag:s25], $0x1000  }
0x27: {  	[sflag:s25] =	ssyncset.done $0x0  }
0x28: {  	[sflag:s25] =	ssyncadd.s32 $0xFFFFF000  }
0x29: {  	_ =	swait.ge [sflag:s25], $0x1000  }
0x2a: {  	[sflag:s25] =	ssyncset.done $0x0  }
0x2b: {  	[sflag:s25] =	ssyncadd.s32 $0xFFFFF000  }
0x2c: {  	_ =	swait.ge [sflag:s25], $0x1000  }
0x2d: {  	[sflag:s25] =	ssyncset.done $0x0  }
0x2e: {  	[sflag:s25] =	ssyncadd.s32 $0xFFFFF000  }
0x2f: {  	_ =	swait.ge [sflag:s25], $0x1000  }
0x30: {  	[sflag:s25] =	ssyncset.done $0x0  }
0x31: {  	[sflag:s25] =	ssyncadd.s32 $0xFFFFF000  }
0x32: {  	_ =	swait.ge [sflag:s25], $0x1000  }
0x33: {  	[sflag:s25] =	ssyncset.done $0x0  }
0x34: {  	[sflag:s25] =	ssyncadd.s32 $0xFFFFF000  }
0x35: {  	_ =	swait.ge [sflag:s25], $0x1000  }
0x36: {  	[sflag:s25] =	ssyncset.done $0x0  }
0x37: {  	s28 =	ssub.s32 $0x2, s28;
	[sflag:s25] =	ssyncadd.s32 $0xFFFFF000  }
0x38: {  	s30 =	sshrl.u32 s28, $0x1;
	_ =	swait.ge [sflag:s25], $0x1000  }
0x39: {  	s28 =	ssub.s32 s28, s30;
	[sflag:s25] =	ssyncset.done $0x0  }
0x3a: {  	s29 =	smul.u32 $0x1400, s29;
	s28 =	smax.u32 s28, $0x1;
	[sflag:s25] =	ssyncadd.s32 $0xFFFFF000  }
0x3b: {  	p0 =	sne.s32 s28, $0x1;
	_ =	swait.ge [sflag:s25], $0x1000  }
.Ltmp0:
0x3c: {  	s26 =	sadd.s32 s29, s26;
	[sflag:s25] =	ssyncset.done $0x0;
	(pc) =	sbr.rel @!p0 .LBB2_2-.Ltmp0, $4  }
0x3d: {  	s26 =	sadd.s32 $0x93800, s26;
	[sflag:s25] =	ssyncadd.s32 $0xFFFFF000  }
0x3e: {  	[hbm4b:s26+s2] =	stream.linear.scatter [tilespmem:s7], [sflag:$0x2], $0xA000, $0x38;
	[tilespmem:$0xA500] =	vst v63  }
0x3f: {  	_ =	swait.ge [sflag:s3], $0xA000  }
0x40: {  	s28 =	sadd.s32 $0xFFFFFFFF, s28;
	[sflag:s3] =	ssyncset.done $0x0  }
.LBB2_1:
0x41: {  	p0 =	sne.s32 s28, $0x1;
	s28 =	sadd.s32 $0xFFFFFFFF, s28;
	[sflag:s3] =	ssyncadd.s32 $0xFFFF6000  }
0x42: {  	[tilespmem:s2], [sflag:$0x2] =	stream.linear.gather [hbm4b:s4+s2], $0x500, $0x38;
	[tilespmem:$0xA500] =	vst v63  }
0x43: {  	_ =	swait.ge [sflag:s3], $0x500  }
0x44: {  	[sflag:s3] =	ssyncset.done $0x0  }
0x45: {  	[sflag:s3] =	ssyncadd.s32 $0xFFFFFB00  }
0x46: {  	[tilespmem:s7], [sflag:$0x1] =	stream.indirect.gather [hbm4b:s5+s6], $0x20, s2, s6, $0xb8;
	[tilespmem:$0xA500] =	vst v63  }
0x47: {  	_ = 	snop  }
0x48: {  	[tilespmem:s8], [sflag:$0x1] =	stream.indirect.gather [hbm4b:s5+s6], $0x20, s6, s6, $0xb8;
	[tilespmem:$0xA500] =	vst v63  }
0x49: {  	_ = 	snop  }
0x4a: {  	[tilespmem:s10], [sflag:$0x1] =	stream.indirect.gather [hbm4b:s5+s6], $0x20, s9, s6, $0xb8;
	[tilespmem:$0xA500] =	vst v63  }
0x4b: {  	_ = 	snop  }
0x4c: {  	[tilespmem:s12], [sflag:$0x1] =	stream.indirect.gather [hbm4b:s5+s6], $0x20, s11, s6, $0xb8;
	[tilespmem:$0xA500] =	vst v63  }
0x4d: {  	_ = 	snop  }
0x4e: {  	[tilespmem:s14], [sflag:$0x1] =	stream.indirect.gather [hbm4b:s5+s6], $0x20, s13, s6, $0xb8;
	[tilespmem:$0xA500] =	vst v63  }
0x4f: {  	_ = 	snop  }
0x50: {  	[tilespmem:s16], [sflag:$0x1] =	stream.indirect.gather [hbm4b:s5+s6], $0x20, s15, s6, $0xb8;
	[tilespmem:$0xA500] =	vst v63  }
0x51: {  	_ = 	snop  }
0x52: {  	[tilespmem:s18], [sflag:$0x1] =	stream.indirect.gather [hbm4b:s5+s6], $0x20, s17, s6, $0xb8;
	[tilespmem:$0xA500] =	vst v63  }
0x53: {  	_ = 	snop  }
0x54: {  	[tilespmem:s20], [sflag:$0x1] =	stream.indirect.gather [hbm4b:s5+s6], $0x20, s19, s6, $0xb8;
	[tilespmem:$0xA500] =	vst v63  }
0x55: {  	_ = 	snop  }
0x56: {  	[tilespmem:s22], [sflag:$0x1] =	stream.indirect.gather [hbm4b:s5+s6], $0x20, s21, s6, $0xb8;
	[tilespmem:$0xA500] =	vst v63  }
0x57: {  	_ = 	snop  }
0x58: {  	[tilespmem:s24], [sflag:$0x1] =	stream.indirect.gather [hbm4b:s5+s6], $0x20, s23, s6, $0xb8;
	[tilespmem:$0xA500] =	vst v63  }
0x59: {  	_ =	swait.ge [sflag:s25], $0x1000  }
0x5a: {  	[sflag:s25] =	ssyncset.done $0x0  }
0x5b: {  	[sflag:s25] =	ssyncadd.s32 $0xFFFFF000  }
0x5c: {  	_ =	swait.ge [sflag:s25], $0x1000  }
0x5d: {  	[sflag:s25] =	ssyncset.done $0x0  }
0x5e: {  	[sflag:s25] =	ssyncadd.s32 $0xFFFFF000  }
0x5f: {  	_ =	swait.ge [sflag:s25], $0x1000  }
0x60: {  	[sflag:s25] =	ssyncset.done $0x0  }
0x61: {  	[sflag:s25] =	ssyncadd.s32 $0xFFFFF000  }
0x62: {  	_ =	swait.ge [sflag:s25], $0x1000  }
0x63: {  	[sflag:s25] =	ssyncset.done $0x0  }
0x64: {  	[sflag:s25] =	ssyncadd.s32 $0xFFFFF000  }
0x65: {  	_ =	swait.ge [sflag:s25], $0x1000  }
0x66: {  	[sflag:s25] =	ssyncset.done $0x0  }
0x67: {  	[sflag:s25] =	ssyncadd.s32 $0xFFFFF000  }
0x68: {  	_ =	swait.ge [sflag:s25], $0x1000  }
0x69: {  	[sflag:s25] =	ssyncset.done $0x0  }
0x6a: {  	[sflag:s25] =	ssyncadd.s32 $0xFFFFF000  }
0x6b: {  	_ =	swait.ge [sflag:s25], $0x1000  }
0x6c: {  	[sflag:s25] =	ssyncset.done $0x0  }
0x6d: {  	[sflag:s25] =	ssyncadd.s32 $0xFFFFF000  }
0x6e: {  	_ =	swait.ge [sflag:s25], $0x1000  }
0x6f: {  	[sflag:s25] =	ssyncset.done $0x0  }
0x70: {  	[sflag:s25] =	ssyncadd.s32 $0xFFFFF000  }
0x71: {  	_ =	swait.ge [sflag:s25], $0x1000  }
0x72: {  	[sflag:s25] =	ssyncset.done $0x0  }
0x73: {  	[sflag:s25] =	ssyncadd.s32 $0xFFFFF000  }
0x74: {  	_ =	swait.ge [sflag:s25], $0x1000  }
.Ltmp1:
0x75: {  	[sflag:s25] =	ssyncset.done $0x0;
	(pc) =	sbr.rel @p0 .LBB2_1-.Ltmp1, $4  }
0x76: {  	[sflag:s25] =	ssyncadd.s32 $0xFFFFF000  }
0x77: {  	[hbm4b:s26+s2] =	stream.linear.scatter [tilespmem:s7], [sflag:$0x2], $0xA000, $0x38;
	[tilespmem:$0xA500] =	vst v63  }
0x78: {  	_ =	swait.ge [sflag:s3], $0xA000  }
0x79: {  	[sflag:s3] =	ssyncset.done $0x0  }
.LBB2_2:
0x7a: {  	[sflag:s3] =	ssyncadd.s32 $0xFFFF6000  }
0x7b: {  	_ =	sfence.sel $0x180000  }
0x7c: {  	[bflag:$0x0] =	sbarrier.arrive $0xFFFF  }
0x7d: {  	p0 =	sne.s32 s0, $0x0;
	_ =	strace $0x9000004D  }
0x7e: {  	s0 =	sadd.s32 @!p0 $0x100000, s1;
	[bflag:$0x2] =	sbarrier.arrive $0xFFFF  }
0x7f: {  	[sflag:s0] =	ssyncadd.tile.s32 @!p0 $0x1;
	_ =	shalt  }
.Lfunc_end2:
_tile_overlayer_lowered:
.L_overlay_start_2:
0x80: {  	(tag) =	ssettag $0x2  }
0x81: {  	s0 =	rddreg [dreg:$0x0];
	s2 =	stileid.u32  }
0x82: {  	s1 =	rddreg [dreg:$0x1];
	p0 =	sne.s32 s2, $0x0  }
0x83: {  	s3 =	rddreg [dreg:$0x2];
	[bflag:$0x3] =	sbarrier.arrive $0xFFFF;
	s2 =	simm.s32 @!p0 $0x1C02  }
0x84: {  	[timem:s3], [sflag:s2] =	dma.local @!p0 [hbm:s0], s1  }
0x85: {  	s0 =	simm.s32 @!p0 $0x2  }
0x86: {  	_ =	swait.ge @!p0 [sflag:s0], s1  }
0x87: {  	s1 =	ssub.s32 @!p0 $0x0, s1;
	[sflag:s0] =	ssyncset.done @!p0 $0x0  }
0x88: {  	[sflag:s0] =	ssyncadd.s32 @!p0 s1  }
0x89: {  	[bflag:$0x3] =	sbarrier.arrive $0xFFFF  }
0x8a: {  	_ =	shalt  }

// kernel: kernel.25.cloned.1.call-start
scs
__scs_entry_jumppad:
0x0: {  	(pc) =	sbr.rel $0x88, $3  }
0x1: {  	(tag) =	ssettag $0x0;
	lr =	simm.s32 $0x1  }
0x2: {  	[smem:$0x3F85] =	sst lr;
	_ =	strace $0xD0000000  }
0x3: {  	_ = 	snop  }
0x4: {  	_ = 	snop  }
0x5: {  	_ = 	snop  }
0x6: {  	_ = 	snop  }
0x7: {  	_ = 	snop  }
__scs_overlays_trampoline_lowered:
0x8: {  	[smem:$0x3F94] =	sst s0  }
0x9: {  	[smem:$0x3F95] =	sst s1  }
0xa: {  	[smem:$0x3F96] =	sst s2  }
0xb: {  	[smem:$0x3F97] =	sst s3  }
0xc: {  	[smem:$0x3F98] =	sst s4  }
0xd: {  	[smem:$0x3F99] =	sst s5  }
0xe: {  	[smem:$0x3F9A] =	sst s6  }
0xf: {  	[smem:$0x3F9B] =	sst s7  }
0x10: {  	[smem:$0x3F9C] =	sst s8  }
0x11: {  	[smem:$0x3F9D] =	sst s9;
	s0 =	simm.s32 @!p0 $0x0  }
0x12: {  	s1 =	sld [smem:$0x3F83];
	s0 =	simm.s32 @p0 $0x1  }
0x13: {  	[smem:$0x3F9E] =	sst s0;
	s0 =	simm.s32 @!p1 $0x0  }
0x14: {  	s2 =	sld [smem:$0x3F82];
	s0 =	simm.s32 @p1 $0x1  }
0x15: {  	[smem:$0x3F9F] =	sst s0;
	s0 =	simm.s32 @!p2 $0x0  }
0x16: {  	s3 =	sld [smem:$0x3FDB];
	s0 =	simm.s32 @p2 $0x1  }
0x17: {  	s4 =	simm.s32 $0x1BF5;
	[smem:$0x3FA1] =	sst s0  }
0x18: {  	s0 =	sld [smem:$0x3F84];
	_ =	swait.ge [sflag:s4], $0x0  }
0x19: {  	s7 =	sld [smem:$0x3F85]  }
0x1a: {  	s8 =	sadd.s32 $0xFFFFE003, lr  }
0x1b: {  	s9 =	sadd.s32 $0xFFFFFEF7, lr;
	s5 =	simm.s32 $0xFFFFFFFF;
	p2 =	slt.u32 s8, $0xFFFFF086  }
0x1c: {  	p1 =	slt.u32 s9, $0xF7A;
	s5 =	simm.s32 @!p2 $0x0  }
0x1d: {  	s5 =	simm.s32 @p1 $0x1;
	p0 =	seq.s32 s7, s2  }
0x1e: {  	s7 =	smul.u32 @!p0 $0xF7A, s2;
	p2 =	seq.s32 @!p0 s5, $0x0  }
0x1f: {  	s9 =	smul.u32 $0xF7A, s1;
	s8 =	simm.s32 @!p0 $0x1BF5;
	p2 =	por !p2, p0  }
0x20: {  	[sflag:s8] =	ssyncset.s32 @!p0 $0xFFFFF086;
	s6 =	sadd.s32 @!p0 s3, s7;
	s7 =	simm.s32 @!p0 $0x108  }
0x21: {  	s3 =	sadd.s32 s3, s9;
	s6 =	sadd.s32 @!p0 $0x88, s6;
	s7 =	simm.s32 @p2 $0x1082  }
0x22: {  	[simem:s7], [sflag:s8] =	dma.local @!p0 [hbm:s6], $0xF7A  }
0x23: {  	s9 =	sor.u32 $0xD0000000, s2;
	s6 =	simm.s32 $0x108;
	_ =	swait.ge @!p0 [sflag:s8], $0x0  }
0x24: {  	s3 =	sadd.s32 $0x88, s3;
	s6 =	simm.s32 @!p1 $0x1082;
	[sflag:s4] =	ssyncset.s32 $0xFFFFF086  }
0x25: {  	[simem:s6], [sflag:s4] =	dma.local [hbm:s3], $0xF7A  }
0x26: {  	[smem:$0x3F85] =	sst s1;
	(tag) =	ssettag s2;
	_ =	strace s9  }
0x27: {  	s1 =	sld [smem:$0x3F95]  }
0x28: {  	s2 =	sld [smem:$0x3F96]  }
0x29: {  	s4 =	sld [smem:$0x3F98]  }
0x2a: {  	p0 =	seq.s32 s5, $0x0;
	s5 =	sld [smem:$0x3F99]  }
0x2b: {  	s6 =	sld [smem:$0x3F9A]  }
0x2c: {  	s7 =	sld [smem:$0x3F9B]  }
0x2d: {  	s3 =	simm.s32 $0x108;
	s8 =	sld [smem:$0x3F9C]  }
0x2e: {  	s3 =	simm.s32 @!p0 $0x1082;
	s9 =	sld [smem:$0x3F9D]  }
0x2f: {  	lr =	sadd.s32 s0, s3;
	s0 =	sld [smem:$0x3F94]  }
0x30: {  	s3 =	sld [smem:$0x3F97]  }
0x31: {  	[smem:$0x3FA0] =	sst s10  }
0x32: {  	s10 =	sld [smem:$0x3F9E];
	_ =	sdelay $0x3  }
0x33: {  	p0 =	seq.s32 s10, $0x1;
	s10 =	sld [smem:$0x3FA0];
	_ =	sdelay $0x3  }
0x34: {  	[smem:$0x3FA0] =	sst s10  }
0x35: {  	s10 =	sld [smem:$0x3F9F];
	_ =	sdelay $0x3  }
0x36: {  	p1 =	seq.s32 s10, $0x1;
	s10 =	sld [smem:$0x3FA0];
	_ =	sdelay $0x3  }
0x37: {  	[smem:$0x3FA0] =	sst s10  }
0x38: {  	s10 =	sld [smem:$0x3FA1]  }
0x39: {  	_ = 	snop;
	(pc) =	sbr.ind lr, $3  }
0x3a: {  	_ = 	snop  }
0x3b: {  	_ = 	snop  }
0x3c: {  	p2 =	seq.s32 s10, $0x1;
	s10 =	sld [smem:$0x3FA0]  }
0x3d: {  	_ =	shalt  }
0x3e: {  	_ =	shalt  }
0x3f: {  	_ =	shalt  }
0x40: {  	_ =	shalt  }
0x41: {  	_ =	shalt  }
0x42: {  	_ =	shalt  }
0x43: {  	_ =	shalt  }
0x44: {  	_ =	shalt  }
0x45: {  	_ =	shalt  }
0x46: {  	_ =	shalt  }
0x47: {  	_ =	shalt  }
0x48: {  	_ =	shalt  }
0x49: {  	_ =	shalt  }
0x4a: {  	_ =	shalt  }
0x4b: {  	_ =	shalt  }
0x4c: {  	_ =	shalt  }
0x4d: {  	_ =	shalt  }
0x4e: {  	_ =	shalt  }
0x4f: {  	_ =	shalt  }
0x50: {  	_ =	shalt  }
0x51: {  	_ =	shalt  }
0x52: {  	_ =	shalt  }
0x53: {  	_ =	shalt  }
0x54: {  	_ =	shalt  }
0x55: {  	_ =	shalt  }
0x56: {  	_ =	shalt  }
0x57: {  	_ =	shalt  }
0x58: {  	_ =	shalt  }
0x59: {  	_ =	shalt  }
0x5a: {  	_ =	shalt  }
0x5b: {  	_ =	shalt  }
0x5c: {  	_ =	shalt  }
0x5d: {  	_ =	shalt  }
0x5e: {  	_ =	shalt  }
0x5f: {  	_ =	shalt  }
0x60: {  	_ =	shalt  }
0x61: {  	_ =	shalt  }
0x62: {  	_ =	shalt  }
0x63: {  	_ =	shalt  }
0x64: {  	_ =	shalt  }
0x65: {  	_ =	shalt  }
0x66: {  	_ =	shalt  }
0x67: {  	_ =	shalt  }
0x68: {  	_ =	shalt  }
0x69: {  	_ =	shalt  }
0x6a: {  	_ =	shalt  }
0x6b: {  	_ =	shalt  }
0x6c: {  	_ =	shalt  }
0x6d: {  	_ =	shalt  }
0x6e: {  	_ =	shalt  }
0x6f: {  	_ =	shalt  }
0x70: {  	_ =	shalt  }
0x71: {  	_ =	shalt  }
0x72: {  	_ =	shalt  }
0x73: {  	_ =	shalt  }
0x74: {  	_ =	shalt  }
0x75: {  	_ =	shalt  }
0x76: {  	_ =	shalt  }
0x77: {  	_ =	shalt  }
0x78: {  	_ =	shalt  }
0x79: {  	_ =	shalt  }
0x7a: {  	_ =	shalt  }
0x7b: {  	_ =	shalt  }
0x7c: {  	_ =	shalt  }
0x7d: {  	_ =	shalt  }
0x7e: {  	_ =	shalt  }
0x7f: {  	_ =	shalt  }
0x80: {  	_ =	shalt  }
0x81: {  	_ =	shalt  }
0x82: {  	_ =	shalt  }
0x83: {  	_ =	shalt  }
0x84: {  	_ =	shalt  }
0x85: {  	_ =	shalt  }
0x86: {  	_ =	shalt  }
0x87: {  	_ =	shalt  }
.Lfunc_end0:
.L_simem_size_0:
called_computation.3_lowered:
.L_overlay_start_0:
0x88: {  	s2 =	sld [smem:$0x3FD9]  }
0x89: {  	s3 =	sld [smem:$0x3FFE];
	_ =	sdelay $0x1  }
0x8a: {  	s1 =	srdreg.scid  }
0x8b: {  	s0 =	sand.u32 $0x1, s1  }
0x8c: {  	s16 =	sshll.u32 s0, $0xA;
	s2 =	sadd.s32 s3, s2  }
0x8d: {  	s2 =	sadd.s32 s2, s16  }
0x8e: {  	[smem:$0x3FAC] =	sst s2  }
0x8f: {  	_ = 	snop  }
0x90: {  	(tm) =	ssettm $0x1  }
0x91: {  	s17 =	sld [smem:$0x3FFB];
	_ =	sdelay $0x3  }
0x92: {  	_ =	strace s17  }
0x93: {  	s2 =	sld [smem:$0x3FFC];
	_ =	sdelay $0x3  }
0x94: {  	_ =	strace s2  }
0x95: {  	s2 =	sld [smem:$0x3FFD];
	_ =	sdelay $0x3  }
0x96: {  	_ =	strace s2  }
0x97: {  	_ =	strace $0x8FFFFFFF  }
0x98: {  	s18 =	sld [smem:$0x3FDB];
	_ =	sdelay $0x1  }
0x99: {  	s19 =	simm.s32 $_scs_section_size  }
0x9a: {  	s4 =	simm.s32 $_size__tile_overlayer_lowered;
	s5 =	simm.s32 $_tile_overlayer_lowered  }
0x9b: {  	s22 =	simm.s32 $0x1BFF;
	s21 =	sshll.u32 s5, $0x1;
	s2 =	sadd.s32 s19, s18  }
0x9c: {  	s6 =	simm.s32 $0x0;
	s20 =	sshll.u32 s4, $0x1;
	s4 =	sadd.s32 s21, s2  }
0x9d: {  	[timem:s6], [sflag:s22] =	dma.local [hbm:s4], s20  }
0x9e: {  	_ =	swait.ge [sflag:s22], s20  }
0x9f: {  	s3 =	ssub.s32 $0x0, s20;
	[sflag:s22] =	ssyncset.done $0x0  }
0xa0: {  	[sflag:s22] =	ssyncadd.s32 s3;
	_ =	sdelay $0x1  }
0xa1: {  	s23 =	simm.s32 $0x1B8B  }
0xa2: {  	_ =	swait.ge [sflag:s23], $0x1  }
0xa3: {  	[sflag:s23] =	ssyncset.done $0x0  }
0xa4: {  	s25 =	simm.s32 $0x1B8E;
	s24 =	sld [smem:$0x3FFE];
	[sflag:s23] =	ssyncadd.s32 $0xFFFFFFFF  }
0xa5: {  	s26 =	simm.s32 $execute0_lowered;
	[smem:$0x3FD2] =	sst s25  }
0xa6: {  	s4 =	sshll.u32 s26, $0x1;
	_ =	strace $0x8000004F;
	[dreg:$0x1] =	wrdreg $0xFFFFFFFF  }
0xa7: {  	s28 =	simm.s32 $_size_execute0_lowered;
	s2 =	sadd.s32 s2, s4;
	[dreg:$0x0] =	wrdreg $0x0  }
0xa8: {  	s4 =	sshll.u32 s28, $0x1;
	[dreg:$0x2] =	wrdreg s2  }
0xa9: {  	[dreg:$0x3] =	wrdreg s4  }
0xaa: {  	[dreg:$0x4] =	wrdreg $0xC0  }
0xab: {  	_ =	task [dreg:s6], $0x5FFFF  }
0xac: {  	[dreg:$0x1] =	wrdreg $0xFFFFFFFF  }
0xad: {  	[dreg:$0x0] =	wrdreg $0x60  }
0xae: {  	[dreg:$0x2] =	wrdreg s24  }
0xaf: {  	[dreg:$0x3] =	wrdreg $0xA5000  }
0xb0: {  	[dreg:$0x4] =	wrdreg $0x9  }
0xb1: {  	_ =	task.clear_ibuf [dreg:s6], $0x5FFFF;
	_ =	strace $0x9000004F  }
0xb2: {  	s29 =	simm.s32 $0x9;
	_ =	strace $0x80000051  }
0xb3: {  	_ =	swait.ge [sflag:s29], $0x1  }
0xb4: {  	[sflag:s29] =	ssyncadd.s32 $0xFFFFFFFF  }
0xb5: {  	_ =	strace $0x90000051  }
0xb6: {  	_ =	sfence  }
0xb7: {  	s30 =	sld [smem:$0x0];
	_ =	sdelay $0x2  }
0xb8: {  	s31 =	sshll.u32 s1, $0xD;
	s1 =	sshrl.u32 s1, $0x2  }
0xb9: {  	s3 =	sand.u32 $0x4000, s31;
	s1 =	sadd.s32 s1, s30  }
0xba: {  	s0 =	sor.u32 s3, s0;
	s1 =	sshll.u32 s1, $0x11  }
0xbb: {  	s0 =	sor.u32 s1, s0  }
0xbc: {  	s0 =	sadd.s32 $0x8F2B, s0  }
0xbd: {  	[sflag:s0] =	ssyncadd.remote.s32 $0x1  }
0xbe: {  	_ =	sfence.sel $0xFFFF  }
0xbf: {  	[dreg:$0x0] =	wrdreg $0xFFFFFFFF;
	(pc) =	sbr.abs _section_cstart, $3  }
0xc0: {  	[dreg:$0x1] =	wrdreg $0xFFFFFFFF  }
0xc1: {  	_ =	task.clear_ibuf [dreg:s6], $0x2FFFF;
	_ =	strace $0x9FFFFFFF  }
0xc2: {  	(tm) =	ssettm $0x7FFFFFFF  }
0xc3: {  	_ =	shalt  }
tec
execute0_lowered:
.L_overlay_start_1:
0x0: {  	(tag) =	ssettag $0x1  }
0x1: {  	s0 =	srdreg.scid  }
0x2: {  	s21 =	stileid.u32;
	s1 =	sand.u32 $0x1, s0  }
0x3: {  	s5 =	rddreg [dreg:$0x0];
	s7 =	smul.u32 $0xA000, s21;
	s2 =	sshll.u32 s1, $0x4  }
0x4: {  	s3 =	simm.s32 $0x0;
	s8 =	smul.u32 $0x140000, s1;
	s4 =	sor.u32 s21, s2  }
0x5: {  	[smem:$0x7FF] =	sst s3;
	s6 =	smul.u32 $0xA0, s4  }
0x6: {  	s2 =	rddreg [dreg:$0x1];
	s4 =	smul.u32 $0x2800, s4  }
0x7: {  	_ =	strace $0x80000050;
	s8 =	sadd.s32 s7, s8;
	s6 =	sadd.s32 s6, s5  }
0x8: {  	s22 =	sshrl.u32 s8, $0x3;
	s30 =	sadd.s32 s4, s5;
	s6 =	sadd.s32 $0x92400, s6  }
0x9: {  	s31 =	sadd.s32 s22, s5;
	s23 =	sadd.s32 $0x93800, s30;
	[dreg:$0x3] =	wrdreg s6  }
0xa: {  	s24 =	sadd.s32 $0xE3800, s31;
	[dreg:$0x4] =	wrdreg s23  }
0xb: {  	[dreg:$0x5] =	wrdreg s24  }
0xc: {  	s26 =	sshll.u32 s21, $0x6;
	s4 =	simm.s32 $0x1;
	s6 =	rddreg [dreg:$0x3]  }
0xd: {  	[tilespmem:s3], [sflag:$0x1] =	stream.linear.gather [hbm4b:s6+s3], $0x500, $0x38;
	[tilespmem:$0x14500] =	vst v63  }
0xe: {  	s25 =	sshrl.u32 s7, $0x3;
	s7 =	sadd.s32 s7, s2;
	_ =	swait.ge [sflag:s4], $0x500  }
0xf: {  	s7 =	sshrl.u32 s7, $0x3;
	s5 =	sadd.s32 s25, s5;
	[sflag:s4] =	ssyncset.done $0x0  }
0x10: {  	s5 =	sadd.s32 $0x7E400, s5;
	s6 =	sor.u32 $0x1C01, s26;
	[sflag:s4] =	ssyncadd.s32 $0xFFFFFB00  }
0x11: {  	[spmem:s7], [sflag:s6] =	dma.local [hbm:s5], $0x1400  }
0x12: {  	_ =	swait.ge [sflag:s4], $0x1400  }
0x13: {  	s9 =	simm.s32 $0x40;
	s10 =	simm.s32 $0x500;
	[sflag:s4] =	ssyncset.done $0x0  }
0x14: {  	s8 =	simm.s32 $0x20;
	s11 =	rddreg [dreg:$0x4];
	[sflag:s4] =	ssyncadd.s32 $0xFFFFEC00  }
0x15: {  	[tilespmem:s10], [sflag:$0x1] =	stream.strided.gather [hbm4b:s11+s8], $0xA000, s9, s8, $0x38;
	[tilespmem:$0x14500] =	vst v63  }
0x16: {  	_ =	swait.ge [sflag:s4], $0xA000  }
0x17: {  	[sflag:s4] =	ssyncset.done $0x0  }
0x18: {  	[sflag:s4] =	ssyncadd.s32 $0xFFFF6000  }
0x19: {  	s11 =	simm.s32 $0x80;
	[bflag:$0x0] =	sbarrier.arrive $0xFFFF  }
0x1a: {  	[spmem:s2] =	stream.indirect.scatter.add.f32 [tilespmem:s10], [sflag:$0x1], $0x20, s3, s11, $0xb8;
	[tilespmem:$0x14500] =	vst v63  }
0x1b: {  	_ =	swait.ge [sflag:s4], $0x1000  }
0x1c: {  	[sflag:s4] =	ssyncset.done $0x0  }
0x1d: {  	s12 =	simm.s32 $0x1500;
	[sflag:s4] =	ssyncadd.s32 $0xFFFFF000  }
0x1e: {  	[spmem:s2] =	stream.indirect.scatter.add.f32 [tilespmem:s12], [sflag:$0x1], $0x20, s11, s11, $0xb8;
	[tilespmem:$0x14500] =	vst v63  }
0x1f: {  	_ =	swait.ge [sflag:s4], $0x1000  }
0x20: {  	[sflag:s4] =	ssyncset.done $0x0  }
0x21: {  	s13 =	simm.s32 $0x100;
	s14 =	simm.s32 $0x2500;
	[sflag:s4] =	ssyncadd.s32 $0xFFFFF000  }
0x22: {  	[spmem:s2] =	stream.indirect.scatter.add.f32 [tilespmem:s14], [sflag:$0x1], $0x20, s13, s11, $0xb8;
	[tilespmem:$0x14500] =	vst v63  }
0x23: {  	_ =	swait.ge [sflag:s4], $0x1000  }
0x24: {  	[sflag:s4] =	ssyncset.done $0x0  }
0x25: {  	s15 =	simm.s32 $0x180;
	s16 =	simm.s32 $0x3500;
	[sflag:s4] =	ssyncadd.s32 $0xFFFFF000  }
0x26: {  	[spmem:s2] =	stream.indirect.scatter.add.f32 [tilespmem:s16], [sflag:$0x1], $0x20, s15, s11, $0xb8;
	[tilespmem:$0x14500] =	vst v63  }
0x27: {  	_ =	swait.ge [sflag:s4], $0x1000  }
0x28: {  	[sflag:s4] =	ssyncset.done $0x0  }
0x29: {  	s17 =	simm.s32 $0x200;
	s18 =	simm.s32 $0x4500;
	[sflag:s4] =	ssyncadd.s32 $0xFFFFF000  }
0x2a: {  	[spmem:s2] =	stream.indirect.scatter.add.f32 [tilespmem:s18], [sflag:$0x1], $0x20, s17, s11, $0xb8;
	[tilespmem:$0x14500] =	vst v63  }
0x2b: {  	_ =	swait.ge [sflag:s4], $0x1000  }
0x2c: {  	[sflag:s4] =	ssyncset.done $0x0  }
0x2d: {  	s19 =	simm.s32 $0x280;
	s20 =	simm.s32 $0x5500;
	[sflag:s4] =	ssyncadd.s32 $0xFFFFF000  }
0x2e: {  	[spmem:s2] =	stream.indirect.scatter.add.f32 [tilespmem:s20], [sflag:$0x1], $0x20, s19, s11, $0xb8;
	[tilespmem:$0x14500] =	vst v63  }
0x2f: {  	_ =	swait.ge [sflag:s4], $0x1000  }
0x30: {  	[sflag:s4] =	ssyncset.done $0x0  }
0x31: {  	s21 =	simm.s32 $0x300;
	s22 =	simm.s32 $0x6500;
	[sflag:s4] =	ssyncadd.s32 $0xFFFFF000  }
0x32: {  	[spmem:s2] =	stream.indirect.scatter.add.f32 [tilespmem:s22], [sflag:$0x1], $0x20, s21, s11, $0xb8;
	[tilespmem:$0x14500] =	vst v63  }
0x33: {  	_ =	swait.ge [sflag:s4], $0x1000  }
0x34: {  	[sflag:s4] =	ssyncset.done $0x0  }
0x35: {  	s23 =	simm.s32 $0x380;
	s24 =	simm.s32 $0x7500;
	[sflag:s4] =	ssyncadd.s32 $0xFFFFF000  }
0x36: {  	[spmem:s2] =	stream.indirect.scatter.add.f32 [tilespmem:s24], [sflag:$0x1], $0x20, s23, s11, $0xb8;
	[tilespmem:$0x14500] =	vst v63  }
0x37: {  	_ =	swait.ge [sflag:s4], $0x1000  }
0x38: {  	[sflag:s4] =	ssyncset.done $0x0  }
0x39: {  	s25 =	simm.s32 $0x400;
	s26 =	simm.s32 $0x8500;
	[sflag:s4] =	ssyncadd.s32 $0xFFFFF000  }
0x3a: {  	[spmem:s2] =	stream.indirect.scatter.add.f32 [tilespmem:s26], [sflag:$0x1], $0x20, s25, s11, $0xb8;
	[tilespmem:$0x14500] =	vst v63  }
0x3b: {  	_ =	swait.ge [sflag:s4], $0x1000  }
0x3c: {  	[sflag:s4] =	ssyncset.done $0x0  }
0x3d: {  	s28 =	simm.s32 $0x480;
	s29 =	simm.s32 $0x9500;
	[sflag:s4] =	ssyncadd.s32 $0xFFFFF000  }
0x3e: {  	[spmem:s2] =	stream.indirect.scatter.add.f32 [tilespmem:s29], [sflag:$0x1], $0x20, s28, s11, $0xb8;
	[tilespmem:$0x14500] =	vst v63  }
0x3f: {  	_ =	swait.ge [sflag:s4], $0x1000  }
0x40: {  	[sflag:s4] =	ssyncset.done $0x0  }
0x41: {  	[sflag:s4] =	ssyncadd.s32 $0xFFFFF000  }
0x42: {  	[bflag:$0x0] =	sbarrier.arrive $0xFFFF  }
0x43: {  	s0 =	rddreg [dreg:$0x5]  }
0x44: {  	[hbm:s0], [sflag:s6] =	dma.local [spmem:s7], $0x1400  }
0x45: {  	_ =	swait.ge [sflag:s4], $0x1400  }
0x46: {  	[sflag:s4] =	ssyncset.done $0x0  }
0x47: {  	[sflag:s4] =	ssyncadd.s32 $0xFFFFEC00  }
0x48: {  	[bflag:$0x0] =	sbarrier.arrive $0xFFFF  }
0x49: {  	[spmem:s7], [sflag:s6] =	dma.local [hbm:s5], $0x1400  }
0x4a: {  	_ =	swait.ge [sflag:s4], $0x1400  }
0x4b: {  	[sflag:s4] =	ssyncset.done $0x0  }
0x4c: {  	s30 =	sadd.s32 $0x93804, s30;
	[sflag:s4] =	ssyncadd.s32 $0xFFFFEC00  }
0x4d: {  	[tilespmem:s10], [sflag:$0x1] =	stream.strided.gather [hbm4b:s30+s8], $0xA000, s9, s8, $0x38;
	[tilespmem:$0x14500] =	vst v63  }
0x4e: {  	_ =	swait.ge [sflag:s4], $0xA000  }
0x4f: {  	[sflag:s4] =	ssyncset.done $0x0  }
0x50: {  	[sflag:s4] =	ssyncadd.s32 $0xFFFF6000  }
0x51: {  	[bflag:$0x0] =	sbarrier.arrive $0xFFFF  }
0x52: {  	[spmem:s2] =	stream.indirect.scatter.add.f32 [tilespmem:s10], [sflag:$0x1], $0x20, s3, s11, $0xb8;
	[tilespmem:$0x14500] =	vst v63  }
0x53: {  	_ =	swait.ge [sflag:s4], $0x1000  }
0x54: {  	[sflag:s4] =	ssyncset.done $0x0  }
0x55: {  	[sflag:s4] =	ssyncadd.s32 $0xFFFFF000  }
0x56: {  	[spmem:s2] =	stream.indirect.scatter.add.f32 [tilespmem:s12], [sflag:$0x1], $0x20, s11, s11, $0xb8;
	[tilespmem:$0x14500] =	vst v63  }
0x57: {  	_ =	swait.ge [sflag:s4], $0x1000  }
0x58: {  	[sflag:s4] =	ssyncset.done $0x0  }
0x59: {  	[sflag:s4] =	ssyncadd.s32 $0xFFFFF000  }
0x5a: {  	[spmem:s2] =	stream.indirect.scatter.add.f32 [tilespmem:s14], [sflag:$0x1], $0x20, s13, s11, $0xb8;
	[tilespmem:$0x14500] =	vst v63  }
0x5b: {  	_ =	swait.ge [sflag:s4], $0x1000  }
0x5c: {  	[sflag:s4] =	ssyncset.done $0x0  }
0x5d: {  	[sflag:s4] =	ssyncadd.s32 $0xFFFFF000  }
0x5e: {  	[spmem:s2] =	stream.indirect.scatter.add.f32 [tilespmem:s16], [sflag:$0x1], $0x20, s15, s11, $0xb8;
	[tilespmem:$0x14500] =	vst v63  }
0x5f: {  	_ =	swait.ge [sflag:s4], $0x1000  }
0x60: {  	[sflag:s4] =	ssyncset.done $0x0  }
0x61: {  	[sflag:s4] =	ssyncadd.s32 $0xFFFFF000  }
0x62: {  	[spmem:s2] =	stream.indirect.scatter.add.f32 [tilespmem:s18], [sflag:$0x1], $0x20, s17, s11, $0xb8;
	[tilespmem:$0x14500] =	vst v63  }
0x63: {  	_ =	swait.ge [sflag:s4], $0x1000  }
0x64: {  	[sflag:s4] =	ssyncset.done $0x0  }
0x65: {  	[sflag:s4] =	ssyncadd.s32 $0xFFFFF000  }
0x66: {  	[spmem:s2] =	stream.indirect.scatter.add.f32 [tilespmem:s20], [sflag:$0x1], $0x20, s19, s11, $0xb8;
	[tilespmem:$0x14500] =	vst v63  }
0x67: {  	_ =	swait.ge [sflag:s4], $0x1000  }
0x68: {  	[sflag:s4] =	ssyncset.done $0x0  }
0x69: {  	[sflag:s4] =	ssyncadd.s32 $0xFFFFF000  }
0x6a: {  	[spmem:s2] =	stream.indirect.scatter.add.f32 [tilespmem:s22], [sflag:$0x1], $0x20, s21, s11, $0xb8;
	[tilespmem:$0x14500] =	vst v63  }
0x6b: {  	_ =	swait.ge [sflag:s4], $0x1000  }
0x6c: {  	[sflag:s4] =	ssyncset.done $0x0  }
0x6d: {  	[sflag:s4] =	ssyncadd.s32 $0xFFFFF000  }
0x6e: {  	[spmem:s2] =	stream.indirect.scatter.add.f32 [tilespmem:s24], [sflag:$0x1], $0x20, s23, s11, $0xb8;
	[tilespmem:$0x14500] =	vst v63  }
0x6f: {  	_ =	swait.ge [sflag:s4], $0x1000  }
0x70: {  	[sflag:s4] =	ssyncset.done $0x0  }
0x71: {  	s0 =	ssub.s32 $0x2, s1;
	[sflag:s4] =	ssyncadd.s32 $0xFFFFF000  }
0x72: {  	[spmem:s2] =	stream.indirect.scatter.add.f32 [tilespmem:s26], [sflag:$0x1], $0x20, s25, s11, $0xb8;
	[tilespmem:$0x14500] =	vst v63  }
0x73: {  	s1 =	sshrl.u32 s0, $0x1;
	_ =	swait.ge [sflag:s4], $0x1000  }
0x74: {  	s0 =	ssub.s32 s0, s1;
	[sflag:s4] =	ssyncset.done $0x0  }
0x75: {  	s0 =	smax.u32 s0, $0x1;
	[sflag:s4] =	ssyncadd.s32 $0xFFFFF000  }
0x76: {  	[spmem:s2] =	stream.indirect.scatter.add.f32 [tilespmem:s29], [sflag:$0x1], $0x20, s28, s11, $0xb8;
	[tilespmem:$0x14500] =	vst v63  }
0x77: {  	p0 =	sne.s32 s0, $0x1;
	_ =	swait.ge [sflag:s4], $0x1000  }
.Ltmp0:
0x78: {  	[sflag:s4] =	ssyncset.done $0x0;
	(pc) =	sbr.rel @!p0 .LBB2_2-.Ltmp0, $4  }
0x79: {  	[sflag:s4] =	ssyncadd.s32 $0xFFFFF000  }
0x7a: {  	s31 =	sadd.s32 $0xF7800, s31;
	[bflag:$0x0] =	sbarrier.arrive $0xFFFF  }
0x7b: {  	[hbm:s31], [sflag:s6] =	dma.local [spmem:s7], $0x1400  }
0x7c: {  	s1 =	sadd.s32 $0xFFFFFFFF, s0;
	_ =	swait.ge [sflag:s4], $0x1400  }
.LBB2_1:
0x7d: {  	[sflag:s4] =	ssyncset.done $0x0  }
0x7e: {  	s0 =	rddreg [dreg:$0x3];
	[sflag:s4] =	ssyncadd.s32 $0xFFFFEC00  }
0x7f: {  	[tilespmem:s3], [sflag:$0x1] =	stream.linear.gather [hbm4b:s0+s3], $0x500, $0x38;
	[tilespmem:$0x14500] =	vst v63  }
0x80: {  	_ =	swait.ge [sflag:s4], $0x500  }
0x81: {  	[sflag:s4] =	ssyncset.done $0x0  }
0x82: {  	[sflag:s4] =	ssyncadd.s32 $0xFFFFFB00  }
0x83: {  	[spmem:s7], [sflag:s6] =	dma.local [hbm:s5], $0x1400  }
0x84: {  	_ =	swait.ge [sflag:s4], $0x1400  }
0x85: {  	[sflag:s4] =	ssyncset.done $0x0  }
0x86: {  	s0 =	rddreg [dreg:$0x4];
	[sflag:s4] =	ssyncadd.s32 $0xFFFFEC00  }
0x87: {  	[tilespmem:s10], [sflag:$0x1] =	stream.strided.gather [hbm4b:s0+s8], $0xA000, s9, s8, $0x38;
	[tilespmem:$0x14500] =	vst v63  }
0x88: {  	_ =	swait.ge [sflag:s4], $0xA000  }
0x89: {  	[sflag:s4] =	ssyncset.done $0x0  }
0x8a: {  	[sflag:s4] =	ssyncadd.s32 $0xFFFF6000  }
0x8b: {  	[bflag:$0x0] =	sbarrier.arrive $0xFFFF  }
0x8c: {  	[spmem:s2] =	stream.indirect.scatter.add.f32 [tilespmem:s10], [sflag:$0x1], $0x20, s3, s11, $0xb8;
	[tilespmem:$0x14500] =	vst v63  }
0x8d: {  	_ =	swait.ge [sflag:s4], $0x1000  }
0x8e: {  	[sflag:s4] =	ssyncset.done $0x0  }
0x8f: {  	[sflag:s4] =	ssyncadd.s32 $0xFFFFF000  }
0x90: {  	[spmem:s2] =	stream.indirect.scatter.add.f32 [tilespmem:s12], [sflag:$0x1], $0x20, s11, s11, $0xb8;
	[tilespmem:$0x14500] =	vst v63  }
0x91: {  	_ =	swait.ge [sflag:s4], $0x1000  }
0x92: {  	[sflag:s4] =	ssyncset.done $0x0  }
0x93: {  	[sflag:s4] =	ssyncadd.s32 $0xFFFFF000  }
0x94: {  	[spmem:s2] =	stream.indirect.scatter.add.f32 [tilespmem:s14], [sflag:$0x1], $0x20, s13, s11, $0xb8;
	[tilespmem:$0x14500] =	vst v63  }
0x95: {  	_ =	swait.ge [sflag:s4], $0x1000  }
0x96: {  	[sflag:s4] =	ssyncset.done $0x0  }
0x97: {  	[sflag:s4] =	ssyncadd.s32 $0xFFFFF000  }
0x98: {  	[spmem:s2] =	stream.indirect.scatter.add.f32 [tilespmem:s16], [sflag:$0x1], $0x20, s15, s11, $0xb8;
	[tilespmem:$0x14500] =	vst v63  }
0x99: {  	_ =	swait.ge [sflag:s4], $0x1000  }
0x9a: {  	[sflag:s4] =	ssyncset.done $0x0  }
0x9b: {  	[sflag:s4] =	ssyncadd.s32 $0xFFFFF000  }
0x9c: {  	[spmem:s2] =	stream.indirect.scatter.add.f32 [tilespmem:s18], [sflag:$0x1], $0x20, s17, s11, $0xb8;
	[tilespmem:$0x14500] =	vst v63  }
0x9d: {  	_ =	swait.ge [sflag:s4], $0x1000  }
0x9e: {  	[sflag:s4] =	ssyncset.done $0x0  }
0x9f: {  	[sflag:s4] =	ssyncadd.s32 $0xFFFFF000  }
0xa0: {  	[spmem:s2] =	stream.indirect.scatter.add.f32 [tilespmem:s20], [sflag:$0x1], $0x20, s19, s11, $0xb8;
	[tilespmem:$0x14500] =	vst v63  }
0xa1: {  	_ =	swait.ge [sflag:s4], $0x1000  }
0xa2: {  	[sflag:s4] =	ssyncset.done $0x0  }
0xa3: {  	[sflag:s4] =	ssyncadd.s32 $0xFFFFF000  }
0xa4: {  	[spmem:s2] =	stream.indirect.scatter.add.f32 [tilespmem:s22], [sflag:$0x1], $0x20, s21, s11, $0xb8;
	[tilespmem:$0x14500] =	vst v63  }
0xa5: {  	_ =	swait.ge [sflag:s4], $0x1000  }
0xa6: {  	[sflag:s4] =	ssyncset.done $0x0  }
0xa7: {  	[sflag:s4] =	ssyncadd.s32 $0xFFFFF000  }
0xa8: {  	[spmem:s2] =	stream.indirect.scatter.add.f32 [tilespmem:s24], [sflag:$0x1], $0x20, s23, s11, $0xb8;
	[tilespmem:$0x14500] =	vst v63  }
0xa9: {  	_ =	swait.ge [sflag:s4], $0x1000  }
0xaa: {  	[sflag:s4] =	ssyncset.done $0x0  }
0xab: {  	[sflag:s4] =	ssyncadd.s32 $0xFFFFF000  }
0xac: {  	[spmem:s2] =	stream.indirect.scatter.add.f32 [tilespmem:s26], [sflag:$0x1], $0x20, s25, s11, $0xb8;
	[tilespmem:$0x14500] =	vst v63  }
0xad: {  	_ =	swait.ge [sflag:s4], $0x1000  }
0xae: {  	[sflag:s4] =	ssyncset.done $0x0  }
0xaf: {  	[sflag:s4] =	ssyncadd.s32 $0xFFFFF000  }
0xb0: {  	[spmem:s2] =	stream.indirect.scatter.add.f32 [tilespmem:s29], [sflag:$0x1], $0x20, s28, s11, $0xb8;
	[tilespmem:$0x14500] =	vst v63  }
0xb1: {  	_ =	swait.ge [sflag:s4], $0x1000  }
0xb2: {  	[sflag:s4] =	ssyncset.done $0x0  }
0xb3: {  	[sflag:s4] =	ssyncadd.s32 $0xFFFFF000  }
0xb4: {  	[bflag:$0x0] =	sbarrier.arrive $0xFFFF  }
0xb5: {  	s0 =	rddreg [dreg:$0x5]  }
0xb6: {  	[hbm:s0], [sflag:s6] =	dma.local [spmem:s7], $0x1400  }
0xb7: {  	_ =	swait.ge [sflag:s4], $0x1400  }
0xb8: {  	[sflag:s4] =	ssyncset.done $0x0  }
0xb9: {  	[sflag:s4] =	ssyncadd.s32 $0xFFFFEC00  }
0xba: {  	[bflag:$0x0] =	sbarrier.arrive $0xFFFF  }
0xbb: {  	[spmem:s7], [sflag:s6] =	dma.local [hbm:s5], $0x1400  }
0xbc: {  	_ =	swait.ge [sflag:s4], $0x1400  }
0xbd: {  	[sflag:s4] =	ssyncset.done $0x0  }
0xbe: {  	[sflag:s4] =	ssyncadd.s32 $0xFFFFEC00  }
0xbf: {  	[tilespmem:s10], [sflag:$0x1] =	stream.strided.gather [hbm4b:s30+s8], $0xA000, s9, s8, $0x38;
	[tilespmem:$0x14500] =	vst v63  }
0xc0: {  	_ =	swait.ge [sflag:s4], $0xA000  }
0xc1: {  	[sflag:s4] =	ssyncset.done $0x0  }
0xc2: {  	[sflag:s4] =	ssyncadd.s32 $0xFFFF6000  }
0xc3: {  	[bflag:$0x0] =	sbarrier.arrive $0xFFFF  }
0xc4: {  	[spmem:s2] =	stream.indirect.scatter.add.f32 [tilespmem:s10], [sflag:$0x1], $0x20, s3, s11, $0xb8;
	[tilespmem:$0x14500] =	vst v63  }
0xc5: {  	_ =	swait.ge [sflag:s4], $0x1000  }
0xc6: {  	[sflag:s4] =	ssyncset.done $0x0  }
0xc7: {  	[sflag:s4] =	ssyncadd.s32 $0xFFFFF000  }
0xc8: {  	[spmem:s2] =	stream.indirect.scatter.add.f32 [tilespmem:s12], [sflag:$0x1], $0x20, s11, s11, $0xb8;
	[tilespmem:$0x14500] =	vst v63  }
0xc9: {  	_ =	swait.ge [sflag:s4], $0x1000  }
0xca: {  	[sflag:s4] =	ssyncset.done $0x0  }
0xcb: {  	[sflag:s4] =	ssyncadd.s32 $0xFFFFF000  }
0xcc: {  	[spmem:s2] =	stream.indirect.scatter.add.f32 [tilespmem:s14], [sflag:$0x1], $0x20, s13, s11, $0xb8;
	[tilespmem:$0x14500] =	vst v63  }
0xcd: {  	_ =	swait.ge [sflag:s4], $0x1000  }
0xce: {  	[sflag:s4] =	ssyncset.done $0x0  }
0xcf: {  	[sflag:s4] =	ssyncadd.s32 $0xFFFFF000  }
0xd0: {  	[spmem:s2] =	stream.indirect.scatter.add.f32 [tilespmem:s16], [sflag:$0x1], $0x20, s15, s11, $0xb8;
	[tilespmem:$0x14500] =	vst v63  }
0xd1: {  	_ =	swait.ge [sflag:s4], $0x1000  }
0xd2: {  	[sflag:s4] =	ssyncset.done $0x0  }
0xd3: {  	[sflag:s4] =	ssyncadd.s32 $0xFFFFF000  }
0xd4: {  	[spmem:s2] =	stream.indirect.scatter.add.f32 [tilespmem:s18], [sflag:$0x1], $0x20, s17, s11, $0xb8;
	[tilespmem:$0x14500] =	vst v63  }
0xd5: {  	_ =	swait.ge [sflag:s4], $0x1000  }
0xd6: {  	[sflag:s4] =	ssyncset.done $0x0  }
0xd7: {  	[sflag:s4] =	ssyncadd.s32 $0xFFFFF000  }
0xd8: {  	[spmem:s2] =	stream.indirect.scatter.add.f32 [tilespmem:s20], [sflag:$0x1], $0x20, s19, s11, $0xb8;
	[tilespmem:$0x14500] =	vst v63  }
0xd9: {  	_ =	swait.ge [sflag:s4], $0x1000  }
0xda: {  	[sflag:s4] =	ssyncset.done $0x0  }
0xdb: {  	[sflag:s4] =	ssyncadd.s32 $0xFFFFF000  }
0xdc: {  	[spmem:s2] =	stream.indirect.scatter.add.f32 [tilespmem:s22], [sflag:$0x1], $0x20, s21, s11, $0xb8;
	[tilespmem:$0x14500] =	vst v63  }
0xdd: {  	_ =	swait.ge [sflag:s4], $0x1000  }
0xde: {  	[sflag:s4] =	ssyncset.done $0x0  }
0xdf: {  	[sflag:s4] =	ssyncadd.s32 $0xFFFFF000  }
0xe0: {  	[spmem:s2] =	stream.indirect.scatter.add.f32 [tilespmem:s24], [sflag:$0x1], $0x20, s23, s11, $0xb8;
	[tilespmem:$0x14500] =	vst v63  }
0xe1: {  	_ =	swait.ge [sflag:s4], $0x1000  }
0xe2: {  	[sflag:s4] =	ssyncset.done $0x0  }
0xe3: {  	[sflag:s4] =	ssyncadd.s32 $0xFFFFF000  }
0xe4: {  	[spmem:s2] =	stream.indirect.scatter.add.f32 [tilespmem:s26], [sflag:$0x1], $0x20, s25, s11, $0xb8;
	[tilespmem:$0x14500] =	vst v63  }
0xe5: {  	_ =	swait.ge [sflag:s4], $0x1000  }
0xe6: {  	[sflag:s4] =	ssyncset.done $0x0  }
0xe7: {  	[sflag:s4] =	ssyncadd.s32 $0xFFFFF000  }
0xe8: {  	[spmem:s2] =	stream.indirect.scatter.add.f32 [tilespmem:s29], [sflag:$0x1], $0x20, s28, s11, $0xb8;
	[tilespmem:$0x14500] =	vst v63  }
0xe9: {  	p0 =	sne.s32 s1, $0x1;
	_ =	swait.ge [sflag:s4], $0x1000  }
.Ltmp1:
0xea: {  	[sflag:s4] =	ssyncset.done $0x0;
	(pc) =	sbr.rel @p0 .LBB2_1-.Ltmp1, $4  }
0xeb: {  	[sflag:s4] =	ssyncadd.s32 $0xFFFFF000  }
0xec: {  	[bflag:$0x0] =	sbarrier.arrive $0xFFFF  }
0xed: {  	[hbm:s31], [sflag:s6] =	dma.local [spmem:s7], $0x1400  }
0xee: {  	s1 =	sadd.s32 $0xFFFFFFFF, s1;
	_ =	swait.ge [sflag:s4], $0x1400  }
.LBB2_2:
0xef: {  	[sflag:s4] =	ssyncset.done $0x0  }
0xf0: {  	[sflag:s4] =	ssyncadd.s32 $0xFFFFEC00  }
0xf1: {  	_ =	sfence.sel $0x180000  }
0xf2: {  	[bflag:$0x0] =	sbarrier.arrive $0xFFFF  }
0xf3: {  	_ =	strace $0x90000050  }
0xf4: {  	s0 =	stileid.u32;
	[bflag:$0x2] =	sbarrier.arrive $0xFFFF  }
0xf5: {  	p0 =	sne.s32 s0, $0x0;
	s0 =	rddreg [dreg:$0x2]  }
0xf6: {  	s0 =	sadd.s32 @!p0 $0x100000, s0  }
0xf7: {  	[sflag:s0] =	ssyncadd.tile.s32 @!p0 $0x1;
	_ =	shalt  }
.Lfunc_end2:
_tile_overlayer_lowered:
.L_overlay_start_2:
0xf8: {  	(tag) =	ssettag $0x2  }
0xf9: {  	s0 =	rddreg [dreg:$0x0];
	s2 =	stileid.u32  }
0xfa: {  	s1 =	rddreg [dreg:$0x1];
	p0 =	sne.s32 s2, $0x0  }
0xfb: {  	s3 =	rddreg [dreg:$0x2];
	[bflag:$0x3] =	sbarrier.arrive $0xFFFF;
	s2 =	simm.s32 @!p0 $0x1C01  }
0xfc: {  	[timem:s3], [sflag:s2] =	dma.local @!p0 [hbm:s0], s1  }
0xfd: {  	s0 =	simm.s32 @!p0 $0x1  }
0xfe: {  	_ =	swait.ge @!p0 [sflag:s0], s1  }
0xff: {  	s1 =	ssub.s32 @!p0 $0x0, s1;
	[sflag:s0] =	ssyncset.done @!p0 $0x0  }
0x100: {  	[sflag:s0] =	ssyncadd.s32 @!p0 s1  }
0x101: {  	[bflag:$0x3] =	sbarrier.arrive $0xFFFF  }
0x102: {  	_ =	shalt  }

// kernel: kernel.28.cloned.1.call-start
scs
__scs_entry_jumppad:
0x0: {  	(pc) =	sbr.rel $0x88, $3  }
0x1: {  	(tag) =	ssettag $0x0;
	lr =	simm.s32 $0x1  }
0x2: {  	[smem:$0x3F85] =	sst lr;
	_ =	strace $0xD0000000  }
0x3: {  	_ = 	snop  }
0x4: {  	_ = 	snop  }
0x5: {  	_ = 	snop  }
0x6: {  	_ = 	snop  }
0x7: {  	_ = 	snop  }
__scs_overlays_trampoline_lowered:
0x8: {  	[smem:$0x3F94] =	sst s0  }
0x9: {  	[smem:$0x3F95] =	sst s1  }
0xa: {  	[smem:$0x3F96] =	sst s2  }
0xb: {  	[smem:$0x3F97] =	sst s3  }
0xc: {  	[smem:$0x3F98] =	sst s4  }
0xd: {  	[smem:$0x3F99] =	sst s5  }
0xe: {  	[smem:$0x3F9A] =	sst s6  }
0xf: {  	[smem:$0x3F9B] =	sst s7  }
0x10: {  	[smem:$0x3F9C] =	sst s8  }
0x11: {  	[smem:$0x3F9D] =	sst s9;
	s0 =	simm.s32 @!p0 $0x0  }
0x12: {  	s1 =	sld [smem:$0x3F83];
	s0 =	simm.s32 @p0 $0x1  }
0x13: {  	[smem:$0x3F9E] =	sst s0;
	s0 =	simm.s32 @!p1 $0x0  }
0x14: {  	s2 =	sld [smem:$0x3F82];
	s0 =	simm.s32 @p1 $0x1  }
0x15: {  	[smem:$0x3F9F] =	sst s0;
	s0 =	simm.s32 @!p2 $0x0  }
0x16: {  	s3 =	sld [smem:$0x3FDB];
	s0 =	simm.s32 @p2 $0x1  }
0x17: {  	s4 =	simm.s32 $0x1BF5;
	[smem:$0x3FA1] =	sst s0  }
0x18: {  	s0 =	sld [smem:$0x3F84];
	_ =	swait.ge [sflag:s4], $0x0  }
0x19: {  	s7 =	sld [smem:$0x3F85]  }
0x1a: {  	s8 =	sadd.s32 $0xFFFFE003, lr  }
0x1b: {  	s9 =	sadd.s32 $0xFFFFFEF7, lr;
	s5 =	simm.s32 $0xFFFFFFFF;
	p2 =	slt.u32 s8, $0xFFFFF086  }
0x1c: {  	p1 =	slt.u32 s9, $0xF7A;
	s5 =	simm.s32 @!p2 $0x0  }
0x1d: {  	s5 =	simm.s32 @p1 $0x1;
	p0 =	seq.s32 s7, s2  }
0x1e: {  	s7 =	smul.u32 @!p0 $0xF7A, s2;
	p2 =	seq.s32 @!p0 s5, $0x0  }
0x1f: {  	s9 =	smul.u32 $0xF7A, s1;
	s8 =	simm.s32 @!p0 $0x1BF5;
	p2 =	por !p2, p0  }
0x20: {  	[sflag:s8] =	ssyncset.s32 @!p0 $0xFFFFF086;
	s6 =	sadd.s32 @!p0 s3, s7;
	s7 =	simm.s32 @!p0 $0x108  }
0x21: {  	s3 =	sadd.s32 s3, s9;
	s6 =	sadd.s32 @!p0 $0x88, s6;
	s7 =	simm.s32 @p2 $0x1082  }
0x22: {  	[simem:s7], [sflag:s8] =	dma.local @!p0 [hbm:s6], $0xF7A  }
0x23: {  	s9 =	sor.u32 $0xD0000000, s2;
	s6 =	simm.s32 $0x108;
	_ =	swait.ge @!p0 [sflag:s8], $0x0  }
0x24: {  	s3 =	sadd.s32 $0x88, s3;
	s6 =	simm.s32 @!p1 $0x1082;
	[sflag:s4] =	ssyncset.s32 $0xFFFFF086  }
0x25: {  	[simem:s6], [sflag:s4] =	dma.local [hbm:s3], $0xF7A  }
0x26: {  	[smem:$0x3F85] =	sst s1;
	(tag) =	ssettag s2;
	_ =	strace s9  }
0x27: {  	s1 =	sld [smem:$0x3F95]  }
0x28: {  	s2 =	sld [smem:$0x3F96]  }
0x29: {  	s4 =	sld [smem:$0x3F98]  }
0x2a: {  	p0 =	seq.s32 s5, $0x0;
	s5 =	sld [smem:$0x3F99]  }
0x2b: {  	s6 =	sld [smem:$0x3F9A]  }
0x2c: {  	s7 =	sld [smem:$0x3F9B]  }
0x2d: {  	s3 =	simm.s32 $0x108;
	s8 =	sld [smem:$0x3F9C]  }
0x2e: {  	s3 =	simm.s32 @!p0 $0x1082;
	s9 =	sld [smem:$0x3F9D]  }
0x2f: {  	lr =	sadd.s32 s0, s3;
	s0 =	sld [smem:$0x3F94]  }
0x30: {  	s3 =	sld [smem:$0x3F97]  }
0x31: {  	[smem:$0x3FA0] =	sst s10  }
0x32: {  	s10 =	sld [smem:$0x3F9E];
	_ =	sdelay $0x3  }
0x33: {  	p0 =	seq.s32 s10, $0x1;
	s10 =	sld [smem:$0x3FA0];
	_ =	sdelay $0x3  }
0x34: {  	[smem:$0x3FA0] =	sst s10  }
0x35: {  	s10 =	sld [smem:$0x3F9F];
	_ =	sdelay $0x3  }
0x36: {  	p1 =	seq.s32 s10, $0x1;
	s10 =	sld [smem:$0x3FA0];
	_ =	sdelay $0x3  }
0x37: {  	[smem:$0x3FA0] =	sst s10  }
0x38: {  	s10 =	sld [smem:$0x3FA1]  }
0x39: {  	_ = 	snop;
	(pc) =	sbr.ind lr, $3  }
0x3a: {  	_ = 	snop  }
0x3b: {  	_ = 	snop  }
0x3c: {  	p2 =	seq.s32 s10, $0x1;
	s10 =	sld [smem:$0x3FA0]  }
0x3d: {  	_ =	shalt  }
0x3e: {  	_ =	shalt  }
0x3f: {  	_ =	shalt  }
0x40: {  	_ =	shalt  }
0x41: {  	_ =	shalt  }
0x42: {  	_ =	shalt  }
0x43: {  	_ =	shalt  }
0x44: {  	_ =	shalt  }
0x45: {  	_ =	shalt  }
0x46: {  	_ =	shalt  }
0x47: {  	_ =	shalt  }
0x48: {  	_ =	shalt  }
0x49: {  	_ =	shalt  }
0x4a: {  	_ =	shalt  }
0x4b: {  	_ =	shalt  }
0x4c: {  	_ =	shalt  }
0x4d: {  	_ =	shalt  }
0x4e: {  	_ =	shalt  }
0x4f: {  	_ =	shalt  }
0x50: {  	_ =	shalt  }
0x51: {  	_ =	shalt  }
0x52: {  	_ =	shalt  }
0x53: {  	_ =	shalt  }
0x54: {  	_ =	shalt  }
0x55: {  	_ =	shalt  }
0x56: {  	_ =	shalt  }
0x57: {  	_ =	shalt  }
0x58: {  	_ =	shalt  }
0x59: {  	_ =	shalt  }
0x5a: {  	_ =	shalt  }
0x5b: {  	_ =	shalt  }
0x5c: {  	_ =	shalt  }
0x5d: {  	_ =	shalt  }
0x5e: {  	_ =	shalt  }
0x5f: {  	_ =	shalt  }
0x60: {  	_ =	shalt  }
0x61: {  	_ =	shalt  }
0x62: {  	_ =	shalt  }
0x63: {  	_ =	shalt  }
0x64: {  	_ =	shalt  }
0x65: {  	_ =	shalt  }
0x66: {  	_ =	shalt  }
0x67: {  	_ =	shalt  }
0x68: {  	_ =	shalt  }
0x69: {  	_ =	shalt  }
0x6a: {  	_ =	shalt  }
0x6b: {  	_ =	shalt  }
0x6c: {  	_ =	shalt  }
0x6d: {  	_ =	shalt  }
0x6e: {  	_ =	shalt  }
0x6f: {  	_ =	shalt  }
0x70: {  	_ =	shalt  }
0x71: {  	_ =	shalt  }
0x72: {  	_ =	shalt  }
0x73: {  	_ =	shalt  }
0x74: {  	_ =	shalt  }
0x75: {  	_ =	shalt  }
0x76: {  	_ =	shalt  }
0x77: {  	_ =	shalt  }
0x78: {  	_ =	shalt  }
0x79: {  	_ =	shalt  }
0x7a: {  	_ =	shalt  }
0x7b: {  	_ =	shalt  }
0x7c: {  	_ =	shalt  }
0x7d: {  	_ =	shalt  }
0x7e: {  	_ =	shalt  }
0x7f: {  	_ =	shalt  }
0x80: {  	_ =	shalt  }
0x81: {  	_ =	shalt  }
0x82: {  	_ =	shalt  }
0x83: {  	_ =	shalt  }
0x84: {  	_ =	shalt  }
0x85: {  	_ =	shalt  }
0x86: {  	_ =	shalt  }
0x87: {  	_ =	shalt  }
.Lfunc_end0:
.L_simem_size_0:
called_computation.4_lowered:
.L_overlay_start_0:
0x88: {  	s2 =	sld [smem:$0x3FD9]  }
0x89: {  	s3 =	sld [smem:$0x3FFE];
	_ =	sdelay $0x1  }
0x8a: {  	s1 =	srdreg.scid  }
0x8b: {  	s0 =	sand.u32 $0x1, s1  }
0x8c: {  	s16 =	sshll.u32 s0, $0xA;
	s2 =	sadd.s32 s3, s2  }
0x8d: {  	s2 =	sadd.s32 s2, s16  }
0x8e: {  	[smem:$0x3FAC] =	sst s2  }
0x8f: {  	_ = 	snop  }
0x90: {  	(tm) =	ssettm $0x1  }
0x91: {  	s17 =	sld [smem:$0x3FFB];
	_ =	sdelay $0x3  }
0x92: {  	_ =	strace s17  }
0x93: {  	s2 =	sld [smem:$0x3FFC];
	_ =	sdelay $0x3  }
0x94: {  	_ =	strace s2  }
0x95: {  	s2 =	sld [smem:$0x3FFD];
	_ =	sdelay $0x3  }
0x96: {  	_ =	strace s2  }
0x97: {  	_ =	strace $0x8FFFFFFF  }
0x98: {  	s18 =	sld [smem:$0x3FDB];
	_ =	sdelay $0x1  }
0x99: {  	s19 =	simm.s32 $_scs_section_size  }
0x9a: {  	s4 =	simm.s32 $_size__tile_overlayer_lowered;
	s5 =	simm.s32 $_tile_overlayer_lowered  }
0x9b: {  	s22 =	simm.s32 $0x1BFF;
	s21 =	sshll.u32 s5, $0x1;
	s2 =	sadd.s32 s19, s18  }
0x9c: {  	s6 =	simm.s32 $0x0;
	s20 =	sshll.u32 s4, $0x1;
	s4 =	sadd.s32 s21, s2  }
0x9d: {  	[timem:s6], [sflag:s22] =	dma.local [hbm:s4], s20  }
0x9e: {  	_ =	swait.ge [sflag:s22], s20  }
0x9f: {  	s3 =	ssub.s32 $0x0, s20;
	[sflag:s22] =	ssyncset.done $0x0  }
0xa0: {  	[sflag:s22] =	ssyncadd.s32 s3;
	_ =	sdelay $0x1  }
0xa1: {  	s23 =	simm.s32 $0x1B8B  }
0xa2: {  	_ =	swait.ge [sflag:s23], $0x1  }
0xa3: {  	[sflag:s23] =	ssyncset.done $0x0  }
0xa4: {  	s25 =	simm.s32 $0x1B8E;
	s24 =	sld [smem:$0x3FFE];
	[sflag:s23] =	ssyncadd.s32 $0xFFFFFFFF  }
0xa5: {  	s26 =	simm.s32 $execute0_lowered;
	[smem:$0x3FD2] =	sst s25  }
0xa6: {  	s4 =	sshll.u32 s26, $0x1;
	_ =	strace $0x80000052;
	[dreg:$0x1] =	wrdreg $0xFFFFFFFF  }
0xa7: {  	s28 =	simm.s32 $_size_execute0_lowered;
	s2 =	sadd.s32 s2, s4;
	[dreg:$0x0] =	wrdreg $0x0  }
0xa8: {  	s4 =	sshll.u32 s28, $0x1;
	[dreg:$0x2] =	wrdreg s2  }
0xa9: {  	[dreg:$0x3] =	wrdreg s4  }
0xaa: {  	[dreg:$0x4] =	wrdreg $0xC0  }
0xab: {  	_ =	task [dreg:s6], $0x5FFFF  }
0xac: {  	[dreg:$0x1] =	wrdreg $0xFFFFFFFF  }
0xad: {  	[dreg:$0x0] =	wrdreg $0x60  }
0xae: {  	[dreg:$0x2] =	wrdreg s24  }
0xaf: {  	[dreg:$0x3] =	wrdreg $0x9  }
0xb0: {  	_ =	task.clear_ibuf [dreg:s6], $0x4FFFF;
	_ =	strace $0x90000052  }
0xb1: {  	s29 =	simm.s32 $0x9;
	_ =	strace $0x80000054  }
0xb2: {  	_ =	swait.ge [sflag:s29], $0x1  }
0xb3: {  	[sflag:s29] =	ssyncadd.s32 $0xFFFFFFFF  }
0xb4: {  	_ =	strace $0x90000054  }
0xb5: {  	_ =	sfence  }
0xb6: {  	s30 =	sld [smem:$0x0];
	_ =	sdelay $0x2  }
0xb7: {  	s31 =	sshll.u32 s1, $0xD;
	s1 =	sshrl.u32 s1, $0x2  }
0xb8: {  	s3 =	sand.u32 $0x4000, s31;
	s1 =	sadd.s32 s1, s30  }
0xb9: {  	s0 =	sor.u32 s3, s0;
	s1 =	sshll.u32 s1, $0x11  }
0xba: {  	s0 =	sor.u32 s1, s0  }
0xbb: {  	s0 =	sadd.s32 $0x8F2B, s0  }
0xbc: {  	[sflag:s0] =	ssyncadd.remote.s32 $0x1  }
0xbd: {  	_ =	sfence.sel $0xFFFF  }
0xbe: {  	[dreg:$0x0] =	wrdreg $0xFFFFFFFF;
	(pc) =	sbr.abs _section_cstart, $3  }
0xbf: {  	[dreg:$0x1] =	wrdreg $0xFFFFFFFF  }
0xc0: {  	_ =	task.clear_ibuf [dreg:s6], $0x2FFFF;
	_ =	strace $0x9FFFFFFF  }
0xc1: {  	(tm) =	ssettm $0x7FFFFFFF  }
tec
execute0_lowered:
.L_overlay_start_1:
0x0: {  	(tag) =	ssettag $0x1  }
0x1: {  	s0 =	srdreg.scid  }
0x2: {  	s28 =	sand.u32 $0x1, s0  }
0x3: {  	s0 =	stileid.u32;
	s1 =	sshll.u32 s28, $0x4  }
0x4: {  	s29 =	sor.u32 s0, s1  }
0x5: {  	s26 =	rddreg [dreg:$0x0];
	s2 =	simm.s32 $0x0;
	s3 =	smul.u32 $0xA0, s29  }
0x6: {  	[smem:$0x7FF] =	sst s2  }
0x7: {  	s1 =	rddreg [dreg:$0x1];
	s3 =	sadd.s32 s3, s26  }
0x8: {  	_ =	strace $0x80000053;
	s4 =	sadd.s32 $0x5000, s3;
	s3 =	simm.s32 $0x2  }
0x9: {  	[tilespmem:s2], [sflag:$0x2] =	stream.linear.gather [hbm4b:s4+s2], $0x500, $0x38;
	[tilespmem:$0x14500] =	vst v63  }
0xa: {  	_ =	swait.ge [sflag:s3], $0x500  }
0xb: {  	s6 =	simm.s32 $0x80;
	[sflag:s3] =	ssyncset.done $0x0  }
0xc: {  	s7 =	simm.s32 $0x500;
	s5 =	sadd.s32 $0x56400, s26;
	[sflag:s3] =	ssyncadd.s32 $0xFFFFFB00  }
0xd: {  	[tilespmem:s7], [sflag:$0x1] =	stream.indirect.gather [hbm4b:s5+s6], $0x40, s2, s6, $0xb8;
	[tilespmem:$0x14500] =	vst v63  }
0xe: {  	s8 =	simm.s32 $0x2500  }
0xf: {  	[tilespmem:s8], [sflag:$0x1] =	stream.indirect.gather [hbm4b:s5+s6], $0x40, s6, s6, $0xb8;
	[tilespmem:$0x14500] =	vst v63  }
0x10: {  	s9 =	simm.s32 $0x100;
	s10 =	simm.s32 $0x4500  }
0x11: {  	[tilespmem:s10], [sflag:$0x1] =	stream.indirect.gather [hbm4b:s5+s6], $0x40, s9, s6, $0xb8;
	[tilespmem:$0x14500] =	vst v63  }
0x12: {  	s11 =	simm.s32 $0x180;
	s12 =	simm.s32 $0x6500  }
0x13: {  	[tilespmem:s12], [sflag:$0x1] =	stream.indirect.gather [hbm4b:s5+s6], $0x40, s11, s6, $0xb8;
	[tilespmem:$0x14500] =	vst v63  }
0x14: {  	s13 =	simm.s32 $0x200;
	s14 =	simm.s32 $0x8500  }
0x15: {  	[tilespmem:s14], [sflag:$0x1] =	stream.indirect.gather [hbm4b:s5+s6], $0x40, s13, s6, $0xb8;
	[tilespmem:$0x14500] =	vst v63  }
0x16: {  	s15 =	simm.s32 $0x280;
	s16 =	simm.s32 $0xA500  }
0x17: {  	[tilespmem:s16], [sflag:$0x1] =	stream.indirect.gather [hbm4b:s5+s6], $0x40, s15, s6, $0xb8;
	[tilespmem:$0x14500] =	vst v63  }
0x18: {  	s17 =	simm.s32 $0x300;
	s18 =	simm.s32 $0xC500  }
0x19: {  	[tilespmem:s18], [sflag:$0x1] =	stream.indirect.gather [hbm4b:s5+s6], $0x40, s17, s6, $0xb8;
	[tilespmem:$0x14500] =	vst v63  }
0x1a: {  	s19 =	simm.s32 $0x380;
	s20 =	simm.s32 $0xE500  }
0x1b: {  	[tilespmem:s20], [sflag:$0x1] =	stream.indirect.gather [hbm4b:s5+s6], $0x40, s19, s6, $0xb8;
	[tilespmem:$0x14500] =	vst v63  }
0x1c: {  	s21 =	simm.s32 $0x400;
	s22 =	simm.s32 $0x10500  }
0x1d: {  	[tilespmem:s22], [sflag:$0x1] =	stream.indirect.gather [hbm4b:s5+s6], $0x40, s21, s6, $0xb8;
	[tilespmem:$0x14500] =	vst v63  }
0x1e: {  	s23 =	simm.s32 $0x480;
	s24 =	simm.s32 $0x12500;
	s25 =	simm.s32 $0x1  }
0x1f: {  	[tilespmem:s24], [sflag:$0x1] =	stream.indirect.gather [hbm4b:s5+s6], $0x40, s23, s6, $0xb8;
	[tilespmem:$0x14500] =	vst v63  }
0x20: {  	_ =	swait.ge [sflag:s25], $0x2000  }
0x21: {  	[sflag:s25] =	ssyncset.done $0x0  }
0x22: {  	[sflag:s25] =	ssyncadd.s32 $0xFFFFE000  }
0x23: {  	_ =	swait.ge [sflag:s25], $0x2000  }
0x24: {  	[sflag:s25] =	ssyncset.done $0x0  }
0x25: {  	[sflag:s25] =	ssyncadd.s32 $0xFFFFE000  }
0x26: {  	_ =	swait.ge [sflag:s25], $0x2000  }
0x27: {  	[sflag:s25] =	ssyncset.done $0x0  }
0x28: {  	[sflag:s25] =	ssyncadd.s32 $0xFFFFE000  }
0x29: {  	_ =	swait.ge [sflag:s25], $0x2000  }
0x2a: {  	[sflag:s25] =	ssyncset.done $0x0  }
0x2b: {  	[sflag:s25] =	ssyncadd.s32 $0xFFFFE000  }
0x2c: {  	_ =	swait.ge [sflag:s25], $0x2000  }
0x2d: {  	[sflag:s25] =	ssyncset.done $0x0  }
0x2e: {  	[sflag:s25] =	ssyncadd.s32 $0xFFFFE000  }
0x2f: {  	_ =	swait.ge [sflag:s25], $0x2000  }
0x30: {  	[sflag:s25] =	ssyncset.done $0x0  }
0x31: {  	[sflag:s25] =	ssyncadd.s32 $0xFFFFE000  }
0x32: {  	_ =	swait.ge [sflag:s25], $0x2000  }
0x33: {  	[sflag:s25] =	ssyncset.done $0x0  }
0x34: {  	[sflag:s25] =	ssyncadd.s32 $0xFFFFE000  }
0x35: {  	_ =	swait.ge [sflag:s25], $0x2000  }
0x36: {  	[sflag:s25] =	ssyncset.done $0x0  }
0x37: {  	s28 =	ssub.s32 $0x2, s28;
	[sflag:s25] =	ssyncadd.s32 $0xFFFFE000  }
0x38: {  	s30 =	sshrl.u32 s28, $0x1;
	_ =	swait.ge [sflag:s25], $0x2000  }
0x39: {  	s28 =	ssub.s32 s28, s30;
	[sflag:s25] =	ssyncset.done $0x0  }
0x3a: {  	s29 =	smul.u32 $0x2800, s29;
	s28 =	smax.u32 s28, $0x1;
	[sflag:s25] =	ssyncadd.s32 $0xFFFFE000  }
0x3b: {  	p0 =	sne.s32 s28, $0x1;
	_ =	swait.ge [sflag:s25], $0x2000  }
.Ltmp0:
0x3c: {  	s26 =	sadd.s32 s29, s26;
	[sflag:s25] =	ssyncset.done $0x0;
	(pc) =	sbr.rel @!p0 .LBB2_2-.Ltmp0, $4  }
0x3d: {  	s26 =	sadd.s32 $0x93800, s26;
	[sflag:s25] =	ssyncadd.s32 $0xFFFFE000  }
0x3e: {  	[hbm4b:s26+s2] =	stream.linear.scatter [tilespmem:s7], [sflag:$0x2], $0x14000, $0x38;
	[tilespmem:$0x14500] =	vst v63  }
0x3f: {  	_ =	swait.ge [sflag:s3], $0x14000  }
0x40: {  	s28 =	sadd.s32 $0xFFFFFFFF, s28;
	[sflag:s3] =	ssyncset.done $0x0  }
.LBB2_1:
0x41: {  	p0 =	sne.s32 s28, $0x1;
	s28 =	sadd.s32 $0xFFFFFFFF, s28;
	[sflag:s3] =	ssyncadd.s32 $0xFFFEC000  }
0x42: {  	[tilespmem:s2], [sflag:$0x2] =	stream.linear.gather [hbm4b:s4+s2], $0x500, $0x38;
	[tilespmem:$0x14500] =	vst v63  }
0x43: {  	_ =	swait.ge [sflag:s3], $0x500  }
0x44: {  	[sflag:s3] =	ssyncset.done $0x0  }
0x45: {  	[sflag:s3] =	ssyncadd.s32 $0xFFFFFB00  }
0x46: {  	[tilespmem:s7], [sflag:$0x1] =	stream.indirect.gather [hbm4b:s5+s6], $0x40, s2, s6, $0xb8;
	[tilespmem:$0x14500] =	vst v63  }
0x47: {  	_ = 	snop  }
0x48: {  	[tilespmem:s8], [sflag:$0x1] =	stream.indirect.gather [hbm4b:s5+s6], $0x40, s6, s6, $0xb8;
	[tilespmem:$0x14500] =	vst v63  }
0x49: {  	_ = 	snop  }
0x4a: {  	[tilespmem:s10], [sflag:$0x1] =	stream.indirect.gather [hbm4b:s5+s6], $0x40, s9, s6, $0xb8;
	[tilespmem:$0x14500] =	vst v63  }
0x4b: {  	_ = 	snop  }
0x4c: {  	[tilespmem:s12], [sflag:$0x1] =	stream.indirect.gather [hbm4b:s5+s6], $0x40, s11, s6, $0xb8;
	[tilespmem:$0x14500] =	vst v63  }
0x4d: {  	_ = 	snop  }
0x4e: {  	[tilespmem:s14], [sflag:$0x1] =	stream.indirect.gather [hbm4b:s5+s6], $0x40, s13, s6, $0xb8;
	[tilespmem:$0x14500] =	vst v63  }
0x4f: {  	_ = 	snop  }
0x50: {  	[tilespmem:s16], [sflag:$0x1] =	stream.indirect.gather [hbm4b:s5+s6], $0x40, s15, s6, $0xb8;
	[tilespmem:$0x14500] =	vst v63  }
0x51: {  	_ = 	snop  }
0x52: {  	[tilespmem:s18], [sflag:$0x1] =	stream.indirect.gather [hbm4b:s5+s6], $0x40, s17, s6, $0xb8;
	[tilespmem:$0x14500] =	vst v63  }
0x53: {  	_ = 	snop  }
0x54: {  	[tilespmem:s20], [sflag:$0x1] =	stream.indirect.gather [hbm4b:s5+s6], $0x40, s19, s6, $0xb8;
	[tilespmem:$0x14500] =	vst v63  }
0x55: {  	_ = 	snop  }
0x56: {  	[tilespmem:s22], [sflag:$0x1] =	stream.indirect.gather [hbm4b:s5+s6], $0x40, s21, s6, $0xb8;
	[tilespmem:$0x14500] =	vst v63  }
0x57: {  	_ = 	snop  }
0x58: {  	[tilespmem:s24], [sflag:$0x1] =	stream.indirect.gather [hbm4b:s5+s6], $0x40, s23, s6, $0xb8;
	[tilespmem:$0x14500] =	vst v63  }
0x59: {  	_ =	swait.ge [sflag:s25], $0x2000  }
0x5a: {  	[sflag:s25] =	ssyncset.done $0x0  }
0x5b: {  	[sflag:s25] =	ssyncadd.s32 $0xFFFFE000  }
0x5c: {  	_ =	swait.ge [sflag:s25], $0x2000  }
0x5d: {  	[sflag:s25] =	ssyncset.done $0x0  }
0x5e: {  	[sflag:s25] =	ssyncadd.s32 $0xFFFFE000  }
0x5f: {  	_ =	swait.ge [sflag:s25], $0x2000  }
0x60: {  	[sflag:s25] =	ssyncset.done $0x0  }
0x61: {  	[sflag:s25] =	ssyncadd.s32 $0xFFFFE000  }
0x62: {  	_ =	swait.ge [sflag:s25], $0x2000  }
0x63: {  	[sflag:s25] =	ssyncset.done $0x0  }
0x64: {  	[sflag:s25] =	ssyncadd.s32 $0xFFFFE000  }
0x65: {  	_ =	swait.ge [sflag:s25], $0x2000  }
0x66: {  	[sflag:s25] =	ssyncset.done $0x0  }
0x67: {  	[sflag:s25] =	ssyncadd.s32 $0xFFFFE000  }
0x68: {  	_ =	swait.ge [sflag:s25], $0x2000  }
0x69: {  	[sflag:s25] =	ssyncset.done $0x0  }
0x6a: {  	[sflag:s25] =	ssyncadd.s32 $0xFFFFE000  }
0x6b: {  	_ =	swait.ge [sflag:s25], $0x2000  }
0x6c: {  	[sflag:s25] =	ssyncset.done $0x0  }
0x6d: {  	[sflag:s25] =	ssyncadd.s32 $0xFFFFE000  }
0x6e: {  	_ =	swait.ge [sflag:s25], $0x2000  }
0x6f: {  	[sflag:s25] =	ssyncset.done $0x0  }
0x70: {  	[sflag:s25] =	ssyncadd.s32 $0xFFFFE000  }
0x71: {  	_ =	swait.ge [sflag:s25], $0x2000  }
0x72: {  	[sflag:s25] =	ssyncset.done $0x0  }
0x73: {  	[sflag:s25] =	ssyncadd.s32 $0xFFFFE000  }
0x74: {  	_ =	swait.ge [sflag:s25], $0x2000  }
.Ltmp1:
0x75: {  	[sflag:s25] =	ssyncset.done $0x0;
	(pc) =	sbr.rel @p0 .LBB2_1-.Ltmp1, $4  }
0x76: {  	[sflag:s25] =	ssyncadd.s32 $0xFFFFE000  }
0x77: {  	[hbm4b:s26+s2] =	stream.linear.scatter [tilespmem:s7], [sflag:$0x2], $0x14000, $0x38;
	[tilespmem:$0x14500] =	vst v63  }
0x78: {  	_ =	swait.ge [sflag:s3], $0x14000  }
0x79: {  	[sflag:s3] =	ssyncset.done $0x0  }
.LBB2_2:
0x7a: {  	[sflag:s3] =	ssyncadd.s32 $0xFFFEC000  }
0x7b: {  	_ =	sfence.sel $0x180000  }
0x7c: {  	[bflag:$0x0] =	sbarrier.arrive $0xFFFF  }
0x7d: {  	p0 =	sne.s32 s0, $0x0;
	_ =	strace $0x90000053  }
0x7e: {  	s0 =	sadd.s32 @!p0 $0x100000, s1;
	[bflag:$0x2] =	sbarrier.arrive $0xFFFF  }
0x7f: {  	[sflag:s0] =	ssyncadd.tile.s32 @!p0 $0x1;
	_ =	shalt  }
.Lfunc_end2:
_tile_overlayer_lowered:
.L_overlay_start_2:
0x80: {  	(tag) =	ssettag $0x2  }
0x81: {  	s0 =	rddreg [dreg:$0x0];
	s2 =	stileid.u32  }
0x82: {  	s1 =	rddreg [dreg:$0x1];
	p0 =	sne.s32 s2, $0x0  }
0x83: {  	s3 =	rddreg [dreg:$0x2];
	[bflag:$0x3] =	sbarrier.arrive $0xFFFF;
	s2 =	simm.s32 @!p0 $0x1C02  }
0x84: {  	[timem:s3], [sflag:s2] =	dma.local @!p0 [hbm:s0], s1  }
0x85: {  	s0 =	simm.s32 @!p0 $0x2  }
0x86: {  	_ =	swait.ge @!p0 [sflag:s0], s1  }
0x87: {  	s1 =	ssub.s32 @!p0 $0x0, s1;
	[sflag:s0] =	ssyncset.done @!p0 $0x0  }
0x88: {  	[sflag:s0] =	ssyncadd.s32 @!p0 s1  }
0x89: {  	[bflag:$0x3] =	sbarrier.arrive $0xFFFF  }
0x8a: {  	_ =	shalt  }

// kernel: kernel.31.cloned.1.call-start
scs
__scs_entry_jumppad:
0x0: {  	(pc) =	sbr.rel $0x88, $3  }
0x1: {  	(tag) =	ssettag $0x0;
	lr =	simm.s32 $0x1  }
0x2: {  	[smem:$0x3F85] =	sst lr;
	_ =	strace $0xD0000000  }
0x3: {  	_ = 	snop  }
0x4: {  	_ = 	snop  }
0x5: {  	_ = 	snop  }
0x6: {  	_ = 	snop  }
0x7: {  	_ = 	snop  }
__scs_overlays_trampoline_lowered:
0x8: {  	[smem:$0x3F94] =	sst s0  }
0x9: {  	[smem:$0x3F95] =	sst s1  }
0xa: {  	[smem:$0x3F96] =	sst s2  }
0xb: {  	[smem:$0x3F97] =	sst s3  }
0xc: {  	[smem:$0x3F98] =	sst s4  }
0xd: {  	[smem:$0x3F99] =	sst s5  }
0xe: {  	[smem:$0x3F9A] =	sst s6  }
0xf: {  	[smem:$0x3F9B] =	sst s7  }
0x10: {  	[smem:$0x3F9C] =	sst s8  }
0x11: {  	[smem:$0x3F9D] =	sst s9;
	s0 =	simm.s32 @!p0 $0x0  }
0x12: {  	s1 =	sld [smem:$0x3F83];
	s0 =	simm.s32 @p0 $0x1  }
0x13: {  	[smem:$0x3F9E] =	sst s0;
	s0 =	simm.s32 @!p1 $0x0  }
0x14: {  	s2 =	sld [smem:$0x3F82];
	s0 =	simm.s32 @p1 $0x1  }
0x15: {  	[smem:$0x3F9F] =	sst s0;
	s0 =	simm.s32 @!p2 $0x0  }
0x16: {  	s3 =	sld [smem:$0x3FDB];
	s0 =	simm.s32 @p2 $0x1  }
0x17: {  	s4 =	simm.s32 $0x1BF5;
	[smem:$0x3FA1] =	sst s0  }
0x18: {  	s0 =	sld [smem:$0x3F84];
	_ =	swait.ge [sflag:s4], $0x0  }
0x19: {  	s7 =	sld [smem:$0x3F85]  }
0x1a: {  	s8 =	sadd.s32 $0xFFFFE003, lr  }
0x1b: {  	s9 =	sadd.s32 $0xFFFFFEF7, lr;
	s5 =	simm.s32 $0xFFFFFFFF;
	p2 =	slt.u32 s8, $0xFFFFF086  }
0x1c: {  	p1 =	slt.u32 s9, $0xF7A;
	s5 =	simm.s32 @!p2 $0x0  }
0x1d: {  	s5 =	simm.s32 @p1 $0x1;
	p0 =	seq.s32 s7, s2  }
0x1e: {  	s7 =	smul.u32 @!p0 $0xF7A, s2;
	p2 =	seq.s32 @!p0 s5, $0x0  }
0x1f: {  	s9 =	smul.u32 $0xF7A, s1;
	s8 =	simm.s32 @!p0 $0x1BF5;
	p2 =	por !p2, p0  }
0x20: {  	[sflag:s8] =	ssyncset.s32 @!p0 $0xFFFFF086;
	s6 =	sadd.s32 @!p0 s3, s7;
	s7 =	simm.s32 @!p0 $0x108  }
0x21: {  	s3 =	sadd.s32 s3, s9;
	s6 =	sadd.s32 @!p0 $0x88, s6;
	s7 =	simm.s32 @p2 $0x1082  }
0x22: {  	[simem:s7], [sflag:s8] =	dma.local @!p0 [hbm:s6], $0xF7A  }
0x23: {  	s9 =	sor.u32 $0xD0000000, s2;
	s6 =	simm.s32 $0x108;
	_ =	swait.ge @!p0 [sflag:s8], $0x0  }
0x24: {  	s3 =	sadd.s32 $0x88, s3;
	s6 =	simm.s32 @!p1 $0x1082;
	[sflag:s4] =	ssyncset.s32 $0xFFFFF086  }
0x25: {  	[simem:s6], [sflag:s4] =	dma.local [hbm:s3], $0xF7A  }
0x26: {  	[smem:$0x3F85] =	sst s1;
	(tag) =	ssettag s2;
	_ =	strace s9  }
0x27: {  	s1 =	sld [smem:$0x3F95]  }
0x28: {  	s2 =	sld [smem:$0x3F96]  }
0x29: {  	s4 =	sld [smem:$0x3F98]  }
0x2a: {  	p0 =	seq.s32 s5, $0x0;
	s5 =	sld [smem:$0x3F99]  }
0x2b: {  	s6 =	sld [smem:$0x3F9A]  }
0x2c: {  	s7 =	sld [smem:$0x3F9B]  }
0x2d: {  	s3 =	simm.s32 $0x108;
	s8 =	sld [smem:$0x3F9C]  }
0x2e: {  	s3 =	simm.s32 @!p0 $0x1082;
	s9 =	sld [smem:$0x3F9D]  }
0x2f: {  	lr =	sadd.s32 s0, s3;
	s0 =	sld [smem:$0x3F94]  }
0x30: {  	s3 =	sld [smem:$0x3F97]  }
0x31: {  	[smem:$0x3FA0] =	sst s10  }
0x32: {  	s10 =	sld [smem:$0x3F9E];
	_ =	sdelay $0x3  }
0x33: {  	p0 =	seq.s32 s10, $0x1;
	s10 =	sld [smem:$0x3FA0];
	_ =	sdelay $0x3  }
0x34: {  	[smem:$0x3FA0] =	sst s10  }
0x35: {  	s10 =	sld [smem:$0x3F9F];
	_ =	sdelay $0x3  }
0x36: {  	p1 =	seq.s32 s10, $0x1;
	s10 =	sld [smem:$0x3FA0];
	_ =	sdelay $0x3  }
0x37: {  	[smem:$0x3FA0] =	sst s10  }
0x38: {  	s10 =	sld [smem:$0x3FA1]  }
0x39: {  	_ = 	snop;
	(pc) =	sbr.ind lr, $3  }
0x3a: {  	_ = 	snop  }
0x3b: {  	_ = 	snop  }
0x3c: {  	p2 =	seq.s32 s10, $0x1;
	s10 =	sld [smem:$0x3FA0]  }
0x3d: {  	_ =	shalt  }
0x3e: {  	_ =	shalt  }
0x3f: {  	_ =	shalt  }
0x40: {  	_ =	shalt  }
0x41: {  	_ =	shalt  }
0x42: {  	_ =	shalt  }
0x43: {  	_ =	shalt  }
0x44: {  	_ =	shalt  }
0x45: {  	_ =	shalt  }
0x46: {  	_ =	shalt  }
0x47: {  	_ =	shalt  }
0x48: {  	_ =	shalt  }
0x49: {  	_ =	shalt  }
0x4a: {  	_ =	shalt  }
0x4b: {  	_ =	shalt  }
0x4c: {  	_ =	shalt  }
0x4d: {  	_ =	shalt  }
0x4e: {  	_ =	shalt  }
0x4f: {  	_ =	shalt  }
0x50: {  	_ =	shalt  }
0x51: {  	_ =	shalt  }
0x52: {  	_ =	shalt  }
0x53: {  	_ =	shalt  }
0x54: {  	_ =	shalt  }
0x55: {  	_ =	shalt  }
0x56: {  	_ =	shalt  }
0x57: {  	_ =	shalt  }
0x58: {  	_ =	shalt  }
0x59: {  	_ =	shalt  }
0x5a: {  	_ =	shalt  }
0x5b: {  	_ =	shalt  }
0x5c: {  	_ =	shalt  }
0x5d: {  	_ =	shalt  }
0x5e: {  	_ =	shalt  }
0x5f: {  	_ =	shalt  }
0x60: {  	_ =	shalt  }
0x61: {  	_ =	shalt  }
0x62: {  	_ =	shalt  }
0x63: {  	_ =	shalt  }
0x64: {  	_ =	shalt  }
0x65: {  	_ =	shalt  }
0x66: {  	_ =	shalt  }
0x67: {  	_ =	shalt  }
0x68: {  	_ =	shalt  }
0x69: {  	_ =	shalt  }
0x6a: {  	_ =	shalt  }
0x6b: {  	_ =	shalt  }
0x6c: {  	_ =	shalt  }
0x6d: {  	_ =	shalt  }
0x6e: {  	_ =	shalt  }
0x6f: {  	_ =	shalt  }
0x70: {  	_ =	shalt  }
0x71: {  	_ =	shalt  }
0x72: {  	_ =	shalt  }
0x73: {  	_ =	shalt  }
0x74: {  	_ =	shalt  }
0x75: {  	_ =	shalt  }
0x76: {  	_ =	shalt  }
0x77: {  	_ =	shalt  }
0x78: {  	_ =	shalt  }
0x79: {  	_ =	shalt  }
0x7a: {  	_ =	shalt  }
0x7b: {  	_ =	shalt  }
0x7c: {  	_ =	shalt  }
0x7d: {  	_ =	shalt  }
0x7e: {  	_ =	shalt  }
0x7f: {  	_ =	shalt  }
0x80: {  	_ =	shalt  }
0x81: {  	_ =	shalt  }
0x82: {  	_ =	shalt  }
0x83: {  	_ =	shalt  }
0x84: {  	_ =	shalt  }
0x85: {  	_ =	shalt  }
0x86: {  	_ =	shalt  }
0x87: {  	_ =	shalt  }
.Lfunc_end0:
.L_simem_size_0:
called_computation.5_lowered:
.L_overlay_start_0:
0x88: {  	s2 =	sld [smem:$0x3FD9]  }
0x89: {  	s3 =	sld [smem:$0x3FFE];
	_ =	sdelay $0x1  }
0x8a: {  	s1 =	srdreg.scid  }
0x8b: {  	s0 =	sand.u32 $0x1, s1  }
0x8c: {  	s16 =	sshll.u32 s0, $0xA;
	s2 =	sadd.s32 s3, s2  }
0x8d: {  	s2 =	sadd.s32 s2, s16  }
0x8e: {  	[smem:$0x3FAC] =	sst s2  }
0x8f: {  	_ = 	snop  }
0x90: {  	(tm) =	ssettm $0x1  }
0x91: {  	s17 =	sld [smem:$0x3FFB];
	_ =	sdelay $0x3  }
0x92: {  	_ =	strace s17  }
0x93: {  	s2 =	sld [smem:$0x3FFC];
	_ =	sdelay $0x3  }
0x94: {  	_ =	strace s2  }
0x95: {  	s2 =	sld [smem:$0x3FFD];
	_ =	sdelay $0x3  }
0x96: {  	_ =	strace s2  }
0x97: {  	_ =	strace $0x8FFFFFFF  }
0x98: {  	s18 =	sld [smem:$0x3FDB];
	_ =	sdelay $0x1  }
0x99: {  	s19 =	simm.s32 $_scs_section_size  }
0x9a: {  	s4 =	simm.s32 $_size__tile_overlayer_lowered;
	s5 =	simm.s32 $_tile_overlayer_lowered  }
0x9b: {  	s22 =	simm.s32 $0x1BFF;
	s21 =	sshll.u32 s5, $0x1;
	s2 =	sadd.s32 s19, s18  }
0x9c: {  	s6 =	simm.s32 $0x0;
	s20 =	sshll.u32 s4, $0x1;
	s4 =	sadd.s32 s21, s2  }
0x9d: {  	[timem:s6], [sflag:s22] =	dma.local [hbm:s4], s20  }
0x9e: {  	_ =	swait.ge [sflag:s22], s20  }
0x9f: {  	s3 =	ssub.s32 $0x0, s20;
	[sflag:s22] =	ssyncset.done $0x0  }
0xa0: {  	[sflag:s22] =	ssyncadd.s32 s3;
	_ =	sdelay $0x1  }
0xa1: {  	s23 =	simm.s32 $0x1B8B  }
0xa2: {  	_ =	swait.ge [sflag:s23], $0x1  }
0xa3: {  	[sflag:s23] =	ssyncset.done $0x0  }
0xa4: {  	s25 =	simm.s32 $0x1B8E;
	s24 =	sld [smem:$0x3FFE];
	[sflag:s23] =	ssyncadd.s32 $0xFFFFFFFF  }
0xa5: {  	s26 =	simm.s32 $execute0_lowered;
	[smem:$0x3FD2] =	sst s25  }
0xa6: {  	s4 =	sshll.u32 s26, $0x1;
	_ =	strace $0x80000055;
	[dreg:$0x1] =	wrdreg $0xFFFFFFFF  }
0xa7: {  	s28 =	simm.s32 $_size_execute0_lowered;
	s2 =	sadd.s32 s2, s4;
	[dreg:$0x0] =	wrdreg $0x0  }
0xa8: {  	s4 =	sshll.u32 s28, $0x1;
	[dreg:$0x2] =	wrdreg s2  }
0xa9: {  	[dreg:$0x3] =	wrdreg s4  }
0xaa: {  	[dreg:$0x4] =	wrdreg $0xC0  }
0xab: {  	_ =	task [dreg:s6], $0x5FFFF  }
0xac: {  	[dreg:$0x1] =	wrdreg $0xFFFFFFFF  }
0xad: {  	[dreg:$0x0] =	wrdreg $0x60  }
0xae: {  	[dreg:$0x2] =	wrdreg s24  }
0xaf: {  	[dreg:$0x3] =	wrdreg $0xA5000  }
0xb0: {  	[dreg:$0x4] =	wrdreg $0x9  }
0xb1: {  	_ =	task.clear_ibuf [dreg:s6], $0x5FFFF;
	_ =	strace $0x90000055  }
0xb2: {  	s29 =	simm.s32 $0x9;
	_ =	strace $0x80000057  }
0xb3: {  	_ =	swait.ge [sflag:s29], $0x1  }
0xb4: {  	[sflag:s29] =	ssyncadd.s32 $0xFFFFFFFF  }
0xb5: {  	_ =	strace $0x90000057  }
0xb6: {  	_ =	sfence  }
0xb7: {  	s30 =	sld [smem:$0x0];
	_ =	sdelay $0x2  }
0xb8: {  	s31 =	sshll.u32 s1, $0xD;
	s1 =	sshrl.u32 s1, $0x2  }
0xb9: {  	s3 =	sand.u32 $0x4000, s31;
	s1 =	sadd.s32 s1, s30  }
0xba: {  	s0 =	sor.u32 s3, s0;
	s1 =	sshll.u32 s1, $0x11  }
0xbb: {  	s0 =	sor.u32 s1, s0  }
0xbc: {  	s0 =	sadd.s32 $0x8F2B, s0  }
0xbd: {  	[sflag:s0] =	ssyncadd.remote.s32 $0x1  }
0xbe: {  	_ =	sfence.sel $0xFFFF  }
0xbf: {  	[dreg:$0x0] =	wrdreg $0xFFFFFFFF;
	(pc) =	sbr.abs _section_cstart, $3  }
0xc0: {  	[dreg:$0x1] =	wrdreg $0xFFFFFFFF  }
0xc1: {  	_ =	task.clear_ibuf [dreg:s6], $0x2FFFF;
	_ =	strace $0x9FFFFFFF  }
0xc2: {  	(tm) =	ssettm $0x7FFFFFFF  }
0xc3: {  	_ =	shalt  }
tec
execute0_lowered:
.L_overlay_start_1:
0x0: {  	(tag) =	ssettag $0x1  }
0x1: {  	s0 =	srdreg.scid  }
0x2: {  	s21 =	stileid.u32;
	s1 =	sand.u32 $0x1, s0  }
0x3: {  	s5 =	rddreg [dreg:$0x0];
	s7 =	smul.u32 $0xA000, s21;
	s2 =	sshll.u32 s1, $0x4  }
0x4: {  	s3 =	simm.s32 $0x0;
	s8 =	smul.u32 $0x140000, s1;
	s4 =	sor.u32 s21, s2  }
0x5: {  	[smem:$0x7FF] =	sst s3;
	s6 =	smul.u32 $0xA0, s4  }
0x6: {  	s2 =	rddreg [dreg:$0x1];
	s4 =	smul.u32 $0x2800, s4  }
0x7: {  	_ =	strace $0x80000056;
	s8 =	sadd.s32 s7, s8;
	s6 =	sadd.s32 s6, s5  }
0x8: {  	s22 =	sshrl.u32 s8, $0x3;
	s30 =	sadd.s32 s4, s5;
	s6 =	sadd.s32 $0x92400, s6  }
0x9: {  	s31 =	sadd.s32 s22, s5;
	s23 =	sadd.s32 $0x93800, s30;
	[dreg:$0x3] =	wrdreg s6  }
0xa: {  	s24 =	sadd.s32 $0xE3800, s31;
	[dreg:$0x4] =	wrdreg s23  }
0xb: {  	[dreg:$0x5] =	wrdreg s24  }
0xc: {  	s26 =	sshll.u32 s21, $0x6;
	s4 =	simm.s32 $0x1;
	s6 =	rddreg [dreg:$0x3]  }
0xd: {  	[tilespmem:s3], [sflag:$0x1] =	stream.linear.gather [hbm4b:s6+s3], $0x500, $0x38;
	[tilespmem:$0x14500] =	vst v63  }
0xe: {  	s25 =	sshrl.u32 s7, $0x3;
	s7 =	sadd.s32 s7, s2;
	_ =	swait.ge [sflag:s4], $0x500  }
0xf: {  	s7 =	sshrl.u32 s7, $0x3;
	s5 =	sadd.s32 s25, s5;
	[sflag:s4] =	ssyncset.done $0x0  }
0x10: {  	s5 =	sadd.s32 $0x7E400, s5;
	s6 =	sor.u32 $0x1C01, s26;
	[sflag:s4] =	ssyncadd.s32 $0xFFFFFB00  }
0x11: {  	[spmem:s7], [sflag:s6] =	dma.local [hbm:s5], $0x1400  }
0x12: {  	_ =	swait.ge [sflag:s4], $0x1400  }
0x13: {  	s9 =	simm.s32 $0x40;
	s10 =	simm.s32 $0x500;
	[sflag:s4] =	ssyncset.done $0x0  }
0x14: {  	s8 =	simm.s32 $0x20;
	s11 =	rddreg [dreg:$0x4];
	[sflag:s4] =	ssyncadd.s32 $0xFFFFEC00  }
0x15: {  	[tilespmem:s10], [sflag:$0x1] =	stream.strided.gather [hbm4b:s11+s8], $0xA000, s9, s8, $0x38;
	[tilespmem:$0x14500] =	vst v63  }
0x16: {  	_ =	swait.ge [sflag:s4], $0xA000  }
0x17: {  	[sflag:s4] =	ssyncset.done $0x0  }
0x18: {  	[sflag:s4] =	ssyncadd.s32 $0xFFFF6000  }
0x19: {  	s11 =	simm.s32 $0x80;
	[bflag:$0x0] =	sbarrier.arrive $0xFFFF  }
0x1a: {  	[spmem:s2] =	stream.indirect.scatter.add.f32 [tilespmem:s10], [sflag:$0x1], $0x20, s3, s11, $0xb8;
	[tilespmem:$0x14500] =	vst v63  }
0x1b: {  	_ =	swait.ge [sflag:s4], $0x1000  }
0x1c: {  	[sflag:s4] =	ssyncset.done $0x0  }
0x1d: {  	s12 =	simm.s32 $0x1500;
	[sflag:s4] =	ssyncadd.s32 $0xFFFFF000  }
0x1e: {  	[spmem:s2] =	stream.indirect.scatter.add.f32 [tilespmem:s12], [sflag:$0x1], $0x20, s11, s11, $0xb8;
	[tilespmem:$0x14500] =	vst v63  }
0x1f: {  	_ =	swait.ge [sflag:s4], $0x1000  }
0x20: {  	[sflag:s4] =	ssyncset.done $0x0  }
0x21: {  	s13 =	simm.s32 $0x100;
	s14 =	simm.s32 $0x2500;
	[sflag:s4] =	ssyncadd.s32 $0xFFFFF000  }
0x22: {  	[spmem:s2] =	stream.indirect.scatter.add.f32 [tilespmem:s14], [sflag:$0x1], $0x20, s13, s11, $0xb8;
	[tilespmem:$0x14500] =	vst v63  }
0x23: {  	_ =	swait.ge [sflag:s4], $0x1000  }
0x24: {  	[sflag:s4] =	ssyncset.done $0x0  }
0x25: {  	s15 =	simm.s32 $0x180;
	s16 =	simm.s32 $0x3500;
	[sflag:s4] =	ssyncadd.s32 $0xFFFFF000  }
0x26: {  	[spmem:s2] =	stream.indirect.scatter.add.f32 [tilespmem:s16], [sflag:$0x1], $0x20, s15, s11, $0xb8;
	[tilespmem:$0x14500] =	vst v63  }
0x27: {  	_ =	swait.ge [sflag:s4], $0x1000  }
0x28: {  	[sflag:s4] =	ssyncset.done $0x0  }
0x29: {  	s17 =	simm.s32 $0x200;
	s18 =	simm.s32 $0x4500;
	[sflag:s4] =	ssyncadd.s32 $0xFFFFF000  }
0x2a: {  	[spmem:s2] =	stream.indirect.scatter.add.f32 [tilespmem:s18], [sflag:$0x1], $0x20, s17, s11, $0xb8;
	[tilespmem:$0x14500] =	vst v63  }
0x2b: {  	_ =	swait.ge [sflag:s4], $0x1000  }
0x2c: {  	[sflag:s4] =	ssyncset.done $0x0  }
0x2d: {  	s19 =	simm.s32 $0x280;
	s20 =	simm.s32 $0x5500;
	[sflag:s4] =	ssyncadd.s32 $0xFFFFF000  }
0x2e: {  	[spmem:s2] =	stream.indirect.scatter.add.f32 [tilespmem:s20], [sflag:$0x1], $0x20, s19, s11, $0xb8;
	[tilespmem:$0x14500] =	vst v63  }
0x2f: {  	_ =	swait.ge [sflag:s4], $0x1000  }
0x30: {  	[sflag:s4] =	ssyncset.done $0x0  }
0x31: {  	s21 =	simm.s32 $0x300;
	s22 =	simm.s32 $0x6500;
	[sflag:s4] =	ssyncadd.s32 $0xFFFFF000  }
0x32: {  	[spmem:s2] =	stream.indirect.scatter.add.f32 [tilespmem:s22], [sflag:$0x1], $0x20, s21, s11, $0xb8;
	[tilespmem:$0x14500] =	vst v63  }
0x33: {  	_ =	swait.ge [sflag:s4], $0x1000  }
0x34: {  	[sflag:s4] =	ssyncset.done $0x0  }
0x35: {  	s23 =	simm.s32 $0x380;
	s24 =	simm.s32 $0x7500;
	[sflag:s4] =	ssyncadd.s32 $0xFFFFF000  }
0x36: {  	[spmem:s2] =	stream.indirect.scatter.add.f32 [tilespmem:s24], [sflag:$0x1], $0x20, s23, s11, $0xb8;
	[tilespmem:$0x14500] =	vst v63  }
0x37: {  	_ =	swait.ge [sflag:s4], $0x1000  }
0x38: {  	[sflag:s4] =	ssyncset.done $0x0  }
0x39: {  	s25 =	simm.s32 $0x400;
	s26 =	simm.s32 $0x8500;
	[sflag:s4] =	ssyncadd.s32 $0xFFFFF000  }
0x3a: {  	[spmem:s2] =	stream.indirect.scatter.add.f32 [tilespmem:s26], [sflag:$0x1], $0x20, s25, s11, $0xb8;
	[tilespmem:$0x14500] =	vst v63  }
0x3b: {  	_ =	swait.ge [sflag:s4], $0x1000  }
0x3c: {  	[sflag:s4] =	ssyncset.done $0x0  }
0x3d: {  	s28 =	simm.s32 $0x480;
	s29 =	simm.s32 $0x9500;
	[sflag:s4] =	ssyncadd.s32 $0xFFFFF000  }
0x3e: {  	[spmem:s2] =	stream.indirect.scatter.add.f32 [tilespmem:s29], [sflag:$0x1], $0x20, s28, s11, $0xb8;
	[tilespmem:$0x14500] =	vst v63  }
0x3f: {  	_ =	swait.ge [sflag:s4], $0x1000  }
0x40: {  	[sflag:s4] =	ssyncset.done $0x0  }
0x41: {  	[sflag:s4] =	ssyncadd.s32 $0xFFFFF000  }
0x42: {  	[bflag:$0x0] =	sbarrier.arrive $0xFFFF  }
0x43: {  	s0 =	rddreg [dreg:$0x5]  }
0x44: {  	[hbm:s0], [sflag:s6] =	dma.local [spmem:s7], $0x1400  }
0x45: {  	_ =	swait.ge [sflag:s4], $0x1400  }
0x46: {  	[sflag:s4] =	ssyncset.done $0x0  }
0x47: {  	[sflag:s4] =	ssyncadd.s32 $0xFFFFEC00  }
0x48: {  	[bflag:$0x0] =	sbarrier.arrive $0xFFFF  }
0x49: {  	[spmem:s7], [sflag:s6] =	dma.local [hbm:s5], $0x1400  }
0x4a: {  	_ =	swait.ge [sflag:s4], $0x1400  }
0x4b: {  	[sflag:s4] =	ssyncset.done $0x0  }
0x4c: {  	s30 =	sadd.s32 $0x93804, s30;
	[sflag:s4] =	ssyncadd.s32 $0xFFFFEC00  }
0x4d: {  	[tilespmem:s10], [sflag:$0x1] =	stream.strided.gather [hbm4b:s30+s8], $0xA000, s9, s8, $0x38;
	[tilespmem:$0x14500] =	vst v63  }
0x4e: {  	_ =	swait.ge [sflag:s4], $0xA000  }
0x4f: {  	[sflag:s4] =	ssyncset.done $0x0  }
0x50: {  	[sflag:s4] =	ssyncadd.s32 $0xFFFF6000  }
0x51: {  	[bflag:$0x0] =	sbarrier.arrive $0xFFFF  }
0x52: {  	[spmem:s2] =	stream.indirect.scatter.add.f32 [tilespmem:s10], [sflag:$0x1], $0x20, s3, s11, $0xb8;
	[tilespmem:$0x14500] =	vst v63  }
0x53: {  	_ =	swait.ge [sflag:s4], $0x1000  }
0x54: {  	[sflag:s4] =	ssyncset.done $0x0  }
0x55: {  	[sflag:s4] =	ssyncadd.s32 $0xFFFFF000  }
0x56: {  	[spmem:s2] =	stream.indirect.scatter.add.f32 [tilespmem:s12], [sflag:$0x1], $0x20, s11, s11, $0xb8;
	[tilespmem:$0x14500] =	vst v63  }
0x57: {  	_ =	swait.ge [sflag:s4], $0x1000  }
0x58: {  	[sflag:s4] =	ssyncset.done $0x0  }
0x59: {  	[sflag:s4] =	ssyncadd.s32 $0xFFFFF000  }
0x5a: {  	[spmem:s2] =	stream.indirect.scatter.add.f32 [tilespmem:s14], [sflag:$0x1], $0x20, s13, s11, $0xb8;
	[tilespmem:$0x14500] =	vst v63  }
0x5b: {  	_ =	swait.ge [sflag:s4], $0x1000  }
0x5c: {  	[sflag:s4] =	ssyncset.done $0x0  }
0x5d: {  	[sflag:s4] =	ssyncadd.s32 $0xFFFFF000  }
0x5e: {  	[spmem:s2] =	stream.indirect.scatter.add.f32 [tilespmem:s16], [sflag:$0x1], $0x20, s15, s11, $0xb8;
	[tilespmem:$0x14500] =	vst v63  }
0x5f: {  	_ =	swait.ge [sflag:s4], $0x1000  }
0x60: {  	[sflag:s4] =	ssyncset.done $0x0  }
0x61: {  	[sflag:s4] =	ssyncadd.s32 $0xFFFFF000  }
0x62: {  	[spmem:s2] =	stream.indirect.scatter.add.f32 [tilespmem:s18], [sflag:$0x1], $0x20, s17, s11, $0xb8;
	[tilespmem:$0x14500] =	vst v63  }
0x63: {  	_ =	swait.ge [sflag:s4], $0x1000  }
0x64: {  	[sflag:s4] =	ssyncset.done $0x0  }
0x65: {  	[sflag:s4] =	ssyncadd.s32 $0xFFFFF000  }
0x66: {  	[spmem:s2] =	stream.indirect.scatter.add.f32 [tilespmem:s20], [sflag:$0x1], $0x20, s19, s11, $0xb8;
	[tilespmem:$0x14500] =	vst v63  }
0x67: {  	_ =	swait.ge [sflag:s4], $0x1000  }
0x68: {  	[sflag:s4] =	ssyncset.done $0x0  }
0x69: {  	[sflag:s4] =	ssyncadd.s32 $0xFFFFF000  }
0x6a: {  	[spmem:s2] =	stream.indirect.scatter.add.f32 [tilespmem:s22], [sflag:$0x1], $0x20, s21, s11, $0xb8;
	[tilespmem:$0x14500] =	vst v63  }
0x6b: {  	_ =	swait.ge [sflag:s4], $0x1000  }
0x6c: {  	[sflag:s4] =	ssyncset.done $0x0  }
0x6d: {  	[sflag:s4] =	ssyncadd.s32 $0xFFFFF000  }
0x6e: {  	[spmem:s2] =	stream.indirect.scatter.add.f32 [tilespmem:s24], [sflag:$0x1], $0x20, s23, s11, $0xb8;
	[tilespmem:$0x14500] =	vst v63  }
0x6f: {  	_ =	swait.ge [sflag:s4], $0x1000  }
0x70: {  	[sflag:s4] =	ssyncset.done $0x0  }
0x71: {  	s0 =	ssub.s32 $0x2, s1;
	[sflag:s4] =	ssyncadd.s32 $0xFFFFF000  }
0x72: {  	[spmem:s2] =	stream.indirect.scatter.add.f32 [tilespmem:s26], [sflag:$0x1], $0x20, s25, s11, $0xb8;
	[tilespmem:$0x14500] =	vst v63  }
0x73: {  	s1 =	sshrl.u32 s0, $0x1;
	_ =	swait.ge [sflag:s4], $0x1000  }
0x74: {  	s0 =	ssub.s32 s0, s1;
	[sflag:s4] =	ssyncset.done $0x0  }
0x75: {  	s0 =	smax.u32 s0, $0x1;
	[sflag:s4] =	ssyncadd.s32 $0xFFFFF000  }
0x76: {  	[spmem:s2] =	stream.indirect.scatter.add.f32 [tilespmem:s29], [sflag:$0x1], $0x20, s28, s11, $0xb8;
	[tilespmem:$0x14500] =	vst v63  }
0x77: {  	p0 =	sne.s32 s0, $0x1;
	_ =	swait.ge [sflag:s4], $0x1000  }
.Ltmp0:
0x78: {  	[sflag:s4] =	ssyncset.done $0x0;
	(pc) =	sbr.rel @!p0 .LBB2_2-.Ltmp0, $4  }
0x79: {  	[sflag:s4] =	ssyncadd.s32 $0xFFFFF000  }
0x7a: {  	s31 =	sadd.s32 $0xF7800, s31;
	[bflag:$0x0] =	sbarrier.arrive $0xFFFF  }
0x7b: {  	[hbm:s31], [sflag:s6] =	dma.local [spmem:s7], $0x1400  }
0x7c: {  	s1 =	sadd.s32 $0xFFFFFFFF, s0;
	_ =	swait.ge [sflag:s4], $0x1400  }
.LBB2_1:
0x7d: {  	[sflag:s4] =	ssyncset.done $0x0  }
0x7e: {  	s0 =	rddreg [dreg:$0x3];
	[sflag:s4] =	ssyncadd.s32 $0xFFFFEC00  }
0x7f: {  	[tilespmem:s3], [sflag:$0x1] =	stream.linear.gather [hbm4b:s0+s3], $0x500, $0x38;
	[tilespmem:$0x14500] =	vst v63  }
0x80: {  	_ =	swait.ge [sflag:s4], $0x500  }
0x81: {  	[sflag:s4] =	ssyncset.done $0x0  }
0x82: {  	[sflag:s4] =	ssyncadd.s32 $0xFFFFFB00  }
0x83: {  	[spmem:s7], [sflag:s6] =	dma.local [hbm:s5], $0x1400  }
0x84: {  	_ =	swait.ge [sflag:s4], $0x1400  }
0x85: {  	[sflag:s4] =	ssyncset.done $0x0  }
0x86: {  	s0 =	rddreg [dreg:$0x4];
	[sflag:s4] =	ssyncadd.s32 $0xFFFFEC00  }
0x87: {  	[tilespmem:s10], [sflag:$0x1] =	stream.strided.gather [hbm4b:s0+s8], $0xA000, s9, s8, $0x38;
	[tilespmem:$0x14500] =	vst v63  }
0x88: {  	_ =	swait.ge [sflag:s4], $0xA000  }
0x89: {  	[sflag:s4] =	ssyncset.done $0x0  }
0x8a: {  	[sflag:s4] =	ssyncadd.s32 $0xFFFF6000  }
0x8b: {  	[bflag:$0x0] =	sbarrier.arrive $0xFFFF  }
0x8c: {  	[spmem:s2] =	stream.indirect.scatter.add.f32 [tilespmem:s10], [sflag:$0x1], $0x20, s3, s11, $0xb8;
	[tilespmem:$0x14500] =	vst v63  }
0x8d: {  	_ =	swait.ge [sflag:s4], $0x1000  }
0x8e: {  	[sflag:s4] =	ssyncset.done $0x0  }
0x8f: {  	[sflag:s4] =	ssyncadd.s32 $0xFFFFF000  }
0x90: {  	[spmem:s2] =	stream.indirect.scatter.add.f32 [tilespmem:s12], [sflag:$0x1], $0x20, s11, s11, $0xb8;
	[tilespmem:$0x14500] =	vst v63  }
0x91: {  	_ =	swait.ge [sflag:s4], $0x1000  }
0x92: {  	[sflag:s4] =	ssyncset.done $0x0  }
0x93: {  	[sflag:s4] =	ssyncadd.s32 $0xFFFFF000  }
0x94: {  	[spmem:s2] =	stream.indirect.scatter.add.f32 [tilespmem:s14], [sflag:$0x1], $0x20, s13, s11, $0xb8;
	[tilespmem:$0x14500] =	vst v63  }
0x95: {  	_ =	swait.ge [sflag:s4], $0x1000  }
0x96: {  	[sflag:s4] =	ssyncset.done $0x0  }
0x97: {  	[sflag:s4] =	ssyncadd.s32 $0xFFFFF000  }
0x98: {  	[spmem:s2] =	stream.indirect.scatter.add.f32 [tilespmem:s16], [sflag:$0x1], $0x20, s15, s11, $0xb8;
	[tilespmem:$0x14500] =	vst v63  }
0x99: {  	_ =	swait.ge [sflag:s4], $0x1000  }
0x9a: {  	[sflag:s4] =	ssyncset.done $0x0  }
0x9b: {  	[sflag:s4] =	ssyncadd.s32 $0xFFFFF000  }
0x9c: {  	[spmem:s2] =	stream.indirect.scatter.add.f32 [tilespmem:s18], [sflag:$0x1], $0x20, s17, s11, $0xb8;
	[tilespmem:$0x14500] =	vst v63  }
0x9d: {  	_ =	swait.ge [sflag:s4], $0x1000  }
0x9e: {  	[sflag:s4] =	ssyncset.done $0x0  }
0x9f: {  	[sflag:s4] =	ssyncadd.s32 $0xFFFFF000  }
0xa0: {  	[spmem:s2] =	stream.indirect.scatter.add.f32 [tilespmem:s20], [sflag:$0x1], $0x20, s19, s11, $0xb8;
	[tilespmem:$0x14500] =	vst v63  }
0xa1: {  	_ =	swait.ge [sflag:s4], $0x1000  }
0xa2: {  	[sflag:s4] =	ssyncset.done $0x0  }
0xa3: {  	[sflag:s4] =	ssyncadd.s32 $0xFFFFF000  }
0xa4: {  	[spmem:s2] =	stream.indirect.scatter.add.f32 [tilespmem:s22], [sflag:$0x1], $0x20, s21, s11, $0xb8;
	[tilespmem:$0x14500] =	vst v63  }
0xa5: {  	_ =	swait.ge [sflag:s4], $0x1000  }
0xa6: {  	[sflag:s4] =	ssyncset.done $0x0  }
0xa7: {  	[sflag:s4] =	ssyncadd.s32 $0xFFFFF000  }
0xa8: {  	[spmem:s2] =	stream.indirect.scatter.add.f32 [tilespmem:s24], [sflag:$0x1], $0x20, s23, s11, $0xb8;
	[tilespmem:$0x14500] =	vst v63  }
0xa9: {  	_ =	swait.ge [sflag:s4], $0x1000  }
0xaa: {  	[sflag:s4] =	ssyncset.done $0x0  }
0xab: {  	[sflag:s4] =	ssyncadd.s32 $0xFFFFF000  }
0xac: {  	[spmem:s2] =	stream.indirect.scatter.add.f32 [tilespmem:s26], [sflag:$0x1], $0x20, s25, s11, $0xb8;
	[tilespmem:$0x14500] =	vst v63  }
0xad: {  	_ =	swait.ge [sflag:s4], $0x1000  }
0xae: {  	[sflag:s4] =	ssyncset.done $0x0  }
0xaf: {  	[sflag:s4] =	ssyncadd.s32 $0xFFFFF000  }
0xb0: {  	[spmem:s2] =	stream.indirect.scatter.add.f32 [tilespmem:s29], [sflag:$0x1], $0x20, s28, s11, $0xb8;
	[tilespmem:$0x14500] =	vst v63  }
0xb1: {  	_ =	swait.ge [sflag:s4], $0x1000  }
0xb2: {  	[sflag:s4] =	ssyncset.done $0x0  }
0xb3: {  	[sflag:s4] =	ssyncadd.s32 $0xFFFFF000  }
0xb4: {  	[bflag:$0x0] =	sbarrier.arrive $0xFFFF  }
0xb5: {  	s0 =	rddreg [dreg:$0x5]  }
0xb6: {  	[hbm:s0], [sflag:s6] =	dma.local [spmem:s7], $0x1400  }
0xb7: {  	_ =	swait.ge [sflag:s4], $0x1400  }
0xb8: {  	[sflag:s4] =	ssyncset.done $0x0  }
0xb9: {  	[sflag:s4] =	ssyncadd.s32 $0xFFFFEC00  }
0xba: {  	[bflag:$0x0] =	sbarrier.arrive $0xFFFF  }
0xbb: {  	[spmem:s7], [sflag:s6] =	dma.local [hbm:s5], $0x1400  }
0xbc: {  	_ =	swait.ge [sflag:s4], $0x1400  }
0xbd: {  	[sflag:s4] =	ssyncset.done $0x0  }
0xbe: {  	[sflag:s4] =	ssyncadd.s32 $0xFFFFEC00  }
0xbf: {  	[tilespmem:s10], [sflag:$0x1] =	stream.strided.gather [hbm4b:s30+s8], $0xA000, s9, s8, $0x38;
	[tilespmem:$0x14500] =	vst v63  }
0xc0: {  	_ =	swait.ge [sflag:s4], $0xA000  }
0xc1: {  	[sflag:s4] =	ssyncset.done $0x0  }
0xc2: {  	[sflag:s4] =	ssyncadd.s32 $0xFFFF6000  }
0xc3: {  	[bflag:$0x0] =	sbarrier.arrive $0xFFFF  }
0xc4: {  	[spmem:s2] =	stream.indirect.scatter.add.f32 [tilespmem:s10], [sflag:$0x1], $0x20, s3, s11, $0xb8;
	[tilespmem:$0x14500] =	vst v63  }
0xc5: {  	_ =	swait.ge [sflag:s4], $0x1000  }
0xc6: {  	[sflag:s4] =	ssyncset.done $0x0  }
0xc7: {  	[sflag:s4] =	ssyncadd.s32 $0xFFFFF000  }
0xc8: {  	[spmem:s2] =	stream.indirect.scatter.add.f32 [tilespmem:s12], [sflag:$0x1], $0x20, s11, s11, $0xb8;
	[tilespmem:$0x14500] =	vst v63  }
0xc9: {  	_ =	swait.ge [sflag:s4], $0x1000  }
0xca: {  	[sflag:s4] =	ssyncset.done $0x0  }
0xcb: {  	[sflag:s4] =	ssyncadd.s32 $0xFFFFF000  }
0xcc: {  	[spmem:s2] =	stream.indirect.scatter.add.f32 [tilespmem:s14], [sflag:$0x1], $0x20, s13, s11, $0xb8;
	[tilespmem:$0x14500] =	vst v63  }
0xcd: {  	_ =	swait.ge [sflag:s4], $0x1000  }
0xce: {  	[sflag:s4] =	ssyncset.done $0x0  }
0xcf: {  	[sflag:s4] =	ssyncadd.s32 $0xFFFFF000  }
0xd0: {  	[spmem:s2] =	stream.indirect.scatter.add.f32 [tilespmem:s16], [sflag:$0x1], $0x20, s15, s11, $0xb8;
	[tilespmem:$0x14500] =	vst v63  }
0xd1: {  	_ =	swait.ge [sflag:s4], $0x1000  }
0xd2: {  	[sflag:s4] =	ssyncset.done $0x0  }
0xd3: {  	[sflag:s4] =	ssyncadd.s32 $0xFFFFF000  }
0xd4: {  	[spmem:s2] =	stream.indirect.scatter.add.f32 [tilespmem:s18], [sflag:$0x1], $0x20, s17, s11, $0xb8;
	[tilespmem:$0x14500] =	vst v63  }
0xd5: {  	_ =	swait.ge [sflag:s4], $0x1000  }
0xd6: {  	[sflag:s4] =	ssyncset.done $0x0  }
0xd7: {  	[sflag:s4] =	ssyncadd.s32 $0xFFFFF000  }
0xd8: {  	[spmem:s2] =	stream.indirect.scatter.add.f32 [tilespmem:s20], [sflag:$0x1], $0x20, s19, s11, $0xb8;
	[tilespmem:$0x14500] =	vst v63  }
0xd9: {  	_ =	swait.ge [sflag:s4], $0x1000  }
0xda: {  	[sflag:s4] =	ssyncset.done $0x0  }
0xdb: {  	[sflag:s4] =	ssyncadd.s32 $0xFFFFF000  }
0xdc: {  	[spmem:s2] =	stream.indirect.scatter.add.f32 [tilespmem:s22], [sflag:$0x1], $0x20, s21, s11, $0xb8;
	[tilespmem:$0x14500] =	vst v63  }
0xdd: {  	_ =	swait.ge [sflag:s4], $0x1000  }
0xde: {  	[sflag:s4] =	ssyncset.done $0x0  }
0xdf: {  	[sflag:s4] =	ssyncadd.s32 $0xFFFFF000  }
0xe0: {  	[spmem:s2] =	stream.indirect.scatter.add.f32 [tilespmem:s24], [sflag:$0x1], $0x20, s23, s11, $0xb8;
	[tilespmem:$0x14500] =	vst v63  }
0xe1: {  	_ =	swait.ge [sflag:s4], $0x1000  }
0xe2: {  	[sflag:s4] =	ssyncset.done $0x0  }
0xe3: {  	[sflag:s4] =	ssyncadd.s32 $0xFFFFF000  }
0xe4: {  	[spmem:s2] =	stream.indirect.scatter.add.f32 [tilespmem:s26], [sflag:$0x1], $0x20, s25, s11, $0xb8;
	[tilespmem:$0x14500] =	vst v63  }
0xe5: {  	_ =	swait.ge [sflag:s4], $0x1000  }
0xe6: {  	[sflag:s4] =	ssyncset.done $0x0  }
0xe7: {  	[sflag:s4] =	ssyncadd.s32 $0xFFFFF000  }
0xe8: {  	[spmem:s2] =	stream.indirect.scatter.add.f32 [tilespmem:s29], [sflag:$0x1], $0x20, s28, s11, $0xb8;
	[tilespmem:$0x14500] =	vst v63  }
0xe9: {  	p0 =	sne.s32 s1, $0x1;
	_ =	swait.ge [sflag:s4], $0x1000  }
.Ltmp1:
0xea: {  	[sflag:s4] =	ssyncset.done $0x0;
	(pc) =	sbr.rel @p0 .LBB2_1-.Ltmp1, $4  }
0xeb: {  	[sflag:s4] =	ssyncadd.s32 $0xFFFFF000  }
0xec: {  	[bflag:$0x0] =	sbarrier.arrive $0xFFFF  }
0xed: {  	[hbm:s31], [sflag:s6] =	dma.local [spmem:s7], $0x1400  }
0xee: {  	s1 =	sadd.s32 $0xFFFFFFFF, s1;
	_ =	swait.ge [sflag:s4], $0x1400  }
.LBB2_2:
0xef: {  	[sflag:s4] =	ssyncset.done $0x0  }
0xf0: {  	[sflag:s4] =	ssyncadd.s32 $0xFFFFEC00  }
0xf1: {  	_ =	sfence.sel $0x180000  }
0xf2: {  	[bflag:$0x0] =	sbarrier.arrive $0xFFFF  }
0xf3: {  	_ =	strace $0x90000056  }
0xf4: {  	s0 =	stileid.u32;
	[bflag:$0x2] =	sbarrier.arrive $0xFFFF  }
0xf5: {  	p0 =	sne.s32 s0, $0x0;
	s0 =	rddreg [dreg:$0x2]  }
0xf6: {  	s0 =	sadd.s32 @!p0 $0x100000, s0  }
0xf7: {  	[sflag:s0] =	ssyncadd.tile.s32 @!p0 $0x1;
	_ =	shalt  }
.Lfunc_end2:
_tile_overlayer_lowered:
.L_overlay_start_2:
0xf8: {  	(tag) =	ssettag $0x2  }
0xf9: {  	s0 =	rddreg [dreg:$0x0];
	s2 =	stileid.u32  }
0xfa: {  	s1 =	rddreg [dreg:$0x1];
	p0 =	sne.s32 s2, $0x0  }
0xfb: {  	s3 =	rddreg [dreg:$0x2];
	[bflag:$0x3] =	sbarrier.arrive $0xFFFF;
	s2 =	simm.s32 @!p0 $0x1C01  }
0xfc: {  	[timem:s3], [sflag:s2] =	dma.local @!p0 [hbm:s0], s1  }
0xfd: {  	s0 =	simm.s32 @!p0 $0x1  }
0xfe: {  	_ =	swait.ge @!p0 [sflag:s0], s1  }
0xff: {  	s1 =	ssub.s32 @!p0 $0x0, s1;
	[sflag:s0] =	ssyncset.done @!p0 $0x0  }
0x100: {  	[sflag:s0] =	ssyncadd.s32 @!p0 s1  }
0x101: {  	[bflag:$0x3] =	sbarrier.arrive $0xFFFF  }
0x102: {  	_ =	shalt  }

</sc_bundles>
